<compile_context>
chip_gen: v7x
topology: tpu7x:2x2x1
jax: 0.10.2.dev20260603
libtpu: 0.0.44.dev20260713+nightly
codegen_flags: <defaults>
</compile_context>

<pallas_src>
import functools

import jax
import jax.numpy as jnp
from jax import lax
from jax.experimental import pallas as pl
from jax.experimental.pallas import tpu as pltpu
from jax.experimental.pallas import tpu_sc as plsc

N_NODES = 10000
N_EDGES = 320000
DIM_IN = 128
DIM_H = 128
DIM_OUT = 64

NC, NS = 2, 16
NW = NC * NS
EDGE_CHUNK = 64
E_PER_TILE = 10240
E_PAD = E_PER_TILE * NW
STRIPE = 632
N_PAD = STRIPE * NS
HIST_D = 16

_vector_mesh = functools.partial(
    plsc.VectorSubcoreMesh, core_axis_name="c", subcore_axis_name="s"
)

_sc_params = pltpu.CompilerParams(use_tc_tiling_on_sc=False)


N_CHUNKS = E_PER_TILE // EDGE_CHUNK
TOTAL_CHUNKS = E_PAD // EDGE_CHUNK
C0_PER_TILE = 208
C1_PER_TILE = (TOTAL_CHUNKS - C0_PER_TILE * NS) // NS
CMAX = max(C0_PER_TILE, C1_PER_TILE)


def _make_agg(d, ec, c0n, c1n, nbuf, spmem_src=False):

    NBUF = nbuf
    cmax = max(c0n, c1n)
    t_scratch = ([pltpu.VMEM_SHARED((NS * 626, d), jnp.float32)]
                 if spmem_src else [])

    @functools.partial(
        pl.kernel,
        out_type=jax.ShapeDtypeStruct((NC, N_PAD, d), jnp.float32),
        mesh=_vector_mesh(),
        scratch_types=[
            pltpu.VMEM((cmax, ec), jnp.int32),
            pltpu.VMEM((NBUF, ec), jnp.int32),
            pltpu.VMEM((ec,), jnp.int32),
            pltpu.VMEM((NBUF, ec, d), jnp.float32),
            pltpu.VMEM_SHARED((N_PAD, d), jnp.float32),
            *t_scratch,
            [pltpu.SemaphoreType.DMA] * NBUF,
        ],
        compiler_params=_sc_params,
    )
    def agg(t_hbm, pidx_hbm, zero_hbm, out_hbm,
            pidx_v, sidx, didx, rows_v, acc_sh, *rest):
        if spmem_src:
            t_sh, sems = rest
        else:
            (sems,) = rest
            t_sh = None
        gsrc = t_sh if spmem_src else t_hbm
        c = lax.axis_index("c")
        s = lax.axis_index("s")

        def unpack_src(j, b):
            @pl.loop(0, ec, step=16)
            def _(k):
                v = pidx_v[j, pl.ds(k, 16)]
                sidx[b, pl.ds(k, 16)] = v & 0xFFFF

        def unpack_dst(j):
            @pl.loop(0, ec, step=16)
            def _(k):
                v = pidx_v[j, pl.ds(k, 16)]
                didx[pl.ds(k, 16)] = v >> 16

        def gather(b):
            pltpu.async_copy(gsrc.at[sidx.at[b]], rows_v.at[b], sems[b])

        def wait(b):
            pltpu.make_async_copy(gsrc.at[sidx.at[b]], rows_v.at[b],
                                  sems[b]).wait()

        def run(chunk_base, nchunks):
            base = chunk_base + s * nchunks
            pltpu.sync_copy(pidx_hbm.at[pl.ds(base, nchunks)],
                            pidx_v.at[pl.ds(0, nchunks)])
            if spmem_src:
                rs = jnp.minimum(s * 626, N_NODES - 626)
                pltpu.sync_copy(t_hbm.at[pl.ds(rs, 626)],
                                t_sh.at[pl.ds(rs, 626)])
                pltpu.sync_copy(zero_hbm,
                                acc_sh.at[pl.ds(s * STRIPE, STRIPE)])
                plsc.subcore_barrier()
                for b in range(NBUF):
                    unpack_src(b, b)
                    gather(b)
            else:
                for b in range(NBUF):
                    unpack_src(b, b)
                    gather(b)
                pltpu.sync_copy(zero_hbm,
                                acc_sh.at[pl.ds(s * STRIPE, STRIPE)])
                plsc.subcore_barrier()

            @pl.loop(0, nchunks - NBUF, step=NBUF)
            def _(j):
                for b in range(NBUF):
                    wait(b)
                    unpack_dst(j + b)
                    pltpu.sync_copy(rows_v.at[b], acc_sh.at[didx], add=True)
                    unpack_src(j + b + NBUF, b)
                    gather(b)

            for b in range(NBUF):
                wait(b)
                unpack_dst(nchunks - NBUF + b)
                pltpu.sync_copy(rows_v.at[b], acc_sh.at[didx], add=True)

            plsc.subcore_barrier()
            pltpu.sync_copy(acc_sh.at[pl.ds(s * STRIPE, STRIPE)],
                            out_hbm.at[c, pl.ds(s * STRIPE, STRIPE)])

        @pl.when(c == 0)
        def _():
            run(0, c0n)

        @pl.when(c == 1)
        def _():
            run(c0n * NS, c1n)

    return agg


_agg_o = _make_agg(DIM_OUT, 64, C0_PER_TILE, C1_PER_TILE, 4, spmem_src=True)

DH2 = DIM_H // 2
_EC = 64
_CPT = TOTAL_CHUNKS // NS
_NB = 4


@functools.partial(
    pl.kernel,
    out_type=jax.ShapeDtypeStruct((NC, N_PAD, DH2), jnp.float32),
    mesh=_vector_mesh(),
    scratch_types=[
        pltpu.VMEM((_CPT, _EC), jnp.int32),
        pltpu.VMEM((_NB, _EC), jnp.int32),
        pltpu.VMEM((_EC,), jnp.int32),
        pltpu.VMEM((_NB, _EC, DH2), jnp.float32),
        pltpu.VMEM_SHARED((N_PAD, DH2), jnp.float32),
        pltpu.VMEM_SHARED((NS * 626, DH2), jnp.float32),
        [pltpu.SemaphoreType.DMA] * _NB,
    ],
    compiler_params=_sc_params,
)
def _agg_h(t_hbm, pidx_hbm, zero_hbm, out_hbm,
           pidx_v, sidx, didx, rows_v, acc_sh, t_sh, sems):
    c = lax.axis_index("c")
    s = lax.axis_index("s")

    def unpack_src(j, b):
        @pl.loop(0, _EC, step=16)
        def _(k):
            v = pidx_v[j, pl.ds(k, 16)]
            sidx[b, pl.ds(k, 16)] = v & 0xFFFF

    def unpack_dst(j):
        @pl.loop(0, _EC, step=16)
        def _(k):
            v = pidx_v[j, pl.ds(k, 16)]
            didx[pl.ds(k, 16)] = v >> 16

    def gather(b):
        pltpu.async_copy(t_sh.at[sidx.at[b]], rows_v.at[b], sems[b])

    def wait(b):
        pltpu.make_async_copy(t_sh.at[sidx.at[b]], rows_v.at[b],
                              sems[b]).wait()

    def run(half):
        pltpu.sync_copy(pidx_hbm.at[pl.ds(s * _CPT, _CPT)], pidx_v)
        rs = jnp.minimum(s * 626, N_NODES - 626)
        pltpu.sync_copy(t_hbm.at[half, pl.ds(rs, 626)],
                        t_sh.at[pl.ds(rs, 626)])
        pltpu.sync_copy(zero_hbm, acc_sh.at[pl.ds(s * STRIPE, STRIPE)])
        plsc.subcore_barrier()
        for b in range(_NB):
            unpack_src(b, b)
            gather(b)

        @pl.loop(0, _CPT - _NB, step=_NB)
        def _(j):
            for b in range(_NB):
                wait(b)
                unpack_dst(j + b)
                pltpu.sync_copy(rows_v.at[b], acc_sh.at[didx], add=True)
                unpack_src(j + b + _NB, b)
                gather(b)

        for b in range(_NB):
            wait(b)
            unpack_dst(_CPT - _NB + b)
            pltpu.sync_copy(rows_v.at[b], acc_sh.at[didx], add=True)

        plsc.subcore_barrier()
        pltpu.sync_copy(acc_sh.at[pl.ds(s * STRIPE, STRIPE)],
                        out_hbm.at[half, pl.ds(s * STRIPE, STRIPE)])

    @pl.when(c == 0)
    def _():
        run(0)

    @pl.when(c == 1)
    def _():
        run(1)


@functools.partial(
    pl.kernel,
    out_type=jax.ShapeDtypeStruct((NC, N_PAD, HIST_D), jnp.float32),
    mesh=_vector_mesh(),
    scratch_types=[
        pltpu.VMEM((TOTAL_CHUNKS // NW, EDGE_CHUNK), jnp.int32),
        pltpu.VMEM((EDGE_CHUNK, HIST_D), jnp.float32),
        pltpu.VMEM_SHARED((N_PAD, HIST_D), jnp.float32),
    ],
    compiler_params=_sc_params,
)
def _hist(dst_hbm, ones_hbm, zero_hbm, out_hbm, dst_v, ones_v, acc_sh):
    c = lax.axis_index("c")
    s = lax.axis_index("s")
    wid = c * NS + s
    pltpu.sync_copy(dst_hbm.at[pl.ds(wid * (TOTAL_CHUNKS // NW),
                                     TOTAL_CHUNKS // NW)], dst_v)
    pltpu.sync_copy(ones_hbm, ones_v)
    pltpu.sync_copy(zero_hbm, acc_sh.at[pl.ds(s * STRIPE, STRIPE)])
    plsc.subcore_barrier()

    @pl.loop(0, TOTAL_CHUNKS // NW)
    def _(j):
        pltpu.sync_copy(ones_v, acc_sh.at[dst_v.at[j]], add=True)

    plsc.subcore_barrier()
    pltpu.sync_copy(acc_sh.at[pl.ds(s * STRIPE, STRIPE)],
                    out_hbm.at[c, pl.ds(s * STRIPE, STRIPE)])




def _mm_body(x_ref, w_ref, o_ref):
    o_ref[...] = jnp.dot(x_ref[...], w_ref[...],
                         preferred_element_type=jnp.float32)


def _scale1_body(h_ref, hist_ref, t_ref, dinv_ref):
    deg = hist_ref[0, :N_NODES, 0] + hist_ref[1, :N_NODES, 0] + 1.0
    dinv = lax.rsqrt(jnp.maximum(deg, 1e-12))
    dinv_ref[...] = dinv
    t = h_ref[...] * dinv[:, None]
    t_ref[...] = jnp.stack([t[:, :DIM_H // 2], t[:, DIM_H // 2:]], axis=0)


def _layer2_body(p_ref, t1_ref, dinv_ref, b1_ref, w2_ref, t2_ref):
    agg = p_ref[:, :N_NODES, :] + t1_ref[...]
    agg = jnp.concatenate([agg[0], agg[1]], axis=1)
    dinv = dinv_ref[...]
    h2 = jnp.maximum(agg * dinv[:, None] + b1_ref[...][None, :], 0.0)
    t2_ref[...] = jnp.dot(h2, w2_ref[...],
                          preferred_element_type=jnp.float32) * dinv[:, None]


def _final_body(q_ref, t2_ref, dinv_ref, b2_ref, o_ref):
    agg = q_ref[0, :N_NODES, :] + q_ref[1, :N_NODES, :] + t2_ref[...]
    o = agg * dinv_ref[...][:, None] + b2_ref[...][None, :]
    m = jnp.max(o, axis=1, keepdims=True)
    o = o - m
    o_ref[...] = o - jnp.log(jnp.sum(jnp.exp(o), axis=1, keepdims=True))


_mm = pl.pallas_call(
    _mm_body,
    out_shape=jax.ShapeDtypeStruct((N_NODES, DIM_H), jnp.float32),
)

_scale1 = pl.pallas_call(
    _scale1_body,
    out_shape=(
        jax.ShapeDtypeStruct((2, N_NODES, DIM_H // 2), jnp.float32),
        jax.ShapeDtypeStruct((N_NODES,), jnp.float32),
    ),
)

_layer2 = pl.pallas_call(
    _layer2_body,
    out_shape=jax.ShapeDtypeStruct((N_NODES, DIM_OUT), jnp.float32),
)

_final = pl.pallas_call(
    _final_body,
    out_shape=jax.ShapeDtypeStruct((N_NODES, DIM_OUT), jnp.float32),
)


def kernel(x, edge_index, W1, b1, W2, b2):
    src = edge_index[0].astype(jnp.int32)
    dst = edge_index[1].astype(jnp.int32)
    npad = E_PAD - N_EDGES
    src_p = jnp.concatenate([src, jnp.zeros((npad,), jnp.int32)])
    dst_p = jnp.concatenate([dst, jnp.full((npad,), N_NODES, jnp.int32)])
    src_p = src_p.reshape(TOTAL_CHUNKS, EDGE_CHUNK)
    dst_p = dst_p.reshape(TOTAL_CHUNKS, EDGE_CHUNK)
    pidx = (dst_p << 16) | src_p
    pidx32 = pidx.reshape(TOTAL_CHUNKS * 2, EDGE_CHUNK // 2)

    zero_h = jnp.zeros((STRIPE, HIST_D), jnp.float32)
    zero_1 = jnp.zeros((STRIPE, DIM_H), jnp.float32)
    zero_2 = jnp.zeros((STRIPE, DIM_OUT), jnp.float32)
    ones = jnp.ones((EDGE_CHUNK, HIST_D), jnp.float32)

    hist = _hist(dst_p, ones, zero_h)
    h1 = _mm(x, W1)
    t1, dinv = _scale1(h1, hist)
    p1 = _agg_h(t1, pidx, zero_2)
    t2 = _layer2(p1, t1, dinv, b1, W2)
    p2 = _agg_o(t2, pidx, zero_2)
    return _final(p2, t2, dinv, b2)

# --- scband reference (transcript-rebuilt; emitter-appended) ---
"""Pipeline reference for scband-gcn-5600637354092 (READ-ONLY COPY).

The authoritative reference and input builder live on the scoring server;
editing this copy changes nothing except your own understanding.
"""

import jax, jax.numpy as jnp
import numpy as np

N_NODES = 10000
N_EDGES = 320000
DIM_IN = 128
DIM_H = 128
DIM_OUT = 64


def setup_inputs(seed: int = 0) -> dict:
    key = jax.random.key(seed)
    k1, k2, k3, k4, k5, k6 = jax.random.split(key, 6)
    x = jax.random.normal(k1, (N_NODES, DIM_IN), dtype=jnp.float32)
    edge_index = jax.random.randint(k2, (2, N_EDGES), 0, N_NODES, dtype=jnp.int64)
    s1 = 1.0 / np.sqrt(DIM_IN)
    s2 = 1.0 / np.sqrt(DIM_H)
    W1 = jax.random.uniform(k3, (DIM_IN, DIM_H), dtype=jnp.float32, minval=-s1, maxval=s1)
    b1 = jax.random.uniform(k4, (DIM_H,), dtype=jnp.float32, minval=-s1, maxval=s1)
    W2 = jax.random.uniform(k5, (DIM_H, DIM_OUT), dtype=jnp.float32, minval=-s2, maxval=s2)
    b2 = jax.random.uniform(k6, (DIM_OUT,), dtype=jnp.float32, minval=-s2, maxval=s2)
    return {"x": x, "edge_index": edge_index, "W1": W1, "b1": b1, "W2": W2, "b2": b2}


def _gcn_conv(x, src, dst, W, b, num_nodes):
    # x' = D^{-1/2} (A + I) D^{-1/2} X W + b  (PyG GCNConv with self-loops)
    h = x @ W
    deg = jnp.zeros((num_nodes,), dtype=x.dtype).at[dst].add(1.0)
    dinv = jax.lax.rsqrt(jnp.maximum(deg, 1e-12))
    norm = dinv[src] * dinv[dst]
    msg = jnp.take(h, src, axis=0) * norm[:, None]
    out = jnp.zeros((num_nodes, W.shape[1]), dtype=x.dtype).at[dst].add(msg)
    return out + b


def reference(x, edge_index, W1, b1, W2, b2):
    num_nodes = x.shape[0]
    loop = jnp.arange(num_nodes, dtype=edge_index.dtype)
    src = jnp.concatenate([edge_index[0], loop])
    dst = jnp.concatenate([edge_index[1], loop])
    h = _gcn_conv(x, src, dst, W1, b1, num_nodes)
    h = jax.nn.relu(h)
    h = _gcn_conv(h, src, dst, W2, b2, num_nodes)
    return jax.nn.log_softmax(h, axis=1)

if __name__ == "__main__":
    import jax
    _d = setup_inputs()
    print(jax.jit(kernel)(*tuple(_d.values())))

</pallas_src>

<mosaic_0001>
#map = affine_map<(d0, d1) -> (0, 0)>
#map1 = affine_map<(d0, d1) -> (0, 0, 0)>
module attributes {stable_mosaic.version = 14 : i64} {
  func.func @_hist(%arg0: i32, %arg1: i32, %arg2: memref<5120x64xi32, #tpu.memory_space<hbm>>, %arg3: memref<64x16xf32, #tpu.memory_space<hbm>>, %arg4: memref<632x16xf32, #tpu.memory_space<hbm>>, %arg5: memref<2x10112x16xf32, #tpu.memory_space<hbm>>, %arg6: memref<160x64xi32, #tpu.memory_space<vmem>>, %arg7: memref<64x16xf32, #tpu.memory_space<vmem>>, %arg8: memref<10112x16xf32, #tpu.memory_space<vmem_shared>>) attributes {dimension_semantics = [#tpu.dimension_semantics<core_parallel>, #tpu.dimension_semantics<subcore_parallel>], iteration_bounds = array<i64: 2, 16>, scalar_prefetch = 0 : i64, scratch_operands = 3 : i64, tpu.core_type = #tpu.core_type<sc_vector_subcore>, window_params = [{transform_indices = #map}, {transform_indices = #map}, {transform_indices = #map}, {transform_indices = #map1}]} {
    %mul3A = arith.constant 16 : i32
    %mul3A_0 = arith.muli %arg0, %mul3A : i32
    %add3A = arith.addi %mul3A_0, %arg1 : i32
    %mul3A_1 = arith.constant 160 : i32
    %mul3A_2 = arith.muli %add3A, %mul3A_1 : i32
    "tpu.region"() ({
      %run_scoped3A = tpu.sem_alloc : memref<!tpu.dma_semaphore, #tpu.memory_space<semaphore_mem>>
      %dma_start3A = arith.constant 0 : i32
      %dma_start3A_14 = tpu.memref_slice %arg2[%mul3A_2, %dma_start3A] : memref<5120x64xi32, #tpu.memory_space<hbm>> -> memref<160x64xi32, #tpu.memory_space<hbm>>
      %dma_start3A_15 = arith.constant 0 : i32
      %dma_start3A_16 = tpu.memref_slice %arg2[%mul3A_2, %dma_start3A_15] : memref<5120x64xi32, #tpu.memory_space<hbm>> -> memref<160x64xi32, #tpu.memory_space<hbm>>
      tpu.enqueue_dma source(%dma_start3A_16 : memref<160x64xi32, #tpu.memory_space<hbm>>) target(%arg6 : memref<160x64xi32, #tpu.memory_space<vmem>>) target_semaphore(%run_scoped3A : memref<!tpu.dma_semaphore, #tpu.memory_space<semaphore_mem>>)
      %dma_wait3A = arith.constant 0 : i32
      %dma_wait3A_17 = tpu.memref_slice %arg2[%mul3A_2, %dma_wait3A] : memref<5120x64xi32, #tpu.memory_space<hbm>> -> memref<160x64xi32, #tpu.memory_space<hbm>>
      %dma_wait3A_18 = arith.constant 0 : i32
      %dma_wait3A_19 = tpu.memref_slice %arg2[%mul3A_2, %dma_wait3A_18] : memref<5120x64xi32, #tpu.memory_space<hbm>> -> memref<160x64xi32, #tpu.memory_space<hbm>>
      tpu.wait_dma2 semaphore(%run_scoped3A : memref<!tpu.dma_semaphore, #tpu.memory_space<semaphore_mem>>) src(%dma_wait3A_19 : memref<160x64xi32, #tpu.memory_space<hbm>>) dst(%arg6 : memref<160x64xi32, #tpu.memory_space<vmem>>)
      tpu.yield
    }) : () -> ()
    "tpu.region"() ({
      %run_scoped3A = tpu.sem_alloc : memref<!tpu.dma_semaphore, #tpu.memory_space<semaphore_mem>>
      tpu.enqueue_dma source(%arg3 : memref<64x16xf32, #tpu.memory_space<hbm>>) target(%arg7 : memref<64x16xf32, #tpu.memory_space<vmem>>) target_semaphore(%run_scoped3A : memref<!tpu.dma_semaphore, #tpu.memory_space<semaphore_mem>>)
      tpu.wait_dma2 semaphore(%run_scoped3A : memref<!tpu.dma_semaphore, #tpu.memory_space<semaphore_mem>>) src(%arg3 : memref<64x16xf32, #tpu.memory_space<hbm>>) dst(%arg7 : memref<64x16xf32, #tpu.memory_space<vmem>>)
      tpu.yield
    }) : () -> ()
    %mul3A_3 = arith.constant 632 : i32
    %mul3A_4 = arith.muli %arg1, %mul3A_3 : i32
    "tpu.region"() ({
      %run_scoped3A = tpu.sem_alloc : memref<!tpu.dma_semaphore, #tpu.memory_space<semaphore_mem>>
      %dma_start3A = arith.constant 0 : i32
      %dma_start3A_14 = tpu.memref_slice %arg8[%mul3A_4, %dma_start3A] : memref<10112x16xf32, #tpu.memory_space<vmem_shared>> -> memref<632x16xf32, #tpu.memory_space<vmem_shared>>
      tpu.enqueue_dma source(%arg4 : memref<632x16xf32, #tpu.memory_space<hbm>>) target(%dma_start3A_14 : memref<632x16xf32, #tpu.memory_space<vmem_shared>>) target_semaphore(%run_scoped3A : memref<!tpu.dma_semaphore, #tpu.memory_space<semaphore_mem>>)
      %dma_wait3A = arith.constant 0 : i32
      %dma_wait3A_15 = tpu.memref_slice %arg8[%mul3A_4, %dma_wait3A] : memref<10112x16xf32, #tpu.memory_space<vmem_shared>> -> memref<632x16xf32, #tpu.memory_space<vmem_shared>>
      tpu.wait_dma2 semaphore(%run_scoped3A : memref<!tpu.dma_semaphore, #tpu.memory_space<semaphore_mem>>) src(%arg4 : memref<632x16xf32, #tpu.memory_space<hbm>>) dst(%dma_wait3A_15 : memref<632x16xf32, #tpu.memory_space<vmem_shared>>)
      tpu.yield
    }) : () -> ()
    %barrier3A = arith.constant 0 : index
    tpu.barrier barrier_id(%barrier3A)
    %scan3A = arith.constant 0 : i32
    %scan3A_5 = arith.constant 160 : i32
    %scan3A_6 = arith.addi %scan3A, %scan3A_5 : i32
    %scan3A_7 = arith.constant 1 : i32
    scf.for %scan3A_14 = %scan3A to %scan3A_6 step %scan3A_7  : i32 {
      %mul3A_15 = arith.constant 1 : i32
      %mul3A_16 = arith.muli %scan3A_14, %mul3A_15 : i32
      %add3A_17 = arith.constant 0 : i32
      %add3A_18 = arith.addi %add3A_17, %mul3A_16 : i32
      "tpu.region"() ({
        %run_scoped3A = tpu.sem_alloc : memref<!tpu.dma_semaphore, #tpu.memory_space<semaphore_mem>>
        %dma_start3A = arith.constant 0 : i32
        %dma_start3A_19 = tpu.memref_slice %arg6[%add3A_18, %dma_start3A] : memref<160x64xi32, #tpu.memory_space<vmem>> -> memref<1x64xi32, #tpu.memory_space<vmem>>
        %dma_start3A_20 = tpu.memref_squeeze %dma_start3A_19 : memref<1x64xi32, #tpu.memory_space<vmem>> -> memref<64xi32, #tpu.memory_space<vmem>>
        %dma_start3A_21 = arith.constant 0 : i32
        %dma_start3A_22 = arith.constant 0 : i32
        %dma_start3A_23 = tpu.memref_slice %arg8[%dma_start3A_21, %dma_start3A_22] : memref<10112x16xf32, #tpu.memory_space<vmem_shared>> -> memref<10112x16xf32, #tpu.memory_space<vmem_shared>>
        tpu.enqueue_indirect_dma source(%arg7 : memref<64x16xf32, #tpu.memory_space<vmem>>) target(%dma_start3A_23 : memref<10112x16xf32, #tpu.memory_space<vmem_shared>>) offsets(%dma_start3A_20 : memref<64xi32, #tpu.memory_space<vmem>>) semaphore(%run_scoped3A : memref<!tpu.dma_semaphore, #tpu.memory_space<semaphore_mem>>) {add = true}
        %dma_wait3A = arith.constant 0 : i32
        %dma_wait3A_24 = tpu.memref_slice %arg6[%add3A_18, %dma_wait3A] : memref<160x64xi32, #tpu.memory_space<vmem>> -> memref<1x64xi32, #tpu.memory_space<vmem>>
        %dma_wait3A_25 = tpu.memref_squeeze %dma_wait3A_24 : memref<1x64xi32, #tpu.memory_space<vmem>> -> memref<64xi32, #tpu.memory_space<vmem>>
        %dma_wait3A_26 = arith.constant 0 : i32
        %dma_wait3A_27 = arith.constant 0 : i32
        %dma_wait3A_28 = tpu.memref_slice %arg8[%dma_wait3A_26, %dma_wait3A_27] : memref<10112x16xf32, #tpu.memory_space<vmem_shared>> -> memref<10112x16xf32, #tpu.memory_space<vmem_shared>>
        tpu.wait_indirect_dma semaphore(%run_scoped3A : memref<!tpu.dma_semaphore, #tpu.memory_space<semaphore_mem>>) src(%arg7 : memref<64x16xf32, #tpu.memory_space<vmem>>) dst(%dma_wait3A_28 : memref<10112x16xf32, #tpu.memory_space<vmem_shared>>)
        tpu.yield
      }) : () -> ()
    }
    %scan3A_8 = arith.constant 160 : i32
    %barrier3A_9 = arith.constant 0 : index
    tpu.barrier barrier_id(%barrier3A_9)
    %mul3A_10 = arith.constant 632 : i32
    %mul3A_11 = arith.muli %arg1, %mul3A_10 : i32
    %mul3A_12 = arith.constant 632 : i32
    %mul3A_13 = arith.muli %arg1, %mul3A_12 : i32
    "tpu.region"() ({
      %run_scoped3A = tpu.sem_alloc : memref<!tpu.dma_semaphore, #tpu.memory_space<semaphore_mem>>
      %dma_start3A = arith.constant 0 : i32
      %dma_start3A_14 = tpu.memref_slice %arg5[%arg0, %mul3A_13, %dma_start3A] : memref<2x10112x16xf32, #tpu.memory_space<hbm>> -> memref<1x632x16xf32, #tpu.memory_space<hbm>>
      %dma_start3A_15 = tpu.memref_squeeze %dma_start3A_14 : memref<1x632x16xf32, #tpu.memory_space<hbm>> -> memref<632x16xf32, #tpu.memory_space<hbm>>
      %dma_start3A_16 = arith.constant 0 : i32
      %dma_start3A_17 = tpu.memref_slice %arg8[%mul3A_11, %dma_start3A_16] : memref<10112x16xf32, #tpu.memory_space<vmem_shared>> -> memref<632x16xf32, #tpu.memory_space<vmem_shared>>
      tpu.enqueue_dma source(%dma_start3A_17 : memref<632x16xf32, #tpu.memory_space<vmem_shared>>) target(%dma_start3A_15 : memref<632x16xf32, #tpu.memory_space<hbm>>) target_semaphore(%run_scoped3A : memref<!tpu.dma_semaphore, #tpu.memory_space<semaphore_mem>>)
      %dma_wait3A = arith.constant 0 : i32
      %dma_wait3A_18 = tpu.memref_slice %arg5[%arg0, %mul3A_13, %dma_wait3A] : memref<2x10112x16xf32, #tpu.memory_space<hbm>> -> memref<1x632x16xf32, #tpu.memory_space<hbm>>
      %dma_wait3A_19 = tpu.memref_squeeze %dma_wait3A_18 : memref<1x632x16xf32, #tpu.memory_space<hbm>> -> memref<632x16xf32, #tpu.memory_space<hbm>>
      %dma_wait3A_20 = arith.constant 0 : i32
      %dma_wait3A_21 = tpu.memref_slice %arg8[%mul3A_11, %dma_wait3A_20] : memref<10112x16xf32, #tpu.memory_space<vmem_shared>> -> memref<632x16xf32, #tpu.memory_space<vmem_shared>>
      tpu.wait_dma2 semaphore(%run_scoped3A : memref<!tpu.dma_semaphore, #tpu.memory_space<semaphore_mem>>) src(%dma_wait3A_21 : memref<632x16xf32, #tpu.memory_space<vmem_shared>>) dst(%dma_wait3A_19 : memref<632x16xf32, #tpu.memory_space<hbm>>)
      tpu.yield
    }) : () -> ()
    return
  }
}

#map = affine_map<(d0, d1) -> (0, 0, 0)>
#map1 = affine_map<(d0, d1) -> (0, 0)>
module attributes {stable_mosaic.version = 14 : i64} {
  func.func @_agg_h(%arg0: i32, %arg1: i32, %arg2: memref<2x10000x64xf32, #tpu.memory_space<hbm>>, %arg3: memref<5120x64xi32, #tpu.memory_space<hbm>>, %arg4: memref<632x64xf32, #tpu.memory_space<hbm>>, %arg5: memref<2x10112x64xf32, #tpu.memory_space<hbm>>, %arg6: memref<320x64xi32, #tpu.memory_space<vmem>>, %arg7: memref<4x64xi32, #tpu.memory_space<vmem>>, %arg8: memref<64xi32, #tpu.memory_space<vmem>>, %arg9: memref<4x64x64xf32, #tpu.memory_space<vmem>>, %arg10: memref<10112x64xf32, #tpu.memory_space<vmem_shared>>, %arg11: memref<10016x64xf32, #tpu.memory_space<vmem_shared>>, %arg12: memref<!tpu.dma_semaphore, #tpu.memory_space<semaphore_mem>>, %arg13: memref<!tpu.dma_semaphore, #tpu.memory_space<semaphore_mem>>, %arg14: memref<!tpu.dma_semaphore, #tpu.memory_space<semaphore_mem>>, %arg15: memref<!tpu.dma_semaphore, #tpu.memory_space<semaphore_mem>>) attributes {dimension_semantics = [#tpu.dimension_semantics<core_parallel>, #tpu.dimension_semantics<subcore_parallel>], iteration_bounds = array<i64: 2, 16>, scalar_prefetch = 0 : i64, scratch_operands = 10 : i64, tpu.core_type = #tpu.core_type<sc_vector_subcore>, window_params = [{transform_indices = #map}, {transform_indices = #map1}, {transform_indices = #map1}, {transform_indices = #map}]} {
    %eq3A = arith.constant 0 : i32
    %eq3A_0 = arith.cmpi eq, %arg0, %eq3A : i32
    %convert_element_type3A = arith.extui %eq3A_0 : i1 to i32
    %cond3A = arith.constant 0 : i32
    %cond3A_1 = arith.cmpi ne, %convert_element_type3A, %cond3A : i32
    scf.if %cond3A_1 {
      %mul3A = arith.constant 320 : i32
      %mul3A_7 = arith.muli %arg1, %mul3A : i32
      "tpu.region"() ({
        %run_scoped3A_161 = tpu.sem_alloc : memref<!tpu.dma_semaphore, #tpu.memory_space<semaphore_mem>>
        %dma_start3A_162 = arith.constant 0 : i32
        %dma_start3A_163 = tpu.memref_slice %arg3[%mul3A_7, %dma_start3A_162] : memref<5120x64xi32, #tpu.memory_space<hbm>> -> memref<320x64xi32, #tpu.memory_space<hbm>>
        %dma_start3A_164 = arith.constant 0 : i32
        %dma_start3A_165 = tpu.memref_slice %arg3[%mul3A_7, %dma_start3A_164] : memref<5120x64xi32, #tpu.memory_space<hbm>> -> memref<320x64xi32, #tpu.memory_space<hbm>>
        tpu.enqueue_dma source(%dma_start3A_165 : memref<320x64xi32, #tpu.memory_space<hbm>>) target(%arg6 : memref<320x64xi32, #tpu.memory_space<vmem>>) target_semaphore(%run_scoped3A_161 : memref<!tpu.dma_semaphore, #tpu.memory_space<semaphore_mem>>)
        %dma_wait3A_166 = arith.constant 0 : i32
        %dma_wait3A_167 = tpu.memref_slice %arg3[%mul3A_7, %dma_wait3A_166] : memref<5120x64xi32, #tpu.memory_space<hbm>> -> memref<320x64xi32, #tpu.memory_space<hbm>>
        %dma_wait3A_168 = arith.constant 0 : i32
        %dma_wait3A_169 = tpu.memref_slice %arg3[%mul3A_7, %dma_wait3A_168] : memref<5120x64xi32, #tpu.memory_space<hbm>> -> memref<320x64xi32, #tpu.memory_space<hbm>>
        tpu.wait_dma2 semaphore(%run_scoped3A_161 : memref<!tpu.dma_semaphore, #tpu.memory_space<semaphore_mem>>) src(%dma_wait3A_169 : memref<320x64xi32, #tpu.memory_space<hbm>>) dst(%arg6 : memref<320x64xi32, #tpu.memory_space<vmem>>)
        tpu.yield
      }) : () -> ()
      %mul3A_8 = arith.constant 626 : i32
      %mul3A_9 = arith.muli %arg1, %mul3A_8 : i32
      %min3A = arith.constant 9374 : i32
      %min3A_10 = arith.minsi %mul3A_9, %min3A : i32
      %run_scoped3A = arith.constant 0 : i32
      "tpu.region"() ({
        %run_scoped3A_161 = tpu.sem_alloc : memref<!tpu.dma_semaphore, #tpu.memory_space<semaphore_mem>>
        %dma_start3A_162 = arith.constant 0 : i32
        %dma_start3A_163 = tpu.memref_slice %arg11[%min3A_10, %dma_start3A_162] : memref<10016x64xf32, #tpu.memory_space<vmem_shared>> -> memref<626x64xf32, #tpu.memory_space<vmem_shared>>
        %dma_start3A_164 = arith.constant 0 : i32
        %dma_start3A_165 = tpu.memref_slice %arg2[%run_scoped3A, %min3A_10, %dma_start3A_164] : memref<2x10000x64xf32, #tpu.memory_space<hbm>> -> memref<1x626x64xf32, #tpu.memory_space<hbm>>
        %dma_start3A_166 = tpu.memref_squeeze %dma_start3A_165 : memref<1x626x64xf32, #tpu.memory_space<hbm>> -> memref<626x64xf32, #tpu.memory_space<hbm>>
        tpu.enqueue_dma source(%dma_start3A_166 : memref<626x64xf32, #tpu.memory_space<hbm>>) target(%dma_start3A_163 : memref<626x64xf32, #tpu.memory_space<vmem_shared>>) target_semaphore(%run_scoped3A_161 : memref<!tpu.dma_semaphore, #tpu.memory_space<semaphore_mem>>)
        %dma_wait3A_167 = arith.constant 0 : i32
        %dma_wait3A_168 = tpu.memref_slice %arg11[%min3A_10, %dma_wait3A_167] : memref<10016x64xf32, #tpu.memory_space<vmem_shared>> -> memref<626x64xf32, #tpu.memory_space<vmem_shared>>
        %dma_wait3A_169 = arith.constant 0 : i32
        %dma_wait3A_170 = tpu.memref_slice %arg2[%run_scoped3A, %min3A_10, %dma_wait3A_169] : memref<2x10000x64xf32, #tpu.memory_space<hbm>> -> memref<1x626x64xf32, #tpu.memory_space<hbm>>
        %dma_wait3A_171 = tpu.memref_squeeze %dma_wait3A_170 : memref<1x626x64xf32, #tpu.memory_space<hbm>> -> memref<626x64xf32, #tpu.memory_space<hbm>>
        tpu.wait_dma2 semaphore(%run_scoped3A_161 : memref<!tpu.dma_semaphore, #tpu.memory_space<semaphore_mem>>) src(%dma_wait3A_171 : memref<626x64xf32, #tpu.memory_space<hbm>>) dst(%dma_wait3A_168 : memref<626x64xf32, #tpu.memory_space<vmem_shared>>)
        tpu.yield
      }) : () -> ()
      %mul3A_11 = arith.constant 632 : i32
      %mul3A_12 = arith.muli %arg1, %mul3A_11 : i32
      "tpu.region"() ({
        %run_scoped3A_161 = tpu.sem_alloc : memref<!tpu.dma_semaphore, #tpu.memory_space<semaphore_mem>>
        %dma_start3A_162 = arith.constant 0 : i32
        %dma_start3A_163 = tpu.memref_slice %arg10[%mul3A_12, %dma_start3A_162] : memref<10112x64xf32, #tpu.memory_space<vmem_shared>> -> memref<632x64xf32, #tpu.memory_space<vmem_shared>>
        tpu.enqueue_dma source(%arg4 : memref<632x64xf32, #tpu.memory_space<hbm>>) target(%dma_start3A_163 : memref<632x64xf32, #tpu.memory_space<vmem_shared>>) target_semaphore(%run_scoped3A_161 : memref<!tpu.dma_semaphore, #tpu.memory_space<semaphore_mem>>)
        %dma_wait3A_164 = arith.constant 0 : i32
        %dma_wait3A_165 = tpu.memref_slice %arg10[%mul3A_12, %dma_wait3A_164] : memref<10112x64xf32, #tpu.memory_space<vmem_shared>> -> memref<632x64xf32, #tpu.memory_space<vmem_shared>>
        tpu.wait_dma2 semaphore(%run_scoped3A_161 : memref<!tpu.dma_semaphore, #tpu.memory_space<semaphore_mem>>) src(%arg4 : memref<632x64xf32, #tpu.memory_space<hbm>>) dst(%dma_wait3A_165 : memref<632x64xf32, #tpu.memory_space<vmem_shared>>)
        tpu.yield
      }) : () -> ()
      %barrier3A = arith.constant 0 : index
      tpu.barrier barrier_id(%barrier3A)
      %scan3A = arith.constant 0 : i32
      %scan3A_13 = arith.constant 4 : i32
      %scan3A_14 = arith.addi %scan3A, %scan3A_13 : i32
      %scan3A_15 = arith.constant 1 : i32
      scf.for %scan3A_161 = %scan3A to %scan3A_14 step %scan3A_15  : i32 {
        %mul3A_162 = arith.constant 16 : i32
        %mul3A_163 = arith.muli %scan3A_161, %mul3A_162 : i32
        %add3A = arith.constant 0 : i32
        %add3A_164 = arith.addi %add3A, %mul3A_163 : i32
        %get3A = arith.constant 0 : i32
        %get3A_165 = arith.index_cast %get3A : i32 to index
        %get3A_166 = arith.index_cast %add3A_164 : i32 to index
        %get3A_167 = tpu.vector_load %arg6[%get3A_165, %get3A_166] {strides = array<i32>} : memref<320x64xi32, #tpu.memory_space<vmem>>, vector<1x16xi32>,
        %get3A_168 = vector.shape_cast %get3A_167 : vector<1x16xi32> to vector<16xi32>
        %and3A = arith.constant 65535 : i32
        %and3A_169 = vector.broadcast %and3A : i32 to vector<16xi32>
        %and3A_170 = arith.andi %get3A_168, %and3A_169 : vector<16xi32>
        %swap3A = arith.constant 0 : i32
        %swap3A_171 = arith.index_cast %swap3A : i32 to index
        %swap3A_172 = arith.index_cast %add3A_164 : i32 to index
        %swap3A_173 = tpu.vector_load %arg7[%swap3A_171, %swap3A_172] {strides = array<i32>} : memref<4x64xi32, #tpu.memory_space<vmem>>, vector<1x16xi32>,
        %swap3A_174 = vector.shape_cast %swap3A_173 : vector<1x16xi32> to vector<16xi32>
        %swap3A_175 = vector.shape_cast %and3A_170 : vector<16xi32> to vector<1x16xi32>
        tpu.vector_store %arg7[%swap3A_171, %swap3A_172], %swap3A_175 {strides = array<i32>} : memref<4x64xi32, #tpu.memory_space<vmem>>, vector<1x16xi32>,
      }
      %scan3A_16 = arith.constant 4 : i32
      %dma_start3A = arith.constant 0 : i32
      %dma_start3A_17 = arith.constant 0 : i32
      %dma_start3A_18 = arith.constant 0 : i32
      %dma_start3A_19 = arith.constant 0 : i32
      %dma_start3A_20 = tpu.memref_slice %arg9[%dma_start3A_17, %dma_start3A_18, %dma_start3A_19] : memref<4x64x64xf32, #tpu.memory_space<vmem>> -> memref<1x64x64xf32, #tpu.memory_space<vmem>>
      %dma_start3A_21 = tpu.memref_squeeze %dma_start3A_20 : memref<1x64x64xf32, #tpu.memory_space<vmem>> -> memref<64x64xf32, #tpu.memory_space<vmem>>
      %dma_start3A_22 = arith.constant 0 : i32
      %dma_start3A_23 = tpu.memref_slice %arg7[%dma_start3A, %dma_start3A_22] : memref<4x64xi32, #tpu.memory_space<vmem>> -> memref<1x64xi32, #tpu.memory_space<vmem>>
      %dma_start3A_24 = tpu.memref_squeeze %dma_start3A_23 : memref<1x64xi32, #tpu.memory_space<vmem>> -> memref<64xi32, #tpu.memory_space<vmem>>
      %dma_start3A_25 = arith.constant 0 : i32
      %dma_start3A_26 = arith.constant 0 : i32
      %dma_start3A_27 = tpu.memref_slice %arg11[%dma_start3A_25, %dma_start3A_26] : memref<10016x64xf32, #tpu.memory_space<vmem_shared>> -> memref<10016x64xf32, #tpu.memory_space<vmem_shared>>
      tpu.enqueue_indirect_dma source(%dma_start3A_27 : memref<10016x64xf32, #tpu.memory_space<vmem_shared>>) target(%dma_start3A_21 : memref<64x64xf32, #tpu.memory_space<vmem>>) offsets(%dma_start3A_24 : memref<64xi32, #tpu.memory_space<vmem>>) semaphore(%arg12 : memref<!tpu.dma_semaphore, #tpu.memory_space<semaphore_mem>>)
      %scan3A_28 = arith.constant 0 : i32
      %scan3A_29 = arith.constant 4 : i32
      %scan3A_30 = arith.addi %scan3A_28, %scan3A_29 : i32
      %scan3A_31 = arith.constant 1 : i32
      scf.for %scan3A_161 = %scan3A_28 to %scan3A_30 step %scan3A_31  : i32 {
        %mul3A_162 = arith.constant 16 : i32
        %mul3A_163 = arith.muli %scan3A_161, %mul3A_162 : i32
        %add3A = arith.constant 0 : i32
        %add3A_164 = arith.addi %add3A, %mul3A_163 : i32
        %get3A = arith.constant 1 : i32
        %get3A_165 = arith.index_cast %get3A : i32 to index
        %get3A_166 = arith.index_cast %add3A_164 : i32 to index
        %get3A_167 = tpu.vector_load %arg6[%get3A_165, %get3A_166] {strides = array<i32>} : memref<320x64xi32, #tpu.memory_space<vmem>>, vector<1x16xi32>,
        %get3A_168 = vector.shape_cast %get3A_167 : vector<1x16xi32> to vector<16xi32>
        %and3A = arith.constant 65535 : i32
        %and3A_169 = vector.broadcast %and3A : i32 to vector<16xi32>
        %and3A_170 = arith.andi %get3A_168, %and3A_169 : vector<16xi32>
        %swap3A = arith.constant 1 : i32
        %swap3A_171 = arith.index_cast %swap3A : i32 to index
        %swap3A_172 = arith.index_cast %add3A_164 : i32 to index
        %swap3A_173 = tpu.vector_load %arg7[%swap3A_171, %swap3A_172] {strides = array<i32>} : memref<4x64xi32, #tpu.memory_space<vmem>>, vector<1x16xi32>,
        %swap3A_174 = vector.shape_cast %swap3A_173 : vector<1x16xi32> to vector<16xi32>
        %swap3A_175 = vector.shape_cast %and3A_170 : vector<16xi32> to vector<1x16xi32>
        tpu.vector_store %arg7[%swap3A_171, %swap3A_172], %swap3A_175 {strides = array<i32>} : memref<4x64xi32, #tpu.memory_space<vmem>>, vector<1x16xi32>,
      }
      %scan3A_32 = arith.constant 4 : i32
      %dma_start3A_33 = arith.constant 1 : i32
      %dma_start3A_34 = arith.constant 1 : i32
      %dma_start3A_35 = arith.constant 0 : i32
      %dma_start3A_36 = arith.constant 0 : i32
      %dma_start3A_37 = tpu.memref_slice %arg9[%dma_start3A_34, %dma_start3A_35, %dma_start3A_36] : memref<4x64x64xf32, #tpu.memory_space<vmem>> -> memref<1x64x64xf32, #tpu.memory_space<vmem>>
      %dma_start3A_38 = tpu.memref_squeeze %dma_start3A_37 : memref<1x64x64xf32, #tpu.memory_space<vmem>> -> memref<64x64xf32, #tpu.memory_space<vmem>>
      %dma_start3A_39 = arith.constant 0 : i32
      %dma_start3A_40 = tpu.memref_slice %arg7[%dma_start3A_33, %dma_start3A_39] : memref<4x64xi32, #tpu.memory_space<vmem>> -> memref<1x64xi32, #tpu.memory_space<vmem>>
      %dma_start3A_41 = tpu.memref_squeeze %dma_start3A_40 : memref<1x64xi32, #tpu.memory_space<vmem>> -> memref<64xi32, #tpu.memory_space<vmem>>
      %dma_start3A_42 = arith.constant 0 : i32
      %dma_start3A_43 = arith.constant 0 : i32
      %dma_start3A_44 = tpu.memref_slice %arg11[%dma_start3A_42, %dma_start3A_43] : memref<10016x64xf32, #tpu.memory_space<vmem_shared>> -> memref<10016x64xf32, #tpu.memory_space<vmem_shared>>
      tpu.enqueue_indirect_dma source(%dma_start3A_44 : memref<10016x64xf32, #tpu.memory_space<vmem_shared>>) target(%dma_start3A_38 : memref<64x64xf32, #tpu.memory_space<vmem>>) offsets(%dma_start3A_41 : memref<64xi32, #tpu.memory_space<vmem>>) semaphore(%arg13 : memref<!tpu.dma_semaphore, #tpu.memory_space<semaphore_mem>>)
      %scan3A_45 = arith.constant 0 : i32
      %scan3A_46 = arith.constant 4 : i32
      %scan3A_47 = arith.addi %scan3A_45, %scan3A_46 : i32
      %scan3A_48 = arith.constant 1 : i32
      scf.for %scan3A_161 = %scan3A_45 to %scan3A_47 step %scan3A_48  : i32 {
        %mul3A_162 = arith.constant 16 : i32
        %mul3A_163 = arith.muli %scan3A_161, %mul3A_162 : i32
        %add3A = arith.constant 0 : i32
        %add3A_164 = arith.addi %add3A, %mul3A_163 : i32
        %get3A = arith.constant 2 : i32
        %get3A_165 = arith.index_cast %get3A : i32 to index
        %get3A_166 = arith.index_cast %add3A_164 : i32 to index
        %get3A_167 = tpu.vector_load %arg6[%get3A_165, %get3A_166] {strides = array<i32>} : memref<320x64xi32, #tpu.memory_space<vmem>>, vector<1x16xi32>,
        %get3A_168 = vector.shape_cast %get3A_167 : vector<1x16xi32> to vector<16xi32>
        %and3A = arith.constant 65535 : i32
        %and3A_169 = vector.broadcast %and3A : i32 to vector<16xi32>
        %and3A_170 = arith.andi %get3A_168, %and3A_169 : vector<16xi32>
        %swap3A = arith.constant 2 : i32
        %swap3A_171 = arith.index_cast %swap3A : i32 to index
        %swap3A_172 = arith.index_cast %add3A_164 : i32 to index
        %swap3A_173 = tpu.vector_load %arg7[%swap3A_171, %swap3A_172] {strides = array<i32>} : memref<4x64xi32, #tpu.memory_space<vmem>>, vector<1x16xi32>,
        %swap3A_174 = vector.shape_cast %swap3A_173 : vector<1x16xi32> to vector<16xi32>
        %swap3A_175 = vector.shape_cast %and3A_170 : vector<16xi32> to vector<1x16xi32>
        tpu.vector_store %arg7[%swap3A_171, %swap3A_172], %swap3A_175 {strides = array<i32>} : memref<4x64xi32, #tpu.memory_space<vmem>>, vector<1x16xi32>,
      }
      %scan3A_49 = arith.constant 4 : i32
      %dma_start3A_50 = arith.constant 2 : i32
      %dma_start3A_51 = arith.constant 2 : i32
      %dma_start3A_52 = arith.constant 0 : i32
      %dma_start3A_53 = arith.constant 0 : i32
      %dma_start3A_54 = tpu.memref_slice %arg9[%dma_start3A_51, %dma_start3A_52, %dma_start3A_53] : memref<4x64x64xf32, #tpu.memory_space<vmem>> -> memref<1x64x64xf32, #tpu.memory_space<vmem>>
      %dma_start3A_55 = tpu.memref_squeeze %dma_start3A_54 : memref<1x64x64xf32, #tpu.memory_space<vmem>> -> memref<64x64xf32, #tpu.memory_space<vmem>>
      %dma_start3A_56 = arith.constant 0 : i32
      %dma_start3A_57 = tpu.memref_slice %arg7[%dma_start3A_50, %dma_start3A_56] : memref<4x64xi32, #tpu.memory_space<vmem>> -> memref<1x64xi32, #tpu.memory_space<vmem>>
      %dma_start3A_58 = tpu.memref_squeeze %dma_start3A_57 : memref<1x64xi32, #tpu.memory_space<vmem>> -> memref<64xi32, #tpu.memory_space<vmem>>
      %dma_start3A_59 = arith.constant 0 : i32
      %dma_start3A_60 = arith.constant 0 : i32
      %dma_start3A_61 = tpu.memref_slice %arg11[%dma_start3A_59, %dma_start3A_60] : memref<10016x64xf32, #tpu.memory_space<vmem_shared>> -> memref<10016x64xf32, #tpu.memory_space<vmem_shared>>
      tpu.enqueue_indirect_dma source(%dma_start3A_61 : memref<10016x64xf32, #tpu.memory_space<vmem_shared>>) target(%dma_start3A_55 : memref<64x64xf32, #tpu.memory_space<vmem>>) offsets(%dma_start3A_58 : memref<64xi32, #tpu.memory_space<vmem>>) semaphore(%arg14 : memref<!tpu.dma_semaphore, #tpu.memory_space<semaphore_mem>>)
      %scan3A_62 = arith.constant 0 : i32
      %scan3A_63 = arith.constant 4 : i32
      %scan3A_64 = arith.addi %scan3A_62, %scan3A_63 : i32
      %scan3A_65 = arith.constant 1 : i32
      scf.for %scan3A_161 = %scan3A_62 to %scan3A_64 step %scan3A_65  : i32 {
        %mul3A_162 = arith.constant 16 : i32
        %mul3A_163 = arith.muli %scan3A_161, %mul3A_162 : i32
        %add3A = arith.constant 0 : i32
        %add3A_164 = arith.addi %add3A, %mul3A_163 : i32
        %get3A = arith.constant 3 : i32
        %get3A_165 = arith.index_cast %get3A : i32 to index
        %get3A_166 = arith.index_cast %add3A_164 : i32 to index
        %get3A_167 = tpu.vector_load %arg6[%get3A_165, %get3A_166] {strides = array<i32>} : memref<320x64xi32, #tpu.memory_space<vmem>>, vector<1x16xi32>,
        %get3A_168 = vector.shape_cast %get3A_167 : vector<1x16xi32> to vector<16xi32>
        %and3A = arith.constant 65535 : i32
        %and3A_169 = vector.broadcast %and3A : i32 to vector<16xi32>
        %and3A_170 = arith.andi %get3A_168, %and3A_169 : vector<16xi32>
        %swap3A = arith.constant 3 : i32
        %swap3A_171 = arith.index_cast %swap3A : i32 to index
        %swap3A_172 = arith.index_cast %add3A_164 : i32 to index
        %swap3A_173 = tpu.vector_load %arg7[%swap3A_171, %swap3A_172] {strides = array<i32>} : memref<4x64xi32, #tpu.memory_space<vmem>>, vector<1x16xi32>,
        %swap3A_174 = vector.shape_cast %swap3A_173 : vector<1x16xi32> to vector<16xi32>
        %swap3A_175 = vector.shape_cast %and3A_170 : vector<16xi32> to vector<1x16xi32>
        tpu.vector_store %arg7[%swap3A_171, %swap3A_172], %swap3A_175 {strides = array<i32>} : memref<4x64xi32, #tpu.memory_space<vmem>>, vector<1x16xi32>,
      }
      %scan3A_66 = arith.constant 4 : i32
      %dma_start3A_67 = arith.constant 3 : i32
      %dma_start3A_68 = arith.constant 3 : i32
      %dma_start3A_69 = arith.constant 0 : i32
      %dma_start3A_70 = arith.constant 0 : i32
      %dma_start3A_71 = tpu.memref_slice %arg9[%dma_start3A_68, %dma_start3A_69, %dma_start3A_70] : memref<4x64x64xf32, #tpu.memory_space<vmem>> -> memref<1x64x64xf32, #tpu.memory_space<vmem>>
      %dma_start3A_72 = tpu.memref_squeeze %dma_start3A_71 : memref<1x64x64xf32, #tpu.memory_space<vmem>> -> memref<64x64xf32, #tpu.memory_space<vmem>>
      %dma_start3A_73 = arith.constant 0 : i32
      %dma_start3A_74 = tpu.memref_slice %arg7[%dma_start3A_67, %dma_start3A_73] : memref<4x64xi32, #tpu.memory_space<vmem>> -> memref<1x64xi32, #tpu.memory_space<vmem>>
      %dma_start3A_75 = tpu.memref_squeeze %dma_start3A_74 : memref<1x64xi32, #tpu.memory_space<vmem>> -> memref<64xi32, #tpu.memory_space<vmem>>
      %dma_start3A_76 = arith.constant 0 : i32
      %dma_start3A_77 = arith.constant 0 : i32
      %dma_start3A_78 = tpu.memref_slice %arg11[%dma_start3A_76, %dma_start3A_77] : memref<10016x64xf32, #tpu.memory_space<vmem_shared>> -> memref<10016x64xf32, #tpu.memory_space<vmem_shared>>
      tpu.enqueue_indirect_dma source(%dma_start3A_78 : memref<10016x64xf32, #tpu.memory_space<vmem_shared>>) target(%dma_start3A_72 : memref<64x64xf32, #tpu.memory_space<vmem>>) offsets(%dma_start3A_75 : memref<64xi32, #tpu.memory_space<vmem>>) semaphore(%arg15 : memref<!tpu.dma_semaphore, #tpu.memory_space<semaphore_mem>>)
      %scan3A_79 = arith.constant 0 : i32
      %scan3A_80 = arith.constant 79 : i32
      %scan3A_81 = arith.addi %scan3A_79, %scan3A_80 : i32
      %scan3A_82 = arith.constant 1 : i32
      scf.for %scan3A_161 = %scan3A_79 to %scan3A_81 step %scan3A_82  : i32 {
        %mul3A_162 = arith.constant 4 : i32
        %mul3A_163 = arith.muli %scan3A_161, %mul3A_162 : i32
        %add3A = arith.constant 0 : i32
        %add3A_164 = arith.addi %add3A, %mul3A_163 : i32
        %dma_wait3A_165 = arith.constant 0 : i32
        %dma_wait3A_166 = arith.constant 0 : i32
        %dma_wait3A_167 = arith.constant 0 : i32
        %dma_wait3A_168 = arith.constant 0 : i32
        %dma_wait3A_169 = tpu.memref_slice %arg9[%dma_wait3A_166, %dma_wait3A_167, %dma_wait3A_168] : memref<4x64x64xf32, #tpu.memory_space<vmem>> -> memref<1x64x64xf32, #tpu.memory_space<vmem>>
        %dma_wait3A_170 = tpu.memref_squeeze %dma_wait3A_169 : memref<1x64x64xf32, #tpu.memory_space<vmem>> -> memref<64x64xf32, #tpu.memory_space<vmem>>
        %dma_wait3A_171 = arith.constant 0 : i32
        %dma_wait3A_172 = tpu.memref_slice %arg7[%dma_wait3A_165, %dma_wait3A_171] : memref<4x64xi32, #tpu.memory_space<vmem>> -> memref<1x64xi32, #tpu.memory_space<vmem>>
        %dma_wait3A_173 = tpu.memref_squeeze %dma_wait3A_172 : memref<1x64xi32, #tpu.memory_space<vmem>> -> memref<64xi32, #tpu.memory_space<vmem>>
        %dma_wait3A_174 = arith.constant 0 : i32
        %dma_wait3A_175 = arith.constant 0 : i32
        %dma_wait3A_176 = tpu.memref_slice %arg11[%dma_wait3A_174, %dma_wait3A_175] : memref<10016x64xf32, #tpu.memory_space<vmem_shared>> -> memref<10016x64xf32, #tpu.memory_space<vmem_shared>>
        tpu.wait_indirect_dma semaphore(%arg12 : memref<!tpu.dma_semaphore, #tpu.memory_space<semaphore_mem>>) src(%dma_wait3A_176 : memref<10016x64xf32, #tpu.memory_space<vmem_shared>>) dst(%dma_wait3A_170 : memref<64x64xf32, #tpu.memory_space<vmem>>)
        %add3A_177 = arith.constant 0 : i32
        %add3A_178 = arith.addi %add3A_164, %add3A_177 : i32
        %scan3A_179 = arith.constant 0 : i32
        %scan3A_180 = arith.constant 4 : i32
        %scan3A_181 = arith.addi %scan3A_179, %scan3A_180 : i32
        %scan3A_182 = arith.constant 1 : i32
        scf.for %scan3A_329 = %scan3A_179 to %scan3A_181 step %scan3A_182  : i32 {
          %mul3A_330 = arith.constant 16 : i32
          %mul3A_331 = arith.muli %scan3A_329, %mul3A_330 : i32
          %add3A_332 = arith.constant 0 : i32
          %add3A_333 = arith.addi %add3A_332, %mul3A_331 : i32
          %get3A = arith.index_cast %add3A_178 : i32 to index
          %get3A_334 = arith.index_cast %add3A_333 : i32 to index
          %get3A_335 = tpu.vector_load %arg6[%get3A, %get3A_334] {strides = array<i32>} : memref<320x64xi32, #tpu.memory_space<vmem>>, vector<1x16xi32>,
          %get3A_336 = vector.shape_cast %get3A_335 : vector<1x16xi32> to vector<16xi32>
          %shift_right_arithmetic3A = arith.constant 16 : i32
          %shift_right_arithmetic3A_337 = vector.broadcast %shift_right_arithmetic3A : i32 to vector<16xi32>
          %shift_right_arithmetic3A_338 = arith.shrsi %get3A_336, %shift_right_arithmetic3A_337 : vector<16xi32>
          %swap3A = arith.index_cast %add3A_333 : i32 to index
          %swap3A_339 = tpu.vector_load %arg8[%swap3A] {strides = array<i32>} : memref<64xi32, #tpu.memory_space<vmem>>, vector<16xi32>,
          %swap3A_340 = vector.shape_cast %swap3A_339 : vector<16xi32> to vector<16xi32>
          %swap3A_341 = vector.shape_cast %shift_right_arithmetic3A_338 : vector<16xi32> to vector<16xi32>
          tpu.vector_store %arg8[%swap3A], %swap3A_341 {strides = array<i32>} : memref<64xi32, #tpu.memory_space<vmem>>, vector<16xi32>,
        }
        %scan3A_183 = arith.constant 4 : i32
        %run_scoped3A_184 = arith.constant 0 : i32
        "tpu.region"() ({
          %run_scoped3A_329 = tpu.sem_alloc : memref<!tpu.dma_semaphore, #tpu.memory_space<semaphore_mem>>
          %dma_start3A_330 = arith.constant 0 : i32
          %dma_start3A_331 = arith.constant 0 : i32
          %dma_start3A_332 = tpu.memref_slice %arg9[%run_scoped3A_184, %dma_start3A_330, %dma_start3A_331] : memref<4x64x64xf32, #tpu.memory_space<vmem>> -> memref<1x64x64xf32, #tpu.memory_space<vmem>>
          %dma_start3A_333 = tpu.memref_squeeze %dma_start3A_332 : memref<1x64x64xf32, #tpu.memory_space<vmem>> -> memref<64x64xf32, #tpu.memory_space<vmem>>
          %dma_start3A_334 = arith.constant 0 : i32
          %dma_start3A_335 = arith.constant 0 : i32
          %dma_start3A_336 = tpu.memref_slice %arg10[%dma_start3A_334, %dma_start3A_335] : memref<10112x64xf32, #tpu.memory_space<vmem_shared>> -> memref<10112x64xf32, #tpu.memory_space<vmem_shared>>
          tpu.enqueue_indirect_dma source(%dma_start3A_333 : memref<64x64xf32, #tpu.memory_space<vmem>>) target(%dma_start3A_336 : memref<10112x64xf32, #tpu.memory_space<vmem_shared>>) offsets(%arg8 : memref<64xi32, #tpu.memory_space<vmem>>) semaphore(%run_scoped3A_329 : memref<!tpu.dma_semaphore, #tpu.memory_space<semaphore_mem>>) {add = true}
          %dma_wait3A_337 = arith.constant 0 : i32
          %dma_wait3A_338 = arith.constant 0 : i32
          %dma_wait3A_339 = tpu.memref_slice %arg9[%run_scoped3A_184, %dma_wait3A_337, %dma_wait3A_338] : memref<4x64x64xf32, #tpu.memory_space<vmem>> -> memref<1x64x64xf32, #tpu.memory_space<vmem>>
          %dma_wait3A_340 = tpu.memref_squeeze %dma_wait3A_339 : memref<1x64x64xf32, #tpu.memory_space<vmem>> -> memref<64x64xf32, #tpu.memory_space<vmem>>
          %dma_wait3A_341 = arith.constant 0 : i32
          %dma_wait3A_342 = arith.constant 0 : i32
          %dma_wait3A_343 = tpu.memref_slice %arg10[%dma_wait3A_341, %dma_wait3A_342] : memref<10112x64xf32, #tpu.memory_space<vmem_shared>> -> memref<10112x64xf32, #tpu.memory_space<vmem_shared>>
          tpu.wait_indirect_dma semaphore(%run_scoped3A_329 : memref<!tpu.dma_semaphore, #tpu.memory_space<semaphore_mem>>) src(%dma_wait3A_340 : memref<64x64xf32, #tpu.memory_space<vmem>>) dst(%dma_wait3A_343 : memref<10112x64xf32, #tpu.memory_space<vmem_shared>>)
          tpu.yield
        }) : () -> ()
        %add3A_185 = arith.constant 0 : i32
        %add3A_186 = arith.addi %add3A_164, %add3A_185 : i32
        %add3A_187 = arith.constant 4 : i32
        %add3A_188 = arith.addi %add3A_186, %add3A_187 : i32
        %scan3A_189 = arith.constant 0 : i32
        %scan3A_190 = arith.constant 4 : i32
        %scan3A_191 = arith.addi %scan3A_189, %scan3A_190 : i32
        %scan3A_192 = arith.constant 1 : i32
        scf.for %scan3A_329 = %scan3A_189 to %scan3A_191 step %scan3A_192  : i32 {
          %mul3A_330 = arith.constant 16 : i32
          %mul3A_331 = arith.muli %scan3A_329, %mul3A_330 : i32
          %add3A_332 = arith.constant 0 : i32
          %add3A_333 = arith.addi %add3A_332, %mul3A_331 : i32
          %get3A = arith.index_cast %add3A_188 : i32 to index
          %get3A_334 = arith.index_cast %add3A_333 : i32 to index
          %get3A_335 = tpu.vector_load %arg6[%get3A, %get3A_334] {strides = array<i32>} : memref<320x64xi32, #tpu.memory_space<vmem>>, vector<1x16xi32>,
          %get3A_336 = vector.shape_cast %get3A_335 : vector<1x16xi32> to vector<16xi32>
          %and3A = arith.constant 65535 : i32
          %and3A_337 = vector.broadcast %and3A : i32 to vector<16xi32>
          %and3A_338 = arith.andi %get3A_336, %and3A_337 : vector<16xi32>
          %swap3A = arith.constant 0 : i32
          %swap3A_339 = arith.index_cast %swap3A : i32 to index
          %swap3A_340 = arith.index_cast %add3A_333 : i32 to index
          %swap3A_341 = tpu.vector_load %arg7[%swap3A_339, %swap3A_340] {strides = array<i32>} : memref<4x64xi32, #tpu.memory_space<vmem>>, vector<1x16xi32>,
          %swap3A_342 = vector.shape_cast %swap3A_341 : vector<1x16xi32> to vector<16xi32>
          %swap3A_343 = vector.shape_cast %and3A_338 : vector<16xi32> to vector<1x16xi32>
          tpu.vector_store %arg7[%swap3A_339, %swap3A_340], %swap3A_343 {strides = array<i32>} : memref<4x64xi32, #tpu.memory_space<vmem>>, vector<1x16xi32>,
        }
        %scan3A_193 = arith.constant 4 : i32
        %dma_start3A_194 = arith.constant 0 : i32
        %dma_start3A_195 = arith.constant 0 : i32
        %dma_start3A_196 = arith.constant 0 : i32
        %dma_start3A_197 = arith.constant 0 : i32
        %dma_start3A_198 = tpu.memref_slice %arg9[%dma_start3A_195, %dma_start3A_196, %dma_start3A_197] : memref<4x64x64xf32, #tpu.memory_space<vmem>> -> memref<1x64x64xf32, #tpu.memory_space<vmem>>
        %dma_start3A_199 = tpu.memref_squeeze %dma_start3A_198 : memref<1x64x64xf32, #tpu.memory_space<vmem>> -> memref<64x64xf32, #tpu.memory_space<vmem>>
        %dma_start3A_200 = arith.constant 0 : i32
        %dma_start3A_201 = tpu.memref_slice %arg7[%dma_start3A_194, %dma_start3A_200] : memref<4x64xi32, #tpu.memory_space<vmem>> -> memref<1x64xi32, #tpu.memory_space<vmem>>
        %dma_start3A_202 = tpu.memref_squeeze %dma_start3A_201 : memref<1x64xi32, #tpu.memory_space<vmem>> -> memref<64xi32, #tpu.memory_space<vmem>>
        %dma_start3A_203 = arith.constant 0 : i32
        %dma_start3A_204 = arith.constant 0 : i32
        %dma_start3A_205 = tpu.memref_slice %arg11[%dma_start3A_203, %dma_start3A_204] : memref<10016x64xf32, #tpu.memory_space<vmem_shared>> -> memref<10016x64xf32, #tpu.memory_space<vmem_shared>>
        tpu.enqueue_indirect_dma source(%dma_start3A_205 : memref<10016x64xf32, #tpu.memory_space<vmem_shared>>) target(%dma_start3A_199 : memref<64x64xf32, #tpu.memory_space<vmem>>) offsets(%dma_start3A_202 : memref<64xi32, #tpu.memory_space<vmem>>) semaphore(%arg12 : memref<!tpu.dma_semaphore, #tpu.memory_space<semaphore_mem>>)
        %dma_wait3A_206 = arith.constant 1 : i32
        %dma_wait3A_207 = arith.constant 1 : i32
        %dma_wait3A_208 = arith.constant 0 : i32
        %dma_wait3A_209 = arith.constant 0 : i32
        %dma_wait3A_210 = tpu.memref_slice %arg9[%dma_wait3A_207, %dma_wait3A_208, %dma_wait3A_209] : memref<4x64x64xf32, #tpu.memory_space<vmem>> -> memref<1x64x64xf32, #tpu.memory_space<vmem>>
        %dma_wait3A_211 = tpu.memref_squeeze %dma_wait3A_210 : memref<1x64x64xf32, #tpu.memory_space<vmem>> -> memref<64x64xf32, #tpu.memory_space<vmem>>
        %dma_wait3A_212 = arith.constant 0 : i32
        %dma_wait3A_213 = tpu.memref_slice %arg7[%dma_wait3A_206, %dma_wait3A_212] : memref<4x64xi32, #tpu.memory_space<vmem>> -> memref<1x64xi32, #tpu.memory_space<vmem>>
        %dma_wait3A_214 = tpu.memref_squeeze %dma_wait3A_213 : memref<1x64xi32, #tpu.memory_space<vmem>> -> memref<64xi32, #tpu.memory_space<vmem>>
        %dma_wait3A_215 = arith.constant 0 : i32
        %dma_wait3A_216 = arith.constant 0 : i32
        %dma_wait3A_217 = tpu.memref_slice %arg11[%dma_wait3A_215, %dma_wait3A_216] : memref<10016x64xf32, #tpu.memory_space<vmem_shared>> -> memref<10016x64xf32, #tpu.memory_space<vmem_shared>>
        tpu.wait_indirect_dma semaphore(%arg13 : memref<!tpu.dma_semaphore, #tpu.memory_space<semaphore_mem>>) src(%dma_wait3A_217 : memref<10016x64xf32, #tpu.memory_space<vmem_shared>>) dst(%dma_wait3A_211 : memref<64x64xf32, #tpu.memory_space<vmem>>)
        %add3A_218 = arith.constant 1 : i32
        %add3A_219 = arith.addi %add3A_164, %add3A_218 : i32
        %scan3A_220 = arith.constant 0 : i32
        %scan3A_221 = arith.constant 4 : i32
        %scan3A_222 = arith.addi %scan3A_220, %scan3A_221 : i32
        %scan3A_223 = arith.constant 1 : i32
        scf.for %scan3A_329 = %scan3A_220 to %scan3A_222 step %scan3A_223  : i32 {
          %mul3A_330 = arith.constant 16 : i32
          %mul3A_331 = arith.muli %scan3A_329, %mul3A_330 : i32
          %add3A_332 = arith.constant 0 : i32
          %add3A_333 = arith.addi %add3A_332, %mul3A_331 : i32
          %get3A = arith.index_cast %add3A_219 : i32 to index
          %get3A_334 = arith.index_cast %add3A_333 : i32 to index
          %get3A_335 = tpu.vector_load %arg6[%get3A, %get3A_334] {strides = array<i32>} : memref<320x64xi32, #tpu.memory_space<vmem>>, vector<1x16xi32>,
          %get3A_336 = vector.shape_cast %get3A_335 : vector<1x16xi32> to vector<16xi32>
          %shift_right_arithmetic3A = arith.constant 16 : i32
          %shift_right_arithmetic3A_337 = vector.broadcast %shift_right_arithmetic3A : i32 to vector<16xi32>
          %shift_right_arithmetic3A_338 = arith.shrsi %get3A_336, %shift_right_arithmetic3A_337 : vector<16xi32>
          %swap3A = arith.index_cast %add3A_333 : i32 to index
          %swap3A_339 = tpu.vector_load %arg8[%swap3A] {strides = array<i32>} : memref<64xi32, #tpu.memory_space<vmem>>, vector<16xi32>,
          %swap3A_340 = vector.shape_cast %swap3A_339 : vector<16xi32> to vector<16xi32>
          %swap3A_341 = vector.shape_cast %shift_right_arithmetic3A_338 : vector<16xi32> to vector<16xi32>
          tpu.vector_store %arg8[%swap3A], %swap3A_341 {strides = array<i32>} : memref<64xi32, #tpu.memory_space<vmem>>, vector<16xi32>,
        }
        %scan3A_224 = arith.constant 4 : i32
        %run_scoped3A_225 = arith.constant 1 : i32
        "tpu.region"() ({
          %run_scoped3A_329 = tpu.sem_alloc : memref<!tpu.dma_semaphore, #tpu.memory_space<semaphore_mem>>
          %dma_start3A_330 = arith.constant 0 : i32
          %dma_start3A_331 = arith.constant 0 : i32
          %dma_start3A_332 = tpu.memref_slice %arg9[%run_scoped3A_225, %dma_start3A_330, %dma_start3A_331] : memref<4x64x64xf32, #tpu.memory_space<vmem>> -> memref<1x64x64xf32, #tpu.memory_space<vmem>>
          %dma_start3A_333 = tpu.memref_squeeze %dma_start3A_332 : memref<1x64x64xf32, #tpu.memory_space<vmem>> -> memref<64x64xf32, #tpu.memory_space<vmem>>
          %dma_start3A_334 = arith.constant 0 : i32
          %dma_start3A_335 = arith.constant 0 : i32
          %dma_start3A_336 = tpu.memref_slice %arg10[%dma_start3A_334, %dma_start3A_335] : memref<10112x64xf32, #tpu.memory_space<vmem_shared>> -> memref<10112x64xf32, #tpu.memory_space<vmem_shared>>
          tpu.enqueue_indirect_dma source(%dma_start3A_333 : memref<64x64xf32, #tpu.memory_space<vmem>>) target(%dma_start3A_336 : memref<10112x64xf32, #tpu.memory_space<vmem_shared>>) offsets(%arg8 : memref<64xi32, #tpu.memory_space<vmem>>) semaphore(%run_scoped3A_329 : memref<!tpu.dma_semaphore, #tpu.memory_space<semaphore_mem>>) {add = true}
          %dma_wait3A_337 = arith.constant 0 : i32
          %dma_wait3A_338 = arith.constant 0 : i32
          %dma_wait3A_339 = tpu.memref_slice %arg9[%run_scoped3A_225, %dma_wait3A_337, %dma_wait3A_338] : memref<4x64x64xf32, #tpu.memory_space<vmem>> -> memref<1x64x64xf32, #tpu.memory_space<vmem>>
          %dma_wait3A_340 = tpu.memref_squeeze %dma_wait3A_339 : memref<1x64x64xf32, #tpu.memory_space<vmem>> -> memref<64x64xf32, #tpu.memory_space<vmem>>
          %dma_wait3A_341 = arith.constant 0 : i32
          %dma_wait3A_342 = arith.constant 0 : i32
          %dma_wait3A_343 = tpu.memref_slice %arg10[%dma_wait3A_341, %dma_wait3A_342] : memref<10112x64xf32, #tpu.memory_space<vmem_shared>> -> memref<10112x64xf32, #tpu.memory_space<vmem_shared>>
          tpu.wait_indirect_dma semaphore(%run_scoped3A_329 : memref<!tpu.dma_semaphore, #tpu.memory_space<semaphore_mem>>) src(%dma_wait3A_340 : memref<64x64xf32, #tpu.memory_space<vmem>>) dst(%dma_wait3A_343 : memref<10112x64xf32, #tpu.memory_space<vmem_shared>>)
          tpu.yield
        }) : () -> ()
        %add3A_226 = arith.constant 1 : i32
        %add3A_227 = arith.addi %add3A_164, %add3A_226 : i32
        %add3A_228 = arith.constant 4 : i32
        %add3A_229 = arith.addi %add3A_227, %add3A_228 : i32
        %scan3A_230 = arith.constant 0 : i32
        %scan3A_231 = arith.constant 4 : i32
        %scan3A_232 = arith.addi %scan3A_230, %scan3A_231 : i32
        %scan3A_233 = arith.constant 1 : i32
        scf.for %scan3A_329 = %scan3A_230 to %scan3A_232 step %scan3A_233  : i32 {
          %mul3A_330 = arith.constant 16 : i32
          %mul3A_331 = arith.muli %scan3A_329, %mul3A_330 : i32
          %add3A_332 = arith.constant 0 : i32
          %add3A_333 = arith.addi %add3A_332, %mul3A_331 : i32
          %get3A = arith.index_cast %add3A_229 : i32 to index
          %get3A_334 = arith.index_cast %add3A_333 : i32 to index
          %get3A_335 = tpu.vector_load %arg6[%get3A, %get3A_334] {strides = array<i32>} : memref<320x64xi32, #tpu.memory_space<vmem>>, vector<1x16xi32>,
          %get3A_336 = vector.shape_cast %get3A_335 : vector<1x16xi32> to vector<16xi32>
          %and3A = arith.constant 65535 : i32
          %and3A_337 = vector.broadcast %and3A : i32 to vector<16xi32>
          %and3A_338 = arith.andi %get3A_336, %and3A_337 : vector<16xi32>
          %swap3A = arith.constant 1 : i32
          %swap3A_339 = arith.index_cast %swap3A : i32 to index
          %swap3A_340 = arith.index_cast %add3A_333 : i32 to index
          %swap3A_341 = tpu.vector_load %arg7[%swap3A_339, %swap3A_340] {strides = array<i32>} : memref<4x64xi32, #tpu.memory_space<vmem>>, vector<1x16xi32>,
          %swap3A_342 = vector.shape_cast %swap3A_341 : vector<1x16xi32> to vector<16xi32>
          %swap3A_343 = vector.shape_cast %and3A_338 : vector<16xi32> to vector<1x16xi32>
          tpu.vector_store %arg7[%swap3A_339, %swap3A_340], %swap3A_343 {strides = array<i32>} : memref<4x64xi32, #tpu.memory_space<vmem>>, vector<1x16xi32>,
        }
        %scan3A_234 = arith.constant 4 : i32
        %dma_start3A_235 = arith.constant 1 : i32
        %dma_start3A_236 = arith.constant 1 : i32
        %dma_start3A_237 = arith.constant 0 : i32
        %dma_start3A_238 = arith.constant 0 : i32
        %dma_start3A_239 = tpu.memref_slice %arg9[%dma_start3A_236, %dma_start3A_237, %dma_start3A_238] : memref<4x64x64xf32, #tpu.memory_space<vmem>> -> memref<1x64x64xf32, #tpu.memory_space<vmem>>
        %dma_start3A_240 = tpu.memref_squeeze %dma_start3A_239 : memref<1x64x64xf32, #tpu.memory_space<vmem>> -> memref<64x64xf32, #tpu.memory_space<vmem>>
        %dma_start3A_241 = arith.constant 0 : i32
        %dma_start3A_242 = tpu.memref_slice %arg7[%dma_start3A_235, %dma_start3A_241] : memref<4x64xi32, #tpu.memory_space<vmem>> -> memref<1x64xi32, #tpu.memory_space<vmem>>
        %dma_start3A_243 = tpu.memref_squeeze %dma_start3A_242 : memref<1x64xi32, #tpu.memory_space<vmem>> -> memref<64xi32, #tpu.memory_space<vmem>>
        %dma_start3A_244 = arith.constant 0 : i32
        %dma_start3A_245 = arith.constant 0 : i32
        %dma_start3A_246 = tpu.memref_slice %arg11[%dma_start3A_244, %dma_start3A_245] : memref<10016x64xf32, #tpu.memory_space<vmem_shared>> -> memref<10016x64xf32, #tpu.memory_space<vmem_shared>>
        tpu.enqueue_indirect_dma source(%dma_start3A_246 : memref<10016x64xf32, #tpu.memory_space<vmem_shared>>) target(%dma_start3A_240 : memref<64x64xf32, #tpu.memory_space<vmem>>) offsets(%dma_start3A_243 : memref<64xi32, #tpu.memory_space<vmem>>) semaphore(%arg13 : memref<!tpu.dma_semaphore, #tpu.memory_space<semaphore_mem>>)
        %dma_wait3A_247 = arith.constant 2 : i32
        %dma_wait3A_248 = arith.constant 2 : i32
        %dma_wait3A_249 = arith.constant 0 : i32
        %dma_wait3A_250 = arith.constant 0 : i32
        %dma_wait3A_251 = tpu.memref_slice %arg9[%dma_wait3A_248, %dma_wait3A_249, %dma_wait3A_250] : memref<4x64x64xf32, #tpu.memory_space<vmem>> -> memref<1x64x64xf32, #tpu.memory_space<vmem>>
        %dma_wait3A_252 = tpu.memref_squeeze %dma_wait3A_251 : memref<1x64x64xf32, #tpu.memory_space<vmem>> -> memref<64x64xf32, #tpu.memory_space<vmem>>
        %dma_wait3A_253 = arith.constant 0 : i32
        %dma_wait3A_254 = tpu.memref_slice %arg7[%dma_wait3A_247, %dma_wait3A_253] : memref<4x64xi32, #tpu.memory_space<vmem>> -> memref<1x64xi32, #tpu.memory_space<vmem>>
        %dma_wait3A_255 = tpu.memref_squeeze %dma_wait3A_254 : memref<1x64xi32, #tpu.memory_space<vmem>> -> memref<64xi32, #tpu.memory_space<vmem>>
        %dma_wait3A_256 = arith.constant 0 : i32
        %dma_wait3A_257 = arith.constant 0 : i32
        %dma_wait3A_258 = tpu.memref_slice %arg11[%dma_wait3A_256, %dma_wait3A_257] : memref<10016x64xf32, #tpu.memory_space<vmem_shared>> -> memref<10016x64xf32, #tpu.memory_space<vmem_shared>>
        tpu.wait_indirect_dma semaphore(%arg14 : memref<!tpu.dma_semaphore, #tpu.memory_space<semaphore_mem>>) src(%dma_wait3A_258 : memref<10016x64xf32, #tpu.memory_space<vmem_shared>>) dst(%dma_wait3A_252 : memref<64x64xf32, #tpu.memory_space<vmem>>)
        %add3A_259 = arith.constant 2 : i32
        %add3A_260 = arith.addi %add3A_164, %add3A_259 : i32
        %scan3A_261 = arith.constant 0 : i32
        %scan3A_262 = arith.constant 4 : i32
        %scan3A_263 = arith.addi %scan3A_261, %scan3A_262 : i32
        %scan3A_264 = arith.constant 1 : i32
        scf.for %scan3A_329 = %scan3A_261 to %scan3A_263 step %scan3A_264  : i32 {
          %mul3A_330 = arith.constant 16 : i32
          %mul3A_331 = arith.muli %scan3A_329, %mul3A_330 : i32
          %add3A_332 = arith.constant 0 : i32
          %add3A_333 = arith.addi %add3A_332, %mul3A_331 : i32
          %get3A = arith.index_cast %add3A_260 : i32 to index
          %get3A_334 = arith.index_cast %add3A_333 : i32 to index
          %get3A_335 = tpu.vector_load %arg6[%get3A, %get3A_334] {strides = array<i32>} : memref<320x64xi32, #tpu.memory_space<vmem>>, vector<1x16xi32>,
          %get3A_336 = vector.shape_cast %get3A_335 : vector<1x16xi32> to vector<16xi32>
          %shift_right_arithmetic3A = arith.constant 16 : i32
          %shift_right_arithmetic3A_337 = vector.broadcast %shift_right_arithmetic3A : i32 to vector<16xi32>
          %shift_right_arithmetic3A_338 = arith.shrsi %get3A_336, %shift_right_arithmetic3A_337 : vector<16xi32>
          %swap3A = arith.index_cast %add3A_333 : i32 to index
          %swap3A_339 = tpu.vector_load %arg8[%swap3A] {strides = array<i32>} : memref<64xi32, #tpu.memory_space<vmem>>, vector<16xi32>,
          %swap3A_340 = vector.shape_cast %swap3A_339 : vector<16xi32> to vector<16xi32>
          %swap3A_341 = vector.shape_cast %shift_right_arithmetic3A_338 : vector<16xi32> to vector<16xi32>
          tpu.vector_store %arg8[%swap3A], %swap3A_341 {strides = array<i32>} : memref<64xi32, #tpu.memory_space<vmem>>, vector<16xi32>,
        }
        %scan3A_265 = arith.constant 4 : i32
        %run_scoped3A_266 = arith.constant 2 : i32
        "tpu.region"() ({
          %run_scoped3A_329 = tpu.sem_alloc : memref<!tpu.dma_semaphore, #tpu.memory_space<semaphore_mem>>
          %dma_start3A_330 = arith.constant 0 : i32
          %dma_start3A_331 = arith.constant 0 : i32
          %dma_start3A_332 = tpu.memref_slice %arg9[%run_scoped3A_266, %dma_start3A_330, %dma_start3A_331] : memref<4x64x64xf32, #tpu.memory_space<vmem>> -> memref<1x64x64xf32, #tpu.memory_space<vmem>>
          %dma_start3A_333 = tpu.memref_squeeze %dma_start3A_332 : memref<1x64x64xf32, #tpu.memory_space<vmem>> -> memref<64x64xf32, #tpu.memory_space<vmem>>
          %dma_start3A_334 = arith.constant 0 : i32
          %dma_start3A_335 = arith.constant 0 : i32
          %dma_start3A_336 = tpu.memref_slice %arg10[%dma_start3A_334, %dma_start3A_335] : memref<10112x64xf32, #tpu.memory_space<vmem_shared>> -> memref<10112x64xf32, #tpu.memory_space<vmem_shared>>
          tpu.enqueue_indirect_dma source(%dma_start3A_333 : memref<64x64xf32, #tpu.memory_space<vmem>>) target(%dma_start3A_336 : memref<10112x64xf32, #tpu.memory_space<vmem_shared>>) offsets(%arg8 : memref<64xi32, #tpu.memory_space<vmem>>) semaphore(%run_scoped3A_329 : memref<!tpu.dma_semaphore, #tpu.memory_space<semaphore_mem>>) {add = true}
          %dma_wait3A_337 = arith.constant 0 : i32
          %dma_wait3A_338 = arith.constant 0 : i32
          %dma_wait3A_339 = tpu.memref_slice %arg9[%run_scoped3A_266, %dma_wait3A_337, %dma_wait3A_338] : memref<4x64x64xf32, #tpu.memory_space<vmem>> -> memref<1x64x64xf32, #tpu.memory_space<vmem>>
          %dma_wait3A_340 = tpu.memref_squeeze %dma_wait3A_339 : memref<1x64x64xf32, #tpu.memory_space<vmem>> -> memref<64x64xf32, #tpu.memory_space<vmem>>
          %dma_wait3A_341 = arith.constant 0 : i32
          %dma_wait3A_342 = arith.constant 0 : i32
          %dma_wait3A_343 = tpu.memref_slice %arg10[%dma_wait3A_341, %dma_wait3A_342] : memref<10112x64xf32, #tpu.memory_space<vmem_shared>> -> memref<10112x64xf32, #tpu.memory_space<vmem_shared>>
          tpu.wait_indirect_dma semaphore(%run_scoped3A_329 : memref<!tpu.dma_semaphore, #tpu.memory_space<semaphore_mem>>) src(%dma_wait3A_340 : memref<64x64xf32, #tpu.memory_space<vmem>>) dst(%dma_wait3A_343 : memref<10112x64xf32, #tpu.memory_space<vmem_shared>>)
          tpu.yield
        }) : () -> ()
        %add3A_267 = arith.constant 2 : i32
        %add3A_268 = arith.addi %add3A_164, %add3A_267 : i32
        %add3A_269 = arith.constant 4 : i32
        %add3A_270 = arith.addi %add3A_268, %add3A_269 : i32
        %scan3A_271 = arith.constant 0 : i32
        %scan3A_272 = arith.constant 4 : i32
        %scan3A_273 = arith.addi %scan3A_271, %scan3A_272 : i32
        %scan3A_274 = arith.constant 1 : i32
        scf.for %scan3A_329 = %scan3A_271 to %scan3A_273 step %scan3A_274  : i32 {
          %mul3A_330 = arith.constant 16 : i32
          %mul3A_331 = arith.muli %scan3A_329, %mul3A_330 : i32
          %add3A_332 = arith.constant 0 : i32
          %add3A_333 = arith.addi %add3A_332, %mul3A_331 : i32
          %get3A = arith.index_cast %add3A_270 : i32 to index
          %get3A_334 = arith.index_cast %add3A_333 : i32 to index
          %get3A_335 = tpu.vector_load %arg6[%get3A, %get3A_334] {strides = array<i32>} : memref<320x64xi32, #tpu.memory_space<vmem>>, vector<1x16xi32>,
          %get3A_336 = vector.shape_cast %get3A_335 : vector<1x16xi32> to vector<16xi32>
          %and3A = arith.constant 65535 : i32
          %and3A_337 = vector.broadcast %and3A : i32 to vector<16xi32>
          %and3A_338 = arith.andi %get3A_336, %and3A_337 : vector<16xi32>
          %swap3A = arith.constant 2 : i32
          %swap3A_339 = arith.index_cast %swap3A : i32 to index
          %swap3A_340 = arith.index_cast %add3A_333 : i32 to index
          %swap3A_341 = tpu.vector_load %arg7[%swap3A_339, %swap3A_340] {strides = array<i32>} : memref<4x64xi32, #tpu.memory_space<vmem>>, vector<1x16xi32>,
          %swap3A_342 = vector.shape_cast %swap3A_341 : vector<1x16xi32> to vector<16xi32>
          %swap3A_343 = vector.shape_cast %and3A_338 : vector<16xi32> to vector<1x16xi32>
          tpu.vector_store %arg7[%swap3A_339, %swap3A_340], %swap3A_343 {strides = array<i32>} : memref<4x64xi32, #tpu.memory_space<vmem>>, vector<1x16xi32>,
        }
        %scan3A_275 = arith.constant 4 : i32
        %dma_start3A_276 = arith.constant 2 : i32
        %dma_start3A_277 = arith.constant 2 : i32
        %dma_start3A_278 = arith.constant 0 : i32
        %dma_start3A_279 = arith.constant 0 : i32
        %dma_start3A_280 = tpu.memref_slice %arg9[%dma_start3A_277, %dma_start3A_278, %dma_start3A_279] : memref<4x64x64xf32, #tpu.memory_space<vmem>> -> memref<1x64x64xf32, #tpu.memory_space<vmem>>
        %dma_start3A_281 = tpu.memref_squeeze %dma_start3A_280 : memref<1x64x64xf32, #tpu.memory_space<vmem>> -> memref<64x64xf32, #tpu.memory_space<vmem>>
        %dma_start3A_282 = arith.constant 0 : i32
        %dma_start3A_283 = tpu.memref_slice %arg7[%dma_start3A_276, %dma_start3A_282] : memref<4x64xi32, #tpu.memory_space<vmem>> -> memref<1x64xi32, #tpu.memory_space<vmem>>
        %dma_start3A_284 = tpu.memref_squeeze %dma_start3A_283 : memref<1x64xi32, #tpu.memory_space<vmem>> -> memref<64xi32, #tpu.memory_space<vmem>>
        %dma_start3A_285 = arith.constant 0 : i32
        %dma_start3A_286 = arith.constant 0 : i32
        %dma_start3A_287 = tpu.memref_slice %arg11[%dma_start3A_285, %dma_start3A_286] : memref<10016x64xf32, #tpu.memory_space<vmem_shared>> -> memref<10016x64xf32, #tpu.memory_space<vmem_shared>>
        tpu.enqueue_indirect_dma source(%dma_start3A_287 : memref<10016x64xf32, #tpu.memory_space<vmem_shared>>) target(%dma_start3A_281 : memref<64x64xf32, #tpu.memory_space<vmem>>) offsets(%dma_start3A_284 : memref<64xi32, #tpu.memory_space<vmem>>) semaphore(%arg14 : memref<!tpu.dma_semaphore, #tpu.memory_space<semaphore_mem>>)
        %dma_wait3A_288 = arith.constant 3 : i32
        %dma_wait3A_289 = arith.constant 3 : i32
        %dma_wait3A_290 = arith.constant 0 : i32
        %dma_wait3A_291 = arith.constant 0 : i32
        %dma_wait3A_292 = tpu.memref_slice %arg9[%dma_wait3A_289, %dma_wait3A_290, %dma_wait3A_291] : memref<4x64x64xf32, #tpu.memory_space<vmem>> -> memref<1x64x64xf32, #tpu.memory_space<vmem>>
        %dma_wait3A_293 = tpu.memref_squeeze %dma_wait3A_292 : memref<1x64x64xf32, #tpu.memory_space<vmem>> -> memref<64x64xf32, #tpu.memory_space<vmem>>
        %dma_wait3A_294 = arith.constant 0 : i32
        %dma_wait3A_295 = tpu.memref_slice %arg7[%dma_wait3A_288, %dma_wait3A_294] : memref<4x64xi32, #tpu.memory_space<vmem>> -> memref<1x64xi32, #tpu.memory_space<vmem>>
        %dma_wait3A_296 = tpu.memref_squeeze %dma_wait3A_295 : memref<1x64xi32, #tpu.memory_space<vmem>> -> memref<64xi32, #tpu.memory_space<vmem>>
        %dma_wait3A_297 = arith.constant 0 : i32
        %dma_wait3A_298 = arith.constant 0 : i32
        %dma_wait3A_299 = tpu.memref_slice %arg11[%dma_wait3A_297, %dma_wait3A_298] : memref<10016x64xf32, #tpu.memory_space<vmem_shared>> -> memref<10016x64xf32, #tpu.memory_space<vmem_shared>>
        tpu.wait_indirect_dma semaphore(%arg15 : memref<!tpu.dma_semaphore, #tpu.memory_space<semaphore_mem>>) src(%dma_wait3A_299 : memref<10016x64xf32, #tpu.memory_space<vmem_shared>>) dst(%dma_wait3A_293 : memref<64x64xf32, #tpu.memory_space<vmem>>)
        %add3A_300 = arith.constant 3 : i32
        %add3A_301 = arith.addi %add3A_164, %add3A_300 : i32
        %scan3A_302 = arith.constant 0 : i32
        %scan3A_303 = arith.constant 4 : i32
        %scan3A_304 = arith.addi %scan3A_302, %scan3A_303 : i32
        %scan3A_305 = arith.constant 1 : i32
        scf.for %scan3A_329 = %scan3A_302 to %scan3A_304 step %scan3A_305  : i32 {
          %mul3A_330 = arith.constant 16 : i32
          %mul3A_331 = arith.muli %scan3A_329, %mul3A_330 : i32
          %add3A_332 = arith.constant 0 : i32
          %add3A_333 = arith.addi %add3A_332, %mul3A_331 : i32
          %get3A = arith.index_cast %add3A_301 : i32 to index
          %get3A_334 = arith.index_cast %add3A_333 : i32 to index
          %get3A_335 = tpu.vector_load %arg6[%get3A, %get3A_334] {strides = array<i32>} : memref<320x64xi32, #tpu.memory_space<vmem>>, vector<1x16xi32>,
          %get3A_336 = vector.shape_cast %get3A_335 : vector<1x16xi32> to vector<16xi32>
          %shift_right_arithmetic3A = arith.constant 16 : i32
          %shift_right_arithmetic3A_337 = vector.broadcast %shift_right_arithmetic3A : i32 to vector<16xi32>
          %shift_right_arithmetic3A_338 = arith.shrsi %get3A_336, %shift_right_arithmetic3A_337 : vector<16xi32>
          %swap3A = arith.index_cast %add3A_333 : i32 to index
          %swap3A_339 = tpu.vector_load %arg8[%swap3A] {strides = array<i32>} : memref<64xi32, #tpu.memory_space<vmem>>, vector<16xi32>,
          %swap3A_340 = vector.shape_cast %swap3A_339 : vector<16xi32> to vector<16xi32>
          %swap3A_341 = vector.shape_cast %shift_right_arithmetic3A_338 : vector<16xi32> to vector<16xi32>
          tpu.vector_store %arg8[%swap3A], %swap3A_341 {strides = array<i32>} : memref<64xi32, #tpu.memory_space<vmem>>, vector<16xi32>,
        }
        %scan3A_306 = arith.constant 4 : i32
        %run_scoped3A_307 = arith.constant 3 : i32
        "tpu.region"() ({
          %run_scoped3A_329 = tpu.sem_alloc : memref<!tpu.dma_semaphore, #tpu.memory_space<semaphore_mem>>
          %dma_start3A_330 = arith.constant 0 : i32
          %dma_start3A_331 = arith.constant 0 : i32
          %dma_start3A_332 = tpu.memref_slice %arg9[%run_scoped3A_307, %dma_start3A_330, %dma_start3A_331] : memref<4x64x64xf32, #tpu.memory_space<vmem>> -> memref<1x64x64xf32, #tpu.memory_space<vmem>>
          %dma_start3A_333 = tpu.memref_squeeze %dma_start3A_332 : memref<1x64x64xf32, #tpu.memory_space<vmem>> -> memref<64x64xf32, #tpu.memory_space<vmem>>
          %dma_start3A_334 = arith.constant 0 : i32
          %dma_start3A_335 = arith.constant 0 : i32
          %dma_start3A_336 = tpu.memref_slice %arg10[%dma_start3A_334, %dma_start3A_335] : memref<10112x64xf32, #tpu.memory_space<vmem_shared>> -> memref<10112x64xf32, #tpu.memory_space<vmem_shared>>
          tpu.enqueue_indirect_dma source(%dma_start3A_333 : memref<64x64xf32, #tpu.memory_space<vmem>>) target(%dma_start3A_336 : memref<10112x64xf32, #tpu.memory_space<vmem_shared>>) offsets(%arg8 : memref<64xi32, #tpu.memory_space<vmem>>) semaphore(%run_scoped3A_329 : memref<!tpu.dma_semaphore, #tpu.memory_space<semaphore_mem>>) {add = true}
          %dma_wait3A_337 = arith.constant 0 : i32
          %dma_wait3A_338 = arith.constant 0 : i32
          %dma_wait3A_339 = tpu.memref_slice %arg9[%run_scoped3A_307, %dma_wait3A_337, %dma_wait3A_338] : memref<4x64x64xf32, #tpu.memory_space<vmem>> -> memref<1x64x64xf32, #tpu.memory_space<vmem>>
          %dma_wait3A_340 = tpu.memref_squeeze %dma_wait3A_339 : memref<1x64x64xf32, #tpu.memory_space<vmem>> -> memref<64x64xf32, #tpu.memory_space<vmem>>
          %dma_wait3A_341 = arith.constant 0 : i32
          %dma_wait3A_342 = arith.constant 0 : i32
          %dma_wait3A_343 = tpu.memref_slice %arg10[%dma_wait3A_341, %dma_wait3A_342] : memref<10112x64xf32, #tpu.memory_space<vmem_shared>> -> memref<10112x64xf32, #tpu.memory_space<vmem_shared>>
          tpu.wait_indirect_dma semaphore(%run_scoped3A_329 : memref<!tpu.dma_semaphore, #tpu.memory_space<semaphore_mem>>) src(%dma_wait3A_340 : memref<64x64xf32, #tpu.memory_space<vmem>>) dst(%dma_wait3A_343 : memref<10112x64xf32, #tpu.memory_space<vmem_shared>>)
          tpu.yield
        }) : () -> ()
        %add3A_308 = arith.constant 3 : i32
        %add3A_309 = arith.addi %add3A_164, %add3A_308 : i32
        %add3A_310 = arith.constant 4 : i32
        %add3A_311 = arith.addi %add3A_309, %add3A_310 : i32
        %scan3A_312 = arith.constant 0 : i32
        %scan3A_313 = arith.constant 4 : i32
        %scan3A_314 = arith.addi %scan3A_312, %scan3A_313 : i32
        %scan3A_315 = arith.constant 1 : i32
        scf.for %scan3A_329 = %scan3A_312 to %scan3A_314 step %scan3A_315  : i32 {
          %mul3A_330 = arith.constant 16 : i32
          %mul3A_331 = arith.muli %scan3A_329, %mul3A_330 : i32
          %add3A_332 = arith.constant 0 : i32
          %add3A_333 = arith.addi %add3A_332, %mul3A_331 : i32
          %get3A = arith.index_cast %add3A_311 : i32 to index
          %get3A_334 = arith.index_cast %add3A_333 : i32 to index
          %get3A_335 = tpu.vector_load %arg6[%get3A, %get3A_334] {strides = array<i32>} : memref<320x64xi32, #tpu.memory_space<vmem>>, vector<1x16xi32>,
          %get3A_336 = vector.shape_cast %get3A_335 : vector<1x16xi32> to vector<16xi32>
          %and3A = arith.constant 65535 : i32
          %and3A_337 = vector.broadcast %and3A : i32 to vector<16xi32>
          %and3A_338 = arith.andi %get3A_336, %and3A_337 : vector<16xi32>
          %swap3A = arith.constant 3 : i32
          %swap3A_339 = arith.index_cast %swap3A : i32 to index
          %swap3A_340 = arith.index_cast %add3A_333 : i32 to index
          %swap3A_341 = tpu.vector_load %arg7[%swap3A_339, %swap3A_340] {strides = array<i32>} : memref<4x64xi32, #tpu.memory_space<vmem>>, vector<1x16xi32>,
          %swap3A_342 = vector.shape_cast %swap3A_341 : vector<1x16xi32> to vector<16xi32>
          %swap3A_343 = vector.shape_cast %and3A_338 : vector<16xi32> to vector<1x16xi32>
          tpu.vector_store %arg7[%swap3A_339, %swap3A_340], %swap3A_343 {strides = array<i32>} : memref<4x64xi32, #tpu.memory_space<vmem>>, vector<1x16xi32>,
        }
        %scan3A_316 = arith.constant 4 : i32
        %dma_start3A_317 = arith.constant 3 : i32
        %dma_start3A_318 = arith.constant 3 : i32
        %dma_start3A_319 = arith.constant 0 : i32
        %dma_start3A_320 = arith.constant 0 : i32
        %dma_start3A_321 = tpu.memref_slice %arg9[%dma_start3A_318, %dma_start3A_319, %dma_start3A_320] : memref<4x64x64xf32, #tpu.memory_space<vmem>> -> memref<1x64x64xf32, #tpu.memory_space<vmem>>
        %dma_start3A_322 = tpu.memref_squeeze %dma_start3A_321 : memref<1x64x64xf32, #tpu.memory_space<vmem>> -> memref<64x64xf32, #tpu.memory_space<vmem>>
        %dma_start3A_323 = arith.constant 0 : i32
        %dma_start3A_324 = tpu.memref_slice %arg7[%dma_start3A_317, %dma_start3A_323] : memref<4x64xi32, #tpu.memory_space<vmem>> -> memref<1x64xi32, #tpu.memory_space<vmem>>
        %dma_start3A_325 = tpu.memref_squeeze %dma_start3A_324 : memref<1x64xi32, #tpu.memory_space<vmem>> -> memref<64xi32, #tpu.memory_space<vmem>>
        %dma_start3A_326 = arith.constant 0 : i32
        %dma_start3A_327 = arith.constant 0 : i32
        %dma_start3A_328 = tpu.memref_slice %arg11[%dma_start3A_326, %dma_start3A_327] : memref<10016x64xf32, #tpu.memory_space<vmem_shared>> -> memref<10016x64xf32, #tpu.memory_space<vmem_shared>>
        tpu.enqueue_indirect_dma source(%dma_start3A_328 : memref<10016x64xf32, #tpu.memory_space<vmem_shared>>) target(%dma_start3A_322 : memref<64x64xf32, #tpu.memory_space<vmem>>) offsets(%dma_start3A_325 : memref<64xi32, #tpu.memory_space<vmem>>) semaphore(%arg15 : memref<!tpu.dma_semaphore, #tpu.memory_space<semaphore_mem>>)
      }
      %scan3A_83 = arith.constant 79 : i32
      %dma_wait3A = arith.constant 0 : i32
      %dma_wait3A_84 = arith.constant 0 : i32
      %dma_wait3A_85 = arith.constant 0 : i32
      %dma_wait3A_86 = arith.constant 0 : i32
      %dma_wait3A_87 = tpu.memref_slice %arg9[%dma_wait3A_84, %dma_wait3A_85, %dma_wait3A_86] : memref<4x64x64xf32, #tpu.memory_space<vmem>> -> memref<1x64x64xf32, #tpu.memory_space<vmem>>
      %dma_wait3A_88 = tpu.memref_squeeze %dma_wait3A_87 : memref<1x64x64xf32, #tpu.memory_space<vmem>> -> memref<64x64xf32, #tpu.memory_space<vmem>>
      %dma_wait3A_89 = arith.constant 0 : i32
      %dma_wait3A_90 = tpu.memref_slice %arg7[%dma_wait3A, %dma_wait3A_89] : memref<4x64xi32, #tpu.memory_space<vmem>> -> memref<1x64xi32, #tpu.memory_space<vmem>>
      %dma_wait3A_91 = tpu.memref_squeeze %dma_wait3A_90 : memref<1x64xi32, #tpu.memory_space<vmem>> -> memref<64xi32, #tpu.memory_space<vmem>>
      %dma_wait3A_92 = arith.constant 0 : i32
      %dma_wait3A_93 = arith.constant 0 : i32
      %dma_wait3A_94 = tpu.memref_slice %arg11[%dma_wait3A_92, %dma_wait3A_93] : memref<10016x64xf32, #tpu.memory_space<vmem_shared>> -> memref<10016x64xf32, #tpu.memory_space<vmem_shared>>
      tpu.wait_indirect_dma semaphore(%arg12 : memref<!tpu.dma_semaphore, #tpu.memory_space<semaphore_mem>>) src(%dma_wait3A_94 : memref<10016x64xf32, #tpu.memory_space<vmem_shared>>) dst(%dma_wait3A_88 : memref<64x64xf32, #tpu.memory_space<vmem>>)
      %scan3A_95 = arith.constant 0 : i32
      %scan3A_96 = arith.constant 4 : i32
      %scan3A_97 = arith.addi %scan3A_95, %scan3A_96 : i32
      %scan3A_98 = arith.constant 1 : i32
      scf.for %scan3A_161 = %scan3A_95 to %scan3A_97 step %scan3A_98  : i32 {
        %mul3A_162 = arith.constant 16 : i32
        %mul3A_163 = arith.muli %scan3A_161, %mul3A_162 : i32
        %add3A = arith.constant 0 : i32
        %add3A_164 = arith.addi %add3A, %mul3A_163 : i32
        %get3A = arith.constant 316 : i32
        %get3A_165 = arith.index_cast %get3A : i32 to index
        %get3A_166 = arith.index_cast %add3A_164 : i32 to index
        %get3A_167 = tpu.vector_load %arg6[%get3A_165, %get3A_166] {strides = array<i32>} : memref<320x64xi32, #tpu.memory_space<vmem>>, vector<1x16xi32>,
        %get3A_168 = vector.shape_cast %get3A_167 : vector<1x16xi32> to vector<16xi32>
        %shift_right_arithmetic3A = arith.constant 16 : i32
        %shift_right_arithmetic3A_169 = vector.broadcast %shift_right_arithmetic3A : i32 to vector<16xi32>
        %shift_right_arithmetic3A_170 = arith.shrsi %get3A_168, %shift_right_arithmetic3A_169 : vector<16xi32>
        %swap3A = arith.index_cast %add3A_164 : i32 to index
        %swap3A_171 = tpu.vector_load %arg8[%swap3A] {strides = array<i32>} : memref<64xi32, #tpu.memory_space<vmem>>, vector<16xi32>,
        %swap3A_172 = vector.shape_cast %swap3A_171 : vector<16xi32> to vector<16xi32>
        %swap3A_173 = vector.shape_cast %shift_right_arithmetic3A_170 : vector<16xi32> to vector<16xi32>
        tpu.vector_store %arg8[%swap3A], %swap3A_173 {strides = array<i32>} : memref<64xi32, #tpu.memory_space<vmem>>, vector<16xi32>,
      }
      %scan3A_99 = arith.constant 4 : i32
      %run_scoped3A_100 = arith.constant 0 : i32
      "tpu.region"() ({
        %run_scoped3A_161 = tpu.sem_alloc : memref<!tpu.dma_semaphore, #tpu.memory_space<semaphore_mem>>
        %dma_start3A_162 = arith.constant 0 : i32
        %dma_start3A_163 = arith.constant 0 : i32
        %dma_start3A_164 = tpu.memref_slice %arg9[%run_scoped3A_100, %dma_start3A_162, %dma_start3A_163] : memref<4x64x64xf32, #tpu.memory_space<vmem>> -> memref<1x64x64xf32, #tpu.memory_space<vmem>>
        %dma_start3A_165 = tpu.memref_squeeze %dma_start3A_164 : memref<1x64x64xf32, #tpu.memory_space<vmem>> -> memref<64x64xf32, #tpu.memory_space<vmem>>
        %dma_start3A_166 = arith.constant 0 : i32
        %dma_start3A_167 = arith.constant 0 : i32
        %dma_start3A_168 = tpu.memref_slice %arg10[%dma_start3A_166, %dma_start3A_167] : memref<10112x64xf32, #tpu.memory_space<vmem_shared>> -> memref<10112x64xf32, #tpu.memory_space<vmem_shared>>
        tpu.enqueue_indirect_dma source(%dma_start3A_165 : memref<64x64xf32, #tpu.memory_space<vmem>>) target(%dma_start3A_168 : memref<10112x64xf32, #tpu.memory_space<vmem_shared>>) offsets(%arg8 : memref<64xi32, #tpu.memory_space<vmem>>) semaphore(%run_scoped3A_161 : memref<!tpu.dma_semaphore, #tpu.memory_space<semaphore_mem>>) {add = true}
        %dma_wait3A_169 = arith.constant 0 : i32
        %dma_wait3A_170 = arith.constant 0 : i32
        %dma_wait3A_171 = tpu.memref_slice %arg9[%run_scoped3A_100, %dma_wait3A_169, %dma_wait3A_170] : memref<4x64x64xf32, #tpu.memory_space<vmem>> -> memref<1x64x64xf32, #tpu.memory_space<vmem>>
        %dma_wait3A_172 = tpu.memref_squeeze %dma_wait3A_171 : memref<1x64x64xf32, #tpu.memory_space<vmem>> -> memref<64x64xf32, #tpu.memory_space<vmem>>
        %dma_wait3A_173 = arith.constant 0 : i32
        %dma_wait3A_174 = arith.constant 0 : i32
        %dma_wait3A_175 = tpu.memref_slice %arg10[%dma_wait3A_173, %dma_wait3A_174] : memref<10112x64xf32, #tpu.memory_space<vmem_shared>> -> memref<10112x64xf32, #tpu.memory_space<vmem_shared>>
        tpu.wait_indirect_dma semaphore(%run_scoped3A_161 : memref<!tpu.dma_semaphore, #tpu.memory_space<semaphore_mem>>) src(%dma_wait3A_172 : memref<64x64xf32, #tpu.memory_space<vmem>>) dst(%dma_wait3A_175 : memref<10112x64xf32, #tpu.memory_space<vmem_shared>>)
        tpu.yield
      }) : () -> ()
      %dma_wait3A_101 = arith.constant 1 : i32
      %dma_wait3A_102 = arith.constant 1 : i32
      %dma_wait3A_103 = arith.constant 0 : i32
      %dma_wait3A_104 = arith.constant 0 : i32
      %dma_wait3A_105 = tpu.memref_slice %arg9[%dma_wait3A_102, %dma_wait3A_103, %dma_wait3A_104] : memref<4x64x64xf32, #tpu.memory_space<vmem>> -> memref<1x64x64xf32, #tpu.memory_space<vmem>>
      %dma_wait3A_106 = tpu.memref_squeeze %dma_wait3A_105 : memref<1x64x64xf32, #tpu.memory_space<vmem>> -> memref<64x64xf32, #tpu.memory_space<vmem>>
      %dma_wait3A_107 = arith.constant 0 : i32
      %dma_wait3A_108 = tpu.memref_slice %arg7[%dma_wait3A_101, %dma_wait3A_107] : memref<4x64xi32, #tpu.memory_space<vmem>> -> memref<1x64xi32, #tpu.memory_space<vmem>>
      %dma_wait3A_109 = tpu.memref_squeeze %dma_wait3A_108 : memref<1x64xi32, #tpu.memory_space<vmem>> -> memref<64xi32, #tpu.memory_space<vmem>>
      %dma_wait3A_110 = arith.constant 0 : i32
      %dma_wait3A_111 = arith.constant 0 : i32
      %dma_wait3A_112 = tpu.memref_slice %arg11[%dma_wait3A_110, %dma_wait3A_111] : memref<10016x64xf32, #tpu.memory_space<vmem_shared>> -> memref<10016x64xf32, #tpu.memory_space<vmem_shared>>
      tpu.wait_indirect_dma semaphore(%arg13 : memref<!tpu.dma_semaphore, #tpu.memory_space<semaphore_mem>>) src(%dma_wait3A_112 : memref<10016x64xf32, #tpu.memory_space<vmem_shared>>) dst(%dma_wait3A_106 : memref<64x64xf32, #tpu.memory_space<vmem>>)
      %scan3A_113 = arith.constant 0 : i32
      %scan3A_114 = arith.constant 4 : i32
      %scan3A_115 = arith.addi %scan3A_113, %scan3A_114 : i32
      %scan3A_116 = arith.constant 1 : i32
      scf.for %scan3A_161 = %scan3A_113 to %scan3A_115 step %scan3A_116  : i32 {
        %mul3A_162 = arith.constant 16 : i32
        %mul3A_163 = arith.muli %scan3A_161, %mul3A_162 : i32
        %add3A = arith.constant 0 : i32
        %add3A_164 = arith.addi %add3A, %mul3A_163 : i32
        %get3A = arith.constant 317 : i32
        %get3A_165 = arith.index_cast %get3A : i32 to index
        %get3A_166 = arith.index_cast %add3A_164 : i32 to index
        %get3A_167 = tpu.vector_load %arg6[%get3A_165, %get3A_166] {strides = array<i32>} : memref<320x64xi32, #tpu.memory_space<vmem>>, vector<1x16xi32>,
        %get3A_168 = vector.shape_cast %get3A_167 : vector<1x16xi32> to vector<16xi32>
        %shift_right_arithmetic3A = arith.constant 16 : i32
        %shift_right_arithmetic3A_169 = vector.broadcast %shift_right_arithmetic3A : i32 to vector<16xi32>
        %shift_right_arithmetic3A_170 = arith.shrsi %get3A_168, %shift_right_arithmetic3A_169 : vector<16xi32>
        %swap3A = arith.index_cast %add3A_164 : i32 to index
        %swap3A_171 = tpu.vector_load %arg8[%swap3A] {strides = array<i32>} : memref<64xi32, #tpu.memory_space<vmem>>, vector<16xi32>,
        %swap3A_172 = vector.shape_cast %swap3A_171 : vector<16xi32> to vector<16xi32>
        %swap3A_173 = vector.shape_cast %shift_right_arithmetic3A_170 : vector<16xi32> to vector<16xi32>
        tpu.vector_store %arg8[%swap3A], %swap3A_173 {strides = array<i32>} : memref<64xi32, #tpu.memory_space<vmem>>, vector<16xi32>,
      }
      %scan3A_117 = arith.constant 4 : i32
      %run_scoped3A_118 = arith.constant 1 : i32
      "tpu.region"() ({
        %run_scoped3A_161 = tpu.sem_alloc : memref<!tpu.dma_semaphore, #tpu.memory_space<semaphore_mem>>
        %dma_start3A_162 = arith.constant 0 : i32
        %dma_start3A_163 = arith.constant 0 : i32
        %dma_start3A_164 = tpu.memref_slice %arg9[%run_scoped3A_118, %dma_start3A_162, %dma_start3A_163] : memref<4x64x64xf32, #tpu.memory_space<vmem>> -> memref<1x64x64xf32, #tpu.memory_space<vmem>>
        %dma_start3A_165 = tpu.memref_squeeze %dma_start3A_164 : memref<1x64x64xf32, #tpu.memory_space<vmem>> -> memref<64x64xf32, #tpu.memory_space<vmem>>
        %dma_start3A_166 = arith.constant 0 : i32
        %dma_start3A_167 = arith.constant 0 : i32
        %dma_start3A_168 = tpu.memref_slice %arg10[%dma_start3A_166, %dma_start3A_167] : memref<10112x64xf32, #tpu.memory_space<vmem_shared>> -> memref<10112x64xf32, #tpu.memory_space<vmem_shared>>
        tpu.enqueue_indirect_dma source(%dma_start3A_165 : memref<64x64xf32, #tpu.memory_space<vmem>>) target(%dma_start3A_168 : memref<10112x64xf32, #tpu.memory_space<vmem_shared>>) offsets(%arg8 : memref<64xi32, #tpu.memory_space<vmem>>) semaphore(%run_scoped3A_161 : memref<!tpu.dma_semaphore, #tpu.memory_space<semaphore_mem>>) {add = true}
        %dma_wait3A_169 = arith.constant 0 : i32
        %dma_wait3A_170 = arith.constant 0 : i32
        %dma_wait3A_171 = tpu.memref_slice %arg9[%run_scoped3A_118, %dma_wait3A_169, %dma_wait3A_170] : memref<4x64x64xf32, #tpu.memory_space<vmem>> -> memref<1x64x64xf32, #tpu.memory_space<vmem>>
        %dma_wait3A_172 = tpu.memref_squeeze %dma_wait3A_171 : memref<1x64x64xf32, #tpu.memory_space<vmem>> -> memref<64x64xf32, #tpu.memory_space<vmem>>
        %dma_wait3A_173 = arith.constant 0 : i32
        %dma_wait3A_174 = arith.constant 0 : i32
        %dma_wait3A_175 = tpu.memref_slice %arg10[%dma_wait3A_173, %dma_wait3A_174] : memref<10112x64xf32, #tpu.memory_space<vmem_shared>> -> memref<10112x64xf32, #tpu.memory_space<vmem_shared>>
        tpu.wait_indirect_dma semaphore(%run_scoped3A_161 : memref<!tpu.dma_semaphore, #tpu.memory_space<semaphore_mem>>) src(%dma_wait3A_172 : memref<64x64xf32, #tpu.memory_space<vmem>>) dst(%dma_wait3A_175 : memref<10112x64xf32, #tpu.memory_space<vmem_shared>>)
        tpu.yield
      }) : () -> ()
      %dma_wait3A_119 = arith.constant 2 : i32
      %dma_wait3A_120 = arith.constant 2 : i32
      %dma_wait3A_121 = arith.constant 0 : i32
      %dma_wait3A_122 = arith.constant 0 : i32
      %dma_wait3A_123 = tpu.memref_slice %arg9[%dma_wait3A_120, %dma_wait3A_121, %dma_wait3A_122] : memref<4x64x64xf32, #tpu.memory_space<vmem>> -> memref<1x64x64xf32, #tpu.memory_space<vmem>>
      %dma_wait3A_124 = tpu.memref_squeeze %dma_wait3A_123 : memref<1x64x64xf32, #tpu.memory_space<vmem>> -> memref<64x64xf32, #tpu.memory_space<vmem>>
      %dma_wait3A_125 = arith.constant 0 : i32
      %dma_wait3A_126 = tpu.memref_slice %arg7[%dma_wait3A_119, %dma_wait3A_125] : memref<4x64xi32, #tpu.memory_space<vmem>> -> memref<1x64xi32, #tpu.memory_space<vmem>>
      %dma_wait3A_127 = tpu.memref_squeeze %dma_wait3A_126 : memref<1x64xi32, #tpu.memory_space<vmem>> -> memref<64xi32, #tpu.memory_space<vmem>>
      %dma_wait3A_128 = arith.constant 0 : i32
      %dma_wait3A_129 = arith.constant 0 : i32
      %dma_wait3A_130 = tpu.memref_slice %arg11[%dma_wait3A_128, %dma_wait3A_129] : memref<10016x64xf32, #tpu.memory_space<vmem_shared>> -> memref<10016x64xf32, #tpu.memory_space<vmem_shared>>
      tpu.wait_indirect_dma semaphore(%arg14 : memref<!tpu.dma_semaphore, #tpu.memory_space<semaphore_mem>>) src(%dma_wait3A_130 : memref<10016x64xf32, #tpu.memory_space<vmem_shared>>) dst(%dma_wait3A_124 : memref<64x64xf32, #tpu.memory_space<vmem>>)
      %scan3A_131 = arith.constant 0 : i32
      %scan3A_132 = arith.constant 4 : i32
      %scan3A_133 = arith.addi %scan3A_131, %scan3A_132 : i32
      %scan3A_134 = arith.constant 1 : i32
      scf.for %scan3A_161 = %scan3A_131 to %scan3A_133 step %scan3A_134  : i32 {
        %mul3A_162 = arith.constant 16 : i32
        %mul3A_163 = arith.muli %scan3A_161, %mul3A_162 : i32
        %add3A = arith.constant 0 : i32
        %add3A_164 = arith.addi %add3A, %mul3A_163 : i32
        %get3A = arith.constant 318 : i32
        %get3A_165 = arith.index_cast %get3A : i32 to index
        %get3A_166 = arith.index_cast %add3A_164 : i32 to index
        %get3A_167 = tpu.vector_load %arg6[%get3A_165, %get3A_166] {strides = array<i32>} : memref<320x64xi32, #tpu.memory_space<vmem>>, vector<1x16xi32>,
        %get3A_168 = vector.shape_cast %get3A_167 : vector<1x16xi32> to vector<16xi32>
        %shift_right_arithmetic3A = arith.constant 16 : i32
        %shift_right_arithmetic3A_169 = vector.broadcast %shift_right_arithmetic3A : i32 to vector<16xi32>
        %shift_right_arithmetic3A_170 = arith.shrsi %get3A_168, %shift_right_arithmetic3A_169 : vector<16xi32>
        %swap3A = arith.index_cast %add3A_164 : i32 to index
        %swap3A_171 = tpu.vector_load %arg8[%swap3A] {strides = array<i32>} : memref<64xi32, #tpu.memory_space<vmem>>, vector<16xi32>,
        %swap3A_172 = vector.shape_cast %swap3A_171 : vector<16xi32> to vector<16xi32>
        %swap3A_173 = vector.shape_cast %shift_right_arithmetic3A_170 : vector<16xi32> to vector<16xi32>
        tpu.vector_store %arg8[%swap3A], %swap3A_173 {strides = array<i32>} : memref<64xi32, #tpu.memory_space<vmem>>, vector<16xi32>,
      }
      %scan3A_135 = arith.constant 4 : i32
      %run_scoped3A_136 = arith.constant 2 : i32
      "tpu.region"() ({
        %run_scoped3A_161 = tpu.sem_alloc : memref<!tpu.dma_semaphore, #tpu.memory_space<semaphore_mem>>
        %dma_start3A_162 = arith.constant 0 : i32
        %dma_start3A_163 = arith.constant 0 : i32
        %dma_start3A_164 = tpu.memref_slice %arg9[%run_scoped3A_136, %dma_start3A_162, %dma_start3A_163] : memref<4x64x64xf32, #tpu.memory_space<vmem>> -> memref<1x64x64xf32, #tpu.memory_space<vmem>>
        %dma_start3A_165 = tpu.memref_squeeze %dma_start3A_164 : memref<1x64x64xf32, #tpu.memory_space<vmem>> -> memref<64x64xf32, #tpu.memory_space<vmem>>
        %dma_start3A_166 = arith.constant 0 : i32
        %dma_start3A_167 = arith.constant 0 : i32
        %dma_start3A_168 = tpu.memref_slice %arg10[%dma_start3A_166, %dma_start3A_167] : memref<10112x64xf32, #tpu.memory_space<vmem_shared>> -> memref<10112x64xf32, #tpu.memory_space<vmem_shared>>
        tpu.enqueue_indirect_dma source(%dma_start3A_165 : memref<64x64xf32, #tpu.memory_space<vmem>>) target(%dma_start3A_168 : memref<10112x64xf32, #tpu.memory_space<vmem_shared>>) offsets(%arg8 : memref<64xi32, #tpu.memory_space<vmem>>) semaphore(%run_scoped3A_161 : memref<!tpu.dma_semaphore, #tpu.memory_space<semaphore_mem>>) {add = true}
        %dma_wait3A_169 = arith.constant 0 : i32
        %dma_wait3A_170 = arith.constant 0 : i32
        %dma_wait3A_171 = tpu.memref_slice %arg9[%run_scoped3A_136, %dma_wait3A_169, %dma_wait3A_170] : memref<4x64x64xf32, #tpu.memory_space<vmem>> -> memref<1x64x64xf32, #tpu.memory_space<vmem>>
        %dma_wait3A_172 = tpu.memref_squeeze %dma_wait3A_171 : memref<1x64x64xf32, #tpu.memory_space<vmem>> -> memref<64x64xf32, #tpu.memory_space<vmem>>
        %dma_wait3A_173 = arith.constant 0 : i32
        %dma_wait3A_174 = arith.constant 0 : i32
        %dma_wait3A_175 = tpu.memref_slice %arg10[%dma_wait3A_173, %dma_wait3A_174] : memref<10112x64xf32, #tpu.memory_space<vmem_shared>> -> memref<10112x64xf32, #tpu.memory_space<vmem_shared>>
        tpu.wait_indirect_dma semaphore(%run_scoped3A_161 : memref<!tpu.dma_semaphore, #tpu.memory_space<semaphore_mem>>) src(%dma_wait3A_172 : memref<64x64xf32, #tpu.memory_space<vmem>>) dst(%dma_wait3A_175 : memref<10112x64xf32, #tpu.memory_space<vmem_shared>>)
        tpu.yield
      }) : () -> ()
      %dma_wait3A_137 = arith.constant 3 : i32
      %dma_wait3A_138 = arith.constant 3 : i32
      %dma_wait3A_139 = arith.constant 0 : i32
      %dma_wait3A_140 = arith.constant 0 : i32
      %dma_wait3A_141 = tpu.memref_slice %arg9[%dma_wait3A_138, %dma_wait3A_139, %dma_wait3A_140] : memref<4x64x64xf32, #tpu.memory_space<vmem>> -> memref<1x64x64xf32, #tpu.memory_space<vmem>>
      %dma_wait3A_142 = tpu.memref_squeeze %dma_wait3A_141 : memref<1x64x64xf32, #tpu.memory_space<vmem>> -> memref<64x64xf32, #tpu.memory_space<vmem>>
      %dma_wait3A_143 = arith.constant 0 : i32
      %dma_wait3A_144 = tpu.memref_slice %arg7[%dma_wait3A_137, %dma_wait3A_143] : memref<4x64xi32, #tpu.memory_space<vmem>> -> memref<1x64xi32, #tpu.memory_space<vmem>>
      %dma_wait3A_145 = tpu.memref_squeeze %dma_wait3A_144 : memref<1x64xi32, #tpu.memory_space<vmem>> -> memref<64xi32, #tpu.memory_space<vmem>>
      %dma_wait3A_146 = arith.constant 0 : i32
      %dma_wait3A_147 = arith.constant 0 : i32
      %dma_wait3A_148 = tpu.memref_slice %arg11[%dma_wait3A_146, %dma_wait3A_147] : memref<10016x64xf32, #tpu.memory_space<vmem_shared>> -> memref<10016x64xf32, #tpu.memory_space<vmem_shared>>
      tpu.wait_indirect_dma semaphore(%arg15 : memref<!tpu.dma_semaphore, #tpu.memory_space<semaphore_mem>>) src(%dma_wait3A_148 : memref<10016x64xf32, #tpu.memory_space<vmem_shared>>) dst(%dma_wait3A_142 : memref<64x64xf32, #tpu.memory_space<vmem>>)
      %scan3A_149 = arith.constant 0 : i32
      %scan3A_150 = arith.constant 4 : i32
      %scan3A_151 = arith.addi %scan3A_149, %scan3A_150 : i32
      %scan3A_152 = arith.constant 1 : i32
      scf.for %scan3A_161 = %scan3A_149 to %scan3A_151 step %scan3A_152  : i32 {
        %mul3A_162 = arith.constant 16 : i32
        %mul3A_163 = arith.muli %scan3A_161, %mul3A_162 : i32
        %add3A = arith.constant 0 : i32
        %add3A_164 = arith.addi %add3A, %mul3A_163 : i32
        %get3A = arith.constant 319 : i32
        %get3A_165 = arith.index_cast %get3A : i32 to index
        %get3A_166 = arith.index_cast %add3A_164 : i32 to index
        %get3A_167 = tpu.vector_load %arg6[%get3A_165, %get3A_166] {strides = array<i32>} : memref<320x64xi32, #tpu.memory_space<vmem>>, vector<1x16xi32>,
        %get3A_168 = vector.shape_cast %get3A_167 : vector<1x16xi32> to vector<16xi32>
        %shift_right_arithmetic3A = arith.constant 16 : i32
        %shift_right_arithmetic3A_169 = vector.broadcast %shift_right_arithmetic3A : i32 to vector<16xi32>
        %shift_right_arithmetic3A_170 = arith.shrsi %get3A_168, %shift_right_arithmetic3A_169 : vector<16xi32>
        %swap3A = arith.index_cast %add3A_164 : i32 to index
        %swap3A_171 = tpu.vector_load %arg8[%swap3A] {strides = array<i32>} : memref<64xi32, #tpu.memory_space<vmem>>, vector<16xi32>,
        %swap3A_172 = vector.shape_cast %swap3A_171 : vector<16xi32> to vector<16xi32>
        %swap3A_173 = vector.shape_cast %shift_right_arithmetic3A_170 : vector<16xi32> to vector<16xi32>
        tpu.vector_store %arg8[%swap3A], %swap3A_173 {strides = array<i32>} : memref<64xi32, #tpu.memory_space<vmem>>, vector<16xi32>,
      }
      %scan3A_153 = arith.constant 4 : i32
      %run_scoped3A_154 = arith.constant 3 : i32
      "tpu.region"() ({
        %run_scoped3A_161 = tpu.sem_alloc : memref<!tpu.dma_semaphore, #tpu.memory_space<semaphore_mem>>
        %dma_start3A_162 = arith.constant 0 : i32
        %dma_start3A_163 = arith.constant 0 : i32
        %dma_start3A_164 = tpu.memref_slice %arg9[%run_scoped3A_154, %dma_start3A_162, %dma_start3A_163] : memref<4x64x64xf32, #tpu.memory_space<vmem>> -> memref<1x64x64xf32, #tpu.memory_space<vmem>>
        %dma_start3A_165 = tpu.memref_squeeze %dma_start3A_164 : memref<1x64x64xf32, #tpu.memory_space<vmem>> -> memref<64x64xf32, #tpu.memory_space<vmem>>
        %dma_start3A_166 = arith.constant 0 : i32
        %dma_start3A_167 = arith.constant 0 : i32
        %dma_start3A_168 = tpu.memref_slice %arg10[%dma_start3A_166, %dma_start3A_167] : memref<10112x64xf32, #tpu.memory_space<vmem_shared>> -> memref<10112x64xf32, #tpu.memory_space<vmem_shared>>
        tpu.enqueue_indirect_dma source(%dma_start3A_165 : memref<64x64xf32, #tpu.memory_space<vmem>>) target(%dma_start3A_168 : memref<10112x64xf32, #tpu.memory_space<vmem_shared>>) offsets(%arg8 : memref<64xi32, #tpu.memory_space<vmem>>) semaphore(%run_scoped3A_161 : memref<!tpu.dma_semaphore, #tpu.memory_space<semaphore_mem>>) {add = true}
        %dma_wait3A_169 = arith.constant 0 : i32
        %dma_wait3A_170 = arith.constant 0 : i32
        %dma_wait3A_171 = tpu.memref_slice %arg9[%run_scoped3A_154, %dma_wait3A_169, %dma_wait3A_170] : memref<4x64x64xf32, #tpu.memory_space<vmem>> -> memref<1x64x64xf32, #tpu.memory_space<vmem>>
        %dma_wait3A_172 = tpu.memref_squeeze %dma_wait3A_171 : memref<1x64x64xf32, #tpu.memory_space<vmem>> -> memref<64x64xf32, #tpu.memory_space<vmem>>
        %dma_wait3A_173 = arith.constant 0 : i32
        %dma_wait3A_174 = arith.constant 0 : i32
        %dma_wait3A_175 = tpu.memref_slice %arg10[%dma_wait3A_173, %dma_wait3A_174] : memref<10112x64xf32, #tpu.memory_space<vmem_shared>> -> memref<10112x64xf32, #tpu.memory_space<vmem_shared>>
        tpu.wait_indirect_dma semaphore(%run_scoped3A_161 : memref<!tpu.dma_semaphore, #tpu.memory_space<semaphore_mem>>) src(%dma_wait3A_172 : memref<64x64xf32, #tpu.memory_space<vmem>>) dst(%dma_wait3A_175 : memref<10112x64xf32, #tpu.memory_space<vmem_shared>>)
        tpu.yield
      }) : () -> ()
      %barrier3A_155 = arith.constant 0 : index
      tpu.barrier barrier_id(%barrier3A_155)
      %mul3A_156 = arith.constant 632 : i32
      %mul3A_157 = arith.muli %arg1, %mul3A_156 : i32
      %mul3A_158 = arith.constant 632 : i32
      %mul3A_159 = arith.muli %arg1, %mul3A_158 : i32
      %run_scoped3A_160 = arith.constant 0 : i32
      "tpu.region"() ({
        %run_scoped3A_161 = tpu.sem_alloc : memref<!tpu.dma_semaphore, #tpu.memory_space<semaphore_mem>>
        %dma_start3A_162 = arith.constant 0 : i32
        %dma_start3A_163 = tpu.memref_slice %arg5[%run_scoped3A_160, %mul3A_159, %dma_start3A_162] : memref<2x10112x64xf32, #tpu.memory_space<hbm>> -> memref<1x632x64xf32, #tpu.memory_space<hbm>>
        %dma_start3A_164 = tpu.memref_squeeze %dma_start3A_163 : memref<1x632x64xf32, #tpu.memory_space<hbm>> -> memref<632x64xf32, #tpu.memory_space<hbm>>
        %dma_start3A_165 = arith.constant 0 : i32
        %dma_start3A_166 = tpu.memref_slice %arg10[%mul3A_157, %dma_start3A_165] : memref<10112x64xf32, #tpu.memory_space<vmem_shared>> -> memref<632x64xf32, #tpu.memory_space<vmem_shared>>
        tpu.enqueue_dma source(%dma_start3A_166 : memref<632x64xf32, #tpu.memory_space<vmem_shared>>) target(%dma_start3A_164 : memref<632x64xf32, #tpu.memory_space<hbm>>) target_semaphore(%run_scoped3A_161 : memref<!tpu.dma_semaphore, #tpu.memory_space<semaphore_mem>>)
        %dma_wait3A_167 = arith.constant 0 : i32
        %dma_wait3A_168 = tpu.memref_slice %arg5[%run_scoped3A_160, %mul3A_159, %dma_wait3A_167] : memref<2x10112x64xf32, #tpu.memory_space<hbm>> -> memref<1x632x64xf32, #tpu.memory_space<hbm>>
        %dma_wait3A_169 = tpu.memref_squeeze %dma_wait3A_168 : memref<1x632x64xf32, #tpu.memory_space<hbm>> -> memref<632x64xf32, #tpu.memory_space<hbm>>
        %dma_wait3A_170 = arith.constant 0 : i32
        %dma_wait3A_171 = tpu.memref_slice %arg10[%mul3A_157, %dma_wait3A_170] : memref<10112x64xf32, #tpu.memory_space<vmem_shared>> -> memref<632x64xf32, #tpu.memory_space<vmem_shared>>
        tpu.wait_dma2 semaphore(%run_scoped3A_161 : memref<!tpu.dma_semaphore, #tpu.memory_space<semaphore_mem>>) src(%dma_wait3A_171 : memref<632x64xf32, #tpu.memory_space<vmem_shared>>) dst(%dma_wait3A_169 : memref<632x64xf32, #tpu.memory_space<hbm>>)
        tpu.yield
      }) : () -> ()
    } else {
    }
    %eq3A_2 = arith.constant 1 : i32
    %eq3A_3 = arith.cmpi eq, %arg0, %eq3A_2 : i32
    %convert_element_type3A_4 = arith.extui %eq3A_3 : i1 to i32
    %cond3A_5 = arith.constant 0 : i32
    %cond3A_6 = arith.cmpi ne, %convert_element_type3A_4, %cond3A_5 : i32
    scf.if %cond3A_6 {
      %mul3A = arith.constant 320 : i32
      %mul3A_7 = arith.muli %arg1, %mul3A : i32
      "tpu.region"() ({
        %run_scoped3A_161 = tpu.sem_alloc : memref<!tpu.dma_semaphore, #tpu.memory_space<semaphore_mem>>
        %dma_start3A_162 = arith.constant 0 : i32
        %dma_start3A_163 = tpu.memref_slice %arg3[%mul3A_7, %dma_start3A_162] : memref<5120x64xi32, #tpu.memory_space<hbm>> -> memref<320x64xi32, #tpu.memory_space<hbm>>
        %dma_start3A_164 = arith.constant 0 : i32
        %dma_start3A_165 = tpu.memref_slice %arg3[%mul3A_7, %dma_start3A_164] : memref<5120x64xi32, #tpu.memory_space<hbm>> -> memref<320x64xi32, #tpu.memory_space<hbm>>
        tpu.enqueue_dma source(%dma_start3A_165 : memref<320x64xi32, #tpu.memory_space<hbm>>) target(%arg6 : memref<320x64xi32, #tpu.memory_space<vmem>>) target_semaphore(%run_scoped3A_161 : memref<!tpu.dma_semaphore, #tpu.memory_space<semaphore_mem>>)
        %dma_wait3A_166 = arith.constant 0 : i32
        %dma_wait3A_167 = tpu.memref_slice %arg3[%mul3A_7, %dma_wait3A_166] : memref<5120x64xi32, #tpu.memory_space<hbm>> -> memref<320x64xi32, #tpu.memory_space<hbm>>
        %dma_wait3A_168 = arith.constant 0 : i32
        %dma_wait3A_169 = tpu.memref_slice %arg3[%mul3A_7, %dma_wait3A_168] : memref<5120x64xi32, #tpu.memory_space<hbm>> -> memref<320x64xi32, #tpu.memory_space<hbm>>
        tpu.wait_dma2 semaphore(%run_scoped3A_161 : memref<!tpu.dma_semaphore, #tpu.memory_space<semaphore_mem>>) src(%dma_wait3A_169 : memref<320x64xi32, #tpu.memory_space<hbm>>) dst(%arg6 : memref<320x64xi32, #tpu.memory_space<vmem>>)
        tpu.yield
      }) : () -> ()
      %mul3A_8 = arith.constant 626 : i32
      %mul3A_9 = arith.muli %arg1, %mul3A_8 : i32
      %min3A = arith.constant 9374 : i32
      %min3A_10 = arith.minsi %mul3A_9, %min3A : i32
      %run_scoped3A = arith.constant 1 : i32
      "tpu.region"() ({
        %run_scoped3A_161 = tpu.sem_alloc : memref<!tpu.dma_semaphore, #tpu.memory_space<semaphore_mem>>
        %dma_start3A_162 = arith.constant 0 : i32
        %dma_start3A_163 = tpu.memref_slice %arg11[%min3A_10, %dma_start3A_162] : memref<10016x64xf32, #tpu.memory_space<vmem_shared>> -> memref<626x64xf32, #tpu.memory_space<vmem_shared>>
        %dma_start3A_164 = arith.constant 0 : i32
        %dma_start3A_165 = tpu.memref_slice %arg2[%run_scoped3A, %min3A_10, %dma_start3A_164] : memref<2x10000x64xf32, #tpu.memory_space<hbm>> -> memref<1x626x64xf32, #tpu.memory_space<hbm>>
        %dma_start3A_166 = tpu.memref_squeeze %dma_start3A_165 : memref<1x626x64xf32, #tpu.memory_space<hbm>> -> memref<626x64xf32, #tpu.memory_space<hbm>>
        tpu.enqueue_dma source(%dma_start3A_166 : memref<626x64xf32, #tpu.memory_space<hbm>>) target(%dma_start3A_163 : memref<626x64xf32, #tpu.memory_space<vmem_shared>>) target_semaphore(%run_scoped3A_161 : memref<!tpu.dma_semaphore, #tpu.memory_space<semaphore_mem>>)
        %dma_wait3A_167 = arith.constant 0 : i32
        %dma_wait3A_168 = tpu.memref_slice %arg11[%min3A_10, %dma_wait3A_167] : memref<10016x64xf32, #tpu.memory_space<vmem_shared>> -> memref<626x64xf32, #tpu.memory_space<vmem_shared>>
        %dma_wait3A_169 = arith.constant 0 : i32
        %dma_wait3A_170 = tpu.memref_slice %arg2[%run_scoped3A, %min3A_10, %dma_wait3A_169] : memref<2x10000x64xf32, #tpu.memory_space<hbm>> -> memref<1x626x64xf32, #tpu.memory_space<hbm>>
        %dma_wait3A_171 = tpu.memref_squeeze %dma_wait3A_170 : memref<1x626x64xf32, #tpu.memory_space<hbm>> -> memref<626x64xf32, #tpu.memory_space<hbm>>
        tpu.wait_dma2 semaphore(%run_scoped3A_161 : memref<!tpu.dma_semaphore, #tpu.memory_space<semaphore_mem>>) src(%dma_wait3A_171 : memref<626x64xf32, #tpu.memory_space<hbm>>) dst(%dma_wait3A_168 : memref<626x64xf32, #tpu.memory_space<vmem_shared>>)
        tpu.yield
      }) : () -> ()
      %mul3A_11 = arith.constant 632 : i32
      %mul3A_12 = arith.muli %arg1, %mul3A_11 : i32
      "tpu.region"() ({
        %run_scoped3A_161 = tpu.sem_alloc : memref<!tpu.dma_semaphore, #tpu.memory_space<semaphore_mem>>
        %dma_start3A_162 = arith.constant 0 : i32
        %dma_start3A_163 = tpu.memref_slice %arg10[%mul3A_12, %dma_start3A_162] : memref<10112x64xf32, #tpu.memory_space<vmem_shared>> -> memref<632x64xf32, #tpu.memory_space<vmem_shared>>
        tpu.enqueue_dma source(%arg4 : memref<632x64xf32, #tpu.memory_space<hbm>>) target(%dma_start3A_163 : memref<632x64xf32, #tpu.memory_space<vmem_shared>>) target_semaphore(%run_scoped3A_161 : memref<!tpu.dma_semaphore, #tpu.memory_space<semaphore_mem>>)
        %dma_wait3A_164 = arith.constant 0 : i32
        %dma_wait3A_165 = tpu.memref_slice %arg10[%mul3A_12, %dma_wait3A_164] : memref<10112x64xf32, #tpu.memory_space<vmem_shared>> -> memref<632x64xf32, #tpu.memory_space<vmem_shared>>
        tpu.wait_dma2 semaphore(%run_scoped3A_161 : memref<!tpu.dma_semaphore, #tpu.memory_space<semaphore_mem>>) src(%arg4 : memref<632x64xf32, #tpu.memory_space<hbm>>) dst(%dma_wait3A_165 : memref<632x64xf32, #tpu.memory_space<vmem_shared>>)
        tpu.yield
      }) : () -> ()
      %barrier3A = arith.constant 0 : index
      tpu.barrier barrier_id(%barrier3A)
      %scan3A = arith.constant 0 : i32
      %scan3A_13 = arith.constant 4 : i32
      %scan3A_14 = arith.addi %scan3A, %scan3A_13 : i32
      %scan3A_15 = arith.constant 1 : i32
      scf.for %scan3A_161 = %scan3A to %scan3A_14 step %scan3A_15  : i32 {
        %mul3A_162 = arith.constant 16 : i32
        %mul3A_163 = arith.muli %scan3A_161, %mul3A_162 : i32
        %add3A = arith.constant 0 : i32
        %add3A_164 = arith.addi %add3A, %mul3A_163 : i32
        %get3A = arith.constant 0 : i32
        %get3A_165 = arith.index_cast %get3A : i32 to index
        %get3A_166 = arith.index_cast %add3A_164 : i32 to index
        %get3A_167 = tpu.vector_load %arg6[%get3A_165, %get3A_166] {strides = array<i32>} : memref<320x64xi32, #tpu.memory_space<vmem>>, vector<1x16xi32>,
        %get3A_168 = vector.shape_cast %get3A_167 : vector<1x16xi32> to vector<16xi32>
        %and3A = arith.constant 65535 : i32
        %and3A_169 = vector.broadcast %and3A : i32 to vector<16xi32>
        %and3A_170 = arith.andi %get3A_168, %and3A_169 : vector<16xi32>
        %swap3A = arith.constant 0 : i32
        %swap3A_171 = arith.index_cast %swap3A : i32 to index
        %swap3A_172 = arith.index_cast %add3A_164 : i32 to index
        %swap3A_173 = tpu.vector_load %arg7[%swap3A_171, %swap3A_172] {strides = array<i32>} : memref<4x64xi32, #tpu.memory_space<vmem>>, vector<1x16xi32>,
        %swap3A_174 = vector.shape_cast %swap3A_173 : vector<1x16xi32> to vector<16xi32>
        %swap3A_175 = vector.shape_cast %and3A_170 : vector<16xi32> to vector<1x16xi32>
        tpu.vector_store %arg7[%swap3A_171, %swap3A_172], %swap3A_175 {strides = array<i32>} : memref<4x64xi32, #tpu.memory_space<vmem>>, vector<1x16xi32>,
      }
      %scan3A_16 = arith.constant 4 : i32
      %dma_start3A = arith.constant 0 : i32
      %dma_start3A_17 = arith.constant 0 : i32
      %dma_start3A_18 = arith.constant 0 : i32
      %dma_start3A_19 = arith.constant 0 : i32
      %dma_start3A_20 = tpu.memref_slice %arg9[%dma_start3A_17, %dma_start3A_18, %dma_start3A_19] : memref<4x64x64xf32, #tpu.memory_space<vmem>> -> memref<1x64x64xf32, #tpu.memory_space<vmem>>
      %dma_start3A_21 = tpu.memref_squeeze %dma_start3A_20 : memref<1x64x64xf32, #tpu.memory_space<vmem>> -> memref<64x64xf32, #tpu.memory_space<vmem>>
      %dma_start3A_22 = arith.constant 0 : i32
      %dma_start3A_23 = tpu.memref_slice %arg7[%dma_start3A, %dma_start3A_22] : memref<4x64xi32, #tpu.memory_space<vmem>> -> memref<1x64xi32, #tpu.memory_space<vmem>>
      %dma_start3A_24 = tpu.memref_squeeze %dma_start3A_23 : memref<1x64xi32, #tpu.memory_space<vmem>> -> memref<64xi32, #tpu.memory_space<vmem>>
      %dma_start3A_25 = arith.constant 0 : i32
      %dma_start3A_26 = arith.constant 0 : i32
      %dma_start3A_27 = tpu.memref_slice %arg11[%dma_start3A_25, %dma_start3A_26] : memref<10016x64xf32, #tpu.memory_space<vmem_shared>> -> memref<10016x64xf32, #tpu.memory_space<vmem_shared>>
      tpu.enqueue_indirect_dma source(%dma_start3A_27 : memref<10016x64xf32, #tpu.memory_space<vmem_shared>>) target(%dma_start3A_21 : memref<64x64xf32, #tpu.memory_space<vmem>>) offsets(%dma_start3A_24 : memref<64xi32, #tpu.memory_space<vmem>>) semaphore(%arg12 : memref<!tpu.dma_semaphore, #tpu.memory_space<semaphore_mem>>)
      %scan3A_28 = arith.constant 0 : i32
      %scan3A_29 = arith.constant 4 : i32
      %scan3A_30 = arith.addi %scan3A_28, %scan3A_29 : i32
      %scan3A_31 = arith.constant 1 : i32
      scf.for %scan3A_161 = %scan3A_28 to %scan3A_30 step %scan3A_31  : i32 {
        %mul3A_162 = arith.constant 16 : i32
        %mul3A_163 = arith.muli %scan3A_161, %mul3A_162 : i32
        %add3A = arith.constant 0 : i32
        %add3A_164 = arith.addi %add3A, %mul3A_163 : i32
        %get3A = arith.constant 1 : i32
        %get3A_165 = arith.index_cast %get3A : i32 to index
        %get3A_166 = arith.index_cast %add3A_164 : i32 to index
        %get3A_167 = tpu.vector_load %arg6[%get3A_165, %get3A_166] {strides = array<i32>} : memref<320x64xi32, #tpu.memory_space<vmem>>, vector<1x16xi32>,
        %get3A_168 = vector.shape_cast %get3A_167 : vector<1x16xi32> to vector<16xi32>
        %and3A = arith.constant 65535 : i32
        %and3A_169 = vector.broadcast %and3A : i32 to vector<16xi32>
        %and3A_170 = arith.andi %get3A_168, %and3A_169 : vector<16xi32>
        %swap3A = arith.constant 1 : i32
        %swap3A_171 = arith.index_cast %swap3A : i32 to index
        %swap3A_172 = arith.index_cast %add3A_164 : i32 to index
        %swap3A_173 = tpu.vector_load %arg7[%swap3A_171, %swap3A_172] {strides = array<i32>} : memref<4x64xi32, #tpu.memory_space<vmem>>, vector<1x16xi32>,
        %swap3A_174 = vector.shape_cast %swap3A_173 : vector<1x16xi32> to vector<16xi32>
        %swap3A_175 = vector.shape_cast %and3A_170 : vector<16xi32> to vector<1x16xi32>
        tpu.vector_store %arg7[%swap3A_171, %swap3A_172], %swap3A_175 {strides = array<i32>} : memref<4x64xi32, #tpu.memory_space<vmem>>, vector<1x16xi32>,
      }
      %scan3A_32 = arith.constant 4 : i32
      %dma_start3A_33 = arith.constant 1 : i32
      %dma_start3A_34 = arith.constant 1 : i32
      %dma_start3A_35 = arith.constant 0 : i32
      %dma_start3A_36 = arith.constant 0 : i32
      %dma_start3A_37 = tpu.memref_slice %arg9[%dma_start3A_34, %dma_start3A_35, %dma_start3A_36] : memref<4x64x64xf32, #tpu.memory_space<vmem>> -> memref<1x64x64xf32, #tpu.memory_space<vmem>>
      %dma_start3A_38 = tpu.memref_squeeze %dma_start3A_37 : memref<1x64x64xf32, #tpu.memory_space<vmem>> -> memref<64x64xf32, #tpu.memory_space<vmem>>
      %dma_start3A_39 = arith.constant 0 : i32
      %dma_start3A_40 = tpu.memref_slice %arg7[%dma_start3A_33, %dma_start3A_39] : memref<4x64xi32, #tpu.memory_space<vmem>> -> memref<1x64xi32, #tpu.memory_space<vmem>>
      %dma_start3A_41 = tpu.memref_squeeze %dma_start3A_40 : memref<1x64xi32, #tpu.memory_space<vmem>> -> memref<64xi32, #tpu.memory_space<vmem>>
      %dma_start3A_42 = arith.constant 0 : i32
      %dma_start3A_43 = arith.constant 0 : i32
      %dma_start3A_44 = tpu.memref_slice %arg11[%dma_start3A_42, %dma_start3A_43] : memref<10016x64xf32, #tpu.memory_space<vmem_shared>> -> memref<10016x64xf32, #tpu.memory_space<vmem_shared>>
      tpu.enqueue_indirect_dma source(%dma_start3A_44 : memref<10016x64xf32, #tpu.memory_space<vmem_shared>>) target(%dma_start3A_38 : memref<64x64xf32, #tpu.memory_space<vmem>>) offsets(%dma_start3A_41 : memref<64xi32, #tpu.memory_space<vmem>>) semaphore(%arg13 : memref<!tpu.dma_semaphore, #tpu.memory_space<semaphore_mem>>)
      %scan3A_45 = arith.constant 0 : i32
      %scan3A_46 = arith.constant 4 : i32
      %scan3A_47 = arith.addi %scan3A_45, %scan3A_46 : i32
      %scan3A_48 = arith.constant 1 : i32
      scf.for %scan3A_161 = %scan3A_45 to %scan3A_47 step %scan3A_48  : i32 {
        %mul3A_162 = arith.constant 16 : i32
        %mul3A_163 = arith.muli %scan3A_161, %mul3A_162 : i32
        %add3A = arith.constant 0 : i32
        %add3A_164 = arith.addi %add3A, %mul3A_163 : i32
        %get3A = arith.constant 2 : i32
        %get3A_165 = arith.index_cast %get3A : i32 to index
        %get3A_166 = arith.index_cast %add3A_164 : i32 to index
        %get3A_167 = tpu.vector_load %arg6[%get3A_165, %get3A_166] {strides = array<i32>} : memref<320x64xi32, #tpu.memory_space<vmem>>, vector<1x16xi32>,
        %get3A_168 = vector.shape_cast %get3A_167 : vector<1x16xi32> to vector<16xi32>
        %and3A = arith.constant 65535 : i32
        %and3A_169 = vector.broadcast %and3A : i32 to vector<16xi32>
        %and3A_170 = arith.andi %get3A_168, %and3A_169 : vector<16xi32>
        %swap3A = arith.constant 2 : i32
        %swap3A_171 = arith.index_cast %swap3A : i32 to index
        %swap3A_172 = arith.index_cast %add3A_164 : i32 to index
        %swap3A_173 = tpu.vector_load %arg7[%swap3A_171, %swap3A_172] {strides = array<i32>} : memref<4x64xi32, #tpu.memory_space<vmem>>, vector<1x16xi32>,
        %swap3A_174 = vector.shape_cast %swap3A_173 : vector<1x16xi32> to vector<16xi32>
        %swap3A_175 = vector.shape_cast %and3A_170 : vector<16xi32> to vector<1x16xi32>
        tpu.vector_store %arg7[%swap3A_171, %swap3A_172], %swap3A_175 {strides = array<i32>} : memref<4x64xi32, #tpu.memory_space<vmem>>, vector<1x16xi32>,
      }
      %scan3A_49 = arith.constant 4 : i32
      %dma_start3A_50 = arith.constant 2 : i32
      %dma_start3A_51 = arith.constant 2 : i32
      %dma_start3A_52 = arith.constant 0 : i32
      %dma_start3A_53 = arith.constant 0 : i32
      %dma_start3A_54 = tpu.memref_slice %arg9[%dma_start3A_51, %dma_start3A_52, %dma_start3A_53] : memref<4x64x64xf32, #tpu.memory_space<vmem>> -> memref<1x64x64xf32, #tpu.memory_space<vmem>>
      %dma_start3A_55 = tpu.memref_squeeze %dma_start3A_54 : memref<1x64x64xf32, #tpu.memory_space<vmem>> -> memref<64x64xf32, #tpu.memory_space<vmem>>
      %dma_start3A_56 = arith.constant 0 : i32
      %dma_start3A_57 = tpu.memref_slice %arg7[%dma_start3A_50, %dma_start3A_56] : memref<4x64xi32, #tpu.memory_space<vmem>> -> memref<1x64xi32, #tpu.memory_space<vmem>>
      %dma_start3A_58 = tpu.memref_squeeze %dma_start3A_57 : memref<1x64xi32, #tpu.memory_space<vmem>> -> memref<64xi32, #tpu.memory_space<vmem>>
      %dma_start3A_59 = arith.constant 0 : i32
      %dma_start3A_60 = arith.constant 0 : i32
      %dma_start3A_61 = tpu.memref_slice %arg11[%dma_start3A_59, %dma_start3A_60] : memref<10016x64xf32, #tpu.memory_space<vmem_shared>> -> memref<10016x64xf32, #tpu.memory_space<vmem_shared>>
      tpu.enqueue_indirect_dma source(%dma_start3A_61 : memref<10016x64xf32, #tpu.memory_space<vmem_shared>>) target(%dma_start3A_55 : memref<64x64xf32, #tpu.memory_space<vmem>>) offsets(%dma_start3A_58 : memref<64xi32, #tpu.memory_space<vmem>>) semaphore(%arg14 : memref<!tpu.dma_semaphore, #tpu.memory_space<semaphore_mem>>)
      %scan3A_62 = arith.constant 0 : i32
      %scan3A_63 = arith.constant 4 : i32
      %scan3A_64 = arith.addi %scan3A_62, %scan3A_63 : i32
      %scan3A_65 = arith.constant 1 : i32
      scf.for %scan3A_161 = %scan3A_62 to %scan3A_64 step %scan3A_65  : i32 {
        %mul3A_162 = arith.constant 16 : i32
        %mul3A_163 = arith.muli %scan3A_161, %mul3A_162 : i32
        %add3A = arith.constant 0 : i32
        %add3A_164 = arith.addi %add3A, %mul3A_163 : i32
        %get3A = arith.constant 3 : i32
        %get3A_165 = arith.index_cast %get3A : i32 to index
        %get3A_166 = arith.index_cast %add3A_164 : i32 to index
        %get3A_167 = tpu.vector_load %arg6[%get3A_165, %get3A_166] {strides = array<i32>} : memref<320x64xi32, #tpu.memory_space<vmem>>, vector<1x16xi32>,
        %get3A_168 = vector.shape_cast %get3A_167 : vector<1x16xi32> to vector<16xi32>
        %and3A = arith.constant 65535 : i32
        %and3A_169 = vector.broadcast %and3A : i32 to vector<16xi32>
        %and3A_170 = arith.andi %get3A_168, %and3A_169 : vector<16xi32>
        %swap3A = arith.constant 3 : i32
        %swap3A_171 = arith.index_cast %swap3A : i32 to index
        %swap3A_172 = arith.index_cast %add3A_164 : i32 to index
        %swap3A_173 = tpu.vector_load %arg7[%swap3A_171, %swap3A_172] {strides = array<i32>} : memref<4x64xi32, #tpu.memory_space<vmem>>, vector<1x16xi32>,
        %swap3A_174 = vector.shape_cast %swap3A_173 : vector<1x16xi32> to vector<16xi32>
        %swap3A_175 = vector.shape_cast %and3A_170 : vector<16xi32> to vector<1x16xi32>
        tpu.vector_store %arg7[%swap3A_171, %swap3A_172], %swap3A_175 {strides = array<i32>} : memref<4x64xi32, #tpu.memory_space<vmem>>, vector<1x16xi32>,
      }
      %scan3A_66 = arith.constant 4 : i32
      %dma_start3A_67 = arith.constant 3 : i32
      %dma_start3A_68 = arith.constant 3 : i32
      %dma_start3A_69 = arith.constant 0 : i32
      %dma_start3A_70 = arith.constant 0 : i32
      %dma_start3A_71 = tpu.memref_slice %arg9[%dma_start3A_68, %dma_start3A_69, %dma_start3A_70] : memref<4x64x64xf32, #tpu.memory_space<vmem>> -> memref<1x64x64xf32, #tpu.memory_space<vmem>>
      %dma_start3A_72 = tpu.memref_squeeze %dma_start3A_71 : memref<1x64x64xf32, #tpu.memory_space<vmem>> -> memref<64x64xf32, #tpu.memory_space<vmem>>
      %dma_start3A_73 = arith.constant 0 : i32
      %dma_start3A_74 = tpu.memref_slice %arg7[%dma_start3A_67, %dma_start3A_73] : memref<4x64xi32, #tpu.memory_space<vmem>> -> memref<1x64xi32, #tpu.memory_space<vmem>>
      %dma_start3A_75 = tpu.memref_squeeze %dma_start3A_74 : memref<1x64xi32, #tpu.memory_space<vmem>> -> memref<64xi32, #tpu.memory_space<vmem>>
      %dma_start3A_76 = arith.constant 0 : i32
      %dma_start3A_77 = arith.constant 0 : i32
      %dma_start3A_78 = tpu.memref_slice %arg11[%dma_start3A_76, %dma_start3A_77] : memref<10016x64xf32, #tpu.memory_space<vmem_shared>> -> memref<10016x64xf32, #tpu.memory_space<vmem_shared>>
      tpu.enqueue_indirect_dma source(%dma_start3A_78 : memref<10016x64xf32, #tpu.memory_space<vmem_shared>>) target(%dma_start3A_72 : memref<64x64xf32, #tpu.memory_space<vmem>>) offsets(%dma_start3A_75 : memref<64xi32, #tpu.memory_space<vmem>>) semaphore(%arg15 : memref<!tpu.dma_semaphore, #tpu.memory_space<semaphore_mem>>)
      %scan3A_79 = arith.constant 0 : i32
      %scan3A_80 = arith.constant 79 : i32
      %scan3A_81 = arith.addi %scan3A_79, %scan3A_80 : i32
      %scan3A_82 = arith.constant 1 : i32
      scf.for %scan3A_161 = %scan3A_79 to %scan3A_81 step %scan3A_82  : i32 {
        %mul3A_162 = arith.constant 4 : i32
        %mul3A_163 = arith.muli %scan3A_161, %mul3A_162 : i32
        %add3A = arith.constant 0 : i32
        %add3A_164 = arith.addi %add3A, %mul3A_163 : i32
        %dma_wait3A_165 = arith.constant 0 : i32
        %dma_wait3A_166 = arith.constant 0 : i32
        %dma_wait3A_167 = arith.constant 0 : i32
        %dma_wait3A_168 = arith.constant 0 : i32
        %dma_wait3A_169 = tpu.memref_slice %arg9[%dma_wait3A_166, %dma_wait3A_167, %dma_wait3A_168] : memref<4x64x64xf32, #tpu.memory_space<vmem>> -> memref<1x64x64xf32, #tpu.memory_space<vmem>>
        %dma_wait3A_170 = tpu.memref_squeeze %dma_wait3A_169 : memref<1x64x64xf32, #tpu.memory_space<vmem>> -> memref<64x64xf32, #tpu.memory_space<vmem>>
        %dma_wait3A_171 = arith.constant 0 : i32
        %dma_wait3A_172 = tpu.memref_slice %arg7[%dma_wait3A_165, %dma_wait3A_171] : memref<4x64xi32, #tpu.memory_space<vmem>> -> memref<1x64xi32, #tpu.memory_space<vmem>>
        %dma_wait3A_173 = tpu.memref_squeeze %dma_wait3A_172 : memref<1x64xi32, #tpu.memory_space<vmem>> -> memref<64xi32, #tpu.memory_space<vmem>>
        %dma_wait3A_174 = arith.constant 0 : i32
        %dma_wait3A_175 = arith.constant 0 : i32
        %dma_wait3A_176 = tpu.memref_slice %arg11[%dma_wait3A_174, %dma_wait3A_175] : memref<10016x64xf32, #tpu.memory_space<vmem_shared>> -> memref<10016x64xf32, #tpu.memory_space<vmem_shared>>
        tpu.wait_indirect_dma semaphore(%arg12 : memref<!tpu.dma_semaphore, #tpu.memory_space<semaphore_mem>>) src(%dma_wait3A_176 : memref<10016x64xf32, #tpu.memory_space<vmem_shared>>) dst(%dma_wait3A_170 : memref<64x64xf32, #tpu.memory_space<vmem>>)
        %add3A_177 = arith.constant 0 : i32
        %add3A_178 = arith.addi %add3A_164, %add3A_177 : i32
        %scan3A_179 = arith.constant 0 : i32
        %scan3A_180 = arith.constant 4 : i32
        %scan3A_181 = arith.addi %scan3A_179, %scan3A_180 : i32
        %scan3A_182 = arith.constant 1 : i32
        scf.for %scan3A_329 = %scan3A_179 to %scan3A_181 step %scan3A_182  : i32 {
          %mul3A_330 = arith.constant 16 : i32
          %mul3A_331 = arith.muli %scan3A_329, %mul3A_330 : i32
          %add3A_332 = arith.constant 0 : i32
          %add3A_333 = arith.addi %add3A_332, %mul3A_331 : i32
          %get3A = arith.index_cast %add3A_178 : i32 to index
          %get3A_334 = arith.index_cast %add3A_333 : i32 to index
          %get3A_335 = tpu.vector_load %arg6[%get3A, %get3A_334] {strides = array<i32>} : memref<320x64xi32, #tpu.memory_space<vmem>>, vector<1x16xi32>,
          %get3A_336 = vector.shape_cast %get3A_335 : vector<1x16xi32> to vector<16xi32>
          %shift_right_arithmetic3A = arith.constant 16 : i32
          %shift_right_arithmetic3A_337 = vector.broadcast %shift_right_arithmetic3A : i32 to vector<16xi32>
          %shift_right_arithmetic3A_338 = arith.shrsi %get3A_336, %shift_right_arithmetic3A_337 : vector<16xi32>
          %swap3A = arith.index_cast %add3A_333 : i32 to index
          %swap3A_339 = tpu.vector_load %arg8[%swap3A] {strides = array<i32>} : memref<64xi32, #tpu.memory_space<vmem>>, vector<16xi32>,
          %swap3A_340 = vector.shape_cast %swap3A_339 : vector<16xi32> to vector<16xi32>
          %swap3A_341 = vector.shape_cast %shift_right_arithmetic3A_338 : vector<16xi32> to vector<16xi32>
          tpu.vector_store %arg8[%swap3A], %swap3A_341 {strides = array<i32>} : memref<64xi32, #tpu.memory_space<vmem>>, vector<16xi32>,
        }
        %scan3A_183 = arith.constant 4 : i32
        %run_scoped3A_184 = arith.constant 0 : i32
        "tpu.region"() ({
          %run_scoped3A_329 = tpu.sem_alloc : memref<!tpu.dma_semaphore, #tpu.memory_space<semaphore_mem>>
          %dma_start3A_330 = arith.constant 0 : i32
          %dma_start3A_331 = arith.constant 0 : i32
          %dma_start3A_332 = tpu.memref_slice %arg9[%run_scoped3A_184, %dma_start3A_330, %dma_start3A_331] : memref<4x64x64xf32, #tpu.memory_space<vmem>> -> memref<1x64x64xf32, #tpu.memory_space<vmem>>
          %dma_start3A_333 = tpu.memref_squeeze %dma_start3A_332 : memref<1x64x64xf32, #tpu.memory_space<vmem>> -> memref<64x64xf32, #tpu.memory_space<vmem>>
          %dma_start3A_334 = arith.constant 0 : i32
          %dma_start3A_335 = arith.constant 0 : i32
          %dma_start3A_336 = tpu.memref_slice %arg10[%dma_start3A_334, %dma_start3A_335] : memref<10112x64xf32, #tpu.memory_space<vmem_shared>> -> memref<10112x64xf32, #tpu.memory_space<vmem_shared>>
          tpu.enqueue_indirect_dma source(%dma_start3A_333 : memref<64x64xf32, #tpu.memory_space<vmem>>) target(%dma_start3A_336 : memref<10112x64xf32, #tpu.memory_space<vmem_shared>>) offsets(%arg8 : memref<64xi32, #tpu.memory_space<vmem>>) semaphore(%run_scoped3A_329 : memref<!tpu.dma_semaphore, #tpu.memory_space<semaphore_mem>>) {add = true}
          %dma_wait3A_337 = arith.constant 0 : i32
          %dma_wait3A_338 = arith.constant 0 : i32
          %dma_wait3A_339 = tpu.memref_slice %arg9[%run_scoped3A_184, %dma_wait3A_337, %dma_wait3A_338] : memref<4x64x64xf32, #tpu.memory_space<vmem>> -> memref<1x64x64xf32, #tpu.memory_space<vmem>>
          %dma_wait3A_340 = tpu.memref_squeeze %dma_wait3A_339 : memref<1x64x64xf32, #tpu.memory_space<vmem>> -> memref<64x64xf32, #tpu.memory_space<vmem>>
          %dma_wait3A_341 = arith.constant 0 : i32
          %dma_wait3A_342 = arith.constant 0 : i32
          %dma_wait3A_343 = tpu.memref_slice %arg10[%dma_wait3A_341, %dma_wait3A_342] : memref<10112x64xf32, #tpu.memory_space<vmem_shared>> -> memref<10112x64xf32, #tpu.memory_space<vmem_shared>>
          tpu.wait_indirect_dma semaphore(%run_scoped3A_329 : memref<!tpu.dma_semaphore, #tpu.memory_space<semaphore_mem>>) src(%dma_wait3A_340 : memref<64x64xf32, #tpu.memory_space<vmem>>) dst(%dma_wait3A_343 : memref<10112x64xf32, #tpu.memory_space<vmem_shared>>)
          tpu.yield
        }) : () -> ()
        %add3A_185 = arith.constant 0 : i32
        %add3A_186 = arith.addi %add3A_164, %add3A_185 : i32
        %add3A_187 = arith.constant 4 : i32
        %add3A_188 = arith.addi %add3A_186, %add3A_187 : i32
        %scan3A_189 = arith.constant 0 : i32
        %scan3A_190 = arith.constant 4 : i32
        %scan3A_191 = arith.addi %scan3A_189, %scan3A_190 : i32
        %scan3A_192 = arith.constant 1 : i32
        scf.for %scan3A_329 = %scan3A_189 to %scan3A_191 step %scan3A_192  : i32 {
          %mul3A_330 = arith.constant 16 : i32
          %mul3A_331 = arith.muli %scan3A_329, %mul3A_330 : i32
          %add3A_332 = arith.constant 0 : i32
          %add3A_333 = arith.addi %add3A_332, %mul3A_331 : i32
          %get3A = arith.index_cast %add3A_188 : i32 to index
          %get3A_334 = arith.index_cast %add3A_333 : i32 to index
          %get3A_335 = tpu.vector_load %arg6[%get3A, %get3A_334] {strides = array<i32>} : memref<320x64xi32, #tpu.memory_space<vmem>>, vector<1x16xi32>,
          %get3A_336 = vector.shape_cast %get3A_335 : vector<1x16xi32> to vector<16xi32>
          %and3A = arith.constant 65535 : i32
          %and3A_337 = vector.broadcast %and3A : i32 to vector<16xi32>
          %and3A_338 = arith.andi %get3A_336, %and3A_337 : vector<16xi32>
          %swap3A = arith.constant 0 : i32
          %swap3A_339 = arith.index_cast %swap3A : i32 to index
          %swap3A_340 = arith.index_cast %add3A_333 : i32 to index
          %swap3A_341 = tpu.vector_load %arg7[%swap3A_339, %swap3A_340] {strides = array<i32>} : memref<4x64xi32, #tpu.memory_space<vmem>>, vector<1x16xi32>,
          %swap3A_342 = vector.shape_cast %swap3A_341 : vector<1x16xi32> to vector<16xi32>
          %swap3A_343 = vector.shape_cast %and3A_338 : vector<16xi32> to vector<1x16xi32>
          tpu.vector_store %arg7[%swap3A_339, %swap3A_340], %swap3A_343 {strides = array<i32>} : memref<4x64xi32, #tpu.memory_space<vmem>>, vector<1x16xi32>,
        }
        %scan3A_193 = arith.constant 4 : i32
        %dma_start3A_194 = arith.constant 0 : i32
        %dma_start3A_195 = arith.constant 0 : i32
        %dma_start3A_196 = arith.constant 0 : i32
        %dma_start3A_197 = arith.constant 0 : i32
        %dma_start3A_198 = tpu.memref_slice %arg9[%dma_start3A_195, %dma_start3A_196, %dma_start3A_197] : memref<4x64x64xf32, #tpu.memory_space<vmem>> -> memref<1x64x64xf32, #tpu.memory_space<vmem>>
        %dma_start3A_199 = tpu.memref_squeeze %dma_start3A_198 : memref<1x64x64xf32, #tpu.memory_space<vmem>> -> memref<64x64xf32, #tpu.memory_space<vmem>>
        %dma_start3A_200 = arith.constant 0 : i32
        %dma_start3A_201 = tpu.memref_slice %arg7[%dma_start3A_194, %dma_start3A_200] : memref<4x64xi32, #tpu.memory_space<vmem>> -> memref<1x64xi32, #tpu.memory_space<vmem>>
        %dma_start3A_202 = tpu.memref_squeeze %dma_start3A_201 : memref<1x64xi32, #tpu.memory_space<vmem>> -> memref<64xi32, #tpu.memory_space<vmem>>
        %dma_start3A_203 = arith.constant 0 : i32
        %dma_start3A_204 = arith.constant 0 : i32
        %dma_start3A_205 = tpu.memref_slice %arg11[%dma_start3A_203, %dma_start3A_204] : memref<10016x64xf32, #tpu.memory_space<vmem_shared>> -> memref<10016x64xf32, #tpu.memory_space<vmem_shared>>
        tpu.enqueue_indirect_dma source(%dma_start3A_205 : memref<10016x64xf32, #tpu.memory_space<vmem_shared>>) target(%dma_start3A_199 : memref<64x64xf32, #tpu.memory_space<vmem>>) offsets(%dma_start3A_202 : memref<64xi32, #tpu.memory_space<vmem>>) semaphore(%arg12 : memref<!tpu.dma_semaphore, #tpu.memory_space<semaphore_mem>>)
        %dma_wait3A_206 = arith.constant 1 : i32
        %dma_wait3A_207 = arith.constant 1 : i32
        %dma_wait3A_208 = arith.constant 0 : i32
        %dma_wait3A_209 = arith.constant 0 : i32
        %dma_wait3A_210 = tpu.memref_slice %arg9[%dma_wait3A_207, %dma_wait3A_208, %dma_wait3A_209] : memref<4x64x64xf32, #tpu.memory_space<vmem>> -> memref<1x64x64xf32, #tpu.memory_space<vmem>>
        %dma_wait3A_211 = tpu.memref_squeeze %dma_wait3A_210 : memref<1x64x64xf32, #tpu.memory_space<vmem>> -> memref<64x64xf32, #tpu.memory_space<vmem>>
        %dma_wait3A_212 = arith.constant 0 : i32
        %dma_wait3A_213 = tpu.memref_slice %arg7[%dma_wait3A_206, %dma_wait3A_212] : memref<4x64xi32, #tpu.memory_space<vmem>> -> memref<1x64xi32, #tpu.memory_space<vmem>>
        %dma_wait3A_214 = tpu.memref_squeeze %dma_wait3A_213 : memref<1x64xi32, #tpu.memory_space<vmem>> -> memref<64xi32, #tpu.memory_space<vmem>>
        %dma_wait3A_215 = arith.constant 0 : i32
        %dma_wait3A_216 = arith.constant 0 : i32
        %dma_wait3A_217 = tpu.memref_slice %arg11[%dma_wait3A_215, %dma_wait3A_216] : memref<10016x64xf32, #tpu.memory_space<vmem_shared>> -> memref<10016x64xf32, #tpu.memory_space<vmem_shared>>
        tpu.wait_indirect_dma semaphore(%arg13 : memref<!tpu.dma_semaphore, #tpu.memory_space<semaphore_mem>>) src(%dma_wait3A_217 : memref<10016x64xf32, #tpu.memory_space<vmem_shared>>) dst(%dma_wait3A_211 : memref<64x64xf32, #tpu.memory_space<vmem>>)
        %add3A_218 = arith.constant 1 : i32
        %add3A_219 = arith.addi %add3A_164, %add3A_218 : i32
        %scan3A_220 = arith.constant 0 : i32
        %scan3A_221 = arith.constant 4 : i32
        %scan3A_222 = arith.addi %scan3A_220, %scan3A_221 : i32
        %scan3A_223 = arith.constant 1 : i32
        scf.for %scan3A_329 = %scan3A_220 to %scan3A_222 step %scan3A_223  : i32 {
          %mul3A_330 = arith.constant 16 : i32
          %mul3A_331 = arith.muli %scan3A_329, %mul3A_330 : i32
          %add3A_332 = arith.constant 0 : i32
          %add3A_333 = arith.addi %add3A_332, %mul3A_331 : i32
          %get3A = arith.index_cast %add3A_219 : i32 to index
          %get3A_334 = arith.index_cast %add3A_333 : i32 to index
          %get3A_335 = tpu.vector_load %arg6[%get3A, %get3A_334] {strides = array<i32>} : memref<320x64xi32, #tpu.memory_space<vmem>>, vector<1x16xi32>,
          %get3A_336 = vector.shape_cast %get3A_335 : vector<1x16xi32> to vector<16xi32>
          %shift_right_arithmetic3A = arith.constant 16 : i32
          %shift_right_arithmetic3A_337 = vector.broadcast %shift_right_arithmetic3A : i32 to vector<16xi32>
          %shift_right_arithmetic3A_338 = arith.shrsi %get3A_336, %shift_right_arithmetic3A_337 : vector<16xi32>
          %swap3A = arith.index_cast %add3A_333 : i32 to index
          %swap3A_339 = tpu.vector_load %arg8[%swap3A] {strides = array<i32>} : memref<64xi32, #tpu.memory_space<vmem>>, vector<16xi32>,
          %swap3A_340 = vector.shape_cast %swap3A_339 : vector<16xi32> to vector<16xi32>
          %swap3A_341 = vector.shape_cast %shift_right_arithmetic3A_338 : vector<16xi32> to vector<16xi32>
          tpu.vector_store %arg8[%swap3A], %swap3A_341 {strides = array<i32>} : memref<64xi32, #tpu.memory_space<vmem>>, vector<16xi32>,
        }
        %scan3A_224 = arith.constant 4 : i32
        %run_scoped3A_225 = arith.constant 1 : i32
        "tpu.region"() ({
          %run_scoped3A_329 = tpu.sem_alloc : memref<!tpu.dma_semaphore, #tpu.memory_space<semaphore_mem>>
          %dma_start3A_330 = arith.constant 0 : i32
          %dma_start3A_331 = arith.constant 0 : i32
          %dma_start3A_332 = tpu.memref_slice %arg9[%run_scoped3A_225, %dma_start3A_330, %dma_start3A_331] : memref<4x64x64xf32, #tpu.memory_space<vmem>> -> memref<1x64x64xf32, #tpu.memory_space<vmem>>
          %dma_start3A_333 = tpu.memref_squeeze %dma_start3A_332 : memref<1x64x64xf32, #tpu.memory_space<vmem>> -> memref<64x64xf32, #tpu.memory_space<vmem>>
          %dma_start3A_334 = arith.constant 0 : i32
          %dma_start3A_335 = arith.constant 0 : i32
          %dma_start3A_336 = tpu.memref_slice %arg10[%dma_start3A_334, %dma_start3A_335] : memref<10112x64xf32, #tpu.memory_space<vmem_shared>> -> memref<10112x64xf32, #tpu.memory_space<vmem_shared>>
          tpu.enqueue_indirect_dma source(%dma_start3A_333 : memref<64x64xf32, #tpu.memory_space<vmem>>) target(%dma_start3A_336 : memref<10112x64xf32, #tpu.memory_space<vmem_shared>>) offsets(%arg8 : memref<64xi32, #tpu.memory_space<vmem>>) semaphore(%run_scoped3A_329 : memref<!tpu.dma_semaphore, #tpu.memory_space<semaphore_mem>>) {add = true}
          %dma_wait3A_337 = arith.constant 0 : i32
          %dma_wait3A_338 = arith.constant 0 : i32
          %dma_wait3A_339 = tpu.memref_slice %arg9[%run_scoped3A_225, %dma_wait3A_337, %dma_wait3A_338] : memref<4x64x64xf32, #tpu.memory_space<vmem>> -> memref<1x64x64xf32, #tpu.memory_space<vmem>>
          %dma_wait3A_340 = tpu.memref_squeeze %dma_wait3A_339 : memref<1x64x64xf32, #tpu.memory_space<vmem>> -> memref<64x64xf32, #tpu.memory_space<vmem>>
          %dma_wait3A_341 = arith.constant 0 : i32
          %dma_wait3A_342 = arith.constant 0 : i32
          %dma_wait3A_343 = tpu.memref_slice %arg10[%dma_wait3A_341, %dma_wait3A_342] : memref<10112x64xf32, #tpu.memory_space<vmem_shared>> -> memref<10112x64xf32, #tpu.memory_space<vmem_shared>>
          tpu.wait_indirect_dma semaphore(%run_scoped3A_329 : memref<!tpu.dma_semaphore, #tpu.memory_space<semaphore_mem>>) src(%dma_wait3A_340 : memref<64x64xf32, #tpu.memory_space<vmem>>) dst(%dma_wait3A_343 : memref<10112x64xf32, #tpu.memory_space<vmem_shared>>)
          tpu.yield
        }) : () -> ()
        %add3A_226 = arith.constant 1 : i32
        %add3A_227 = arith.addi %add3A_164, %add3A_226 : i32
        %add3A_228 = arith.constant 4 : i32
        %add3A_229 = arith.addi %add3A_227, %add3A_228 : i32
        %scan3A_230 = arith.constant 0 : i32
        %scan3A_231 = arith.constant 4 : i32
        %scan3A_232 = arith.addi %scan3A_230, %scan3A_231 : i32
        %scan3A_233 = arith.constant 1 : i32
        scf.for %scan3A_329 = %scan3A_230 to %scan3A_232 step %scan3A_233  : i32 {
          %mul3A_330 = arith.constant 16 : i32
          %mul3A_331 = arith.muli %scan3A_329, %mul3A_330 : i32
          %add3A_332 = arith.constant 0 : i32
          %add3A_333 = arith.addi %add3A_332, %mul3A_331 : i32
          %get3A = arith.index_cast %add3A_229 : i32 to index
          %get3A_334 = arith.index_cast %add3A_333 : i32 to index
          %get3A_335 = tpu.vector_load %arg6[%get3A, %get3A_334] {strides = array<i32>} : memref<320x64xi32, #tpu.memory_space<vmem>>, vector<1x16xi32>,
          %get3A_336 = vector.shape_cast %get3A_335 : vector<1x16xi32> to vector<16xi32>
          %and3A = arith.constant 65535 : i32
          %and3A_337 = vector.broadcast %and3A : i32 to vector<16xi32>
          %and3A_338 = arith.andi %get3A_336, %and3A_337 : vector<16xi32>
          %swap3A = arith.constant 1 : i32
          %swap3A_339 = arith.index_cast %swap3A : i32 to index
          %swap3A_340 = arith.index_cast %add3A_333 : i32 to index
          %swap3A_341 = tpu.vector_load %arg7[%swap3A_339, %swap3A_340] {strides = array<i32>} : memref<4x64xi32, #tpu.memory_space<vmem>>, vector<1x16xi32>,
          %swap3A_342 = vector.shape_cast %swap3A_341 : vector<1x16xi32> to vector<16xi32>
          %swap3A_343 = vector.shape_cast %and3A_338 : vector<16xi32> to vector<1x16xi32>
          tpu.vector_store %arg7[%swap3A_339, %swap3A_340], %swap3A_343 {strides = array<i32>} : memref<4x64xi32, #tpu.memory_space<vmem>>, vector<1x16xi32>,
        }
        %scan3A_234 = arith.constant 4 : i32
        %dma_start3A_235 = arith.constant 1 : i32
        %dma_start3A_236 = arith.constant 1 : i32
        %dma_start3A_237 = arith.constant 0 : i32
        %dma_start3A_238 = arith.constant 0 : i32
        %dma_start3A_239 = tpu.memref_slice %arg9[%dma_start3A_236, %dma_start3A_237, %dma_start3A_238] : memref<4x64x64xf32, #tpu.memory_space<vmem>> -> memref<1x64x64xf32, #tpu.memory_space<vmem>>
        %dma_start3A_240 = tpu.memref_squeeze %dma_start3A_239 : memref<1x64x64xf32, #tpu.memory_space<vmem>> -> memref<64x64xf32, #tpu.memory_space<vmem>>
        %dma_start3A_241 = arith.constant 0 : i32
        %dma_start3A_242 = tpu.memref_slice %arg7[%dma_start3A_235, %dma_start3A_241] : memref<4x64xi32, #tpu.memory_space<vmem>> -> memref<1x64xi32, #tpu.memory_space<vmem>>
        %dma_start3A_243 = tpu.memref_squeeze %dma_start3A_242 : memref<1x64xi32, #tpu.memory_space<vmem>> -> memref<64xi32, #tpu.memory_space<vmem>>
        %dma_start3A_244 = arith.constant 0 : i32
        %dma_start3A_245 = arith.constant 0 : i32
        %dma_start3A_246 = tpu.memref_slice %arg11[%dma_start3A_244, %dma_start3A_245] : memref<10016x64xf32, #tpu.memory_space<vmem_shared>> -> memref<10016x64xf32, #tpu.memory_space<vmem_shared>>
        tpu.enqueue_indirect_dma source(%dma_start3A_246 : memref<10016x64xf32, #tpu.memory_space<vmem_shared>>) target(%dma_start3A_240 : memref<64x64xf32, #tpu.memory_space<vmem>>) offsets(%dma_start3A_243 : memref<64xi32, #tpu.memory_space<vmem>>) semaphore(%arg13 : memref<!tpu.dma_semaphore, #tpu.memory_space<semaphore_mem>>)
        %dma_wait3A_247 = arith.constant 2 : i32
        %dma_wait3A_248 = arith.constant 2 : i32
        %dma_wait3A_249 = arith.constant 0 : i32
        %dma_wait3A_250 = arith.constant 0 : i32
        %dma_wait3A_251 = tpu.memref_slice %arg9[%dma_wait3A_248, %dma_wait3A_249, %dma_wait3A_250] : memref<4x64x64xf32, #tpu.memory_space<vmem>> -> memref<1x64x64xf32, #tpu.memory_space<vmem>>
        %dma_wait3A_252 = tpu.memref_squeeze %dma_wait3A_251 : memref<1x64x64xf32, #tpu.memory_space<vmem>> -> memref<64x64xf32, #tpu.memory_space<vmem>>
        %dma_wait3A_253 = arith.constant 0 : i32
        %dma_wait3A_254 = tpu.memref_slice %arg7[%dma_wait3A_247, %dma_wait3A_253] : memref<4x64xi32, #tpu.memory_space<vmem>> -> memref<1x64xi32, #tpu.memory_space<vmem>>
        %dma_wait3A_255 = tpu.memref_squeeze %dma_wait3A_254 : memref<1x64xi32, #tpu.memory_space<vmem>> -> memref<64xi32, #tpu.memory_space<vmem>>
        %dma_wait3A_256 = arith.constant 0 : i32
        %dma_wait3A_257 = arith.constant 0 : i32
        %dma_wait3A_258 = tpu.memref_slice %arg11[%dma_wait3A_256, %dma_wait3A_257] : memref<10016x64xf32, #tpu.memory_space<vmem_shared>> -> memref<10016x64xf32, #tpu.memory_space<vmem_shared>>
        tpu.wait_indirect_dma semaphore(%arg14 : memref<!tpu.dma_semaphore, #tpu.memory_space<semaphore_mem>>) src(%dma_wait3A_258 : memref<10016x64xf32, #tpu.memory_space<vmem_shared>>) dst(%dma_wait3A_252 : memref<64x64xf32, #tpu.memory_space<vmem>>)
        %add3A_259 = arith.constant 2 : i32
        %add3A_260 = arith.addi %add3A_164, %add3A_259 : i32
        %scan3A_261 = arith.constant 0 : i32
        %scan3A_262 = arith.constant 4 : i32
        %scan3A_263 = arith.addi %scan3A_261, %scan3A_262 : i32
        %scan3A_264 = arith.constant 1 : i32
        scf.for %scan3A_329 = %scan3A_261 to %scan3A_263 step %scan3A_264  : i32 {
          %mul3A_330 = arith.constant 16 : i32
          %mul3A_331 = arith.muli %scan3A_329, %mul3A_330 : i32
          %add3A_332 = arith.constant 0 : i32
          %add3A_333 = arith.addi %add3A_332, %mul3A_331 : i32
          %get3A = arith.index_cast %add3A_260 : i32 to index
          %get3A_334 = arith.index_cast %add3A_333 : i32 to index
          %get3A_335 = tpu.vector_load %arg6[%get3A, %get3A_334] {strides = array<i32>} : memref<320x64xi32, #tpu.memory_space<vmem>>, vector<1x16xi32>,
          %get3A_336 = vector.shape_cast %get3A_335 : vector<1x16xi32> to vector<16xi32>
          %shift_right_arithmetic3A = arith.constant 16 : i32
          %shift_right_arithmetic3A_337 = vector.broadcast %shift_right_arithmetic3A : i32 to vector<16xi32>
          %shift_right_arithmetic3A_338 = arith.shrsi %get3A_336, %shift_right_arithmetic3A_337 : vector<16xi32>
          %swap3A = arith.index_cast %add3A_333 : i32 to index
          %swap3A_339 = tpu.vector_load %arg8[%swap3A] {strides = array<i32>} : memref<64xi32, #tpu.memory_space<vmem>>, vector<16xi32>,
          %swap3A_340 = vector.shape_cast %swap3A_339 : vector<16xi32> to vector<16xi32>
          %swap3A_341 = vector.shape_cast %shift_right_arithmetic3A_338 : vector<16xi32> to vector<16xi32>
          tpu.vector_store %arg8[%swap3A], %swap3A_341 {strides = array<i32>} : memref<64xi32, #tpu.memory_space<vmem>>, vector<16xi32>,
        }
        %scan3A_265 = arith.constant 4 : i32
        %run_scoped3A_266 = arith.constant 2 : i32
        "tpu.region"() ({
          %run_scoped3A_329 = tpu.sem_alloc : memref<!tpu.dma_semaphore, #tpu.memory_space<semaphore_mem>>
          %dma_start3A_330 = arith.constant 0 : i32
          %dma_start3A_331 = arith.constant 0 : i32
          %dma_start3A_332 = tpu.memref_slice %arg9[%run_scoped3A_266, %dma_start3A_330, %dma_start3A_331] : memref<4x64x64xf32, #tpu.memory_space<vmem>> -> memref<1x64x64xf32, #tpu.memory_space<vmem>>
          %dma_start3A_333 = tpu.memref_squeeze %dma_start3A_332 : memref<1x64x64xf32, #tpu.memory_space<vmem>> -> memref<64x64xf32, #tpu.memory_space<vmem>>
          %dma_start3A_334 = arith.constant 0 : i32
          %dma_start3A_335 = arith.constant 0 : i32
          %dma_start3A_336 = tpu.memref_slice %arg10[%dma_start3A_334, %dma_start3A_335] : memref<10112x64xf32, #tpu.memory_space<vmem_shared>> -> memref<10112x64xf32, #tpu.memory_space<vmem_shared>>
          tpu.enqueue_indirect_dma source(%dma_start3A_333 : memref<64x64xf32, #tpu.memory_space<vmem>>) target(%dma_start3A_336 : memref<10112x64xf32, #tpu.memory_space<vmem_shared>>) offsets(%arg8 : memref<64xi32, #tpu.memory_space<vmem>>) semaphore(%run_scoped3A_329 : memref<!tpu.dma_semaphore, #tpu.memory_space<semaphore_mem>>) {add = true}
          %dma_wait3A_337 = arith.constant 0 : i32
          %dma_wait3A_338 = arith.constant 0 : i32
          %dma_wait3A_339 = tpu.memref_slice %arg9[%run_scoped3A_266, %dma_wait3A_337, %dma_wait3A_338] : memref<4x64x64xf32, #tpu.memory_space<vmem>> -> memref<1x64x64xf32, #tpu.memory_space<vmem>>
          %dma_wait3A_340 = tpu.memref_squeeze %dma_wait3A_339 : memref<1x64x64xf32, #tpu.memory_space<vmem>> -> memref<64x64xf32, #tpu.memory_space<vmem>>
          %dma_wait3A_341 = arith.constant 0 : i32
          %dma_wait3A_342 = arith.constant 0 : i32
          %dma_wait3A_343 = tpu.memref_slice %arg10[%dma_wait3A_341, %dma_wait3A_342] : memref<10112x64xf32, #tpu.memory_space<vmem_shared>> -> memref<10112x64xf32, #tpu.memory_space<vmem_shared>>
          tpu.wait_indirect_dma semaphore(%run_scoped3A_329 : memref<!tpu.dma_semaphore, #tpu.memory_space<semaphore_mem>>) src(%dma_wait3A_340 : memref<64x64xf32, #tpu.memory_space<vmem>>) dst(%dma_wait3A_343 : memref<10112x64xf32, #tpu.memory_space<vmem_shared>>)
          tpu.yield
        }) : () -> ()
        %add3A_267 = arith.constant 2 : i32
        %add3A_268 = arith.addi %add3A_164, %add3A_267 : i32
        %add3A_269 = arith.constant 4 : i32
        %add3A_270 = arith.addi %add3A_268, %add3A_269 : i32
        %scan3A_271 = arith.constant 0 : i32
        %scan3A_272 = arith.constant 4 : i32
        %scan3A_273 = arith.addi %scan3A_271, %scan3A_272 : i32
        %scan3A_274 = arith.constant 1 : i32
        scf.for %scan3A_329 = %scan3A_271 to %scan3A_273 step %scan3A_274  : i32 {
          %mul3A_330 = arith.constant 16 : i32
          %mul3A_331 = arith.muli %scan3A_329, %mul3A_330 : i32
          %add3A_332 = arith.constant 0 : i32
          %add3A_333 = arith.addi %add3A_332, %mul3A_331 : i32
          %get3A = arith.index_cast %add3A_270 : i32 to index
          %get3A_334 = arith.index_cast %add3A_333 : i32 to index
          %get3A_335 = tpu.vector_load %arg6[%get3A, %get3A_334] {strides = array<i32>} : memref<320x64xi32, #tpu.memory_space<vmem>>, vector<1x16xi32>,
          %get3A_336 = vector.shape_cast %get3A_335 : vector<1x16xi32> to vector<16xi32>
          %and3A = arith.constant 65535 : i32
          %and3A_337 = vector.broadcast %and3A : i32 to vector<16xi32>
          %and3A_338 = arith.andi %get3A_336, %and3A_337 : vector<16xi32>
          %swap3A = arith.constant 2 : i32
          %swap3A_339 = arith.index_cast %swap3A : i32 to index
          %swap3A_340 = arith.index_cast %add3A_333 : i32 to index
          %swap3A_341 = tpu.vector_load %arg7[%swap3A_339, %swap3A_340] {strides = array<i32>} : memref<4x64xi32, #tpu.memory_space<vmem>>, vector<1x16xi32>,
          %swap3A_342 = vector.shape_cast %swap3A_341 : vector<1x16xi32> to vector<16xi32>
          %swap3A_343 = vector.shape_cast %and3A_338 : vector<16xi32> to vector<1x16xi32>
          tpu.vector_store %arg7[%swap3A_339, %swap3A_340], %swap3A_343 {strides = array<i32>} : memref<4x64xi32, #tpu.memory_space<vmem>>, vector<1x16xi32>,
        }
        %scan3A_275 = arith.constant 4 : i32
        %dma_start3A_276 = arith.constant 2 : i32
        %dma_start3A_277 = arith.constant 2 : i32
        %dma_start3A_278 = arith.constant 0 : i32
        %dma_start3A_279 = arith.constant 0 : i32
        %dma_start3A_280 = tpu.memref_slice %arg9[%dma_start3A_277, %dma_start3A_278, %dma_start3A_279] : memref<4x64x64xf32, #tpu.memory_space<vmem>> -> memref<1x64x64xf32, #tpu.memory_space<vmem>>
        %dma_start3A_281 = tpu.memref_squeeze %dma_start3A_280 : memref<1x64x64xf32, #tpu.memory_space<vmem>> -> memref<64x64xf32, #tpu.memory_space<vmem>>
        %dma_start3A_282 = arith.constant 0 : i32
        %dma_start3A_283 = tpu.memref_slice %arg7[%dma_start3A_276, %dma_start3A_282] : memref<4x64xi32, #tpu.memory_space<vmem>> -> memref<1x64xi32, #tpu.memory_space<vmem>>
        %dma_start3A_284 = tpu.memref_squeeze %dma_start3A_283 : memref<1x64xi32, #tpu.memory_space<vmem>> -> memref<64xi32, #tpu.memory_space<vmem>>
        %dma_start3A_285 = arith.constant 0 : i32
        %dma_start3A_286 = arith.constant 0 : i32
        %dma_start3A_287 = tpu.memref_slice %arg11[%dma_start3A_285, %dma_start3A_286] : memref<10016x64xf32, #tpu.memory_space<vmem_shared>> -> memref<10016x64xf32, #tpu.memory_space<vmem_shared>>
        tpu.enqueue_indirect_dma source(%dma_start3A_287 : memref<10016x64xf32, #tpu.memory_space<vmem_shared>>) target(%dma_start3A_281 : memref<64x64xf32, #tpu.memory_space<vmem>>) offsets(%dma_start3A_284 : memref<64xi32, #tpu.memory_space<vmem>>) semaphore(%arg14 : memref<!tpu.dma_semaphore, #tpu.memory_space<semaphore_mem>>)
        %dma_wait3A_288 = arith.constant 3 : i32
        %dma_wait3A_289 = arith.constant 3 : i32
        %dma_wait3A_290 = arith.constant 0 : i32
        %dma_wait3A_291 = arith.constant 0 : i32
        %dma_wait3A_292 = tpu.memref_slice %arg9[%dma_wait3A_289, %dma_wait3A_290, %dma_wait3A_291] : memref<4x64x64xf32, #tpu.memory_space<vmem>> -> memref<1x64x64xf32, #tpu.memory_space<vmem>>
        %dma_wait3A_293 = tpu.memref_squeeze %dma_wait3A_292 : memref<1x64x64xf32, #tpu.memory_space<vmem>> -> memref<64x64xf32, #tpu.memory_space<vmem>>
        %dma_wait3A_294 = arith.constant 0 : i32
        %dma_wait3A_295 = tpu.memref_slice %arg7[%dma_wait3A_288, %dma_wait3A_294] : memref<4x64xi32, #tpu.memory_space<vmem>> -> memref<1x64xi32, #tpu.memory_space<vmem>>
        %dma_wait3A_296 = tpu.memref_squeeze %dma_wait3A_295 : memref<1x64xi32, #tpu.memory_space<vmem>> -> memref<64xi32, #tpu.memory_space<vmem>>
        %dma_wait3A_297 = arith.constant 0 : i32
        %dma_wait3A_298 = arith.constant 0 : i32
        %dma_wait3A_299 = tpu.memref_slice %arg11[%dma_wait3A_297, %dma_wait3A_298] : memref<10016x64xf32, #tpu.memory_space<vmem_shared>> -> memref<10016x64xf32, #tpu.memory_space<vmem_shared>>
        tpu.wait_indirect_dma semaphore(%arg15 : memref<!tpu.dma_semaphore, #tpu.memory_space<semaphore_mem>>) src(%dma_wait3A_299 : memref<10016x64xf32, #tpu.memory_space<vmem_shared>>) dst(%dma_wait3A_293 : memref<64x64xf32, #tpu.memory_space<vmem>>)
        %add3A_300 = arith.constant 3 : i32
        %add3A_301 = arith.addi %add3A_164, %add3A_300 : i32
        %scan3A_302 = arith.constant 0 : i32
        %scan3A_303 = arith.constant 4 : i32
        %scan3A_304 = arith.addi %scan3A_302, %scan3A_303 : i32
        %scan3A_305 = arith.constant 1 : i32
        scf.for %scan3A_329 = %scan3A_302 to %scan3A_304 step %scan3A_305  : i32 {
          %mul3A_330 = arith.constant 16 : i32
          %mul3A_331 = arith.muli %scan3A_329, %mul3A_330 : i32
          %add3A_332 = arith.constant 0 : i32
          %add3A_333 = arith.addi %add3A_332, %mul3A_331 : i32
          %get3A = arith.index_cast %add3A_301 : i32 to index
          %get3A_334 = arith.index_cast %add3A_333 : i32 to index
          %get3A_335 = tpu.vector_load %arg6[%get3A, %get3A_334] {strides = array<i32>} : memref<320x64xi32, #tpu.memory_space<vmem>>, vector<1x16xi32>,
          %get3A_336 = vector.shape_cast %get3A_335 : vector<1x16xi32> to vector<16xi32>
          %shift_right_arithmetic3A = arith.constant 16 : i32
          %shift_right_arithmetic3A_337 = vector.broadcast %shift_right_arithmetic3A : i32 to vector<16xi32>
          %shift_right_arithmetic3A_338 = arith.shrsi %get3A_336, %shift_right_arithmetic3A_337 : vector<16xi32>
          %swap3A = arith.index_cast %add3A_333 : i32 to index
          %swap3A_339 = tpu.vector_load %arg8[%swap3A] {strides = array<i32>} : memref<64xi32, #tpu.memory_space<vmem>>, vector<16xi32>,
          %swap3A_340 = vector.shape_cast %swap3A_339 : vector<16xi32> to vector<16xi32>
          %swap3A_341 = vector.shape_cast %shift_right_arithmetic3A_338 : vector<16xi32> to vector<16xi32>
          tpu.vector_store %arg8[%swap3A], %swap3A_341 {strides = array<i32>} : memref<64xi32, #tpu.memory_space<vmem>>, vector<16xi32>,
        }
        %scan3A_306 = arith.constant 4 : i32
        %run_scoped3A_307 = arith.constant 3 : i32
        "tpu.region"() ({
          %run_scoped3A_329 = tpu.sem_alloc : memref<!tpu.dma_semaphore, #tpu.memory_space<semaphore_mem>>
          %dma_start3A_330 = arith.constant 0 : i32
          %dma_start3A_331 = arith.constant 0 : i32
          %dma_start3A_332 = tpu.memref_slice %arg9[%run_scoped3A_307, %dma_start3A_330, %dma_start3A_331] : memref<4x64x64xf32, #tpu.memory_space<vmem>> -> memref<1x64x64xf32, #tpu.memory_space<vmem>>
          %dma_start3A_333 = tpu.memref_squeeze %dma_start3A_332 : memref<1x64x64xf32, #tpu.memory_space<vmem>> -> memref<64x64xf32, #tpu.memory_space<vmem>>
          %dma_start3A_334 = arith.constant 0 : i32
          %dma_start3A_335 = arith.constant 0 : i32
          %dma_start3A_336 = tpu.memref_slice %arg10[%dma_start3A_334, %dma_start3A_335] : memref<10112x64xf32, #tpu.memory_space<vmem_shared>> -> memref<10112x64xf32, #tpu.memory_space<vmem_shared>>
          tpu.enqueue_indirect_dma source(%dma_start3A_333 : memref<64x64xf32, #tpu.memory_space<vmem>>) target(%dma_start3A_336 : memref<10112x64xf32, #tpu.memory_space<vmem_shared>>) offsets(%arg8 : memref<64xi32, #tpu.memory_space<vmem>>) semaphore(%run_scoped3A_329 : memref<!tpu.dma_semaphore, #tpu.memory_space<semaphore_mem>>) {add = true}
          %dma_wait3A_337 = arith.constant 0 : i32
          %dma_wait3A_338 = arith.constant 0 : i32
          %dma_wait3A_339 = tpu.memref_slice %arg9[%run_scoped3A_307, %dma_wait3A_337, %dma_wait3A_338] : memref<4x64x64xf32, #tpu.memory_space<vmem>> -> memref<1x64x64xf32, #tpu.memory_space<vmem>>
          %dma_wait3A_340 = tpu.memref_squeeze %dma_wait3A_339 : memref<1x64x64xf32, #tpu.memory_space<vmem>> -> memref<64x64xf32, #tpu.memory_space<vmem>>
          %dma_wait3A_341 = arith.constant 0 : i32
          %dma_wait3A_342 = arith.constant 0 : i32
          %dma_wait3A_343 = tpu.memref_slice %arg10[%dma_wait3A_341, %dma_wait3A_342] : memref<10112x64xf32, #tpu.memory_space<vmem_shared>> -> memref<10112x64xf32, #tpu.memory_space<vmem_shared>>
          tpu.wait_indirect_dma semaphore(%run_scoped3A_329 : memref<!tpu.dma_semaphore, #tpu.memory_space<semaphore_mem>>) src(%dma_wait3A_340 : memref<64x64xf32, #tpu.memory_space<vmem>>) dst(%dma_wait3A_343 : memref<10112x64xf32, #tpu.memory_space<vmem_shared>>)
          tpu.yield
        }) : () -> ()
        %add3A_308 = arith.constant 3 : i32
        %add3A_309 = arith.addi %add3A_164, %add3A_308 : i32
        %add3A_310 = arith.constant 4 : i32
        %add3A_311 = arith.addi %add3A_309, %add3A_310 : i32
        %scan3A_312 = arith.constant 0 : i32
        %scan3A_313 = arith.constant 4 : i32
        %scan3A_314 = arith.addi %scan3A_312, %scan3A_313 : i32
        %scan3A_315 = arith.constant 1 : i32
        scf.for %scan3A_329 = %scan3A_312 to %scan3A_314 step %scan3A_315  : i32 {
          %mul3A_330 = arith.constant 16 : i32
          %mul3A_331 = arith.muli %scan3A_329, %mul3A_330 : i32
          %add3A_332 = arith.constant 0 : i32
          %add3A_333 = arith.addi %add3A_332, %mul3A_331 : i32
          %get3A = arith.index_cast %add3A_311 : i32 to index
          %get3A_334 = arith.index_cast %add3A_333 : i32 to index
          %get3A_335 = tpu.vector_load %arg6[%get3A, %get3A_334] {strides = array<i32>} : memref<320x64xi32, #tpu.memory_space<vmem>>, vector<1x16xi32>,
          %get3A_336 = vector.shape_cast %get3A_335 : vector<1x16xi32> to vector<16xi32>
          %and3A = arith.constant 65535 : i32
          %and3A_337 = vector.broadcast %and3A : i32 to vector<16xi32>
          %and3A_338 = arith.andi %get3A_336, %and3A_337 : vector<16xi32>
          %swap3A = arith.constant 3 : i32
          %swap3A_339 = arith.index_cast %swap3A : i32 to index
          %swap3A_340 = arith.index_cast %add3A_333 : i32 to index
          %swap3A_341 = tpu.vector_load %arg7[%swap3A_339, %swap3A_340] {strides = array<i32>} : memref<4x64xi32, #tpu.memory_space<vmem>>, vector<1x16xi32>,
          %swap3A_342 = vector.shape_cast %swap3A_341 : vector<1x16xi32> to vector<16xi32>
          %swap3A_343 = vector.shape_cast %and3A_338 : vector<16xi32> to vector<1x16xi32>
          tpu.vector_store %arg7[%swap3A_339, %swap3A_340], %swap3A_343 {strides = array<i32>} : memref<4x64xi32, #tpu.memory_space<vmem>>, vector<1x16xi32>,
        }
        %scan3A_316 = arith.constant 4 : i32
        %dma_start3A_317 = arith.constant 3 : i32
        %dma_start3A_318 = arith.constant 3 : i32
        %dma_start3A_319 = arith.constant 0 : i32
        %dma_start3A_320 = arith.constant 0 : i32
        %dma_start3A_321 = tpu.memref_slice %arg9[%dma_start3A_318, %dma_start3A_319, %dma_start3A_320] : memref<4x64x64xf32, #tpu.memory_space<vmem>> -> memref<1x64x64xf32, #tpu.memory_space<vmem>>
        %dma_start3A_322 = tpu.memref_squeeze %dma_start3A_321 : memref<1x64x64xf32, #tpu.memory_space<vmem>> -> memref<64x64xf32, #tpu.memory_space<vmem>>
        %dma_start3A_323 = arith.constant 0 : i32
        %dma_start3A_324 = tpu.memref_slice %arg7[%dma_start3A_317, %dma_start3A_323] : memref<4x64xi32, #tpu.memory_space<vmem>> -> memref<1x64xi32, #tpu.memory_space<vmem>>
        %dma_start3A_325 = tpu.memref_squeeze %dma_start3A_324 : memref<1x64xi32, #tpu.memory_space<vmem>> -> memref<64xi32, #tpu.memory_space<vmem>>
        %dma_start3A_326 = arith.constant 0 : i32
        %dma_start3A_327 = arith.constant 0 : i32
        %dma_start3A_328 = tpu.memref_slice %arg11[%dma_start3A_326, %dma_start3A_327] : memref<10016x64xf32, #tpu.memory_space<vmem_shared>> -> memref<10016x64xf32, #tpu.memory_space<vmem_shared>>
        tpu.enqueue_indirect_dma source(%dma_start3A_328 : memref<10016x64xf32, #tpu.memory_space<vmem_shared>>) target(%dma_start3A_322 : memref<64x64xf32, #tpu.memory_space<vmem>>) offsets(%dma_start3A_325 : memref<64xi32, #tpu.memory_space<vmem>>) semaphore(%arg15 : memref<!tpu.dma_semaphore, #tpu.memory_space<semaphore_mem>>)
      }
      %scan3A_83 = arith.constant 79 : i32
      %dma_wait3A = arith.constant 0 : i32
      %dma_wait3A_84 = arith.constant 0 : i32
      %dma_wait3A_85 = arith.constant 0 : i32
      %dma_wait3A_86 = arith.constant 0 : i32
      %dma_wait3A_87 = tpu.memref_slice %arg9[%dma_wait3A_84, %dma_wait3A_85, %dma_wait3A_86] : memref<4x64x64xf32, #tpu.memory_space<vmem>> -> memref<1x64x64xf32, #tpu.memory_space<vmem>>
      %dma_wait3A_88 = tpu.memref_squeeze %dma_wait3A_87 : memref<1x64x64xf32, #tpu.memory_space<vmem>> -> memref<64x64xf32, #tpu.memory_space<vmem>>
      %dma_wait3A_89 = arith.constant 0 : i32
      %dma_wait3A_90 = tpu.memref_slice %arg7[%dma_wait3A, %dma_wait3A_89] : memref<4x64xi32, #tpu.memory_space<vmem>> -> memref<1x64xi32, #tpu.memory_space<vmem>>
      %dma_wait3A_91 = tpu.memref_squeeze %dma_wait3A_90 : memref<1x64xi32, #tpu.memory_space<vmem>> -> memref<64xi32, #tpu.memory_space<vmem>>
      %dma_wait3A_92 = arith.constant 0 : i32
      %dma_wait3A_93 = arith.constant 0 : i32
      %dma_wait3A_94 = tpu.memref_slice %arg11[%dma_wait3A_92, %dma_wait3A_93] : memref<10016x64xf32, #tpu.memory_space<vmem_shared>> -> memref<10016x64xf32, #tpu.memory_space<vmem_shared>>
      tpu.wait_indirect_dma semaphore(%arg12 : memref<!tpu.dma_semaphore, #tpu.memory_space<semaphore_mem>>) src(%dma_wait3A_94 : memref<10016x64xf32, #tpu.memory_space<vmem_shared>>) dst(%dma_wait3A_88 : memref<64x64xf32, #tpu.memory_space<vmem>>)
      %scan3A_95 = arith.constant 0 : i32
      %scan3A_96 = arith.constant 4 : i32
      %scan3A_97 = arith.addi %scan3A_95, %scan3A_96 : i32
      %scan3A_98 = arith.constant 1 : i32
      scf.for %scan3A_161 = %scan3A_95 to %scan3A_97 step %scan3A_98  : i32 {
        %mul3A_162 = arith.constant 16 : i32
        %mul3A_163 = arith.muli %scan3A_161, %mul3A_162 : i32
        %add3A = arith.constant 0 : i32
        %add3A_164 = arith.addi %add3A, %mul3A_163 : i32
        %get3A = arith.constant 316 : i32
        %get3A_165 = arith.index_cast %get3A : i32 to index
        %get3A_166 = arith.index_cast %add3A_164 : i32 to index
        %get3A_167 = tpu.vector_load %arg6[%get3A_165, %get3A_166] {strides = array<i32>} : memref<320x64xi32, #tpu.memory_space<vmem>>, vector<1x16xi32>,
        %get3A_168 = vector.shape_cast %get3A_167 : vector<1x16xi32> to vector<16xi32>
        %shift_right_arithmetic3A = arith.constant 16 : i32
        %shift_right_arithmetic3A_169 = vector.broadcast %shift_right_arithmetic3A : i32 to vector<16xi32>
        %shift_right_arithmetic3A_170 = arith.shrsi %get3A_168, %shift_right_arithmetic3A_169 : vector<16xi32>
        %swap3A = arith.index_cast %add3A_164 : i32 to index
        %swap3A_171 = tpu.vector_load %arg8[%swap3A] {strides = array<i32>} : memref<64xi32, #tpu.memory_space<vmem>>, vector<16xi32>,
        %swap3A_172 = vector.shape_cast %swap3A_171 : vector<16xi32> to vector<16xi32>
        %swap3A_173 = vector.shape_cast %shift_right_arithmetic3A_170 : vector<16xi32> to vector<16xi32>
        tpu.vector_store %arg8[%swap3A], %swap3A_173 {strides = array<i32>} : memref<64xi32, #tpu.memory_space<vmem>>, vector<16xi32>,
      }
      %scan3A_99 = arith.constant 4 : i32
      %run_scoped3A_100 = arith.constant 0 : i32
      "tpu.region"() ({
        %run_scoped3A_161 = tpu.sem_alloc : memref<!tpu.dma_semaphore, #tpu.memory_space<semaphore_mem>>
        %dma_start3A_162 = arith.constant 0 : i32
        %dma_start3A_163 = arith.constant 0 : i32
        %dma_start3A_164 = tpu.memref_slice %arg9[%run_scoped3A_100, %dma_start3A_162, %dma_start3A_163] : memref<4x64x64xf32, #tpu.memory_space<vmem>> -> memref<1x64x64xf32, #tpu.memory_space<vmem>>
        %dma_start3A_165 = tpu.memref_squeeze %dma_start3A_164 : memref<1x64x64xf32, #tpu.memory_space<vmem>> -> memref<64x64xf32, #tpu.memory_space<vmem>>
        %dma_start3A_166 = arith.constant 0 : i32
        %dma_start3A_167 = arith.constant 0 : i32
        %dma_start3A_168 = tpu.memref_slice %arg10[%dma_start3A_166, %dma_start3A_167] : memref<10112x64xf32, #tpu.memory_space<vmem_shared>> -> memref<10112x64xf32, #tpu.memory_space<vmem_shared>>
        tpu.enqueue_indirect_dma source(%dma_start3A_165 : memref<64x64xf32, #tpu.memory_space<vmem>>) target(%dma_start3A_168 : memref<10112x64xf32, #tpu.memory_space<vmem_shared>>) offsets(%arg8 : memref<64xi32, #tpu.memory_space<vmem>>) semaphore(%run_scoped3A_161 : memref<!tpu.dma_semaphore, #tpu.memory_space<semaphore_mem>>) {add = true}
        %dma_wait3A_169 = arith.constant 0 : i32
        %dma_wait3A_170 = arith.constant 0 : i32
        %dma_wait3A_171 = tpu.memref_slice %arg9[%run_scoped3A_100, %dma_wait3A_169, %dma_wait3A_170] : memref<4x64x64xf32, #tpu.memory_space<vmem>> -> memref<1x64x64xf32, #tpu.memory_space<vmem>>
        %dma_wait3A_172 = tpu.memref_squeeze %dma_wait3A_171 : memref<1x64x64xf32, #tpu.memory_space<vmem>> -> memref<64x64xf32, #tpu.memory_space<vmem>>
        %dma_wait3A_173 = arith.constant 0 : i32
        %dma_wait3A_174 = arith.constant 0 : i32
        %dma_wait3A_175 = tpu.memref_slice %arg10[%dma_wait3A_173, %dma_wait3A_174] : memref<10112x64xf32, #tpu.memory_space<vmem_shared>> -> memref<10112x64xf32, #tpu.memory_space<vmem_shared>>
        tpu.wait_indirect_dma semaphore(%run_scoped3A_161 : memref<!tpu.dma_semaphore, #tpu.memory_space<semaphore_mem>>) src(%dma_wait3A_172 : memref<64x64xf32, #tpu.memory_space<vmem>>) dst(%dma_wait3A_175 : memref<10112x64xf32, #tpu.memory_space<vmem_shared>>)
        tpu.yield
      }) : () -> ()
      %dma_wait3A_101 = arith.constant 1 : i32
      %dma_wait3A_102 = arith.constant 1 : i32
      %dma_wait3A_103 = arith.constant 0 : i32
      %dma_wait3A_104 = arith.constant 0 : i32
      %dma_wait3A_105 = tpu.memref_slice %arg9[%dma_wait3A_102, %dma_wait3A_103, %dma_wait3A_104] : memref<4x64x64xf32, #tpu.memory_space<vmem>> -> memref<1x64x64xf32, #tpu.memory_space<vmem>>
      %dma_wait3A_106 = tpu.memref_squeeze %dma_wait3A_105 : memref<1x64x64xf32, #tpu.memory_space<vmem>> -> memref<64x64xf32, #tpu.memory_space<vmem>>
      %dma_wait3A_107 = arith.constant 0 : i32
      %dma_wait3A_108 = tpu.memref_slice %arg7[%dma_wait3A_101, %dma_wait3A_107] : memref<4x64xi32, #tpu.memory_space<vmem>> -> memref<1x64xi32, #tpu.memory_space<vmem>>
      %dma_wait3A_109 = tpu.memref_squeeze %dma_wait3A_108 : memref<1x64xi32, #tpu.memory_space<vmem>> -> memref<64xi32, #tpu.memory_space<vmem>>
      %dma_wait3A_110 = arith.constant 0 : i32
      %dma_wait3A_111 = arith.constant 0 : i32
      %dma_wait3A_112 = tpu.memref_slice %arg11[%dma_wait3A_110, %dma_wait3A_111] : memref<10016x64xf32, #tpu.memory_space<vmem_shared>> -> memref<10016x64xf32, #tpu.memory_space<vmem_shared>>
      tpu.wait_indirect_dma semaphore(%arg13 : memref<!tpu.dma_semaphore, #tpu.memory_space<semaphore_mem>>) src(%dma_wait3A_112 : memref<10016x64xf32, #tpu.memory_space<vmem_shared>>) dst(%dma_wait3A_106 : memref<64x64xf32, #tpu.memory_space<vmem>>)
      %scan3A_113 = arith.constant 0 : i32
      %scan3A_114 = arith.constant 4 : i32
      %scan3A_115 = arith.addi %scan3A_113, %scan3A_114 : i32
      %scan3A_116 = arith.constant 1 : i32
      scf.for %scan3A_161 = %scan3A_113 to %scan3A_115 step %scan3A_116  : i32 {
        %mul3A_162 = arith.constant 16 : i32
        %mul3A_163 = arith.muli %scan3A_161, %mul3A_162 : i32
        %add3A = arith.constant 0 : i32
        %add3A_164 = arith.addi %add3A, %mul3A_163 : i32
        %get3A = arith.constant 317 : i32
        %get3A_165 = arith.index_cast %get3A : i32 to index
        %get3A_166 = arith.index_cast %add3A_164 : i32 to index
        %get3A_167 = tpu.vector_load %arg6[%get3A_165, %get3A_166] {strides = array<i32>} : memref<320x64xi32, #tpu.memory_space<vmem>>, vector<1x16xi32>,
        %get3A_168 = vector.shape_cast %get3A_167 : vector<1x16xi32> to vector<16xi32>
        %shift_right_arithmetic3A = arith.constant 16 : i32
        %shift_right_arithmetic3A_169 = vector.broadcast %shift_right_arithmetic3A : i32 to vector<16xi32>
        %shift_right_arithmetic3A_170 = arith.shrsi %get3A_168, %shift_right_arithmetic3A_169 : vector<16xi32>
        %swap3A = arith.index_cast %add3A_164 : i32 to index
        %swap3A_171 = tpu.vector_load %arg8[%swap3A] {strides = array<i32>} : memref<64xi32, #tpu.memory_space<vmem>>, vector<16xi32>,
        %swap3A_172 = vector.shape_cast %swap3A_171 : vector<16xi32> to vector<16xi32>
        %swap3A_173 = vector.shape_cast %shift_right_arithmetic3A_170 : vector<16xi32> to vector<16xi32>
        tpu.vector_store %arg8[%swap3A], %swap3A_173 {strides = array<i32>} : memref<64xi32, #tpu.memory_space<vmem>>, vector<16xi32>,
      }
      %scan3A_117 = arith.constant 4 : i32
      %run_scoped3A_118 = arith.constant 1 : i32
      "tpu.region"() ({
        %run_scoped3A_161 = tpu.sem_alloc : memref<!tpu.dma_semaphore, #tpu.memory_space<semaphore_mem>>
        %dma_start3A_162 = arith.constant 0 : i32
        %dma_start3A_163 = arith.constant 0 : i32
        %dma_start3A_164 = tpu.memref_slice %arg9[%run_scoped3A_118, %dma_start3A_162, %dma_start3A_163] : memref<4x64x64xf32, #tpu.memory_space<vmem>> -> memref<1x64x64xf32, #tpu.memory_space<vmem>>
        %dma_start3A_165 = tpu.memref_squeeze %dma_start3A_164 : memref<1x64x64xf32, #tpu.memory_space<vmem>> -> memref<64x64xf32, #tpu.memory_space<vmem>>
        %dma_start3A_166 = arith.constant 0 : i32
        %dma_start3A_167 = arith.constant 0 : i32
        %dma_start3A_168 = tpu.memref_slice %arg10[%dma_start3A_166, %dma_start3A_167] : memref<10112x64xf32, #tpu.memory_space<vmem_shared>> -> memref<10112x64xf32, #tpu.memory_space<vmem_shared>>
        tpu.enqueue_indirect_dma source(%dma_start3A_165 : memref<64x64xf32, #tpu.memory_space<vmem>>) target(%dma_start3A_168 : memref<10112x64xf32, #tpu.memory_space<vmem_shared>>) offsets(%arg8 : memref<64xi32, #tpu.memory_space<vmem>>) semaphore(%run_scoped3A_161 : memref<!tpu.dma_semaphore, #tpu.memory_space<semaphore_mem>>) {add = true}
        %dma_wait3A_169 = arith.constant 0 : i32
        %dma_wait3A_170 = arith.constant 0 : i32
        %dma_wait3A_171 = tpu.memref_slice %arg9[%run_scoped3A_118, %dma_wait3A_169, %dma_wait3A_170] : memref<4x64x64xf32, #tpu.memory_space<vmem>> -> memref<1x64x64xf32, #tpu.memory_space<vmem>>
        %dma_wait3A_172 = tpu.memref_squeeze %dma_wait3A_171 : memref<1x64x64xf32, #tpu.memory_space<vmem>> -> memref<64x64xf32, #tpu.memory_space<vmem>>
        %dma_wait3A_173 = arith.constant 0 : i32
        %dma_wait3A_174 = arith.constant 0 : i32
        %dma_wait3A_175 = tpu.memref_slice %arg10[%dma_wait3A_173, %dma_wait3A_174] : memref<10112x64xf32, #tpu.memory_space<vmem_shared>> -> memref<10112x64xf32, #tpu.memory_space<vmem_shared>>
        tpu.wait_indirect_dma semaphore(%run_scoped3A_161 : memref<!tpu.dma_semaphore, #tpu.memory_space<semaphore_mem>>) src(%dma_wait3A_172 : memref<64x64xf32, #tpu.memory_space<vmem>>) dst(%dma_wait3A_175 : memref<10112x64xf32, #tpu.memory_space<vmem_shared>>)
        tpu.yield
      }) : () -> ()
      %dma_wait3A_119 = arith.constant 2 : i32
      %dma_wait3A_120 = arith.constant 2 : i32
      %dma_wait3A_121 = arith.constant 0 : i32
      %dma_wait3A_122 = arith.constant 0 : i32
      %dma_wait3A_123 = tpu.memref_slice %arg9[%dma_wait3A_120, %dma_wait3A_121, %dma_wait3A_122] : memref<4x64x64xf32, #tpu.memory_space<vmem>> -> memref<1x64x64xf32, #tpu.memory_space<vmem>>
      %dma_wait3A_124 = tpu.memref_squeeze %dma_wait3A_123 : memref<1x64x64xf32, #tpu.memory_space<vmem>> -> memref<64x64xf32, #tpu.memory_space<vmem>>
      %dma_wait3A_125 = arith.constant 0 : i32
      %dma_wait3A_126 = tpu.memref_slice %arg7[%dma_wait3A_119, %dma_wait3A_125] : memref<4x64xi32, #tpu.memory_space<vmem>> -> memref<1x64xi32, #tpu.memory_space<vmem>>
      %dma_wait3A_127 = tpu.memref_squeeze %dma_wait3A_126 : memref<1x64xi32, #tpu.memory_space<vmem>> -> memref<64xi32, #tpu.memory_space<vmem>>
      %dma_wait3A_128 = arith.constant 0 : i32
      %dma_wait3A_129 = arith.constant 0 : i32
      %dma_wait3A_130 = tpu.memref_slice %arg11[%dma_wait3A_128, %dma_wait3A_129] : memref<10016x64xf32, #tpu.memory_space<vmem_shared>> -> memref<10016x64xf32, #tpu.memory_space<vmem_shared>>
      tpu.wait_indirect_dma semaphore(%arg14 : memref<!tpu.dma_semaphore, #tpu.memory_space<semaphore_mem>>) src(%dma_wait3A_130 : memref<10016x64xf32, #tpu.memory_space<vmem_shared>>) dst(%dma_wait3A_124 : memref<64x64xf32, #tpu.memory_space<vmem>>)
      %scan3A_131 = arith.constant 0 : i32
      %scan3A_132 = arith.constant 4 : i32
      %scan3A_133 = arith.addi %scan3A_131, %scan3A_132 : i32
      %scan3A_134 = arith.constant 1 : i32
      scf.for %scan3A_161 = %scan3A_131 to %scan3A_133 step %scan3A_134  : i32 {
        %mul3A_162 = arith.constant 16 : i32
        %mul3A_163 = arith.muli %scan3A_161, %mul3A_162 : i32
        %add3A = arith.constant 0 : i32
        %add3A_164 = arith.addi %add3A, %mul3A_163 : i32
        %get3A = arith.constant 318 : i32
        %get3A_165 = arith.index_cast %get3A : i32 to index
        %get3A_166 = arith.index_cast %add3A_164 : i32 to index
        %get3A_167 = tpu.vector_load %arg6[%get3A_165, %get3A_166] {strides = array<i32>} : memref<320x64xi32, #tpu.memory_space<vmem>>, vector<1x16xi32>,
        %get3A_168 = vector.shape_cast %get3A_167 : vector<1x16xi32> to vector<16xi32>
        %shift_right_arithmetic3A = arith.constant 16 : i32
        %shift_right_arithmetic3A_169 = vector.broadcast %shift_right_arithmetic3A : i32 to vector<16xi32>
        %shift_right_arithmetic3A_170 = arith.shrsi %get3A_168, %shift_right_arithmetic3A_169 : vector<16xi32>
        %swap3A = arith.index_cast %add3A_164 : i32 to index
        %swap3A_171 = tpu.vector_load %arg8[%swap3A] {strides = array<i32>} : memref<64xi32, #tpu.memory_space<vmem>>, vector<16xi32>,
        %swap3A_172 = vector.shape_cast %swap3A_171 : vector<16xi32> to vector<16xi32>
        %swap3A_173 = vector.shape_cast %shift_right_arithmetic3A_170 : vector<16xi32> to vector<16xi32>
        tpu.vector_store %arg8[%swap3A], %swap3A_173 {strides = array<i32>} : memref<64xi32, #tpu.memory_space<vmem>>, vector<16xi32>,
      }
      %scan3A_135 = arith.constant 4 : i32
      %run_scoped3A_136 = arith.constant 2 : i32
      "tpu.region"() ({
        %run_scoped3A_161 = tpu.sem_alloc : memref<!tpu.dma_semaphore, #tpu.memory_space<semaphore_mem>>
        %dma_start3A_162 = arith.constant 0 : i32
        %dma_start3A_163 = arith.constant 0 : i32
        %dma_start3A_164 = tpu.memref_slice %arg9[%run_scoped3A_136, %dma_start3A_162, %dma_start3A_163] : memref<4x64x64xf32, #tpu.memory_space<vmem>> -> memref<1x64x64xf32, #tpu.memory_space<vmem>>
        %dma_start3A_165 = tpu.memref_squeeze %dma_start3A_164 : memref<1x64x64xf32, #tpu.memory_space<vmem>> -> memref<64x64xf32, #tpu.memory_space<vmem>>
        %dma_start3A_166 = arith.constant 0 : i32
        %dma_start3A_167 = arith.constant 0 : i32
        %dma_start3A_168 = tpu.memref_slice %arg10[%dma_start3A_166, %dma_start3A_167] : memref<10112x64xf32, #tpu.memory_space<vmem_shared>> -> memref<10112x64xf32, #tpu.memory_space<vmem_shared>>
        tpu.enqueue_indirect_dma source(%dma_start3A_165 : memref<64x64xf32, #tpu.memory_space<vmem>>) target(%dma_start3A_168 : memref<10112x64xf32, #tpu.memory_space<vmem_shared>>) offsets(%arg8 : memref<64xi32, #tpu.memory_space<vmem>>) semaphore(%run_scoped3A_161 : memref<!tpu.dma_semaphore, #tpu.memory_space<semaphore_mem>>) {add = true}
        %dma_wait3A_169 = arith.constant 0 : i32
        %dma_wait3A_170 = arith.constant 0 : i32
        %dma_wait3A_171 = tpu.memref_slice %arg9[%run_scoped3A_136, %dma_wait3A_169, %dma_wait3A_170] : memref<4x64x64xf32, #tpu.memory_space<vmem>> -> memref<1x64x64xf32, #tpu.memory_space<vmem>>
        %dma_wait3A_172 = tpu.memref_squeeze %dma_wait3A_171 : memref<1x64x64xf32, #tpu.memory_space<vmem>> -> memref<64x64xf32, #tpu.memory_space<vmem>>
        %dma_wait3A_173 = arith.constant 0 : i32
        %dma_wait3A_174 = arith.constant 0 : i32
        %dma_wait3A_175 = tpu.memref_slice %arg10[%dma_wait3A_173, %dma_wait3A_174] : memref<10112x64xf32, #tpu.memory_space<vmem_shared>> -> memref<10112x64xf32, #tpu.memory_space<vmem_shared>>
        tpu.wait_indirect_dma semaphore(%run_scoped3A_161 : memref<!tpu.dma_semaphore, #tpu.memory_space<semaphore_mem>>) src(%dma_wait3A_172 : memref<64x64xf32, #tpu.memory_space<vmem>>) dst(%dma_wait3A_175 : memref<10112x64xf32, #tpu.memory_space<vmem_shared>>)
        tpu.yield
      }) : () -> ()
      %dma_wait3A_137 = arith.constant 3 : i32
      %dma_wait3A_138 = arith.constant 3 : i32
      %dma_wait3A_139 = arith.constant 0 : i32
      %dma_wait3A_140 = arith.constant 0 : i32
      %dma_wait3A_141 = tpu.memref_slice %arg9[%dma_wait3A_138, %dma_wait3A_139, %dma_wait3A_140] : memref<4x64x64xf32, #tpu.memory_space<vmem>> -> memref<1x64x64xf32, #tpu.memory_space<vmem>>
      %dma_wait3A_142 = tpu.memref_squeeze %dma_wait3A_141 : memref<1x64x64xf32, #tpu.memory_space<vmem>> -> memref<64x64xf32, #tpu.memory_space<vmem>>
      %dma_wait3A_143 = arith.constant 0 : i32
      %dma_wait3A_144 = tpu.memref_slice %arg7[%dma_wait3A_137, %dma_wait3A_143] : memref<4x64xi32, #tpu.memory_space<vmem>> -> memref<1x64xi32, #tpu.memory_space<vmem>>
      %dma_wait3A_145 = tpu.memref_squeeze %dma_wait3A_144 : memref<1x64xi32, #tpu.memory_space<vmem>> -> memref<64xi32, #tpu.memory_space<vmem>>
      %dma_wait3A_146 = arith.constant 0 : i32
      %dma_wait3A_147 = arith.constant 0 : i32
      %dma_wait3A_148 = tpu.memref_slice %arg11[%dma_wait3A_146, %dma_wait3A_147] : memref<10016x64xf32, #tpu.memory_space<vmem_shared>> -> memref<10016x64xf32, #tpu.memory_space<vmem_shared>>
      tpu.wait_indirect_dma semaphore(%arg15 : memref<!tpu.dma_semaphore, #tpu.memory_space<semaphore_mem>>) src(%dma_wait3A_148 : memref<10016x64xf32, #tpu.memory_space<vmem_shared>>) dst(%dma_wait3A_142 : memref<64x64xf32, #tpu.memory_space<vmem>>)
      %scan3A_149 = arith.constant 0 : i32
      %scan3A_150 = arith.constant 4 : i32
      %scan3A_151 = arith.addi %scan3A_149, %scan3A_150 : i32
      %scan3A_152 = arith.constant 1 : i32
      scf.for %scan3A_161 = %scan3A_149 to %scan3A_151 step %scan3A_152  : i32 {
        %mul3A_162 = arith.constant 16 : i32
        %mul3A_163 = arith.muli %scan3A_161, %mul3A_162 : i32
        %add3A = arith.constant 0 : i32
        %add3A_164 = arith.addi %add3A, %mul3A_163 : i32
        %get3A = arith.constant 319 : i32
        %get3A_165 = arith.index_cast %get3A : i32 to index
        %get3A_166 = arith.index_cast %add3A_164 : i32 to index
        %get3A_167 = tpu.vector_load %arg6[%get3A_165, %get3A_166] {strides = array<i32>} : memref<320x64xi32, #tpu.memory_space<vmem>>, vector<1x16xi32>,
        %get3A_168 = vector.shape_cast %get3A_167 : vector<1x16xi32> to vector<16xi32>
        %shift_right_arithmetic3A = arith.constant 16 : i32
        %shift_right_arithmetic3A_169 = vector.broadcast %shift_right_arithmetic3A : i32 to vector<16xi32>
        %shift_right_arithmetic3A_170 = arith.shrsi %get3A_168, %shift_right_arithmetic3A_169 : vector<16xi32>
        %swap3A = arith.index_cast %add3A_164 : i32 to index
        %swap3A_171 = tpu.vector_load %arg8[%swap3A] {strides = array<i32>} : memref<64xi32, #tpu.memory_space<vmem>>, vector<16xi32>,
        %swap3A_172 = vector.shape_cast %swap3A_171 : vector<16xi32> to vector<16xi32>
        %swap3A_173 = vector.shape_cast %shift_right_arithmetic3A_170 : vector<16xi32> to vector<16xi32>
        tpu.vector_store %arg8[%swap3A], %swap3A_173 {strides = array<i32>} : memref<64xi32, #tpu.memory_space<vmem>>, vector<16xi32>,
      }
      %scan3A_153 = arith.constant 4 : i32
      %run_scoped3A_154 = arith.constant 3 : i32
      "tpu.region"() ({
        %run_scoped3A_161 = tpu.sem_alloc : memref<!tpu.dma_semaphore, #tpu.memory_space<semaphore_mem>>
        %dma_start3A_162 = arith.constant 0 : i32
        %dma_start3A_163 = arith.constant 0 : i32
        %dma_start3A_164 = tpu.memref_slice %arg9[%run_scoped3A_154, %dma_start3A_162, %dma_start3A_163] : memref<4x64x64xf32, #tpu.memory_space<vmem>> -> memref<1x64x64xf32, #tpu.memory_space<vmem>>
        %dma_start3A_165 = tpu.memref_squeeze %dma_start3A_164 : memref<1x64x64xf32, #tpu.memory_space<vmem>> -> memref<64x64xf32, #tpu.memory_space<vmem>>
        %dma_start3A_166 = arith.constant 0 : i32
        %dma_start3A_167 = arith.constant 0 : i32
        %dma_start3A_168 = tpu.memref_slice %arg10[%dma_start3A_166, %dma_start3A_167] : memref<10112x64xf32, #tpu.memory_space<vmem_shared>> -> memref<10112x64xf32, #tpu.memory_space<vmem_shared>>
        tpu.enqueue_indirect_dma source(%dma_start3A_165 : memref<64x64xf32, #tpu.memory_space<vmem>>) target(%dma_start3A_168 : memref<10112x64xf32, #tpu.memory_space<vmem_shared>>) offsets(%arg8 : memref<64xi32, #tpu.memory_space<vmem>>) semaphore(%run_scoped3A_161 : memref<!tpu.dma_semaphore, #tpu.memory_space<semaphore_mem>>) {add = true}
        %dma_wait3A_169 = arith.constant 0 : i32
        %dma_wait3A_170 = arith.constant 0 : i32
        %dma_wait3A_171 = tpu.memref_slice %arg9[%run_scoped3A_154, %dma_wait3A_169, %dma_wait3A_170] : memref<4x64x64xf32, #tpu.memory_space<vmem>> -> memref<1x64x64xf32, #tpu.memory_space<vmem>>
        %dma_wait3A_172 = tpu.memref_squeeze %dma_wait3A_171 : memref<1x64x64xf32, #tpu.memory_space<vmem>> -> memref<64x64xf32, #tpu.memory_space<vmem>>
        %dma_wait3A_173 = arith.constant 0 : i32
        %dma_wait3A_174 = arith.constant 0 : i32
        %dma_wait3A_175 = tpu.memref_slice %arg10[%dma_wait3A_173, %dma_wait3A_174] : memref<10112x64xf32, #tpu.memory_space<vmem_shared>> -> memref<10112x64xf32, #tpu.memory_space<vmem_shared>>
        tpu.wait_indirect_dma semaphore(%run_scoped3A_161 : memref<!tpu.dma_semaphore, #tpu.memory_space<semaphore_mem>>) src(%dma_wait3A_172 : memref<64x64xf32, #tpu.memory_space<vmem>>) dst(%dma_wait3A_175 : memref<10112x64xf32, #tpu.memory_space<vmem_shared>>)
        tpu.yield
      }) : () -> ()
      %barrier3A_155 = arith.constant 0 : index
      tpu.barrier barrier_id(%barrier3A_155)
      %mul3A_156 = arith.constant 632 : i32
      %mul3A_157 = arith.muli %arg1, %mul3A_156 : i32
      %mul3A_158 = arith.constant 632 : i32
      %mul3A_159 = arith.muli %arg1, %mul3A_158 : i32
      %run_scoped3A_160 = arith.constant 1 : i32
      "tpu.region"() ({
        %run_scoped3A_161 = tpu.sem_alloc : memref<!tpu.dma_semaphore, #tpu.memory_space<semaphore_mem>>
        %dma_start3A_162 = arith.constant 0 : i32
        %dma_start3A_163 = tpu.memref_slice %arg5[%run_scoped3A_160, %mul3A_159, %dma_start3A_162] : memref<2x10112x64xf32, #tpu.memory_space<hbm>> -> memref<1x632x64xf32, #tpu.memory_space<hbm>>
        %dma_start3A_164 = tpu.memref_squeeze %dma_start3A_163 : memref<1x632x64xf32, #tpu.memory_space<hbm>> -> memref<632x64xf32, #tpu.memory_space<hbm>>
        %dma_start3A_165 = arith.constant 0 : i32
        %dma_start3A_166 = tpu.memref_slice %arg10[%mul3A_157, %dma_start3A_165] : memref<10112x64xf32, #tpu.memory_space<vmem_shared>> -> memref<632x64xf32, #tpu.memory_space<vmem_shared>>
        tpu.enqueue_dma source(%dma_start3A_166 : memref<632x64xf32, #tpu.memory_space<vmem_shared>>) target(%dma_start3A_164 : memref<632x64xf32, #tpu.memory_space<hbm>>) target_semaphore(%run_scoped3A_161 : memref<!tpu.dma_semaphore, #tpu.memory_space<semaphore_mem>>)
        %dma_wait3A_167 = arith.constant 0 : i32
        %dma_wait3A_168 = tpu.memref_slice %arg5[%run_scoped3A_160, %mul3A_159, %dma_wait3A_167] : memref<2x10112x64xf32, #tpu.memory_space<hbm>> -> memref<1x632x64xf32, #tpu.memory_space<hbm>>
        %dma_wait3A_169 = tpu.memref_squeeze %dma_wait3A_168 : memref<1x632x64xf32, #tpu.memory_space<hbm>> -> memref<632x64xf32, #tpu.memory_space<hbm>>
        %dma_wait3A_170 = arith.constant 0 : i32
        %dma_wait3A_171 = tpu.memref_slice %arg10[%mul3A_157, %dma_wait3A_170] : memref<10112x64xf32, #tpu.memory_space<vmem_shared>> -> memref<632x64xf32, #tpu.memory_space<vmem_shared>>
        tpu.wait_dma2 semaphore(%run_scoped3A_161 : memref<!tpu.dma_semaphore, #tpu.memory_space<semaphore_mem>>) src(%dma_wait3A_171 : memref<632x64xf32, #tpu.memory_space<vmem_shared>>) dst(%dma_wait3A_169 : memref<632x64xf32, #tpu.memory_space<hbm>>)
        tpu.yield
      }) : () -> ()
    } else {
    }
    return
  }
}

#map = affine_map<(d0, d1) -> (0, 0)>
#map1 = affine_map<(d0, d1) -> (0, 0, 0)>
module attributes {stable_mosaic.version = 14 : i64} {
  func.func @agg(%arg0: i32, %arg1: i32, %arg2: memref<10000x64xf32, #tpu.memory_space<hbm>>, %arg3: memref<5120x64xi32, #tpu.memory_space<hbm>>, %arg4: memref<632x64xf32, #tpu.memory_space<hbm>>, %arg5: memref<2x10112x64xf32, #tpu.memory_space<hbm>>, %arg6: memref<208x64xi32, #tpu.memory_space<vmem>>, %arg7: memref<4x64xi32, #tpu.memory_space<vmem>>, %arg8: memref<64xi32, #tpu.memory_space<vmem>>, %arg9: memref<4x64x64xf32, #tpu.memory_space<vmem>>, %arg10: memref<10112x64xf32, #tpu.memory_space<vmem_shared>>, %arg11: memref<10016x64xf32, #tpu.memory_space<vmem_shared>>, %arg12: memref<!tpu.dma_semaphore, #tpu.memory_space<semaphore_mem>>, %arg13: memref<!tpu.dma_semaphore, #tpu.memory_space<semaphore_mem>>, %arg14: memref<!tpu.dma_semaphore, #tpu.memory_space<semaphore_mem>>, %arg15: memref<!tpu.dma_semaphore, #tpu.memory_space<semaphore_mem>>) attributes {dimension_semantics = [#tpu.dimension_semantics<core_parallel>, #tpu.dimension_semantics<subcore_parallel>], iteration_bounds = array<i64: 2, 16>, scalar_prefetch = 0 : i64, scratch_operands = 10 : i64, tpu.core_type = #tpu.core_type<sc_vector_subcore>, window_params = [{transform_indices = #map}, {transform_indices = #map}, {transform_indices = #map}, {transform_indices = #map1}]} {
    %eq3A = arith.constant 0 : i32
    %eq3A_0 = arith.cmpi eq, %arg0, %eq3A : i32
    %convert_element_type3A = arith.extui %eq3A_0 : i1 to i32
    %cond3A = arith.constant 0 : i32
    %cond3A_1 = arith.cmpi ne, %convert_element_type3A, %cond3A : i32
    scf.if %cond3A_1 {
      %mul3A = arith.constant 208 : i32
      %mul3A_7 = arith.muli %arg1, %mul3A : i32
      %add3A = arith.constant 0 : i32
      %add3A_8 = arith.addi %add3A, %mul3A_7 : i32
      "tpu.region"() ({
        %run_scoped3A_160 = tpu.sem_alloc : memref<!tpu.dma_semaphore, #tpu.memory_space<semaphore_mem>>
        %dma_start3A_161 = arith.constant 0 : i32
        %dma_start3A_162 = arith.constant 0 : i32
        %dma_start3A_163 = tpu.memref_slice %arg6[%dma_start3A_161, %dma_start3A_162] : memref<208x64xi32, #tpu.memory_space<vmem>> -> memref<208x64xi32, #tpu.memory_space<vmem>>
        %dma_start3A_164 = arith.constant 0 : i32
        %dma_start3A_165 = tpu.memref_slice %arg3[%add3A_8, %dma_start3A_164] : memref<5120x64xi32, #tpu.memory_space<hbm>> -> memref<208x64xi32, #tpu.memory_space<hbm>>
        %dma_start3A_166 = arith.constant 0 : i32
        %dma_start3A_167 = arith.constant 0 : i32
        %dma_start3A_168 = tpu.memref_slice %arg6[%dma_start3A_166, %dma_start3A_167] : memref<208x64xi32, #tpu.memory_space<vmem>> -> memref<208x64xi32, #tpu.memory_space<vmem>>
        %dma_start3A_169 = arith.constant 0 : i32
        %dma_start3A_170 = tpu.memref_slice %arg3[%add3A_8, %dma_start3A_169] : memref<5120x64xi32, #tpu.memory_space<hbm>> -> memref<208x64xi32, #tpu.memory_space<hbm>>
        tpu.enqueue_dma source(%dma_start3A_170 : memref<208x64xi32, #tpu.memory_space<hbm>>) target(%dma_start3A_168 : memref<208x64xi32, #tpu.memory_space<vmem>>) target_semaphore(%run_scoped3A_160 : memref<!tpu.dma_semaphore, #tpu.memory_space<semaphore_mem>>)
        %dma_wait3A_171 = arith.constant 0 : i32
        %dma_wait3A_172 = arith.constant 0 : i32
        %dma_wait3A_173 = tpu.memref_slice %arg6[%dma_wait3A_171, %dma_wait3A_172] : memref<208x64xi32, #tpu.memory_space<vmem>> -> memref<208x64xi32, #tpu.memory_space<vmem>>
        %dma_wait3A_174 = arith.constant 0 : i32
        %dma_wait3A_175 = tpu.memref_slice %arg3[%add3A_8, %dma_wait3A_174] : memref<5120x64xi32, #tpu.memory_space<hbm>> -> memref<208x64xi32, #tpu.memory_space<hbm>>
        %dma_wait3A_176 = arith.constant 0 : i32
        %dma_wait3A_177 = arith.constant 0 : i32
        %dma_wait3A_178 = tpu.memref_slice %arg6[%dma_wait3A_176, %dma_wait3A_177] : memref<208x64xi32, #tpu.memory_space<vmem>> -> memref<208x64xi32, #tpu.memory_space<vmem>>
        %dma_wait3A_179 = arith.constant 0 : i32
        %dma_wait3A_180 = tpu.memref_slice %arg3[%add3A_8, %dma_wait3A_179] : memref<5120x64xi32, #tpu.memory_space<hbm>> -> memref<208x64xi32, #tpu.memory_space<hbm>>
        tpu.wait_dma2 semaphore(%run_scoped3A_160 : memref<!tpu.dma_semaphore, #tpu.memory_space<semaphore_mem>>) src(%dma_wait3A_180 : memref<208x64xi32, #tpu.memory_space<hbm>>) dst(%dma_wait3A_178 : memref<208x64xi32, #tpu.memory_space<vmem>>)
        tpu.yield
      }) : () -> ()
      %mul3A_9 = arith.constant 626 : i32
      %mul3A_10 = arith.muli %arg1, %mul3A_9 : i32
      %min3A = arith.constant 9374 : i32
      %min3A_11 = arith.minsi %mul3A_10, %min3A : i32
      "tpu.region"() ({
        %run_scoped3A_160 = tpu.sem_alloc : memref<!tpu.dma_semaphore, #tpu.memory_space<semaphore_mem>>
        %dma_start3A_161 = arith.constant 0 : i32
        %dma_start3A_162 = tpu.memref_slice %arg11[%min3A_11, %dma_start3A_161] : memref<10016x64xf32, #tpu.memory_space<vmem_shared>> -> memref<626x64xf32, #tpu.memory_space<vmem_shared>>
        %dma_start3A_163 = arith.constant 0 : i32
        %dma_start3A_164 = tpu.memref_slice %arg2[%min3A_11, %dma_start3A_163] : memref<10000x64xf32, #tpu.memory_space<hbm>> -> memref<626x64xf32, #tpu.memory_space<hbm>>
        tpu.enqueue_dma source(%dma_start3A_164 : memref<626x64xf32, #tpu.memory_space<hbm>>) target(%dma_start3A_162 : memref<626x64xf32, #tpu.memory_space<vmem_shared>>) target_semaphore(%run_scoped3A_160 : memref<!tpu.dma_semaphore, #tpu.memory_space<semaphore_mem>>)
        %dma_wait3A_165 = arith.constant 0 : i32
        %dma_wait3A_166 = tpu.memref_slice %arg11[%min3A_11, %dma_wait3A_165] : memref<10016x64xf32, #tpu.memory_space<vmem_shared>> -> memref<626x64xf32, #tpu.memory_space<vmem_shared>>
        %dma_wait3A_167 = arith.constant 0 : i32
        %dma_wait3A_168 = tpu.memref_slice %arg2[%min3A_11, %dma_wait3A_167] : memref<10000x64xf32, #tpu.memory_space<hbm>> -> memref<626x64xf32, #tpu.memory_space<hbm>>
        tpu.wait_dma2 semaphore(%run_scoped3A_160 : memref<!tpu.dma_semaphore, #tpu.memory_space<semaphore_mem>>) src(%dma_wait3A_168 : memref<626x64xf32, #tpu.memory_space<hbm>>) dst(%dma_wait3A_166 : memref<626x64xf32, #tpu.memory_space<vmem_shared>>)
        tpu.yield
      }) : () -> ()
      %mul3A_12 = arith.constant 632 : i32
      %mul3A_13 = arith.muli %arg1, %mul3A_12 : i32
      "tpu.region"() ({
        %run_scoped3A_160 = tpu.sem_alloc : memref<!tpu.dma_semaphore, #tpu.memory_space<semaphore_mem>>
        %dma_start3A_161 = arith.constant 0 : i32
        %dma_start3A_162 = tpu.memref_slice %arg10[%mul3A_13, %dma_start3A_161] : memref<10112x64xf32, #tpu.memory_space<vmem_shared>> -> memref<632x64xf32, #tpu.memory_space<vmem_shared>>
        tpu.enqueue_dma source(%arg4 : memref<632x64xf32, #tpu.memory_space<hbm>>) target(%dma_start3A_162 : memref<632x64xf32, #tpu.memory_space<vmem_shared>>) target_semaphore(%run_scoped3A_160 : memref<!tpu.dma_semaphore, #tpu.memory_space<semaphore_mem>>)
        %dma_wait3A_163 = arith.constant 0 : i32
        %dma_wait3A_164 = tpu.memref_slice %arg10[%mul3A_13, %dma_wait3A_163] : memref<10112x64xf32, #tpu.memory_space<vmem_shared>> -> memref<632x64xf32, #tpu.memory_space<vmem_shared>>
        tpu.wait_dma2 semaphore(%run_scoped3A_160 : memref<!tpu.dma_semaphore, #tpu.memory_space<semaphore_mem>>) src(%arg4 : memref<632x64xf32, #tpu.memory_space<hbm>>) dst(%dma_wait3A_164 : memref<632x64xf32, #tpu.memory_space<vmem_shared>>)
        tpu.yield
      }) : () -> ()
      %barrier3A = arith.constant 0 : index
      tpu.barrier barrier_id(%barrier3A)
      %scan3A = arith.constant 0 : i32
      %scan3A_14 = arith.constant 4 : i32
      %scan3A_15 = arith.addi %scan3A, %scan3A_14 : i32
      %scan3A_16 = arith.constant 1 : i32
      scf.for %scan3A_160 = %scan3A to %scan3A_15 step %scan3A_16  : i32 {
        %mul3A_161 = arith.constant 16 : i32
        %mul3A_162 = arith.muli %scan3A_160, %mul3A_161 : i32
        %add3A_163 = arith.constant 0 : i32
        %add3A_164 = arith.addi %add3A_163, %mul3A_162 : i32
        %get3A = arith.constant 0 : i32
        %get3A_165 = arith.index_cast %get3A : i32 to index
        %get3A_166 = arith.index_cast %add3A_164 : i32 to index
        %get3A_167 = tpu.vector_load %arg6[%get3A_165, %get3A_166] {strides = array<i32>} : memref<208x64xi32, #tpu.memory_space<vmem>>, vector<1x16xi32>,
        %get3A_168 = vector.shape_cast %get3A_167 : vector<1x16xi32> to vector<16xi32>
        %and3A = arith.constant 65535 : i32
        %and3A_169 = vector.broadcast %and3A : i32 to vector<16xi32>
        %and3A_170 = arith.andi %get3A_168, %and3A_169 : vector<16xi32>
        %swap3A = arith.constant 0 : i32
        %swap3A_171 = arith.index_cast %swap3A : i32 to index
        %swap3A_172 = arith.index_cast %add3A_164 : i32 to index
        %swap3A_173 = tpu.vector_load %arg7[%swap3A_171, %swap3A_172] {strides = array<i32>} : memref<4x64xi32, #tpu.memory_space<vmem>>, vector<1x16xi32>,
        %swap3A_174 = vector.shape_cast %swap3A_173 : vector<1x16xi32> to vector<16xi32>
        %swap3A_175 = vector.shape_cast %and3A_170 : vector<16xi32> to vector<1x16xi32>
        tpu.vector_store %arg7[%swap3A_171, %swap3A_172], %swap3A_175 {strides = array<i32>} : memref<4x64xi32, #tpu.memory_space<vmem>>, vector<1x16xi32>,
      }
      %scan3A_17 = arith.constant 4 : i32
      %dma_start3A = arith.constant 0 : i32
      %dma_start3A_18 = arith.constant 0 : i32
      %dma_start3A_19 = arith.constant 0 : i32
      %dma_start3A_20 = arith.constant 0 : i32
      %dma_start3A_21 = tpu.memref_slice %arg9[%dma_start3A_18, %dma_start3A_19, %dma_start3A_20] : memref<4x64x64xf32, #tpu.memory_space<vmem>> -> memref<1x64x64xf32, #tpu.memory_space<vmem>>
      %dma_start3A_22 = tpu.memref_squeeze %dma_start3A_21 : memref<1x64x64xf32, #tpu.memory_space<vmem>> -> memref<64x64xf32, #tpu.memory_space<vmem>>
      %dma_start3A_23 = arith.constant 0 : i32
      %dma_start3A_24 = tpu.memref_slice %arg7[%dma_start3A, %dma_start3A_23] : memref<4x64xi32, #tpu.memory_space<vmem>> -> memref<1x64xi32, #tpu.memory_space<vmem>>
      %dma_start3A_25 = tpu.memref_squeeze %dma_start3A_24 : memref<1x64xi32, #tpu.memory_space<vmem>> -> memref<64xi32, #tpu.memory_space<vmem>>
      %dma_start3A_26 = arith.constant 0 : i32
      %dma_start3A_27 = arith.constant 0 : i32
      %dma_start3A_28 = tpu.memref_slice %arg11[%dma_start3A_26, %dma_start3A_27] : memref<10016x64xf32, #tpu.memory_space<vmem_shared>> -> memref<10016x64xf32, #tpu.memory_space<vmem_shared>>
      tpu.enqueue_indirect_dma source(%dma_start3A_28 : memref<10016x64xf32, #tpu.memory_space<vmem_shared>>) target(%dma_start3A_22 : memref<64x64xf32, #tpu.memory_space<vmem>>) offsets(%dma_start3A_25 : memref<64xi32, #tpu.memory_space<vmem>>) semaphore(%arg12 : memref<!tpu.dma_semaphore, #tpu.memory_space<semaphore_mem>>)
      %scan3A_29 = arith.constant 0 : i32
      %scan3A_30 = arith.constant 4 : i32
      %scan3A_31 = arith.addi %scan3A_29, %scan3A_30 : i32
      %scan3A_32 = arith.constant 1 : i32
      scf.for %scan3A_160 = %scan3A_29 to %scan3A_31 step %scan3A_32  : i32 {
        %mul3A_161 = arith.constant 16 : i32
        %mul3A_162 = arith.muli %scan3A_160, %mul3A_161 : i32
        %add3A_163 = arith.constant 0 : i32
        %add3A_164 = arith.addi %add3A_163, %mul3A_162 : i32
        %get3A = arith.constant 1 : i32
        %get3A_165 = arith.index_cast %get3A : i32 to index
        %get3A_166 = arith.index_cast %add3A_164 : i32 to index
        %get3A_167 = tpu.vector_load %arg6[%get3A_165, %get3A_166] {strides = array<i32>} : memref<208x64xi32, #tpu.memory_space<vmem>>, vector<1x16xi32>,
        %get3A_168 = vector.shape_cast %get3A_167 : vector<1x16xi32> to vector<16xi32>
        %and3A = arith.constant 65535 : i32
        %and3A_169 = vector.broadcast %and3A : i32 to vector<16xi32>
        %and3A_170 = arith.andi %get3A_168, %and3A_169 : vector<16xi32>
        %swap3A = arith.constant 1 : i32
        %swap3A_171 = arith.index_cast %swap3A : i32 to index
        %swap3A_172 = arith.index_cast %add3A_164 : i32 to index
        %swap3A_173 = tpu.vector_load %arg7[%swap3A_171, %swap3A_172] {strides = array<i32>} : memref<4x64xi32, #tpu.memory_space<vmem>>, vector<1x16xi32>,
        %swap3A_174 = vector.shape_cast %swap3A_173 : vector<1x16xi32> to vector<16xi32>
        %swap3A_175 = vector.shape_cast %and3A_170 : vector<16xi32> to vector<1x16xi32>
        tpu.vector_store %arg7[%swap3A_171, %swap3A_172], %swap3A_175 {strides = array<i32>} : memref<4x64xi32, #tpu.memory_space<vmem>>, vector<1x16xi32>,
      }
      %scan3A_33 = arith.constant 4 : i32
      %dma_start3A_34 = arith.constant 1 : i32
      %dma_start3A_35 = arith.constant 1 : i32
      %dma_start3A_36 = arith.constant 0 : i32
      %dma_start3A_37 = arith.constant 0 : i32
      %dma_start3A_38 = tpu.memref_slice %arg9[%dma_start3A_35, %dma_start3A_36, %dma_start3A_37] : memref<4x64x64xf32, #tpu.memory_space<vmem>> -> memref<1x64x64xf32, #tpu.memory_space<vmem>>
      %dma_start3A_39 = tpu.memref_squeeze %dma_start3A_38 : memref<1x64x64xf32, #tpu.memory_space<vmem>> -> memref<64x64xf32, #tpu.memory_space<vmem>>
      %dma_start3A_40 = arith.constant 0 : i32
      %dma_start3A_41 = tpu.memref_slice %arg7[%dma_start3A_34, %dma_start3A_40] : memref<4x64xi32, #tpu.memory_space<vmem>> -> memref<1x64xi32, #tpu.memory_space<vmem>>
      %dma_start3A_42 = tpu.memref_squeeze %dma_start3A_41 : memref<1x64xi32, #tpu.memory_space<vmem>> -> memref<64xi32, #tpu.memory_space<vmem>>
      %dma_start3A_43 = arith.constant 0 : i32
      %dma_start3A_44 = arith.constant 0 : i32
      %dma_start3A_45 = tpu.memref_slice %arg11[%dma_start3A_43, %dma_start3A_44] : memref<10016x64xf32, #tpu.memory_space<vmem_shared>> -> memref<10016x64xf32, #tpu.memory_space<vmem_shared>>
      tpu.enqueue_indirect_dma source(%dma_start3A_45 : memref<10016x64xf32, #tpu.memory_space<vmem_shared>>) target(%dma_start3A_39 : memref<64x64xf32, #tpu.memory_space<vmem>>) offsets(%dma_start3A_42 : memref<64xi32, #tpu.memory_space<vmem>>) semaphore(%arg13 : memref<!tpu.dma_semaphore, #tpu.memory_space<semaphore_mem>>)
      %scan3A_46 = arith.constant 0 : i32
      %scan3A_47 = arith.constant 4 : i32
      %scan3A_48 = arith.addi %scan3A_46, %scan3A_47 : i32
      %scan3A_49 = arith.constant 1 : i32
      scf.for %scan3A_160 = %scan3A_46 to %scan3A_48 step %scan3A_49  : i32 {
        %mul3A_161 = arith.constant 16 : i32
        %mul3A_162 = arith.muli %scan3A_160, %mul3A_161 : i32
        %add3A_163 = arith.constant 0 : i32
        %add3A_164 = arith.addi %add3A_163, %mul3A_162 : i32
        %get3A = arith.constant 2 : i32
        %get3A_165 = arith.index_cast %get3A : i32 to index
        %get3A_166 = arith.index_cast %add3A_164 : i32 to index
        %get3A_167 = tpu.vector_load %arg6[%get3A_165, %get3A_166] {strides = array<i32>} : memref<208x64xi32, #tpu.memory_space<vmem>>, vector<1x16xi32>,
        %get3A_168 = vector.shape_cast %get3A_167 : vector<1x16xi32> to vector<16xi32>
        %and3A = arith.constant 65535 : i32
        %and3A_169 = vector.broadcast %and3A : i32 to vector<16xi32>
        %and3A_170 = arith.andi %get3A_168, %and3A_169 : vector<16xi32>
        %swap3A = arith.constant 2 : i32
        %swap3A_171 = arith.index_cast %swap3A : i32 to index
        %swap3A_172 = arith.index_cast %add3A_164 : i32 to index
        %swap3A_173 = tpu.vector_load %arg7[%swap3A_171, %swap3A_172] {strides = array<i32>} : memref<4x64xi32, #tpu.memory_space<vmem>>, vector<1x16xi32>,
        %swap3A_174 = vector.shape_cast %swap3A_173 : vector<1x16xi32> to vector<16xi32>
        %swap3A_175 = vector.shape_cast %and3A_170 : vector<16xi32> to vector<1x16xi32>
        tpu.vector_store %arg7[%swap3A_171, %swap3A_172], %swap3A_175 {strides = array<i32>} : memref<4x64xi32, #tpu.memory_space<vmem>>, vector<1x16xi32>,
      }
      %scan3A_50 = arith.constant 4 : i32
      %dma_start3A_51 = arith.constant 2 : i32
      %dma_start3A_52 = arith.constant 2 : i32
      %dma_start3A_53 = arith.constant 0 : i32
      %dma_start3A_54 = arith.constant 0 : i32
      %dma_start3A_55 = tpu.memref_slice %arg9[%dma_start3A_52, %dma_start3A_53, %dma_start3A_54] : memref<4x64x64xf32, #tpu.memory_space<vmem>> -> memref<1x64x64xf32, #tpu.memory_space<vmem>>
      %dma_start3A_56 = tpu.memref_squeeze %dma_start3A_55 : memref<1x64x64xf32, #tpu.memory_space<vmem>> -> memref<64x64xf32, #tpu.memory_space<vmem>>
      %dma_start3A_57 = arith.constant 0 : i32
      %dma_start3A_58 = tpu.memref_slice %arg7[%dma_start3A_51, %dma_start3A_57] : memref<4x64xi32, #tpu.memory_space<vmem>> -> memref<1x64xi32, #tpu.memory_space<vmem>>
      %dma_start3A_59 = tpu.memref_squeeze %dma_start3A_58 : memref<1x64xi32, #tpu.memory_space<vmem>> -> memref<64xi32, #tpu.memory_space<vmem>>
      %dma_start3A_60 = arith.constant 0 : i32
      %dma_start3A_61 = arith.constant 0 : i32
      %dma_start3A_62 = tpu.memref_slice %arg11[%dma_start3A_60, %dma_start3A_61] : memref<10016x64xf32, #tpu.memory_space<vmem_shared>> -> memref<10016x64xf32, #tpu.memory_space<vmem_shared>>
      tpu.enqueue_indirect_dma source(%dma_start3A_62 : memref<10016x64xf32, #tpu.memory_space<vmem_shared>>) target(%dma_start3A_56 : memref<64x64xf32, #tpu.memory_space<vmem>>) offsets(%dma_start3A_59 : memref<64xi32, #tpu.memory_space<vmem>>) semaphore(%arg14 : memref<!tpu.dma_semaphore, #tpu.memory_space<semaphore_mem>>)
      %scan3A_63 = arith.constant 0 : i32
      %scan3A_64 = arith.constant 4 : i32
      %scan3A_65 = arith.addi %scan3A_63, %scan3A_64 : i32
      %scan3A_66 = arith.constant 1 : i32
      scf.for %scan3A_160 = %scan3A_63 to %scan3A_65 step %scan3A_66  : i32 {
        %mul3A_161 = arith.constant 16 : i32
        %mul3A_162 = arith.muli %scan3A_160, %mul3A_161 : i32
        %add3A_163 = arith.constant 0 : i32
        %add3A_164 = arith.addi %add3A_163, %mul3A_162 : i32
        %get3A = arith.constant 3 : i32
        %get3A_165 = arith.index_cast %get3A : i32 to index
        %get3A_166 = arith.index_cast %add3A_164 : i32 to index
        %get3A_167 = tpu.vector_load %arg6[%get3A_165, %get3A_166] {strides = array<i32>} : memref<208x64xi32, #tpu.memory_space<vmem>>, vector<1x16xi32>,
        %get3A_168 = vector.shape_cast %get3A_167 : vector<1x16xi32> to vector<16xi32>
        %and3A = arith.constant 65535 : i32
        %and3A_169 = vector.broadcast %and3A : i32 to vector<16xi32>
        %and3A_170 = arith.andi %get3A_168, %and3A_169 : vector<16xi32>
        %swap3A = arith.constant 3 : i32
        %swap3A_171 = arith.index_cast %swap3A : i32 to index
        %swap3A_172 = arith.index_cast %add3A_164 : i32 to index
        %swap3A_173 = tpu.vector_load %arg7[%swap3A_171, %swap3A_172] {strides = array<i32>} : memref<4x64xi32, #tpu.memory_space<vmem>>, vector<1x16xi32>,
        %swap3A_174 = vector.shape_cast %swap3A_173 : vector<1x16xi32> to vector<16xi32>
        %swap3A_175 = vector.shape_cast %and3A_170 : vector<16xi32> to vector<1x16xi32>
        tpu.vector_store %arg7[%swap3A_171, %swap3A_172], %swap3A_175 {strides = array<i32>} : memref<4x64xi32, #tpu.memory_space<vmem>>, vector<1x16xi32>,
      }
      %scan3A_67 = arith.constant 4 : i32
      %dma_start3A_68 = arith.constant 3 : i32
      %dma_start3A_69 = arith.constant 3 : i32
      %dma_start3A_70 = arith.constant 0 : i32
      %dma_start3A_71 = arith.constant 0 : i32
      %dma_start3A_72 = tpu.memref_slice %arg9[%dma_start3A_69, %dma_start3A_70, %dma_start3A_71] : memref<4x64x64xf32, #tpu.memory_space<vmem>> -> memref<1x64x64xf32, #tpu.memory_space<vmem>>
      %dma_start3A_73 = tpu.memref_squeeze %dma_start3A_72 : memref<1x64x64xf32, #tpu.memory_space<vmem>> -> memref<64x64xf32, #tpu.memory_space<vmem>>
      %dma_start3A_74 = arith.constant 0 : i32
      %dma_start3A_75 = tpu.memref_slice %arg7[%dma_start3A_68, %dma_start3A_74] : memref<4x64xi32, #tpu.memory_space<vmem>> -> memref<1x64xi32, #tpu.memory_space<vmem>>
      %dma_start3A_76 = tpu.memref_squeeze %dma_start3A_75 : memref<1x64xi32, #tpu.memory_space<vmem>> -> memref<64xi32, #tpu.memory_space<vmem>>
      %dma_start3A_77 = arith.constant 0 : i32
      %dma_start3A_78 = arith.constant 0 : i32
      %dma_start3A_79 = tpu.memref_slice %arg11[%dma_start3A_77, %dma_start3A_78] : memref<10016x64xf32, #tpu.memory_space<vmem_shared>> -> memref<10016x64xf32, #tpu.memory_space<vmem_shared>>
      tpu.enqueue_indirect_dma source(%dma_start3A_79 : memref<10016x64xf32, #tpu.memory_space<vmem_shared>>) target(%dma_start3A_73 : memref<64x64xf32, #tpu.memory_space<vmem>>) offsets(%dma_start3A_76 : memref<64xi32, #tpu.memory_space<vmem>>) semaphore(%arg15 : memref<!tpu.dma_semaphore, #tpu.memory_space<semaphore_mem>>)
      %scan3A_80 = arith.constant 0 : i32
      %scan3A_81 = arith.constant 51 : i32
      %scan3A_82 = arith.addi %scan3A_80, %scan3A_81 : i32
      %scan3A_83 = arith.constant 1 : i32
      scf.for %scan3A_160 = %scan3A_80 to %scan3A_82 step %scan3A_83  : i32 {
        %mul3A_161 = arith.constant 4 : i32
        %mul3A_162 = arith.muli %scan3A_160, %mul3A_161 : i32
        %add3A_163 = arith.constant 0 : i32
        %add3A_164 = arith.addi %add3A_163, %mul3A_162 : i32
        %dma_wait3A_165 = arith.constant 0 : i32
        %dma_wait3A_166 = arith.constant 0 : i32
        %dma_wait3A_167 = arith.constant 0 : i32
        %dma_wait3A_168 = arith.constant 0 : i32
        %dma_wait3A_169 = tpu.memref_slice %arg9[%dma_wait3A_166, %dma_wait3A_167, %dma_wait3A_168] : memref<4x64x64xf32, #tpu.memory_space<vmem>> -> memref<1x64x64xf32, #tpu.memory_space<vmem>>
        %dma_wait3A_170 = tpu.memref_squeeze %dma_wait3A_169 : memref<1x64x64xf32, #tpu.memory_space<vmem>> -> memref<64x64xf32, #tpu.memory_space<vmem>>
        %dma_wait3A_171 = arith.constant 0 : i32
        %dma_wait3A_172 = tpu.memref_slice %arg7[%dma_wait3A_165, %dma_wait3A_171] : memref<4x64xi32, #tpu.memory_space<vmem>> -> memref<1x64xi32, #tpu.memory_space<vmem>>
        %dma_wait3A_173 = tpu.memref_squeeze %dma_wait3A_172 : memref<1x64xi32, #tpu.memory_space<vmem>> -> memref<64xi32, #tpu.memory_space<vmem>>
        %dma_wait3A_174 = arith.constant 0 : i32
        %dma_wait3A_175 = arith.constant 0 : i32
        %dma_wait3A_176 = tpu.memref_slice %arg11[%dma_wait3A_174, %dma_wait3A_175] : memref<10016x64xf32, #tpu.memory_space<vmem_shared>> -> memref<10016x64xf32, #tpu.memory_space<vmem_shared>>
        tpu.wait_indirect_dma semaphore(%arg12 : memref<!tpu.dma_semaphore, #tpu.memory_space<semaphore_mem>>) src(%dma_wait3A_176 : memref<10016x64xf32, #tpu.memory_space<vmem_shared>>) dst(%dma_wait3A_170 : memref<64x64xf32, #tpu.memory_space<vmem>>)
        %add3A_177 = arith.constant 0 : i32
        %add3A_178 = arith.addi %add3A_164, %add3A_177 : i32
        %scan3A_179 = arith.constant 0 : i32
        %scan3A_180 = arith.constant 4 : i32
        %scan3A_181 = arith.addi %scan3A_179, %scan3A_180 : i32
        %scan3A_182 = arith.constant 1 : i32
        scf.for %scan3A_329 = %scan3A_179 to %scan3A_181 step %scan3A_182  : i32 {
          %mul3A_330 = arith.constant 16 : i32
          %mul3A_331 = arith.muli %scan3A_329, %mul3A_330 : i32
          %add3A_332 = arith.constant 0 : i32
          %add3A_333 = arith.addi %add3A_332, %mul3A_331 : i32
          %get3A = arith.index_cast %add3A_178 : i32 to index
          %get3A_334 = arith.index_cast %add3A_333 : i32 to index
          %get3A_335 = tpu.vector_load %arg6[%get3A, %get3A_334] {strides = array<i32>} : memref<208x64xi32, #tpu.memory_space<vmem>>, vector<1x16xi32>,
          %get3A_336 = vector.shape_cast %get3A_335 : vector<1x16xi32> to vector<16xi32>
          %shift_right_arithmetic3A = arith.constant 16 : i32
          %shift_right_arithmetic3A_337 = vector.broadcast %shift_right_arithmetic3A : i32 to vector<16xi32>
          %shift_right_arithmetic3A_338 = arith.shrsi %get3A_336, %shift_right_arithmetic3A_337 : vector<16xi32>
          %swap3A = arith.index_cast %add3A_333 : i32 to index
          %swap3A_339 = tpu.vector_load %arg8[%swap3A] {strides = array<i32>} : memref<64xi32, #tpu.memory_space<vmem>>, vector<16xi32>,
          %swap3A_340 = vector.shape_cast %swap3A_339 : vector<16xi32> to vector<16xi32>
          %swap3A_341 = vector.shape_cast %shift_right_arithmetic3A_338 : vector<16xi32> to vector<16xi32>
          tpu.vector_store %arg8[%swap3A], %swap3A_341 {strides = array<i32>} : memref<64xi32, #tpu.memory_space<vmem>>, vector<16xi32>,
        }
        %scan3A_183 = arith.constant 4 : i32
        %run_scoped3A_184 = arith.constant 0 : i32
        "tpu.region"() ({
          %run_scoped3A_329 = tpu.sem_alloc : memref<!tpu.dma_semaphore, #tpu.memory_space<semaphore_mem>>
          %dma_start3A_330 = arith.constant 0 : i32
          %dma_start3A_331 = arith.constant 0 : i32
          %dma_start3A_332 = tpu.memref_slice %arg9[%run_scoped3A_184, %dma_start3A_330, %dma_start3A_331] : memref<4x64x64xf32, #tpu.memory_space<vmem>> -> memref<1x64x64xf32, #tpu.memory_space<vmem>>
          %dma_start3A_333 = tpu.memref_squeeze %dma_start3A_332 : memref<1x64x64xf32, #tpu.memory_space<vmem>> -> memref<64x64xf32, #tpu.memory_space<vmem>>
          %dma_start3A_334 = arith.constant 0 : i32
          %dma_start3A_335 = arith.constant 0 : i32
          %dma_start3A_336 = tpu.memref_slice %arg10[%dma_start3A_334, %dma_start3A_335] : memref<10112x64xf32, #tpu.memory_space<vmem_shared>> -> memref<10112x64xf32, #tpu.memory_space<vmem_shared>>
          tpu.enqueue_indirect_dma source(%dma_start3A_333 : memref<64x64xf32, #tpu.memory_space<vmem>>) target(%dma_start3A_336 : memref<10112x64xf32, #tpu.memory_space<vmem_shared>>) offsets(%arg8 : memref<64xi32, #tpu.memory_space<vmem>>) semaphore(%run_scoped3A_329 : memref<!tpu.dma_semaphore, #tpu.memory_space<semaphore_mem>>) {add = true}
          %dma_wait3A_337 = arith.constant 0 : i32
          %dma_wait3A_338 = arith.constant 0 : i32
          %dma_wait3A_339 = tpu.memref_slice %arg9[%run_scoped3A_184, %dma_wait3A_337, %dma_wait3A_338] : memref<4x64x64xf32, #tpu.memory_space<vmem>> -> memref<1x64x64xf32, #tpu.memory_space<vmem>>
          %dma_wait3A_340 = tpu.memref_squeeze %dma_wait3A_339 : memref<1x64x64xf32, #tpu.memory_space<vmem>> -> memref<64x64xf32, #tpu.memory_space<vmem>>
          %dma_wait3A_341 = arith.constant 0 : i32
          %dma_wait3A_342 = arith.constant 0 : i32
          %dma_wait3A_343 = tpu.memref_slice %arg10[%dma_wait3A_341, %dma_wait3A_342] : memref<10112x64xf32, #tpu.memory_space<vmem_shared>> -> memref<10112x64xf32, #tpu.memory_space<vmem_shared>>
          tpu.wait_indirect_dma semaphore(%run_scoped3A_329 : memref<!tpu.dma_semaphore, #tpu.memory_space<semaphore_mem>>) src(%dma_wait3A_340 : memref<64x64xf32, #tpu.memory_space<vmem>>) dst(%dma_wait3A_343 : memref<10112x64xf32, #tpu.memory_space<vmem_shared>>)
          tpu.yield
        }) : () -> ()
        %add3A_185 = arith.constant 0 : i32
        %add3A_186 = arith.addi %add3A_164, %add3A_185 : i32
        %add3A_187 = arith.constant 4 : i32
        %add3A_188 = arith.addi %add3A_186, %add3A_187 : i32
        %scan3A_189 = arith.constant 0 : i32
        %scan3A_190 = arith.constant 4 : i32
        %scan3A_191 = arith.addi %scan3A_189, %scan3A_190 : i32
        %scan3A_192 = arith.constant 1 : i32
        scf.for %scan3A_329 = %scan3A_189 to %scan3A_191 step %scan3A_192  : i32 {
          %mul3A_330 = arith.constant 16 : i32
          %mul3A_331 = arith.muli %scan3A_329, %mul3A_330 : i32
          %add3A_332 = arith.constant 0 : i32
          %add3A_333 = arith.addi %add3A_332, %mul3A_331 : i32
          %get3A = arith.index_cast %add3A_188 : i32 to index
          %get3A_334 = arith.index_cast %add3A_333 : i32 to index
          %get3A_335 = tpu.vector_load %arg6[%get3A, %get3A_334] {strides = array<i32>} : memref<208x64xi32, #tpu.memory_space<vmem>>, vector<1x16xi32>,
          %get3A_336 = vector.shape_cast %get3A_335 : vector<1x16xi32> to vector<16xi32>
          %and3A = arith.constant 65535 : i32
          %and3A_337 = vector.broadcast %and3A : i32 to vector<16xi32>
          %and3A_338 = arith.andi %get3A_336, %and3A_337 : vector<16xi32>
          %swap3A = arith.constant 0 : i32
          %swap3A_339 = arith.index_cast %swap3A : i32 to index
          %swap3A_340 = arith.index_cast %add3A_333 : i32 to index
          %swap3A_341 = tpu.vector_load %arg7[%swap3A_339, %swap3A_340] {strides = array<i32>} : memref<4x64xi32, #tpu.memory_space<vmem>>, vector<1x16xi32>,
          %swap3A_342 = vector.shape_cast %swap3A_341 : vector<1x16xi32> to vector<16xi32>
          %swap3A_343 = vector.shape_cast %and3A_338 : vector<16xi32> to vector<1x16xi32>
          tpu.vector_store %arg7[%swap3A_339, %swap3A_340], %swap3A_343 {strides = array<i32>} : memref<4x64xi32, #tpu.memory_space<vmem>>, vector<1x16xi32>,
        }
        %scan3A_193 = arith.constant 4 : i32
        %dma_start3A_194 = arith.constant 0 : i32
        %dma_start3A_195 = arith.constant 0 : i32
        %dma_start3A_196 = arith.constant 0 : i32
        %dma_start3A_197 = arith.constant 0 : i32
        %dma_start3A_198 = tpu.memref_slice %arg9[%dma_start3A_195, %dma_start3A_196, %dma_start3A_197] : memref<4x64x64xf32, #tpu.memory_space<vmem>> -> memref<1x64x64xf32, #tpu.memory_space<vmem>>
        %dma_start3A_199 = tpu.memref_squeeze %dma_start3A_198 : memref<1x64x64xf32, #tpu.memory_space<vmem>> -> memref<64x64xf32, #tpu.memory_space<vmem>>
        %dma_start3A_200 = arith.constant 0 : i32
        %dma_start3A_201 = tpu.memref_slice %arg7[%dma_start3A_194, %dma_start3A_200] : memref<4x64xi32, #tpu.memory_space<vmem>> -> memref<1x64xi32, #tpu.memory_space<vmem>>
        %dma_start3A_202 = tpu.memref_squeeze %dma_start3A_201 : memref<1x64xi32, #tpu.memory_space<vmem>> -> memref<64xi32, #tpu.memory_space<vmem>>
        %dma_start3A_203 = arith.constant 0 : i32
        %dma_start3A_204 = arith.constant 0 : i32
        %dma_start3A_205 = tpu.memref_slice %arg11[%dma_start3A_203, %dma_start3A_204] : memref<10016x64xf32, #tpu.memory_space<vmem_shared>> -> memref<10016x64xf32, #tpu.memory_space<vmem_shared>>
        tpu.enqueue_indirect_dma source(%dma_start3A_205 : memref<10016x64xf32, #tpu.memory_space<vmem_shared>>) target(%dma_start3A_199 : memref<64x64xf32, #tpu.memory_space<vmem>>) offsets(%dma_start3A_202 : memref<64xi32, #tpu.memory_space<vmem>>) semaphore(%arg12 : memref<!tpu.dma_semaphore, #tpu.memory_space<semaphore_mem>>)
        %dma_wait3A_206 = arith.constant 1 : i32
        %dma_wait3A_207 = arith.constant 1 : i32
        %dma_wait3A_208 = arith.constant 0 : i32
        %dma_wait3A_209 = arith.constant 0 : i32
        %dma_wait3A_210 = tpu.memref_slice %arg9[%dma_wait3A_207, %dma_wait3A_208, %dma_wait3A_209] : memref<4x64x64xf32, #tpu.memory_space<vmem>> -> memref<1x64x64xf32, #tpu.memory_space<vmem>>
        %dma_wait3A_211 = tpu.memref_squeeze %dma_wait3A_210 : memref<1x64x64xf32, #tpu.memory_space<vmem>> -> memref<64x64xf32, #tpu.memory_space<vmem>>
        %dma_wait3A_212 = arith.constant 0 : i32
        %dma_wait3A_213 = tpu.memref_slice %arg7[%dma_wait3A_206, %dma_wait3A_212] : memref<4x64xi32, #tpu.memory_space<vmem>> -> memref<1x64xi32, #tpu.memory_space<vmem>>
        %dma_wait3A_214 = tpu.memref_squeeze %dma_wait3A_213 : memref<1x64xi32, #tpu.memory_space<vmem>> -> memref<64xi32, #tpu.memory_space<vmem>>
        %dma_wait3A_215 = arith.constant 0 : i32
        %dma_wait3A_216 = arith.constant 0 : i32
        %dma_wait3A_217 = tpu.memref_slice %arg11[%dma_wait3A_215, %dma_wait3A_216] : memref<10016x64xf32, #tpu.memory_space<vmem_shared>> -> memref<10016x64xf32, #tpu.memory_space<vmem_shared>>
        tpu.wait_indirect_dma semaphore(%arg13 : memref<!tpu.dma_semaphore, #tpu.memory_space<semaphore_mem>>) src(%dma_wait3A_217 : memref<10016x64xf32, #tpu.memory_space<vmem_shared>>) dst(%dma_wait3A_211 : memref<64x64xf32, #tpu.memory_space<vmem>>)
        %add3A_218 = arith.constant 1 : i32
        %add3A_219 = arith.addi %add3A_164, %add3A_218 : i32
        %scan3A_220 = arith.constant 0 : i32
        %scan3A_221 = arith.constant 4 : i32
        %scan3A_222 = arith.addi %scan3A_220, %scan3A_221 : i32
        %scan3A_223 = arith.constant 1 : i32
        scf.for %scan3A_329 = %scan3A_220 to %scan3A_222 step %scan3A_223  : i32 {
          %mul3A_330 = arith.constant 16 : i32
          %mul3A_331 = arith.muli %scan3A_329, %mul3A_330 : i32
          %add3A_332 = arith.constant 0 : i32
          %add3A_333 = arith.addi %add3A_332, %mul3A_331 : i32
          %get3A = arith.index_cast %add3A_219 : i32 to index
          %get3A_334 = arith.index_cast %add3A_333 : i32 to index
          %get3A_335 = tpu.vector_load %arg6[%get3A, %get3A_334] {strides = array<i32>} : memref<208x64xi32, #tpu.memory_space<vmem>>, vector<1x16xi32>,
          %get3A_336 = vector.shape_cast %get3A_335 : vector<1x16xi32> to vector<16xi32>
          %shift_right_arithmetic3A = arith.constant 16 : i32
          %shift_right_arithmetic3A_337 = vector.broadcast %shift_right_arithmetic3A : i32 to vector<16xi32>
          %shift_right_arithmetic3A_338 = arith.shrsi %get3A_336, %shift_right_arithmetic3A_337 : vector<16xi32>
          %swap3A = arith.index_cast %add3A_333 : i32 to index
          %swap3A_339 = tpu.vector_load %arg8[%swap3A] {strides = array<i32>} : memref<64xi32, #tpu.memory_space<vmem>>, vector<16xi32>,
          %swap3A_340 = vector.shape_cast %swap3A_339 : vector<16xi32> to vector<16xi32>
          %swap3A_341 = vector.shape_cast %shift_right_arithmetic3A_338 : vector<16xi32> to vector<16xi32>
          tpu.vector_store %arg8[%swap3A], %swap3A_341 {strides = array<i32>} : memref<64xi32, #tpu.memory_space<vmem>>, vector<16xi32>,
        }
        %scan3A_224 = arith.constant 4 : i32
        %run_scoped3A_225 = arith.constant 1 : i32
        "tpu.region"() ({
          %run_scoped3A_329 = tpu.sem_alloc : memref<!tpu.dma_semaphore, #tpu.memory_space<semaphore_mem>>
          %dma_start3A_330 = arith.constant 0 : i32
          %dma_start3A_331 = arith.constant 0 : i32
          %dma_start3A_332 = tpu.memref_slice %arg9[%run_scoped3A_225, %dma_start3A_330, %dma_start3A_331] : memref<4x64x64xf32, #tpu.memory_space<vmem>> -> memref<1x64x64xf32, #tpu.memory_space<vmem>>
          %dma_start3A_333 = tpu.memref_squeeze %dma_start3A_332 : memref<1x64x64xf32, #tpu.memory_space<vmem>> -> memref<64x64xf32, #tpu.memory_space<vmem>>
          %dma_start3A_334 = arith.constant 0 : i32
          %dma_start3A_335 = arith.constant 0 : i32
          %dma_start3A_336 = tpu.memref_slice %arg10[%dma_start3A_334, %dma_start3A_335] : memref<10112x64xf32, #tpu.memory_space<vmem_shared>> -> memref<10112x64xf32, #tpu.memory_space<vmem_shared>>
          tpu.enqueue_indirect_dma source(%dma_start3A_333 : memref<64x64xf32, #tpu.memory_space<vmem>>) target(%dma_start3A_336 : memref<10112x64xf32, #tpu.memory_space<vmem_shared>>) offsets(%arg8 : memref<64xi32, #tpu.memory_space<vmem>>) semaphore(%run_scoped3A_329 : memref<!tpu.dma_semaphore, #tpu.memory_space<semaphore_mem>>) {add = true}
          %dma_wait3A_337 = arith.constant 0 : i32
          %dma_wait3A_338 = arith.constant 0 : i32
          %dma_wait3A_339 = tpu.memref_slice %arg9[%run_scoped3A_225, %dma_wait3A_337, %dma_wait3A_338] : memref<4x64x64xf32, #tpu.memory_space<vmem>> -> memref<1x64x64xf32, #tpu.memory_space<vmem>>
          %dma_wait3A_340 = tpu.memref_squeeze %dma_wait3A_339 : memref<1x64x64xf32, #tpu.memory_space<vmem>> -> memref<64x64xf32, #tpu.memory_space<vmem>>
          %dma_wait3A_341 = arith.constant 0 : i32
          %dma_wait3A_342 = arith.constant 0 : i32
          %dma_wait3A_343 = tpu.memref_slice %arg10[%dma_wait3A_341, %dma_wait3A_342] : memref<10112x64xf32, #tpu.memory_space<vmem_shared>> -> memref<10112x64xf32, #tpu.memory_space<vmem_shared>>
          tpu.wait_indirect_dma semaphore(%run_scoped3A_329 : memref<!tpu.dma_semaphore, #tpu.memory_space<semaphore_mem>>) src(%dma_wait3A_340 : memref<64x64xf32, #tpu.memory_space<vmem>>) dst(%dma_wait3A_343 : memref<10112x64xf32, #tpu.memory_space<vmem_shared>>)
          tpu.yield
        }) : () -> ()
        %add3A_226 = arith.constant 1 : i32
        %add3A_227 = arith.addi %add3A_164, %add3A_226 : i32
        %add3A_228 = arith.constant 4 : i32
        %add3A_229 = arith.addi %add3A_227, %add3A_228 : i32
        %scan3A_230 = arith.constant 0 : i32
        %scan3A_231 = arith.constant 4 : i32
        %scan3A_232 = arith.addi %scan3A_230, %scan3A_231 : i32
        %scan3A_233 = arith.constant 1 : i32
        scf.for %scan3A_329 = %scan3A_230 to %scan3A_232 step %scan3A_233  : i32 {
          %mul3A_330 = arith.constant 16 : i32
          %mul3A_331 = arith.muli %scan3A_329, %mul3A_330 : i32
          %add3A_332 = arith.constant 0 : i32
          %add3A_333 = arith.addi %add3A_332, %mul3A_331 : i32
          %get3A = arith.index_cast %add3A_229 : i32 to index
          %get3A_334 = arith.index_cast %add3A_333 : i32 to index
          %get3A_335 = tpu.vector_load %arg6[%get3A, %get3A_334] {strides = array<i32>} : memref<208x64xi32, #tpu.memory_space<vmem>>, vector<1x16xi32>,
          %get3A_336 = vector.shape_cast %get3A_335 : vector<1x16xi32> to vector<16xi32>
          %and3A = arith.constant 65535 : i32
          %and3A_337 = vector.broadcast %and3A : i32 to vector<16xi32>
          %and3A_338 = arith.andi %get3A_336, %and3A_337 : vector<16xi32>
          %swap3A = arith.constant 1 : i32
          %swap3A_339 = arith.index_cast %swap3A : i32 to index
          %swap3A_340 = arith.index_cast %add3A_333 : i32 to index
          %swap3A_341 = tpu.vector_load %arg7[%swap3A_339, %swap3A_340] {strides = array<i32>} : memref<4x64xi32, #tpu.memory_space<vmem>>, vector<1x16xi32>,
          %swap3A_342 = vector.shape_cast %swap3A_341 : vector<1x16xi32> to vector<16xi32>
          %swap3A_343 = vector.shape_cast %and3A_338 : vector<16xi32> to vector<1x16xi32>
          tpu.vector_store %arg7[%swap3A_339, %swap3A_340], %swap3A_343 {strides = array<i32>} : memref<4x64xi32, #tpu.memory_space<vmem>>, vector<1x16xi32>,
        }
        %scan3A_234 = arith.constant 4 : i32
        %dma_start3A_235 = arith.constant 1 : i32
        %dma_start3A_236 = arith.constant 1 : i32
        %dma_start3A_237 = arith.constant 0 : i32
        %dma_start3A_238 = arith.constant 0 : i32
        %dma_start3A_239 = tpu.memref_slice %arg9[%dma_start3A_236, %dma_start3A_237, %dma_start3A_238] : memref<4x64x64xf32, #tpu.memory_space<vmem>> -> memref<1x64x64xf32, #tpu.memory_space<vmem>>
        %dma_start3A_240 = tpu.memref_squeeze %dma_start3A_239 : memref<1x64x64xf32, #tpu.memory_space<vmem>> -> memref<64x64xf32, #tpu.memory_space<vmem>>
        %dma_start3A_241 = arith.constant 0 : i32
        %dma_start3A_242 = tpu.memref_slice %arg7[%dma_start3A_235, %dma_start3A_241] : memref<4x64xi32, #tpu.memory_space<vmem>> -> memref<1x64xi32, #tpu.memory_space<vmem>>
        %dma_start3A_243 = tpu.memref_squeeze %dma_start3A_242 : memref<1x64xi32, #tpu.memory_space<vmem>> -> memref<64xi32, #tpu.memory_space<vmem>>
        %dma_start3A_244 = arith.constant 0 : i32
        %dma_start3A_245 = arith.constant 0 : i32
        %dma_start3A_246 = tpu.memref_slice %arg11[%dma_start3A_244, %dma_start3A_245] : memref<10016x64xf32, #tpu.memory_space<vmem_shared>> -> memref<10016x64xf32, #tpu.memory_space<vmem_shared>>
        tpu.enqueue_indirect_dma source(%dma_start3A_246 : memref<10016x64xf32, #tpu.memory_space<vmem_shared>>) target(%dma_start3A_240 : memref<64x64xf32, #tpu.memory_space<vmem>>) offsets(%dma_start3A_243 : memref<64xi32, #tpu.memory_space<vmem>>) semaphore(%arg13 : memref<!tpu.dma_semaphore, #tpu.memory_space<semaphore_mem>>)
        %dma_wait3A_247 = arith.constant 2 : i32
        %dma_wait3A_248 = arith.constant 2 : i32
        %dma_wait3A_249 = arith.constant 0 : i32
        %dma_wait3A_250 = arith.constant 0 : i32
        %dma_wait3A_251 = tpu.memref_slice %arg9[%dma_wait3A_248, %dma_wait3A_249, %dma_wait3A_250] : memref<4x64x64xf32, #tpu.memory_space<vmem>> -> memref<1x64x64xf32, #tpu.memory_space<vmem>>
        %dma_wait3A_252 = tpu.memref_squeeze %dma_wait3A_251 : memref<1x64x64xf32, #tpu.memory_space<vmem>> -> memref<64x64xf32, #tpu.memory_space<vmem>>
        %dma_wait3A_253 = arith.constant 0 : i32
        %dma_wait3A_254 = tpu.memref_slice %arg7[%dma_wait3A_247, %dma_wait3A_253] : memref<4x64xi32, #tpu.memory_space<vmem>> -> memref<1x64xi32, #tpu.memory_space<vmem>>
        %dma_wait3A_255 = tpu.memref_squeeze %dma_wait3A_254 : memref<1x64xi32, #tpu.memory_space<vmem>> -> memref<64xi32, #tpu.memory_space<vmem>>
        %dma_wait3A_256 = arith.constant 0 : i32
        %dma_wait3A_257 = arith.constant 0 : i32
        %dma_wait3A_258 = tpu.memref_slice %arg11[%dma_wait3A_256, %dma_wait3A_257] : memref<10016x64xf32, #tpu.memory_space<vmem_shared>> -> memref<10016x64xf32, #tpu.memory_space<vmem_shared>>
        tpu.wait_indirect_dma semaphore(%arg14 : memref<!tpu.dma_semaphore, #tpu.memory_space<semaphore_mem>>) src(%dma_wait3A_258 : memref<10016x64xf32, #tpu.memory_space<vmem_shared>>) dst(%dma_wait3A_252 : memref<64x64xf32, #tpu.memory_space<vmem>>)
        %add3A_259 = arith.constant 2 : i32
        %add3A_260 = arith.addi %add3A_164, %add3A_259 : i32
        %scan3A_261 = arith.constant 0 : i32
        %scan3A_262 = arith.constant 4 : i32
        %scan3A_263 = arith.addi %scan3A_261, %scan3A_262 : i32
        %scan3A_264 = arith.constant 1 : i32
        scf.for %scan3A_329 = %scan3A_261 to %scan3A_263 step %scan3A_264  : i32 {
          %mul3A_330 = arith.constant 16 : i32
          %mul3A_331 = arith.muli %scan3A_329, %mul3A_330 : i32
          %add3A_332 = arith.constant 0 : i32
          %add3A_333 = arith.addi %add3A_332, %mul3A_331 : i32
          %get3A = arith.index_cast %add3A_260 : i32 to index
          %get3A_334 = arith.index_cast %add3A_333 : i32 to index
          %get3A_335 = tpu.vector_load %arg6[%get3A, %get3A_334] {strides = array<i32>} : memref<208x64xi32, #tpu.memory_space<vmem>>, vector<1x16xi32>,
          %get3A_336 = vector.shape_cast %get3A_335 : vector<1x16xi32> to vector<16xi32>
          %shift_right_arithmetic3A = arith.constant 16 : i32
          %shift_right_arithmetic3A_337 = vector.broadcast %shift_right_arithmetic3A : i32 to vector<16xi32>
          %shift_right_arithmetic3A_338 = arith.shrsi %get3A_336, %shift_right_arithmetic3A_337 : vector<16xi32>
          %swap3A = arith.index_cast %add3A_333 : i32 to index
          %swap3A_339 = tpu.vector_load %arg8[%swap3A] {strides = array<i32>} : memref<64xi32, #tpu.memory_space<vmem>>, vector<16xi32>,
          %swap3A_340 = vector.shape_cast %swap3A_339 : vector<16xi32> to vector<16xi32>
          %swap3A_341 = vector.shape_cast %shift_right_arithmetic3A_338 : vector<16xi32> to vector<16xi32>
          tpu.vector_store %arg8[%swap3A], %swap3A_341 {strides = array<i32>} : memref<64xi32, #tpu.memory_space<vmem>>, vector<16xi32>,
        }
        %scan3A_265 = arith.constant 4 : i32
        %run_scoped3A_266 = arith.constant 2 : i32
        "tpu.region"() ({
          %run_scoped3A_329 = tpu.sem_alloc : memref<!tpu.dma_semaphore, #tpu.memory_space<semaphore_mem>>
          %dma_start3A_330 = arith.constant 0 : i32
          %dma_start3A_331 = arith.constant 0 : i32
          %dma_start3A_332 = tpu.memref_slice %arg9[%run_scoped3A_266, %dma_start3A_330, %dma_start3A_331] : memref<4x64x64xf32, #tpu.memory_space<vmem>> -> memref<1x64x64xf32, #tpu.memory_space<vmem>>
          %dma_start3A_333 = tpu.memref_squeeze %dma_start3A_332 : memref<1x64x64xf32, #tpu.memory_space<vmem>> -> memref<64x64xf32, #tpu.memory_space<vmem>>
          %dma_start3A_334 = arith.constant 0 : i32
          %dma_start3A_335 = arith.constant 0 : i32
          %dma_start3A_336 = tpu.memref_slice %arg10[%dma_start3A_334, %dma_start3A_335] : memref<10112x64xf32, #tpu.memory_space<vmem_shared>> -> memref<10112x64xf32, #tpu.memory_space<vmem_shared>>
          tpu.enqueue_indirect_dma source(%dma_start3A_333 : memref<64x64xf32, #tpu.memory_space<vmem>>) target(%dma_start3A_336 : memref<10112x64xf32, #tpu.memory_space<vmem_shared>>) offsets(%arg8 : memref<64xi32, #tpu.memory_space<vmem>>) semaphore(%run_scoped3A_329 : memref<!tpu.dma_semaphore, #tpu.memory_space<semaphore_mem>>) {add = true}
          %dma_wait3A_337 = arith.constant 0 : i32
          %dma_wait3A_338 = arith.constant 0 : i32
          %dma_wait3A_339 = tpu.memref_slice %arg9[%run_scoped3A_266, %dma_wait3A_337, %dma_wait3A_338] : memref<4x64x64xf32, #tpu.memory_space<vmem>> -> memref<1x64x64xf32, #tpu.memory_space<vmem>>
          %dma_wait3A_340 = tpu.memref_squeeze %dma_wait3A_339 : memref<1x64x64xf32, #tpu.memory_space<vmem>> -> memref<64x64xf32, #tpu.memory_space<vmem>>
          %dma_wait3A_341 = arith.constant 0 : i32
          %dma_wait3A_342 = arith.constant 0 : i32
          %dma_wait3A_343 = tpu.memref_slice %arg10[%dma_wait3A_341, %dma_wait3A_342] : memref<10112x64xf32, #tpu.memory_space<vmem_shared>> -> memref<10112x64xf32, #tpu.memory_space<vmem_shared>>
          tpu.wait_indirect_dma semaphore(%run_scoped3A_329 : memref<!tpu.dma_semaphore, #tpu.memory_space<semaphore_mem>>) src(%dma_wait3A_340 : memref<64x64xf32, #tpu.memory_space<vmem>>) dst(%dma_wait3A_343 : memref<10112x64xf32, #tpu.memory_space<vmem_shared>>)
          tpu.yield
        }) : () -> ()
        %add3A_267 = arith.constant 2 : i32
        %add3A_268 = arith.addi %add3A_164, %add3A_267 : i32
        %add3A_269 = arith.constant 4 : i32
        %add3A_270 = arith.addi %add3A_268, %add3A_269 : i32
        %scan3A_271 = arith.constant 0 : i32
        %scan3A_272 = arith.constant 4 : i32
        %scan3A_273 = arith.addi %scan3A_271, %scan3A_272 : i32
        %scan3A_274 = arith.constant 1 : i32
        scf.for %scan3A_329 = %scan3A_271 to %scan3A_273 step %scan3A_274  : i32 {
          %mul3A_330 = arith.constant 16 : i32
          %mul3A_331 = arith.muli %scan3A_329, %mul3A_330 : i32
          %add3A_332 = arith.constant 0 : i32
          %add3A_333 = arith.addi %add3A_332, %mul3A_331 : i32
          %get3A = arith.index_cast %add3A_270 : i32 to index
          %get3A_334 = arith.index_cast %add3A_333 : i32 to index
          %get3A_335 = tpu.vector_load %arg6[%get3A, %get3A_334] {strides = array<i32>} : memref<208x64xi32, #tpu.memory_space<vmem>>, vector<1x16xi32>,
          %get3A_336 = vector.shape_cast %get3A_335 : vector<1x16xi32> to vector<16xi32>
          %and3A = arith.constant 65535 : i32
          %and3A_337 = vector.broadcast %and3A : i32 to vector<16xi32>
          %and3A_338 = arith.andi %get3A_336, %and3A_337 : vector<16xi32>
          %swap3A = arith.constant 2 : i32
          %swap3A_339 = arith.index_cast %swap3A : i32 to index
          %swap3A_340 = arith.index_cast %add3A_333 : i32 to index
          %swap3A_341 = tpu.vector_load %arg7[%swap3A_339, %swap3A_340] {strides = array<i32>} : memref<4x64xi32, #tpu.memory_space<vmem>>, vector<1x16xi32>,
          %swap3A_342 = vector.shape_cast %swap3A_341 : vector<1x16xi32> to vector<16xi32>
          %swap3A_343 = vector.shape_cast %and3A_338 : vector<16xi32> to vector<1x16xi32>
          tpu.vector_store %arg7[%swap3A_339, %swap3A_340], %swap3A_343 {strides = array<i32>} : memref<4x64xi32, #tpu.memory_space<vmem>>, vector<1x16xi32>,
        }
        %scan3A_275 = arith.constant 4 : i32
        %dma_start3A_276 = arith.constant 2 : i32
        %dma_start3A_277 = arith.constant 2 : i32
        %dma_start3A_278 = arith.constant 0 : i32
        %dma_start3A_279 = arith.constant 0 : i32
        %dma_start3A_280 = tpu.memref_slice %arg9[%dma_start3A_277, %dma_start3A_278, %dma_start3A_279] : memref<4x64x64xf32, #tpu.memory_space<vmem>> -> memref<1x64x64xf32, #tpu.memory_space<vmem>>
        %dma_start3A_281 = tpu.memref_squeeze %dma_start3A_280 : memref<1x64x64xf32, #tpu.memory_space<vmem>> -> memref<64x64xf32, #tpu.memory_space<vmem>>
        %dma_start3A_282 = arith.constant 0 : i32
        %dma_start3A_283 = tpu.memref_slice %arg7[%dma_start3A_276, %dma_start3A_282] : memref<4x64xi32, #tpu.memory_space<vmem>> -> memref<1x64xi32, #tpu.memory_space<vmem>>
        %dma_start3A_284 = tpu.memref_squeeze %dma_start3A_283 : memref<1x64xi32, #tpu.memory_space<vmem>> -> memref<64xi32, #tpu.memory_space<vmem>>
        %dma_start3A_285 = arith.constant 0 : i32
        %dma_start3A_286 = arith.constant 0 : i32
        %dma_start3A_287 = tpu.memref_slice %arg11[%dma_start3A_285, %dma_start3A_286] : memref<10016x64xf32, #tpu.memory_space<vmem_shared>> -> memref<10016x64xf32, #tpu.memory_space<vmem_shared>>
        tpu.enqueue_indirect_dma source(%dma_start3A_287 : memref<10016x64xf32, #tpu.memory_space<vmem_shared>>) target(%dma_start3A_281 : memref<64x64xf32, #tpu.memory_space<vmem>>) offsets(%dma_start3A_284 : memref<64xi32, #tpu.memory_space<vmem>>) semaphore(%arg14 : memref<!tpu.dma_semaphore, #tpu.memory_space<semaphore_mem>>)
        %dma_wait3A_288 = arith.constant 3 : i32
        %dma_wait3A_289 = arith.constant 3 : i32
        %dma_wait3A_290 = arith.constant 0 : i32
        %dma_wait3A_291 = arith.constant 0 : i32
        %dma_wait3A_292 = tpu.memref_slice %arg9[%dma_wait3A_289, %dma_wait3A_290, %dma_wait3A_291] : memref<4x64x64xf32, #tpu.memory_space<vmem>> -> memref<1x64x64xf32, #tpu.memory_space<vmem>>
        %dma_wait3A_293 = tpu.memref_squeeze %dma_wait3A_292 : memref<1x64x64xf32, #tpu.memory_space<vmem>> -> memref<64x64xf32, #tpu.memory_space<vmem>>
        %dma_wait3A_294 = arith.constant 0 : i32
        %dma_wait3A_295 = tpu.memref_slice %arg7[%dma_wait3A_288, %dma_wait3A_294] : memref<4x64xi32, #tpu.memory_space<vmem>> -> memref<1x64xi32, #tpu.memory_space<vmem>>
        %dma_wait3A_296 = tpu.memref_squeeze %dma_wait3A_295 : memref<1x64xi32, #tpu.memory_space<vmem>> -> memref<64xi32, #tpu.memory_space<vmem>>
        %dma_wait3A_297 = arith.constant 0 : i32
        %dma_wait3A_298 = arith.constant 0 : i32
        %dma_wait3A_299 = tpu.memref_slice %arg11[%dma_wait3A_297, %dma_wait3A_298] : memref<10016x64xf32, #tpu.memory_space<vmem_shared>> -> memref<10016x64xf32, #tpu.memory_space<vmem_shared>>
        tpu.wait_indirect_dma semaphore(%arg15 : memref<!tpu.dma_semaphore, #tpu.memory_space<semaphore_mem>>) src(%dma_wait3A_299 : memref<10016x64xf32, #tpu.memory_space<vmem_shared>>) dst(%dma_wait3A_293 : memref<64x64xf32, #tpu.memory_space<vmem>>)
        %add3A_300 = arith.constant 3 : i32
        %add3A_301 = arith.addi %add3A_164, %add3A_300 : i32
        %scan3A_302 = arith.constant 0 : i32
        %scan3A_303 = arith.constant 4 : i32
        %scan3A_304 = arith.addi %scan3A_302, %scan3A_303 : i32
        %scan3A_305 = arith.constant 1 : i32
        scf.for %scan3A_329 = %scan3A_302 to %scan3A_304 step %scan3A_305  : i32 {
          %mul3A_330 = arith.constant 16 : i32
          %mul3A_331 = arith.muli %scan3A_329, %mul3A_330 : i32
          %add3A_332 = arith.constant 0 : i32
          %add3A_333 = arith.addi %add3A_332, %mul3A_331 : i32
          %get3A = arith.index_cast %add3A_301 : i32 to index
          %get3A_334 = arith.index_cast %add3A_333 : i32 to index
          %get3A_335 = tpu.vector_load %arg6[%get3A, %get3A_334] {strides = array<i32>} : memref<208x64xi32, #tpu.memory_space<vmem>>, vector<1x16xi32>,
          %get3A_336 = vector.shape_cast %get3A_335 : vector<1x16xi32> to vector<16xi32>
          %shift_right_arithmetic3A = arith.constant 16 : i32
          %shift_right_arithmetic3A_337 = vector.broadcast %shift_right_arithmetic3A : i32 to vector<16xi32>
          %shift_right_arithmetic3A_338 = arith.shrsi %get3A_336, %shift_right_arithmetic3A_337 : vector<16xi32>
          %swap3A = arith.index_cast %add3A_333 : i32 to index
          %swap3A_339 = tpu.vector_load %arg8[%swap3A] {strides = array<i32>} : memref<64xi32, #tpu.memory_space<vmem>>, vector<16xi32>,
          %swap3A_340 = vector.shape_cast %swap3A_339 : vector<16xi32> to vector<16xi32>
          %swap3A_341 = vector.shape_cast %shift_right_arithmetic3A_338 : vector<16xi32> to vector<16xi32>
          tpu.vector_store %arg8[%swap3A], %swap3A_341 {strides = array<i32>} : memref<64xi32, #tpu.memory_space<vmem>>, vector<16xi32>,
        }
        %scan3A_306 = arith.constant 4 : i32
        %run_scoped3A_307 = arith.constant 3 : i32
        "tpu.region"() ({
          %run_scoped3A_329 = tpu.sem_alloc : memref<!tpu.dma_semaphore, #tpu.memory_space<semaphore_mem>>
          %dma_start3A_330 = arith.constant 0 : i32
          %dma_start3A_331 = arith.constant 0 : i32
          %dma_start3A_332 = tpu.memref_slice %arg9[%run_scoped3A_307, %dma_start3A_330, %dma_start3A_331] : memref<4x64x64xf32, #tpu.memory_space<vmem>> -> memref<1x64x64xf32, #tpu.memory_space<vmem>>
          %dma_start3A_333 = tpu.memref_squeeze %dma_start3A_332 : memref<1x64x64xf32, #tpu.memory_space<vmem>> -> memref<64x64xf32, #tpu.memory_space<vmem>>
          %dma_start3A_334 = arith.constant 0 : i32
          %dma_start3A_335 = arith.constant 0 : i32
          %dma_start3A_336 = tpu.memref_slice %arg10[%dma_start3A_334, %dma_start3A_335] : memref<10112x64xf32, #tpu.memory_space<vmem_shared>> -> memref<10112x64xf32, #tpu.memory_space<vmem_shared>>
          tpu.enqueue_indirect_dma source(%dma_start3A_333 : memref<64x64xf32, #tpu.memory_space<vmem>>) target(%dma_start3A_336 : memref<10112x64xf32, #tpu.memory_space<vmem_shared>>) offsets(%arg8 : memref<64xi32, #tpu.memory_space<vmem>>) semaphore(%run_scoped3A_329 : memref<!tpu.dma_semaphore, #tpu.memory_space<semaphore_mem>>) {add = true}
          %dma_wait3A_337 = arith.constant 0 : i32
          %dma_wait3A_338 = arith.constant 0 : i32
          %dma_wait3A_339 = tpu.memref_slice %arg9[%run_scoped3A_307, %dma_wait3A_337, %dma_wait3A_338] : memref<4x64x64xf32, #tpu.memory_space<vmem>> -> memref<1x64x64xf32, #tpu.memory_space<vmem>>
          %dma_wait3A_340 = tpu.memref_squeeze %dma_wait3A_339 : memref<1x64x64xf32, #tpu.memory_space<vmem>> -> memref<64x64xf32, #tpu.memory_space<vmem>>
          %dma_wait3A_341 = arith.constant 0 : i32
          %dma_wait3A_342 = arith.constant 0 : i32
          %dma_wait3A_343 = tpu.memref_slice %arg10[%dma_wait3A_341, %dma_wait3A_342] : memref<10112x64xf32, #tpu.memory_space<vmem_shared>> -> memref<10112x64xf32, #tpu.memory_space<vmem_shared>>
          tpu.wait_indirect_dma semaphore(%run_scoped3A_329 : memref<!tpu.dma_semaphore, #tpu.memory_space<semaphore_mem>>) src(%dma_wait3A_340 : memref<64x64xf32, #tpu.memory_space<vmem>>) dst(%dma_wait3A_343 : memref<10112x64xf32, #tpu.memory_space<vmem_shared>>)
          tpu.yield
        }) : () -> ()
        %add3A_308 = arith.constant 3 : i32
        %add3A_309 = arith.addi %add3A_164, %add3A_308 : i32
        %add3A_310 = arith.constant 4 : i32
        %add3A_311 = arith.addi %add3A_309, %add3A_310 : i32
        %scan3A_312 = arith.constant 0 : i32
        %scan3A_313 = arith.constant 4 : i32
        %scan3A_314 = arith.addi %scan3A_312, %scan3A_313 : i32
        %scan3A_315 = arith.constant 1 : i32
        scf.for %scan3A_329 = %scan3A_312 to %scan3A_314 step %scan3A_315  : i32 {
          %mul3A_330 = arith.constant 16 : i32
          %mul3A_331 = arith.muli %scan3A_329, %mul3A_330 : i32
          %add3A_332 = arith.constant 0 : i32
          %add3A_333 = arith.addi %add3A_332, %mul3A_331 : i32
          %get3A = arith.index_cast %add3A_311 : i32 to index
          %get3A_334 = arith.index_cast %add3A_333 : i32 to index
          %get3A_335 = tpu.vector_load %arg6[%get3A, %get3A_334] {strides = array<i32>} : memref<208x64xi32, #tpu.memory_space<vmem>>, vector<1x16xi32>,
          %get3A_336 = vector.shape_cast %get3A_335 : vector<1x16xi32> to vector<16xi32>
          %and3A = arith.constant 65535 : i32
          %and3A_337 = vector.broadcast %and3A : i32 to vector<16xi32>
          %and3A_338 = arith.andi %get3A_336, %and3A_337 : vector<16xi32>
          %swap3A = arith.constant 3 : i32
          %swap3A_339 = arith.index_cast %swap3A : i32 to index
          %swap3A_340 = arith.index_cast %add3A_333 : i32 to index
          %swap3A_341 = tpu.vector_load %arg7[%swap3A_339, %swap3A_340] {strides = array<i32>} : memref<4x64xi32, #tpu.memory_space<vmem>>, vector<1x16xi32>,
          %swap3A_342 = vector.shape_cast %swap3A_341 : vector<1x16xi32> to vector<16xi32>
          %swap3A_343 = vector.shape_cast %and3A_338 : vector<16xi32> to vector<1x16xi32>
          tpu.vector_store %arg7[%swap3A_339, %swap3A_340], %swap3A_343 {strides = array<i32>} : memref<4x64xi32, #tpu.memory_space<vmem>>, vector<1x16xi32>,
        }
        %scan3A_316 = arith.constant 4 : i32
        %dma_start3A_317 = arith.constant 3 : i32
        %dma_start3A_318 = arith.constant 3 : i32
        %dma_start3A_319 = arith.constant 0 : i32
        %dma_start3A_320 = arith.constant 0 : i32
        %dma_start3A_321 = tpu.memref_slice %arg9[%dma_start3A_318, %dma_start3A_319, %dma_start3A_320] : memref<4x64x64xf32, #tpu.memory_space<vmem>> -> memref<1x64x64xf32, #tpu.memory_space<vmem>>
        %dma_start3A_322 = tpu.memref_squeeze %dma_start3A_321 : memref<1x64x64xf32, #tpu.memory_space<vmem>> -> memref<64x64xf32, #tpu.memory_space<vmem>>
        %dma_start3A_323 = arith.constant 0 : i32
        %dma_start3A_324 = tpu.memref_slice %arg7[%dma_start3A_317, %dma_start3A_323] : memref<4x64xi32, #tpu.memory_space<vmem>> -> memref<1x64xi32, #tpu.memory_space<vmem>>
        %dma_start3A_325 = tpu.memref_squeeze %dma_start3A_324 : memref<1x64xi32, #tpu.memory_space<vmem>> -> memref<64xi32, #tpu.memory_space<vmem>>
        %dma_start3A_326 = arith.constant 0 : i32
        %dma_start3A_327 = arith.constant 0 : i32
        %dma_start3A_328 = tpu.memref_slice %arg11[%dma_start3A_326, %dma_start3A_327] : memref<10016x64xf32, #tpu.memory_space<vmem_shared>> -> memref<10016x64xf32, #tpu.memory_space<vmem_shared>>
        tpu.enqueue_indirect_dma source(%dma_start3A_328 : memref<10016x64xf32, #tpu.memory_space<vmem_shared>>) target(%dma_start3A_322 : memref<64x64xf32, #tpu.memory_space<vmem>>) offsets(%dma_start3A_325 : memref<64xi32, #tpu.memory_space<vmem>>) semaphore(%arg15 : memref<!tpu.dma_semaphore, #tpu.memory_space<semaphore_mem>>)
      }
      %scan3A_84 = arith.constant 51 : i32
      %dma_wait3A = arith.constant 0 : i32
      %dma_wait3A_85 = arith.constant 0 : i32
      %dma_wait3A_86 = arith.constant 0 : i32
      %dma_wait3A_87 = arith.constant 0 : i32
      %dma_wait3A_88 = tpu.memref_slice %arg9[%dma_wait3A_85, %dma_wait3A_86, %dma_wait3A_87] : memref<4x64x64xf32, #tpu.memory_space<vmem>> -> memref<1x64x64xf32, #tpu.memory_space<vmem>>
      %dma_wait3A_89 = tpu.memref_squeeze %dma_wait3A_88 : memref<1x64x64xf32, #tpu.memory_space<vmem>> -> memref<64x64xf32, #tpu.memory_space<vmem>>
      %dma_wait3A_90 = arith.constant 0 : i32
      %dma_wait3A_91 = tpu.memref_slice %arg7[%dma_wait3A, %dma_wait3A_90] : memref<4x64xi32, #tpu.memory_space<vmem>> -> memref<1x64xi32, #tpu.memory_space<vmem>>
      %dma_wait3A_92 = tpu.memref_squeeze %dma_wait3A_91 : memref<1x64xi32, #tpu.memory_space<vmem>> -> memref<64xi32, #tpu.memory_space<vmem>>
      %dma_wait3A_93 = arith.constant 0 : i32
      %dma_wait3A_94 = arith.constant 0 : i32
      %dma_wait3A_95 = tpu.memref_slice %arg11[%dma_wait3A_93, %dma_wait3A_94] : memref<10016x64xf32, #tpu.memory_space<vmem_shared>> -> memref<10016x64xf32, #tpu.memory_space<vmem_shared>>
      tpu.wait_indirect_dma semaphore(%arg12 : memref<!tpu.dma_semaphore, #tpu.memory_space<semaphore_mem>>) src(%dma_wait3A_95 : memref<10016x64xf32, #tpu.memory_space<vmem_shared>>) dst(%dma_wait3A_89 : memref<64x64xf32, #tpu.memory_space<vmem>>)
      %scan3A_96 = arith.constant 0 : i32
      %scan3A_97 = arith.constant 4 : i32
      %scan3A_98 = arith.addi %scan3A_96, %scan3A_97 : i32
      %scan3A_99 = arith.constant 1 : i32
      scf.for %scan3A_160 = %scan3A_96 to %scan3A_98 step %scan3A_99  : i32 {
        %mul3A_161 = arith.constant 16 : i32
        %mul3A_162 = arith.muli %scan3A_160, %mul3A_161 : i32
        %add3A_163 = arith.constant 0 : i32
        %add3A_164 = arith.addi %add3A_163, %mul3A_162 : i32
        %get3A = arith.constant 204 : i32
        %get3A_165 = arith.index_cast %get3A : i32 to index
        %get3A_166 = arith.index_cast %add3A_164 : i32 to index
        %get3A_167 = tpu.vector_load %arg6[%get3A_165, %get3A_166] {strides = array<i32>} : memref<208x64xi32, #tpu.memory_space<vmem>>, vector<1x16xi32>,
        %get3A_168 = vector.shape_cast %get3A_167 : vector<1x16xi32> to vector<16xi32>
        %shift_right_arithmetic3A = arith.constant 16 : i32
        %shift_right_arithmetic3A_169 = vector.broadcast %shift_right_arithmetic3A : i32 to vector<16xi32>
        %shift_right_arithmetic3A_170 = arith.shrsi %get3A_168, %shift_right_arithmetic3A_169 : vector<16xi32>
        %swap3A = arith.index_cast %add3A_164 : i32 to index
        %swap3A_171 = tpu.vector_load %arg8[%swap3A] {strides = array<i32>} : memref<64xi32, #tpu.memory_space<vmem>>, vector<16xi32>,
        %swap3A_172 = vector.shape_cast %swap3A_171 : vector<16xi32> to vector<16xi32>
        %swap3A_173 = vector.shape_cast %shift_right_arithmetic3A_170 : vector<16xi32> to vector<16xi32>
        tpu.vector_store %arg8[%swap3A], %swap3A_173 {strides = array<i32>} : memref<64xi32, #tpu.memory_space<vmem>>, vector<16xi32>,
      }
      %scan3A_100 = arith.constant 4 : i32
      %run_scoped3A = arith.constant 0 : i32
      "tpu.region"() ({
        %run_scoped3A_160 = tpu.sem_alloc : memref<!tpu.dma_semaphore, #tpu.memory_space<semaphore_mem>>
        %dma_start3A_161 = arith.constant 0 : i32
        %dma_start3A_162 = arith.constant 0 : i32
        %dma_start3A_163 = tpu.memref_slice %arg9[%run_scoped3A, %dma_start3A_161, %dma_start3A_162] : memref<4x64x64xf32, #tpu.memory_space<vmem>> -> memref<1x64x64xf32, #tpu.memory_space<vmem>>
        %dma_start3A_164 = tpu.memref_squeeze %dma_start3A_163 : memref<1x64x64xf32, #tpu.memory_space<vmem>> -> memref<64x64xf32, #tpu.memory_space<vmem>>
        %dma_start3A_165 = arith.constant 0 : i32
        %dma_start3A_166 = arith.constant 0 : i32
        %dma_start3A_167 = tpu.memref_slice %arg10[%dma_start3A_165, %dma_start3A_166] : memref<10112x64xf32, #tpu.memory_space<vmem_shared>> -> memref<10112x64xf32, #tpu.memory_space<vmem_shared>>
        tpu.enqueue_indirect_dma source(%dma_start3A_164 : memref<64x64xf32, #tpu.memory_space<vmem>>) target(%dma_start3A_167 : memref<10112x64xf32, #tpu.memory_space<vmem_shared>>) offsets(%arg8 : memref<64xi32, #tpu.memory_space<vmem>>) semaphore(%run_scoped3A_160 : memref<!tpu.dma_semaphore, #tpu.memory_space<semaphore_mem>>) {add = true}
        %dma_wait3A_168 = arith.constant 0 : i32
        %dma_wait3A_169 = arith.constant 0 : i32
        %dma_wait3A_170 = tpu.memref_slice %arg9[%run_scoped3A, %dma_wait3A_168, %dma_wait3A_169] : memref<4x64x64xf32, #tpu.memory_space<vmem>> -> memref<1x64x64xf32, #tpu.memory_space<vmem>>
        %dma_wait3A_171 = tpu.memref_squeeze %dma_wait3A_170 : memref<1x64x64xf32, #tpu.memory_space<vmem>> -> memref<64x64xf32, #tpu.memory_space<vmem>>
        %dma_wait3A_172 = arith.constant 0 : i32
        %dma_wait3A_173 = arith.constant 0 : i32
        %dma_wait3A_174 = tpu.memref_slice %arg10[%dma_wait3A_172, %dma_wait3A_173] : memref<10112x64xf32, #tpu.memory_space<vmem_shared>> -> memref<10112x64xf32, #tpu.memory_space<vmem_shared>>
        tpu.wait_indirect_dma semaphore(%run_scoped3A_160 : memref<!tpu.dma_semaphore, #tpu.memory_space<semaphore_mem>>) src(%dma_wait3A_171 : memref<64x64xf32, #tpu.memory_space<vmem>>) dst(%dma_wait3A_174 : memref<10112x64xf32, #tpu.memory_space<vmem_shared>>)
        tpu.yield
      }) : () -> ()
      %dma_wait3A_101 = arith.constant 1 : i32
      %dma_wait3A_102 = arith.constant 1 : i32
      %dma_wait3A_103 = arith.constant 0 : i32
      %dma_wait3A_104 = arith.constant 0 : i32
      %dma_wait3A_105 = tpu.memref_slice %arg9[%dma_wait3A_102, %dma_wait3A_103, %dma_wait3A_104] : memref<4x64x64xf32, #tpu.memory_space<vmem>> -> memref<1x64x64xf32, #tpu.memory_space<vmem>>
      %dma_wait3A_106 = tpu.memref_squeeze %dma_wait3A_105 : memref<1x64x64xf32, #tpu.memory_space<vmem>> -> memref<64x64xf32, #tpu.memory_space<vmem>>
      %dma_wait3A_107 = arith.constant 0 : i32
      %dma_wait3A_108 = tpu.memref_slice %arg7[%dma_wait3A_101, %dma_wait3A_107] : memref<4x64xi32, #tpu.memory_space<vmem>> -> memref<1x64xi32, #tpu.memory_space<vmem>>
      %dma_wait3A_109 = tpu.memref_squeeze %dma_wait3A_108 : memref<1x64xi32, #tpu.memory_space<vmem>> -> memref<64xi32, #tpu.memory_space<vmem>>
      %dma_wait3A_110 = arith.constant 0 : i32
      %dma_wait3A_111 = arith.constant 0 : i32
      %dma_wait3A_112 = tpu.memref_slice %arg11[%dma_wait3A_110, %dma_wait3A_111] : memref<10016x64xf32, #tpu.memory_space<vmem_shared>> -> memref<10016x64xf32, #tpu.memory_space<vmem_shared>>
      tpu.wait_indirect_dma semaphore(%arg13 : memref<!tpu.dma_semaphore, #tpu.memory_space<semaphore_mem>>) src(%dma_wait3A_112 : memref<10016x64xf32, #tpu.memory_space<vmem_shared>>) dst(%dma_wait3A_106 : memref<64x64xf32, #tpu.memory_space<vmem>>)
      %scan3A_113 = arith.constant 0 : i32
      %scan3A_114 = arith.constant 4 : i32
      %scan3A_115 = arith.addi %scan3A_113, %scan3A_114 : i32
      %scan3A_116 = arith.constant 1 : i32
      scf.for %scan3A_160 = %scan3A_113 to %scan3A_115 step %scan3A_116  : i32 {
        %mul3A_161 = arith.constant 16 : i32
        %mul3A_162 = arith.muli %scan3A_160, %mul3A_161 : i32
        %add3A_163 = arith.constant 0 : i32
        %add3A_164 = arith.addi %add3A_163, %mul3A_162 : i32
        %get3A = arith.constant 205 : i32
        %get3A_165 = arith.index_cast %get3A : i32 to index
        %get3A_166 = arith.index_cast %add3A_164 : i32 to index
        %get3A_167 = tpu.vector_load %arg6[%get3A_165, %get3A_166] {strides = array<i32>} : memref<208x64xi32, #tpu.memory_space<vmem>>, vector<1x16xi32>,
        %get3A_168 = vector.shape_cast %get3A_167 : vector<1x16xi32> to vector<16xi32>
        %shift_right_arithmetic3A = arith.constant 16 : i32
        %shift_right_arithmetic3A_169 = vector.broadcast %shift_right_arithmetic3A : i32 to vector<16xi32>
        %shift_right_arithmetic3A_170 = arith.shrsi %get3A_168, %shift_right_arithmetic3A_169 : vector<16xi32>
        %swap3A = arith.index_cast %add3A_164 : i32 to index
        %swap3A_171 = tpu.vector_load %arg8[%swap3A] {strides = array<i32>} : memref<64xi32, #tpu.memory_space<vmem>>, vector<16xi32>,
        %swap3A_172 = vector.shape_cast %swap3A_171 : vector<16xi32> to vector<16xi32>
        %swap3A_173 = vector.shape_cast %shift_right_arithmetic3A_170 : vector<16xi32> to vector<16xi32>
        tpu.vector_store %arg8[%swap3A], %swap3A_173 {strides = array<i32>} : memref<64xi32, #tpu.memory_space<vmem>>, vector<16xi32>,
      }
      %scan3A_117 = arith.constant 4 : i32
      %run_scoped3A_118 = arith.constant 1 : i32
      "tpu.region"() ({
        %run_scoped3A_160 = tpu.sem_alloc : memref<!tpu.dma_semaphore, #tpu.memory_space<semaphore_mem>>
        %dma_start3A_161 = arith.constant 0 : i32
        %dma_start3A_162 = arith.constant 0 : i32
        %dma_start3A_163 = tpu.memref_slice %arg9[%run_scoped3A_118, %dma_start3A_161, %dma_start3A_162] : memref<4x64x64xf32, #tpu.memory_space<vmem>> -> memref<1x64x64xf32, #tpu.memory_space<vmem>>
        %dma_start3A_164 = tpu.memref_squeeze %dma_start3A_163 : memref<1x64x64xf32, #tpu.memory_space<vmem>> -> memref<64x64xf32, #tpu.memory_space<vmem>>
        %dma_start3A_165 = arith.constant 0 : i32
        %dma_start3A_166 = arith.constant 0 : i32
        %dma_start3A_167 = tpu.memref_slice %arg10[%dma_start3A_165, %dma_start3A_166] : memref<10112x64xf32, #tpu.memory_space<vmem_shared>> -> memref<10112x64xf32, #tpu.memory_space<vmem_shared>>
        tpu.enqueue_indirect_dma source(%dma_start3A_164 : memref<64x64xf32, #tpu.memory_space<vmem>>) target(%dma_start3A_167 : memref<10112x64xf32, #tpu.memory_space<vmem_shared>>) offsets(%arg8 : memref<64xi32, #tpu.memory_space<vmem>>) semaphore(%run_scoped3A_160 : memref<!tpu.dma_semaphore, #tpu.memory_space<semaphore_mem>>) {add = true}
        %dma_wait3A_168 = arith.constant 0 : i32
        %dma_wait3A_169 = arith.constant 0 : i32
        %dma_wait3A_170 = tpu.memref_slice %arg9[%run_scoped3A_118, %dma_wait3A_168, %dma_wait3A_169] : memref<4x64x64xf32, #tpu.memory_space<vmem>> -> memref<1x64x64xf32, #tpu.memory_space<vmem>>
        %dma_wait3A_171 = tpu.memref_squeeze %dma_wait3A_170 : memref<1x64x64xf32, #tpu.memory_space<vmem>> -> memref<64x64xf32, #tpu.memory_space<vmem>>
        %dma_wait3A_172 = arith.constant 0 : i32
        %dma_wait3A_173 = arith.constant 0 : i32
        %dma_wait3A_174 = tpu.memref_slice %arg10[%dma_wait3A_172, %dma_wait3A_173] : memref<10112x64xf32, #tpu.memory_space<vmem_shared>> -> memref<10112x64xf32, #tpu.memory_space<vmem_shared>>
        tpu.wait_indirect_dma semaphore(%run_scoped3A_160 : memref<!tpu.dma_semaphore, #tpu.memory_space<semaphore_mem>>) src(%dma_wait3A_171 : memref<64x64xf32, #tpu.memory_space<vmem>>) dst(%dma_wait3A_174 : memref<10112x64xf32, #tpu.memory_space<vmem_shared>>)
        tpu.yield
      }) : () -> ()
      %dma_wait3A_119 = arith.constant 2 : i32
      %dma_wait3A_120 = arith.constant 2 : i32
      %dma_wait3A_121 = arith.constant 0 : i32
      %dma_wait3A_122 = arith.constant 0 : i32
      %dma_wait3A_123 = tpu.memref_slice %arg9[%dma_wait3A_120, %dma_wait3A_121, %dma_wait3A_122] : memref<4x64x64xf32, #tpu.memory_space<vmem>> -> memref<1x64x64xf32, #tpu.memory_space<vmem>>
      %dma_wait3A_124 = tpu.memref_squeeze %dma_wait3A_123 : memref<1x64x64xf32, #tpu.memory_space<vmem>> -> memref<64x64xf32, #tpu.memory_space<vmem>>
      %dma_wait3A_125 = arith.constant 0 : i32
      %dma_wait3A_126 = tpu.memref_slice %arg7[%dma_wait3A_119, %dma_wait3A_125] : memref<4x64xi32, #tpu.memory_space<vmem>> -> memref<1x64xi32, #tpu.memory_space<vmem>>
      %dma_wait3A_127 = tpu.memref_squeeze %dma_wait3A_126 : memref<1x64xi32, #tpu.memory_space<vmem>> -> memref<64xi32, #tpu.memory_space<vmem>>
      %dma_wait3A_128 = arith.constant 0 : i32
      %dma_wait3A_129 = arith.constant 0 : i32
      %dma_wait3A_130 = tpu.memref_slice %arg11[%dma_wait3A_128, %dma_wait3A_129] : memref<10016x64xf32, #tpu.memory_space<vmem_shared>> -> memref<10016x64xf32, #tpu.memory_space<vmem_shared>>
      tpu.wait_indirect_dma semaphore(%arg14 : memref<!tpu.dma_semaphore, #tpu.memory_space<semaphore_mem>>) src(%dma_wait3A_130 : memref<10016x64xf32, #tpu.memory_space<vmem_shared>>) dst(%dma_wait3A_124 : memref<64x64xf32, #tpu.memory_space<vmem>>)
      %scan3A_131 = arith.constant 0 : i32
      %scan3A_132 = arith.constant 4 : i32
      %scan3A_133 = arith.addi %scan3A_131, %scan3A_132 : i32
      %scan3A_134 = arith.constant 1 : i32
      scf.for %scan3A_160 = %scan3A_131 to %scan3A_133 step %scan3A_134  : i32 {
        %mul3A_161 = arith.constant 16 : i32
        %mul3A_162 = arith.muli %scan3A_160, %mul3A_161 : i32
        %add3A_163 = arith.constant 0 : i32
        %add3A_164 = arith.addi %add3A_163, %mul3A_162 : i32
        %get3A = arith.constant 206 : i32
        %get3A_165 = arith.index_cast %get3A : i32 to index
        %get3A_166 = arith.index_cast %add3A_164 : i32 to index
        %get3A_167 = tpu.vector_load %arg6[%get3A_165, %get3A_166] {strides = array<i32>} : memref<208x64xi32, #tpu.memory_space<vmem>>, vector<1x16xi32>,
        %get3A_168 = vector.shape_cast %get3A_167 : vector<1x16xi32> to vector<16xi32>
        %shift_right_arithmetic3A = arith.constant 16 : i32
        %shift_right_arithmetic3A_169 = vector.broadcast %shift_right_arithmetic3A : i32 to vector<16xi32>
        %shift_right_arithmetic3A_170 = arith.shrsi %get3A_168, %shift_right_arithmetic3A_169 : vector<16xi32>
        %swap3A = arith.index_cast %add3A_164 : i32 to index
        %swap3A_171 = tpu.vector_load %arg8[%swap3A] {strides = array<i32>} : memref<64xi32, #tpu.memory_space<vmem>>, vector<16xi32>,
        %swap3A_172 = vector.shape_cast %swap3A_171 : vector<16xi32> to vector<16xi32>
        %swap3A_173 = vector.shape_cast %shift_right_arithmetic3A_170 : vector<16xi32> to vector<16xi32>
        tpu.vector_store %arg8[%swap3A], %swap3A_173 {strides = array<i32>} : memref<64xi32, #tpu.memory_space<vmem>>, vector<16xi32>,
      }
      %scan3A_135 = arith.constant 4 : i32
      %run_scoped3A_136 = arith.constant 2 : i32
      "tpu.region"() ({
        %run_scoped3A_160 = tpu.sem_alloc : memref<!tpu.dma_semaphore, #tpu.memory_space<semaphore_mem>>
        %dma_start3A_161 = arith.constant 0 : i32
        %dma_start3A_162 = arith.constant 0 : i32
        %dma_start3A_163 = tpu.memref_slice %arg9[%run_scoped3A_136, %dma_start3A_161, %dma_start3A_162] : memref<4x64x64xf32, #tpu.memory_space<vmem>> -> memref<1x64x64xf32, #tpu.memory_space<vmem>>
        %dma_start3A_164 = tpu.memref_squeeze %dma_start3A_163 : memref<1x64x64xf32, #tpu.memory_space<vmem>> -> memref<64x64xf32, #tpu.memory_space<vmem>>
        %dma_start3A_165 = arith.constant 0 : i32
        %dma_start3A_166 = arith.constant 0 : i32
        %dma_start3A_167 = tpu.memref_slice %arg10[%dma_start3A_165, %dma_start3A_166] : memref<10112x64xf32, #tpu.memory_space<vmem_shared>> -> memref<10112x64xf32, #tpu.memory_space<vmem_shared>>
        tpu.enqueue_indirect_dma source(%dma_start3A_164 : memref<64x64xf32, #tpu.memory_space<vmem>>) target(%dma_start3A_167 : memref<10112x64xf32, #tpu.memory_space<vmem_shared>>) offsets(%arg8 : memref<64xi32, #tpu.memory_space<vmem>>) semaphore(%run_scoped3A_160 : memref<!tpu.dma_semaphore, #tpu.memory_space<semaphore_mem>>) {add = true}
        %dma_wait3A_168 = arith.constant 0 : i32
        %dma_wait3A_169 = arith.constant 0 : i32
        %dma_wait3A_170 = tpu.memref_slice %arg9[%run_scoped3A_136, %dma_wait3A_168, %dma_wait3A_169] : memref<4x64x64xf32, #tpu.memory_space<vmem>> -> memref<1x64x64xf32, #tpu.memory_space<vmem>>
        %dma_wait3A_171 = tpu.memref_squeeze %dma_wait3A_170 : memref<1x64x64xf32, #tpu.memory_space<vmem>> -> memref<64x64xf32, #tpu.memory_space<vmem>>
        %dma_wait3A_172 = arith.constant 0 : i32
        %dma_wait3A_173 = arith.constant 0 : i32
        %dma_wait3A_174 = tpu.memref_slice %arg10[%dma_wait3A_172, %dma_wait3A_173] : memref<10112x64xf32, #tpu.memory_space<vmem_shared>> -> memref<10112x64xf32, #tpu.memory_space<vmem_shared>>
        tpu.wait_indirect_dma semaphore(%run_scoped3A_160 : memref<!tpu.dma_semaphore, #tpu.memory_space<semaphore_mem>>) src(%dma_wait3A_171 : memref<64x64xf32, #tpu.memory_space<vmem>>) dst(%dma_wait3A_174 : memref<10112x64xf32, #tpu.memory_space<vmem_shared>>)
        tpu.yield
      }) : () -> ()
      %dma_wait3A_137 = arith.constant 3 : i32
      %dma_wait3A_138 = arith.constant 3 : i32
      %dma_wait3A_139 = arith.constant 0 : i32
      %dma_wait3A_140 = arith.constant 0 : i32
      %dma_wait3A_141 = tpu.memref_slice %arg9[%dma_wait3A_138, %dma_wait3A_139, %dma_wait3A_140] : memref<4x64x64xf32, #tpu.memory_space<vmem>> -> memref<1x64x64xf32, #tpu.memory_space<vmem>>
      %dma_wait3A_142 = tpu.memref_squeeze %dma_wait3A_141 : memref<1x64x64xf32, #tpu.memory_space<vmem>> -> memref<64x64xf32, #tpu.memory_space<vmem>>
      %dma_wait3A_143 = arith.constant 0 : i32
      %dma_wait3A_144 = tpu.memref_slice %arg7[%dma_wait3A_137, %dma_wait3A_143] : memref<4x64xi32, #tpu.memory_space<vmem>> -> memref<1x64xi32, #tpu.memory_space<vmem>>
      %dma_wait3A_145 = tpu.memref_squeeze %dma_wait3A_144 : memref<1x64xi32, #tpu.memory_space<vmem>> -> memref<64xi32, #tpu.memory_space<vmem>>
      %dma_wait3A_146 = arith.constant 0 : i32
      %dma_wait3A_147 = arith.constant 0 : i32
      %dma_wait3A_148 = tpu.memref_slice %arg11[%dma_wait3A_146, %dma_wait3A_147] : memref<10016x64xf32, #tpu.memory_space<vmem_shared>> -> memref<10016x64xf32, #tpu.memory_space<vmem_shared>>
      tpu.wait_indirect_dma semaphore(%arg15 : memref<!tpu.dma_semaphore, #tpu.memory_space<semaphore_mem>>) src(%dma_wait3A_148 : memref<10016x64xf32, #tpu.memory_space<vmem_shared>>) dst(%dma_wait3A_142 : memref<64x64xf32, #tpu.memory_space<vmem>>)
      %scan3A_149 = arith.constant 0 : i32
      %scan3A_150 = arith.constant 4 : i32
      %scan3A_151 = arith.addi %scan3A_149, %scan3A_150 : i32
      %scan3A_152 = arith.constant 1 : i32
      scf.for %scan3A_160 = %scan3A_149 to %scan3A_151 step %scan3A_152  : i32 {
        %mul3A_161 = arith.constant 16 : i32
        %mul3A_162 = arith.muli %scan3A_160, %mul3A_161 : i32
        %add3A_163 = arith.constant 0 : i32
        %add3A_164 = arith.addi %add3A_163, %mul3A_162 : i32
        %get3A = arith.constant 207 : i32
        %get3A_165 = arith.index_cast %get3A : i32 to index
        %get3A_166 = arith.index_cast %add3A_164 : i32 to index
        %get3A_167 = tpu.vector_load %arg6[%get3A_165, %get3A_166] {strides = array<i32>} : memref<208x64xi32, #tpu.memory_space<vmem>>, vector<1x16xi32>,
        %get3A_168 = vector.shape_cast %get3A_167 : vector<1x16xi32> to vector<16xi32>
        %shift_right_arithmetic3A = arith.constant 16 : i32
        %shift_right_arithmetic3A_169 = vector.broadcast %shift_right_arithmetic3A : i32 to vector<16xi32>
        %shift_right_arithmetic3A_170 = arith.shrsi %get3A_168, %shift_right_arithmetic3A_169 : vector<16xi32>
        %swap3A = arith.index_cast %add3A_164 : i32 to index
        %swap3A_171 = tpu.vector_load %arg8[%swap3A] {strides = array<i32>} : memref<64xi32, #tpu.memory_space<vmem>>, vector<16xi32>,
        %swap3A_172 = vector.shape_cast %swap3A_171 : vector<16xi32> to vector<16xi32>
        %swap3A_173 = vector.shape_cast %shift_right_arithmetic3A_170 : vector<16xi32> to vector<16xi32>
        tpu.vector_store %arg8[%swap3A], %swap3A_173 {strides = array<i32>} : memref<64xi32, #tpu.memory_space<vmem>>, vector<16xi32>,
      }
      %scan3A_153 = arith.constant 4 : i32
      %run_scoped3A_154 = arith.constant 3 : i32
      "tpu.region"() ({
        %run_scoped3A_160 = tpu.sem_alloc : memref<!tpu.dma_semaphore, #tpu.memory_space<semaphore_mem>>
        %dma_start3A_161 = arith.constant 0 : i32
        %dma_start3A_162 = arith.constant 0 : i32
        %dma_start3A_163 = tpu.memref_slice %arg9[%run_scoped3A_154, %dma_start3A_161, %dma_start3A_162] : memref<4x64x64xf32, #tpu.memory_space<vmem>> -> memref<1x64x64xf32, #tpu.memory_space<vmem>>
        %dma_start3A_164 = tpu.memref_squeeze %dma_start3A_163 : memref<1x64x64xf32, #tpu.memory_space<vmem>> -> memref<64x64xf32, #tpu.memory_space<vmem>>
        %dma_start3A_165 = arith.constant 0 : i32
        %dma_start3A_166 = arith.constant 0 : i32
        %dma_start3A_167 = tpu.memref_slice %arg10[%dma_start3A_165, %dma_start3A_166] : memref<10112x64xf32, #tpu.memory_space<vmem_shared>> -> memref<10112x64xf32, #tpu.memory_space<vmem_shared>>
        tpu.enqueue_indirect_dma source(%dma_start3A_164 : memref<64x64xf32, #tpu.memory_space<vmem>>) target(%dma_start3A_167 : memref<10112x64xf32, #tpu.memory_space<vmem_shared>>) offsets(%arg8 : memref<64xi32, #tpu.memory_space<vmem>>) semaphore(%run_scoped3A_160 : memref<!tpu.dma_semaphore, #tpu.memory_space<semaphore_mem>>) {add = true}
        %dma_wait3A_168 = arith.constant 0 : i32
        %dma_wait3A_169 = arith.constant 0 : i32
        %dma_wait3A_170 = tpu.memref_slice %arg9[%run_scoped3A_154, %dma_wait3A_168, %dma_wait3A_169] : memref<4x64x64xf32, #tpu.memory_space<vmem>> -> memref<1x64x64xf32, #tpu.memory_space<vmem>>
        %dma_wait3A_171 = tpu.memref_squeeze %dma_wait3A_170 : memref<1x64x64xf32, #tpu.memory_space<vmem>> -> memref<64x64xf32, #tpu.memory_space<vmem>>
        %dma_wait3A_172 = arith.constant 0 : i32
        %dma_wait3A_173 = arith.constant 0 : i32
        %dma_wait3A_174 = tpu.memref_slice %arg10[%dma_wait3A_172, %dma_wait3A_173] : memref<10112x64xf32, #tpu.memory_space<vmem_shared>> -> memref<10112x64xf32, #tpu.memory_space<vmem_shared>>
        tpu.wait_indirect_dma semaphore(%run_scoped3A_160 : memref<!tpu.dma_semaphore, #tpu.memory_space<semaphore_mem>>) src(%dma_wait3A_171 : memref<64x64xf32, #tpu.memory_space<vmem>>) dst(%dma_wait3A_174 : memref<10112x64xf32, #tpu.memory_space<vmem_shared>>)
        tpu.yield
      }) : () -> ()
      %barrier3A_155 = arith.constant 0 : index
      tpu.barrier barrier_id(%barrier3A_155)
      %mul3A_156 = arith.constant 632 : i32
      %mul3A_157 = arith.muli %arg1, %mul3A_156 : i32
      %mul3A_158 = arith.constant 632 : i32
      %mul3A_159 = arith.muli %arg1, %mul3A_158 : i32
      "tpu.region"() ({
        %run_scoped3A_160 = tpu.sem_alloc : memref<!tpu.dma_semaphore, #tpu.memory_space<semaphore_mem>>
        %dma_start3A_161 = arith.constant 0 : i32
        %dma_start3A_162 = tpu.memref_slice %arg5[%arg0, %mul3A_159, %dma_start3A_161] : memref<2x10112x64xf32, #tpu.memory_space<hbm>> -> memref<1x632x64xf32, #tpu.memory_space<hbm>>
        %dma_start3A_163 = tpu.memref_squeeze %dma_start3A_162 : memref<1x632x64xf32, #tpu.memory_space<hbm>> -> memref<632x64xf32, #tpu.memory_space<hbm>>
        %dma_start3A_164 = arith.constant 0 : i32
        %dma_start3A_165 = tpu.memref_slice %arg10[%mul3A_157, %dma_start3A_164] : memref<10112x64xf32, #tpu.memory_space<vmem_shared>> -> memref<632x64xf32, #tpu.memory_space<vmem_shared>>
        tpu.enqueue_dma source(%dma_start3A_165 : memref<632x64xf32, #tpu.memory_space<vmem_shared>>) target(%dma_start3A_163 : memref<632x64xf32, #tpu.memory_space<hbm>>) target_semaphore(%run_scoped3A_160 : memref<!tpu.dma_semaphore, #tpu.memory_space<semaphore_mem>>)
        %dma_wait3A_166 = arith.constant 0 : i32
        %dma_wait3A_167 = tpu.memref_slice %arg5[%arg0, %mul3A_159, %dma_wait3A_166] : memref<2x10112x64xf32, #tpu.memory_space<hbm>> -> memref<1x632x64xf32, #tpu.memory_space<hbm>>
        %dma_wait3A_168 = tpu.memref_squeeze %dma_wait3A_167 : memref<1x632x64xf32, #tpu.memory_space<hbm>> -> memref<632x64xf32, #tpu.memory_space<hbm>>
        %dma_wait3A_169 = arith.constant 0 : i32
        %dma_wait3A_170 = tpu.memref_slice %arg10[%mul3A_157, %dma_wait3A_169] : memref<10112x64xf32, #tpu.memory_space<vmem_shared>> -> memref<632x64xf32, #tpu.memory_space<vmem_shared>>
        tpu.wait_dma2 semaphore(%run_scoped3A_160 : memref<!tpu.dma_semaphore, #tpu.memory_space<semaphore_mem>>) src(%dma_wait3A_170 : memref<632x64xf32, #tpu.memory_space<vmem_shared>>) dst(%dma_wait3A_168 : memref<632x64xf32, #tpu.memory_space<hbm>>)
        tpu.yield
      }) : () -> ()
    } else {
    }
    %eq3A_2 = arith.constant 1 : i32
    %eq3A_3 = arith.cmpi eq, %arg0, %eq3A_2 : i32
    %convert_element_type3A_4 = arith.extui %eq3A_3 : i1 to i32
    %cond3A_5 = arith.constant 0 : i32
    %cond3A_6 = arith.cmpi ne, %convert_element_type3A_4, %cond3A_5 : i32
    scf.if %cond3A_6 {
      %mul3A = arith.constant 112 : i32
      %mul3A_7 = arith.muli %arg1, %mul3A : i32
      %add3A = arith.constant 3328 : i32
      %add3A_8 = arith.addi %add3A, %mul3A_7 : i32
      "tpu.region"() ({
        %run_scoped3A_160 = tpu.sem_alloc : memref<!tpu.dma_semaphore, #tpu.memory_space<semaphore_mem>>
        %dma_start3A_161 = arith.constant 0 : i32
        %dma_start3A_162 = arith.constant 0 : i32
        %dma_start3A_163 = tpu.memref_slice %arg6[%dma_start3A_161, %dma_start3A_162] : memref<208x64xi32, #tpu.memory_space<vmem>> -> memref<112x64xi32, #tpu.memory_space<vmem>>
        %dma_start3A_164 = arith.constant 0 : i32
        %dma_start3A_165 = tpu.memref_slice %arg3[%add3A_8, %dma_start3A_164] : memref<5120x64xi32, #tpu.memory_space<hbm>> -> memref<112x64xi32, #tpu.memory_space<hbm>>
        %dma_start3A_166 = arith.constant 0 : i32
        %dma_start3A_167 = arith.constant 0 : i32
        %dma_start3A_168 = tpu.memref_slice %arg6[%dma_start3A_166, %dma_start3A_167] : memref<208x64xi32, #tpu.memory_space<vmem>> -> memref<112x64xi32, #tpu.memory_space<vmem>>
        %dma_start3A_169 = arith.constant 0 : i32
        %dma_start3A_170 = tpu.memref_slice %arg3[%add3A_8, %dma_start3A_169] : memref<5120x64xi32, #tpu.memory_space<hbm>> -> memref<112x64xi32, #tpu.memory_space<hbm>>
        tpu.enqueue_dma source(%dma_start3A_170 : memref<112x64xi32, #tpu.memory_space<hbm>>) target(%dma_start3A_168 : memref<112x64xi32, #tpu.memory_space<vmem>>) target_semaphore(%run_scoped3A_160 : memref<!tpu.dma_semaphore, #tpu.memory_space<semaphore_mem>>)
        %dma_wait3A_171 = arith.constant 0 : i32
        %dma_wait3A_172 = arith.constant 0 : i32
        %dma_wait3A_173 = tpu.memref_slice %arg6[%dma_wait3A_171, %dma_wait3A_172] : memref<208x64xi32, #tpu.memory_space<vmem>> -> memref<112x64xi32, #tpu.memory_space<vmem>>
        %dma_wait3A_174 = arith.constant 0 : i32
        %dma_wait3A_175 = tpu.memref_slice %arg3[%add3A_8, %dma_wait3A_174] : memref<5120x64xi32, #tpu.memory_space<hbm>> -> memref<112x64xi32, #tpu.memory_space<hbm>>
        %dma_wait3A_176 = arith.constant 0 : i32
        %dma_wait3A_177 = arith.constant 0 : i32
        %dma_wait3A_178 = tpu.memref_slice %arg6[%dma_wait3A_176, %dma_wait3A_177] : memref<208x64xi32, #tpu.memory_space<vmem>> -> memref<112x64xi32, #tpu.memory_space<vmem>>
        %dma_wait3A_179 = arith.constant 0 : i32
        %dma_wait3A_180 = tpu.memref_slice %arg3[%add3A_8, %dma_wait3A_179] : memref<5120x64xi32, #tpu.memory_space<hbm>> -> memref<112x64xi32, #tpu.memory_space<hbm>>
        tpu.wait_dma2 semaphore(%run_scoped3A_160 : memref<!tpu.dma_semaphore, #tpu.memory_space<semaphore_mem>>) src(%dma_wait3A_180 : memref<112x64xi32, #tpu.memory_space<hbm>>) dst(%dma_wait3A_178 : memref<112x64xi32, #tpu.memory_space<vmem>>)
        tpu.yield
      }) : () -> ()
      %mul3A_9 = arith.constant 626 : i32
      %mul3A_10 = arith.muli %arg1, %mul3A_9 : i32
      %min3A = arith.constant 9374 : i32
      %min3A_11 = arith.minsi %mul3A_10, %min3A : i32
      "tpu.region"() ({
        %run_scoped3A_160 = tpu.sem_alloc : memref<!tpu.dma_semaphore, #tpu.memory_space<semaphore_mem>>
        %dma_start3A_161 = arith.constant 0 : i32
        %dma_start3A_162 = tpu.memref_slice %arg11[%min3A_11, %dma_start3A_161] : memref<10016x64xf32, #tpu.memory_space<vmem_shared>> -> memref<626x64xf32, #tpu.memory_space<vmem_shared>>
        %dma_start3A_163 = arith.constant 0 : i32
        %dma_start3A_164 = tpu.memref_slice %arg2[%min3A_11, %dma_start3A_163] : memref<10000x64xf32, #tpu.memory_space<hbm>> -> memref<626x64xf32, #tpu.memory_space<hbm>>
        tpu.enqueue_dma source(%dma_start3A_164 : memref<626x64xf32, #tpu.memory_space<hbm>>) target(%dma_start3A_162 : memref<626x64xf32, #tpu.memory_space<vmem_shared>>) target_semaphore(%run_scoped3A_160 : memref<!tpu.dma_semaphore, #tpu.memory_space<semaphore_mem>>)
        %dma_wait3A_165 = arith.constant 0 : i32
        %dma_wait3A_166 = tpu.memref_slice %arg11[%min3A_11, %dma_wait3A_165] : memref<10016x64xf32, #tpu.memory_space<vmem_shared>> -> memref<626x64xf32, #tpu.memory_space<vmem_shared>>
        %dma_wait3A_167 = arith.constant 0 : i32
        %dma_wait3A_168 = tpu.memref_slice %arg2[%min3A_11, %dma_wait3A_167] : memref<10000x64xf32, #tpu.memory_space<hbm>> -> memref<626x64xf32, #tpu.memory_space<hbm>>
        tpu.wait_dma2 semaphore(%run_scoped3A_160 : memref<!tpu.dma_semaphore, #tpu.memory_space<semaphore_mem>>) src(%dma_wait3A_168 : memref<626x64xf32, #tpu.memory_space<hbm>>) dst(%dma_wait3A_166 : memref<626x64xf32, #tpu.memory_space<vmem_shared>>)
        tpu.yield
      }) : () -> ()
      %mul3A_12 = arith.constant 632 : i32
      %mul3A_13 = arith.muli %arg1, %mul3A_12 : i32
      "tpu.region"() ({
        %run_scoped3A_160 = tpu.sem_alloc : memref<!tpu.dma_semaphore, #tpu.memory_space<semaphore_mem>>
        %dma_start3A_161 = arith.constant 0 : i32
        %dma_start3A_162 = tpu.memref_slice %arg10[%mul3A_13, %dma_start3A_161] : memref<10112x64xf32, #tpu.memory_space<vmem_shared>> -> memref<632x64xf32, #tpu.memory_space<vmem_shared>>
        tpu.enqueue_dma source(%arg4 : memref<632x64xf32, #tpu.memory_space<hbm>>) target(%dma_start3A_162 : memref<632x64xf32, #tpu.memory_space<vmem_shared>>) target_semaphore(%run_scoped3A_160 : memref<!tpu.dma_semaphore, #tpu.memory_space<semaphore_mem>>)
        %dma_wait3A_163 = arith.constant 0 : i32
        %dma_wait3A_164 = tpu.memref_slice %arg10[%mul3A_13, %dma_wait3A_163] : memref<10112x64xf32, #tpu.memory_space<vmem_shared>> -> memref<632x64xf32, #tpu.memory_space<vmem_shared>>
        tpu.wait_dma2 semaphore(%run_scoped3A_160 : memref<!tpu.dma_semaphore, #tpu.memory_space<semaphore_mem>>) src(%arg4 : memref<632x64xf32, #tpu.memory_space<hbm>>) dst(%dma_wait3A_164 : memref<632x64xf32, #tpu.memory_space<vmem_shared>>)
        tpu.yield
      }) : () -> ()
      %barrier3A = arith.constant 0 : index
      tpu.barrier barrier_id(%barrier3A)
      %scan3A = arith.constant 0 : i32
      %scan3A_14 = arith.constant 4 : i32
      %scan3A_15 = arith.addi %scan3A, %scan3A_14 : i32
      %scan3A_16 = arith.constant 1 : i32
      scf.for %scan3A_160 = %scan3A to %scan3A_15 step %scan3A_16  : i32 {
        %mul3A_161 = arith.constant 16 : i32
        %mul3A_162 = arith.muli %scan3A_160, %mul3A_161 : i32
        %add3A_163 = arith.constant 0 : i32
        %add3A_164 = arith.addi %add3A_163, %mul3A_162 : i32
        %get3A = arith.constant 0 : i32
        %get3A_165 = arith.index_cast %get3A : i32 to index
        %get3A_166 = arith.index_cast %add3A_164 : i32 to index
        %get3A_167 = tpu.vector_load %arg6[%get3A_165, %get3A_166] {strides = array<i32>} : memref<208x64xi32, #tpu.memory_space<vmem>>, vector<1x16xi32>,
        %get3A_168 = vector.shape_cast %get3A_167 : vector<1x16xi32> to vector<16xi32>
        %and3A = arith.constant 65535 : i32
        %and3A_169 = vector.broadcast %and3A : i32 to vector<16xi32>
        %and3A_170 = arith.andi %get3A_168, %and3A_169 : vector<16xi32>
        %swap3A = arith.constant 0 : i32
        %swap3A_171 = arith.index_cast %swap3A : i32 to index
        %swap3A_172 = arith.index_cast %add3A_164 : i32 to index
        %swap3A_173 = tpu.vector_load %arg7[%swap3A_171, %swap3A_172] {strides = array<i32>} : memref<4x64xi32, #tpu.memory_space<vmem>>, vector<1x16xi32>,
        %swap3A_174 = vector.shape_cast %swap3A_173 : vector<1x16xi32> to vector<16xi32>
        %swap3A_175 = vector.shape_cast %and3A_170 : vector<16xi32> to vector<1x16xi32>
        tpu.vector_store %arg7[%swap3A_171, %swap3A_172], %swap3A_175 {strides = array<i32>} : memref<4x64xi32, #tpu.memory_space<vmem>>, vector<1x16xi32>,
      }
      %scan3A_17 = arith.constant 4 : i32
      %dma_start3A = arith.constant 0 : i32
      %dma_start3A_18 = arith.constant 0 : i32
      %dma_start3A_19 = arith.constant 0 : i32
      %dma_start3A_20 = arith.constant 0 : i32
      %dma_start3A_21 = tpu.memref_slice %arg9[%dma_start3A_18, %dma_start3A_19, %dma_start3A_20] : memref<4x64x64xf32, #tpu.memory_space<vmem>> -> memref<1x64x64xf32, #tpu.memory_space<vmem>>
      %dma_start3A_22 = tpu.memref_squeeze %dma_start3A_21 : memref<1x64x64xf32, #tpu.memory_space<vmem>> -> memref<64x64xf32, #tpu.memory_space<vmem>>
      %dma_start3A_23 = arith.constant 0 : i32
      %dma_start3A_24 = tpu.memref_slice %arg7[%dma_start3A, %dma_start3A_23] : memref<4x64xi32, #tpu.memory_space<vmem>> -> memref<1x64xi32, #tpu.memory_space<vmem>>
      %dma_start3A_25 = tpu.memref_squeeze %dma_start3A_24 : memref<1x64xi32, #tpu.memory_space<vmem>> -> memref<64xi32, #tpu.memory_space<vmem>>
      %dma_start3A_26 = arith.constant 0 : i32
      %dma_start3A_27 = arith.constant 0 : i32
      %dma_start3A_28 = tpu.memref_slice %arg11[%dma_start3A_26, %dma_start3A_27] : memref<10016x64xf32, #tpu.memory_space<vmem_shared>> -> memref<10016x64xf32, #tpu.memory_space<vmem_shared>>
      tpu.enqueue_indirect_dma source(%dma_start3A_28 : memref<10016x64xf32, #tpu.memory_space<vmem_shared>>) target(%dma_start3A_22 : memref<64x64xf32, #tpu.memory_space<vmem>>) offsets(%dma_start3A_25 : memref<64xi32, #tpu.memory_space<vmem>>) semaphore(%arg12 : memref<!tpu.dma_semaphore, #tpu.memory_space<semaphore_mem>>)
      %scan3A_29 = arith.constant 0 : i32
      %scan3A_30 = arith.constant 4 : i32
      %scan3A_31 = arith.addi %scan3A_29, %scan3A_30 : i32
      %scan3A_32 = arith.constant 1 : i32
      scf.for %scan3A_160 = %scan3A_29 to %scan3A_31 step %scan3A_32  : i32 {
        %mul3A_161 = arith.constant 16 : i32
        %mul3A_162 = arith.muli %scan3A_160, %mul3A_161 : i32
        %add3A_163 = arith.constant 0 : i32
        %add3A_164 = arith.addi %add3A_163, %mul3A_162 : i32
        %get3A = arith.constant 1 : i32
        %get3A_165 = arith.index_cast %get3A : i32 to index
        %get3A_166 = arith.index_cast %add3A_164 : i32 to index
        %get3A_167 = tpu.vector_load %arg6[%get3A_165, %get3A_166] {strides = array<i32>} : memref<208x64xi32, #tpu.memory_space<vmem>>, vector<1x16xi32>,
        %get3A_168 = vector.shape_cast %get3A_167 : vector<1x16xi32> to vector<16xi32>
        %and3A = arith.constant 65535 : i32
        %and3A_169 = vector.broadcast %and3A : i32 to vector<16xi32>
        %and3A_170 = arith.andi %get3A_168, %and3A_169 : vector<16xi32>
        %swap3A = arith.constant 1 : i32
        %swap3A_171 = arith.index_cast %swap3A : i32 to index
        %swap3A_172 = arith.index_cast %add3A_164 : i32 to index
        %swap3A_173 = tpu.vector_load %arg7[%swap3A_171, %swap3A_172] {strides = array<i32>} : memref<4x64xi32, #tpu.memory_space<vmem>>, vector<1x16xi32>,
        %swap3A_174 = vector.shape_cast %swap3A_173 : vector<1x16xi32> to vector<16xi32>
        %swap3A_175 = vector.shape_cast %and3A_170 : vector<16xi32> to vector<1x16xi32>
        tpu.vector_store %arg7[%swap3A_171, %swap3A_172], %swap3A_175 {strides = array<i32>} : memref<4x64xi32, #tpu.memory_space<vmem>>, vector<1x16xi32>,
      }
      %scan3A_33 = arith.constant 4 : i32
      %dma_start3A_34 = arith.constant 1 : i32
      %dma_start3A_35 = arith.constant 1 : i32
      %dma_start3A_36 = arith.constant 0 : i32
      %dma_start3A_37 = arith.constant 0 : i32
      %dma_start3A_38 = tpu.memref_slice %arg9[%dma_start3A_35, %dma_start3A_36, %dma_start3A_37] : memref<4x64x64xf32, #tpu.memory_space<vmem>> -> memref<1x64x64xf32, #tpu.memory_space<vmem>>
      %dma_start3A_39 = tpu.memref_squeeze %dma_start3A_38 : memref<1x64x64xf32, #tpu.memory_space<vmem>> -> memref<64x64xf32, #tpu.memory_space<vmem>>
      %dma_start3A_40 = arith.constant 0 : i32
      %dma_start3A_41 = tpu.memref_slice %arg7[%dma_start3A_34, %dma_start3A_40] : memref<4x64xi32, #tpu.memory_space<vmem>> -> memref<1x64xi32, #tpu.memory_space<vmem>>
      %dma_start3A_42 = tpu.memref_squeeze %dma_start3A_41 : memref<1x64xi32, #tpu.memory_space<vmem>> -> memref<64xi32, #tpu.memory_space<vmem>>
      %dma_start3A_43 = arith.constant 0 : i32
      %dma_start3A_44 = arith.constant 0 : i32
      %dma_start3A_45 = tpu.memref_slice %arg11[%dma_start3A_43, %dma_start3A_44] : memref<10016x64xf32, #tpu.memory_space<vmem_shared>> -> memref<10016x64xf32, #tpu.memory_space<vmem_shared>>
      tpu.enqueue_indirect_dma source(%dma_start3A_45 : memref<10016x64xf32, #tpu.memory_space<vmem_shared>>) target(%dma_start3A_39 : memref<64x64xf32, #tpu.memory_space<vmem>>) offsets(%dma_start3A_42 : memref<64xi32, #tpu.memory_space<vmem>>) semaphore(%arg13 : memref<!tpu.dma_semaphore, #tpu.memory_space<semaphore_mem>>)
      %scan3A_46 = arith.constant 0 : i32
      %scan3A_47 = arith.constant 4 : i32
      %scan3A_48 = arith.addi %scan3A_46, %scan3A_47 : i32
      %scan3A_49 = arith.constant 1 : i32
      scf.for %scan3A_160 = %scan3A_46 to %scan3A_48 step %scan3A_49  : i32 {
        %mul3A_161 = arith.constant 16 : i32
        %mul3A_162 = arith.muli %scan3A_160, %mul3A_161 : i32
        %add3A_163 = arith.constant 0 : i32
        %add3A_164 = arith.addi %add3A_163, %mul3A_162 : i32
        %get3A = arith.constant 2 : i32
        %get3A_165 = arith.index_cast %get3A : i32 to index
        %get3A_166 = arith.index_cast %add3A_164 : i32 to index
        %get3A_167 = tpu.vector_load %arg6[%get3A_165, %get3A_166] {strides = array<i32>} : memref<208x64xi32, #tpu.memory_space<vmem>>, vector<1x16xi32>,
        %get3A_168 = vector.shape_cast %get3A_167 : vector<1x16xi32> to vector<16xi32>
        %and3A = arith.constant 65535 : i32
        %and3A_169 = vector.broadcast %and3A : i32 to vector<16xi32>
        %and3A_170 = arith.andi %get3A_168, %and3A_169 : vector<16xi32>
        %swap3A = arith.constant 2 : i32
        %swap3A_171 = arith.index_cast %swap3A : i32 to index
        %swap3A_172 = arith.index_cast %add3A_164 : i32 to index
        %swap3A_173 = tpu.vector_load %arg7[%swap3A_171, %swap3A_172] {strides = array<i32>} : memref<4x64xi32, #tpu.memory_space<vmem>>, vector<1x16xi32>,
        %swap3A_174 = vector.shape_cast %swap3A_173 : vector<1x16xi32> to vector<16xi32>
        %swap3A_175 = vector.shape_cast %and3A_170 : vector<16xi32> to vector<1x16xi32>
        tpu.vector_store %arg7[%swap3A_171, %swap3A_172], %swap3A_175 {strides = array<i32>} : memref<4x64xi32, #tpu.memory_space<vmem>>, vector<1x16xi32>,
      }
      %scan3A_50 = arith.constant 4 : i32
      %dma_start3A_51 = arith.constant 2 : i32
      %dma_start3A_52 = arith.constant 2 : i32
      %dma_start3A_53 = arith.constant 0 : i32
      %dma_start3A_54 = arith.constant 0 : i32
      %dma_start3A_55 = tpu.memref_slice %arg9[%dma_start3A_52, %dma_start3A_53, %dma_start3A_54] : memref<4x64x64xf32, #tpu.memory_space<vmem>> -> memref<1x64x64xf32, #tpu.memory_space<vmem>>
      %dma_start3A_56 = tpu.memref_squeeze %dma_start3A_55 : memref<1x64x64xf32, #tpu.memory_space<vmem>> -> memref<64x64xf32, #tpu.memory_space<vmem>>
      %dma_start3A_57 = arith.constant 0 : i32
      %dma_start3A_58 = tpu.memref_slice %arg7[%dma_start3A_51, %dma_start3A_57] : memref<4x64xi32, #tpu.memory_space<vmem>> -> memref<1x64xi32, #tpu.memory_space<vmem>>
      %dma_start3A_59 = tpu.memref_squeeze %dma_start3A_58 : memref<1x64xi32, #tpu.memory_space<vmem>> -> memref<64xi32, #tpu.memory_space<vmem>>
      %dma_start3A_60 = arith.constant 0 : i32
      %dma_start3A_61 = arith.constant 0 : i32
      %dma_start3A_62 = tpu.memref_slice %arg11[%dma_start3A_60, %dma_start3A_61] : memref<10016x64xf32, #tpu.memory_space<vmem_shared>> -> memref<10016x64xf32, #tpu.memory_space<vmem_shared>>
      tpu.enqueue_indirect_dma source(%dma_start3A_62 : memref<10016x64xf32, #tpu.memory_space<vmem_shared>>) target(%dma_start3A_56 : memref<64x64xf32, #tpu.memory_space<vmem>>) offsets(%dma_start3A_59 : memref<64xi32, #tpu.memory_space<vmem>>) semaphore(%arg14 : memref<!tpu.dma_semaphore, #tpu.memory_space<semaphore_mem>>)
      %scan3A_63 = arith.constant 0 : i32
      %scan3A_64 = arith.constant 4 : i32
      %scan3A_65 = arith.addi %scan3A_63, %scan3A_64 : i32
      %scan3A_66 = arith.constant 1 : i32
      scf.for %scan3A_160 = %scan3A_63 to %scan3A_65 step %scan3A_66  : i32 {
        %mul3A_161 = arith.constant 16 : i32
        %mul3A_162 = arith.muli %scan3A_160, %mul3A_161 : i32
        %add3A_163 = arith.constant 0 : i32
        %add3A_164 = arith.addi %add3A_163, %mul3A_162 : i32
        %get3A = arith.constant 3 : i32
        %get3A_165 = arith.index_cast %get3A : i32 to index
        %get3A_166 = arith.index_cast %add3A_164 : i32 to index
        %get3A_167 = tpu.vector_load %arg6[%get3A_165, %get3A_166] {strides = array<i32>} : memref<208x64xi32, #tpu.memory_space<vmem>>, vector<1x16xi32>,
        %get3A_168 = vector.shape_cast %get3A_167 : vector<1x16xi32> to vector<16xi32>
        %and3A = arith.constant 65535 : i32
        %and3A_169 = vector.broadcast %and3A : i32 to vector<16xi32>
        %and3A_170 = arith.andi %get3A_168, %and3A_169 : vector<16xi32>
        %swap3A = arith.constant 3 : i32
        %swap3A_171 = arith.index_cast %swap3A : i32 to index
        %swap3A_172 = arith.index_cast %add3A_164 : i32 to index
        %swap3A_173 = tpu.vector_load %arg7[%swap3A_171, %swap3A_172] {strides = array<i32>} : memref<4x64xi32, #tpu.memory_space<vmem>>, vector<1x16xi32>,
        %swap3A_174 = vector.shape_cast %swap3A_173 : vector<1x16xi32> to vector<16xi32>
        %swap3A_175 = vector.shape_cast %and3A_170 : vector<16xi32> to vector<1x16xi32>
        tpu.vector_store %arg7[%swap3A_171, %swap3A_172], %swap3A_175 {strides = array<i32>} : memref<4x64xi32, #tpu.memory_space<vmem>>, vector<1x16xi32>,
      }
      %scan3A_67 = arith.constant 4 : i32
      %dma_start3A_68 = arith.constant 3 : i32
      %dma_start3A_69 = arith.constant 3 : i32
      %dma_start3A_70 = arith.constant 0 : i32
      %dma_start3A_71 = arith.constant 0 : i32
      %dma_start3A_72 = tpu.memref_slice %arg9[%dma_start3A_69, %dma_start3A_70, %dma_start3A_71] : memref<4x64x64xf32, #tpu.memory_space<vmem>> -> memref<1x64x64xf32, #tpu.memory_space<vmem>>
      %dma_start3A_73 = tpu.memref_squeeze %dma_start3A_72 : memref<1x64x64xf32, #tpu.memory_space<vmem>> -> memref<64x64xf32, #tpu.memory_space<vmem>>
      %dma_start3A_74 = arith.constant 0 : i32
      %dma_start3A_75 = tpu.memref_slice %arg7[%dma_start3A_68, %dma_start3A_74] : memref<4x64xi32, #tpu.memory_space<vmem>> -> memref<1x64xi32, #tpu.memory_space<vmem>>
      %dma_start3A_76 = tpu.memref_squeeze %dma_start3A_75 : memref<1x64xi32, #tpu.memory_space<vmem>> -> memref<64xi32, #tpu.memory_space<vmem>>
      %dma_start3A_77 = arith.constant 0 : i32
      %dma_start3A_78 = arith.constant 0 : i32
      %dma_start3A_79 = tpu.memref_slice %arg11[%dma_start3A_77, %dma_start3A_78] : memref<10016x64xf32, #tpu.memory_space<vmem_shared>> -> memref<10016x64xf32, #tpu.memory_space<vmem_shared>>
      tpu.enqueue_indirect_dma source(%dma_start3A_79 : memref<10016x64xf32, #tpu.memory_space<vmem_shared>>) target(%dma_start3A_73 : memref<64x64xf32, #tpu.memory_space<vmem>>) offsets(%dma_start3A_76 : memref<64xi32, #tpu.memory_space<vmem>>) semaphore(%arg15 : memref<!tpu.dma_semaphore, #tpu.memory_space<semaphore_mem>>)
      %scan3A_80 = arith.constant 0 : i32
      %scan3A_81 = arith.constant 27 : i32
      %scan3A_82 = arith.addi %scan3A_80, %scan3A_81 : i32
      %scan3A_83 = arith.constant 1 : i32
      scf.for %scan3A_160 = %scan3A_80 to %scan3A_82 step %scan3A_83  : i32 {
        %mul3A_161 = arith.constant 4 : i32
        %mul3A_162 = arith.muli %scan3A_160, %mul3A_161 : i32
        %add3A_163 = arith.constant 0 : i32
        %add3A_164 = arith.addi %add3A_163, %mul3A_162 : i32
        %dma_wait3A_165 = arith.constant 0 : i32
        %dma_wait3A_166 = arith.constant 0 : i32
        %dma_wait3A_167 = arith.constant 0 : i32
        %dma_wait3A_168 = arith.constant 0 : i32
        %dma_wait3A_169 = tpu.memref_slice %arg9[%dma_wait3A_166, %dma_wait3A_167, %dma_wait3A_168] : memref<4x64x64xf32, #tpu.memory_space<vmem>> -> memref<1x64x64xf32, #tpu.memory_space<vmem>>
        %dma_wait3A_170 = tpu.memref_squeeze %dma_wait3A_169 : memref<1x64x64xf32, #tpu.memory_space<vmem>> -> memref<64x64xf32, #tpu.memory_space<vmem>>
        %dma_wait3A_171 = arith.constant 0 : i32
        %dma_wait3A_172 = tpu.memref_slice %arg7[%dma_wait3A_165, %dma_wait3A_171] : memref<4x64xi32, #tpu.memory_space<vmem>> -> memref<1x64xi32, #tpu.memory_space<vmem>>
        %dma_wait3A_173 = tpu.memref_squeeze %dma_wait3A_172 : memref<1x64xi32, #tpu.memory_space<vmem>> -> memref<64xi32, #tpu.memory_space<vmem>>
        %dma_wait3A_174 = arith.constant 0 : i32
        %dma_wait3A_175 = arith.constant 0 : i32
        %dma_wait3A_176 = tpu.memref_slice %arg11[%dma_wait3A_174, %dma_wait3A_175] : memref<10016x64xf32, #tpu.memory_space<vmem_shared>> -> memref<10016x64xf32, #tpu.memory_space<vmem_shared>>
        tpu.wait_indirect_dma semaphore(%arg12 : memref<!tpu.dma_semaphore, #tpu.memory_space<semaphore_mem>>) src(%dma_wait3A_176 : memref<10016x64xf32, #tpu.memory_space<vmem_shared>>) dst(%dma_wait3A_170 : memref<64x64xf32, #tpu.memory_space<vmem>>)
        %add3A_177 = arith.constant 0 : i32
        %add3A_178 = arith.addi %add3A_164, %add3A_177 : i32
        %scan3A_179 = arith.constant 0 : i32
        %scan3A_180 = arith.constant 4 : i32
        %scan3A_181 = arith.addi %scan3A_179, %scan3A_180 : i32
        %scan3A_182 = arith.constant 1 : i32
        scf.for %scan3A_329 = %scan3A_179 to %scan3A_181 step %scan3A_182  : i32 {
          %mul3A_330 = arith.constant 16 : i32
          %mul3A_331 = arith.muli %scan3A_329, %mul3A_330 : i32
          %add3A_332 = arith.constant 0 : i32
          %add3A_333 = arith.addi %add3A_332, %mul3A_331 : i32
          %get3A = arith.index_cast %add3A_178 : i32 to index
          %get3A_334 = arith.index_cast %add3A_333 : i32 to index
          %get3A_335 = tpu.vector_load %arg6[%get3A, %get3A_334] {strides = array<i32>} : memref<208x64xi32, #tpu.memory_space<vmem>>, vector<1x16xi32>,
          %get3A_336 = vector.shape_cast %get3A_335 : vector<1x16xi32> to vector<16xi32>
          %shift_right_arithmetic3A = arith.constant 16 : i32
          %shift_right_arithmetic3A_337 = vector.broadcast %shift_right_arithmetic3A : i32 to vector<16xi32>
          %shift_right_arithmetic3A_338 = arith.shrsi %get3A_336, %shift_right_arithmetic3A_337 : vector<16xi32>
          %swap3A = arith.index_cast %add3A_333 : i32 to index
          %swap3A_339 = tpu.vector_load %arg8[%swap3A] {strides = array<i32>} : memref<64xi32, #tpu.memory_space<vmem>>, vector<16xi32>,
          %swap3A_340 = vector.shape_cast %swap3A_339 : vector<16xi32> to vector<16xi32>
          %swap3A_341 = vector.shape_cast %shift_right_arithmetic3A_338 : vector<16xi32> to vector<16xi32>
          tpu.vector_store %arg8[%swap3A], %swap3A_341 {strides = array<i32>} : memref<64xi32, #tpu.memory_space<vmem>>, vector<16xi32>,
        }
        %scan3A_183 = arith.constant 4 : i32
        %run_scoped3A_184 = arith.constant 0 : i32
        "tpu.region"() ({
          %run_scoped3A_329 = tpu.sem_alloc : memref<!tpu.dma_semaphore, #tpu.memory_space<semaphore_mem>>
          %dma_start3A_330 = arith.constant 0 : i32
          %dma_start3A_331 = arith.constant 0 : i32
          %dma_start3A_332 = tpu.memref_slice %arg9[%run_scoped3A_184, %dma_start3A_330, %dma_start3A_331] : memref<4x64x64xf32, #tpu.memory_space<vmem>> -> memref<1x64x64xf32, #tpu.memory_space<vmem>>
          %dma_start3A_333 = tpu.memref_squeeze %dma_start3A_332 : memref<1x64x64xf32, #tpu.memory_space<vmem>> -> memref<64x64xf32, #tpu.memory_space<vmem>>
          %dma_start3A_334 = arith.constant 0 : i32
          %dma_start3A_335 = arith.constant 0 : i32
          %dma_start3A_336 = tpu.memref_slice %arg10[%dma_start3A_334, %dma_start3A_335] : memref<10112x64xf32, #tpu.memory_space<vmem_shared>> -> memref<10112x64xf32, #tpu.memory_space<vmem_shared>>
          tpu.enqueue_indirect_dma source(%dma_start3A_333 : memref<64x64xf32, #tpu.memory_space<vmem>>) target(%dma_start3A_336 : memref<10112x64xf32, #tpu.memory_space<vmem_shared>>) offsets(%arg8 : memref<64xi32, #tpu.memory_space<vmem>>) semaphore(%run_scoped3A_329 : memref<!tpu.dma_semaphore, #tpu.memory_space<semaphore_mem>>) {add = true}
          %dma_wait3A_337 = arith.constant 0 : i32
          %dma_wait3A_338 = arith.constant 0 : i32
          %dma_wait3A_339 = tpu.memref_slice %arg9[%run_scoped3A_184, %dma_wait3A_337, %dma_wait3A_338] : memref<4x64x64xf32, #tpu.memory_space<vmem>> -> memref<1x64x64xf32, #tpu.memory_space<vmem>>
          %dma_wait3A_340 = tpu.memref_squeeze %dma_wait3A_339 : memref<1x64x64xf32, #tpu.memory_space<vmem>> -> memref<64x64xf32, #tpu.memory_space<vmem>>
          %dma_wait3A_341 = arith.constant 0 : i32
          %dma_wait3A_342 = arith.constant 0 : i32
          %dma_wait3A_343 = tpu.memref_slice %arg10[%dma_wait3A_341, %dma_wait3A_342] : memref<10112x64xf32, #tpu.memory_space<vmem_shared>> -> memref<10112x64xf32, #tpu.memory_space<vmem_shared>>
          tpu.wait_indirect_dma semaphore(%run_scoped3A_329 : memref<!tpu.dma_semaphore, #tpu.memory_space<semaphore_mem>>) src(%dma_wait3A_340 : memref<64x64xf32, #tpu.memory_space<vmem>>) dst(%dma_wait3A_343 : memref<10112x64xf32, #tpu.memory_space<vmem_shared>>)
          tpu.yield
        }) : () -> ()
        %add3A_185 = arith.constant 0 : i32
        %add3A_186 = arith.addi %add3A_164, %add3A_185 : i32
        %add3A_187 = arith.constant 4 : i32
        %add3A_188 = arith.addi %add3A_186, %add3A_187 : i32
        %scan3A_189 = arith.constant 0 : i32
        %scan3A_190 = arith.constant 4 : i32
        %scan3A_191 = arith.addi %scan3A_189, %scan3A_190 : i32
        %scan3A_192 = arith.constant 1 : i32
        scf.for %scan3A_329 = %scan3A_189 to %scan3A_191 step %scan3A_192  : i32 {
          %mul3A_330 = arith.constant 16 : i32
          %mul3A_331 = arith.muli %scan3A_329, %mul3A_330 : i32
          %add3A_332 = arith.constant 0 : i32
          %add3A_333 = arith.addi %add3A_332, %mul3A_331 : i32
          %get3A = arith.index_cast %add3A_188 : i32 to index
          %get3A_334 = arith.index_cast %add3A_333 : i32 to index
          %get3A_335 = tpu.vector_load %arg6[%get3A, %get3A_334] {strides = array<i32>} : memref<208x64xi32, #tpu.memory_space<vmem>>, vector<1x16xi32>,
          %get3A_336 = vector.shape_cast %get3A_335 : vector<1x16xi32> to vector<16xi32>
          %and3A = arith.constant 65535 : i32
          %and3A_337 = vector.broadcast %and3A : i32 to vector<16xi32>
          %and3A_338 = arith.andi %get3A_336, %and3A_337 : vector<16xi32>
          %swap3A = arith.constant 0 : i32
          %swap3A_339 = arith.index_cast %swap3A : i32 to index
          %swap3A_340 = arith.index_cast %add3A_333 : i32 to index
          %swap3A_341 = tpu.vector_load %arg7[%swap3A_339, %swap3A_340] {strides = array<i32>} : memref<4x64xi32, #tpu.memory_space<vmem>>, vector<1x16xi32>,
          %swap3A_342 = vector.shape_cast %swap3A_341 : vector<1x16xi32> to vector<16xi32>
          %swap3A_343 = vector.shape_cast %and3A_338 : vector<16xi32> to vector<1x16xi32>
          tpu.vector_store %arg7[%swap3A_339, %swap3A_340], %swap3A_343 {strides = array<i32>} : memref<4x64xi32, #tpu.memory_space<vmem>>, vector<1x16xi32>,
        }
        %scan3A_193 = arith.constant 4 : i32
        %dma_start3A_194 = arith.constant 0 : i32
        %dma_start3A_195 = arith.constant 0 : i32
        %dma_start3A_196 = arith.constant 0 : i32
        %dma_start3A_197 = arith.constant 0 : i32
        %dma_start3A_198 = tpu.memref_slice %arg9[%dma_start3A_195, %dma_start3A_196, %dma_start3A_197] : memref<4x64x64xf32, #tpu.memory_space<vmem>> -> memref<1x64x64xf32, #tpu.memory_space<vmem>>
        %dma_start3A_199 = tpu.memref_squeeze %dma_start3A_198 : memref<1x64x64xf32, #tpu.memory_space<vmem>> -> memref<64x64xf32, #tpu.memory_space<vmem>>
        %dma_start3A_200 = arith.constant 0 : i32
        %dma_start3A_201 = tpu.memref_slice %arg7[%dma_start3A_194, %dma_start3A_200] : memref<4x64xi32, #tpu.memory_space<vmem>> -> memref<1x64xi32, #tpu.memory_space<vmem>>
        %dma_start3A_202 = tpu.memref_squeeze %dma_start3A_201 : memref<1x64xi32, #tpu.memory_space<vmem>> -> memref<64xi32, #tpu.memory_space<vmem>>
        %dma_start3A_203 = arith.constant 0 : i32
        %dma_start3A_204 = arith.constant 0 : i32
        %dma_start3A_205 = tpu.memref_slice %arg11[%dma_start3A_203, %dma_start3A_204] : memref<10016x64xf32, #tpu.memory_space<vmem_shared>> -> memref<10016x64xf32, #tpu.memory_space<vmem_shared>>
        tpu.enqueue_indirect_dma source(%dma_start3A_205 : memref<10016x64xf32, #tpu.memory_space<vmem_shared>>) target(%dma_start3A_199 : memref<64x64xf32, #tpu.memory_space<vmem>>) offsets(%dma_start3A_202 : memref<64xi32, #tpu.memory_space<vmem>>) semaphore(%arg12 : memref<!tpu.dma_semaphore, #tpu.memory_space<semaphore_mem>>)
        %dma_wait3A_206 = arith.constant 1 : i32
        %dma_wait3A_207 = arith.constant 1 : i32
        %dma_wait3A_208 = arith.constant 0 : i32
        %dma_wait3A_209 = arith.constant 0 : i32
        %dma_wait3A_210 = tpu.memref_slice %arg9[%dma_wait3A_207, %dma_wait3A_208, %dma_wait3A_209] : memref<4x64x64xf32, #tpu.memory_space<vmem>> -> memref<1x64x64xf32, #tpu.memory_space<vmem>>
        %dma_wait3A_211 = tpu.memref_squeeze %dma_wait3A_210 : memref<1x64x64xf32, #tpu.memory_space<vmem>> -> memref<64x64xf32, #tpu.memory_space<vmem>>
        %dma_wait3A_212 = arith.constant 0 : i32
        %dma_wait3A_213 = tpu.memref_slice %arg7[%dma_wait3A_206, %dma_wait3A_212] : memref<4x64xi32, #tpu.memory_space<vmem>> -> memref<1x64xi32, #tpu.memory_space<vmem>>
        %dma_wait3A_214 = tpu.memref_squeeze %dma_wait3A_213 : memref<1x64xi32, #tpu.memory_space<vmem>> -> memref<64xi32, #tpu.memory_space<vmem>>
        %dma_wait3A_215 = arith.constant 0 : i32
        %dma_wait3A_216 = arith.constant 0 : i32
        %dma_wait3A_217 = tpu.memref_slice %arg11[%dma_wait3A_215, %dma_wait3A_216] : memref<10016x64xf32, #tpu.memory_space<vmem_shared>> -> memref<10016x64xf32, #tpu.memory_space<vmem_shared>>
        tpu.wait_indirect_dma semaphore(%arg13 : memref<!tpu.dma_semaphore, #tpu.memory_space<semaphore_mem>>) src(%dma_wait3A_217 : memref<10016x64xf32, #tpu.memory_space<vmem_shared>>) dst(%dma_wait3A_211 : memref<64x64xf32, #tpu.memory_space<vmem>>)
        %add3A_218 = arith.constant 1 : i32
        %add3A_219 = arith.addi %add3A_164, %add3A_218 : i32
        %scan3A_220 = arith.constant 0 : i32
        %scan3A_221 = arith.constant 4 : i32
        %scan3A_222 = arith.addi %scan3A_220, %scan3A_221 : i32
        %scan3A_223 = arith.constant 1 : i32
        scf.for %scan3A_329 = %scan3A_220 to %scan3A_222 step %scan3A_223  : i32 {
          %mul3A_330 = arith.constant 16 : i32
          %mul3A_331 = arith.muli %scan3A_329, %mul3A_330 : i32
          %add3A_332 = arith.constant 0 : i32
          %add3A_333 = arith.addi %add3A_332, %mul3A_331 : i32
          %get3A = arith.index_cast %add3A_219 : i32 to index
          %get3A_334 = arith.index_cast %add3A_333 : i32 to index
          %get3A_335 = tpu.vector_load %arg6[%get3A, %get3A_334] {strides = array<i32>} : memref<208x64xi32, #tpu.memory_space<vmem>>, vector<1x16xi32>,
          %get3A_336 = vector.shape_cast %get3A_335 : vector<1x16xi32> to vector<16xi32>
          %shift_right_arithmetic3A = arith.constant 16 : i32
          %shift_right_arithmetic3A_337 = vector.broadcast %shift_right_arithmetic3A : i32 to vector<16xi32>
          %shift_right_arithmetic3A_338 = arith.shrsi %get3A_336, %shift_right_arithmetic3A_337 : vector<16xi32>
          %swap3A = arith.index_cast %add3A_333 : i32 to index
          %swap3A_339 = tpu.vector_load %arg8[%swap3A] {strides = array<i32>} : memref<64xi32, #tpu.memory_space<vmem>>, vector<16xi32>,
          %swap3A_340 = vector.shape_cast %swap3A_339 : vector<16xi32> to vector<16xi32>
          %swap3A_341 = vector.shape_cast %shift_right_arithmetic3A_338 : vector<16xi32> to vector<16xi32>
          tpu.vector_store %arg8[%swap3A], %swap3A_341 {strides = array<i32>} : memref<64xi32, #tpu.memory_space<vmem>>, vector<16xi32>,
        }
        %scan3A_224 = arith.constant 4 : i32
        %run_scoped3A_225 = arith.constant 1 : i32
        "tpu.region"() ({
          %run_scoped3A_329 = tpu.sem_alloc : memref<!tpu.dma_semaphore, #tpu.memory_space<semaphore_mem>>
          %dma_start3A_330 = arith.constant 0 : i32
          %dma_start3A_331 = arith.constant 0 : i32
          %dma_start3A_332 = tpu.memref_slice %arg9[%run_scoped3A_225, %dma_start3A_330, %dma_start3A_331] : memref<4x64x64xf32, #tpu.memory_space<vmem>> -> memref<1x64x64xf32, #tpu.memory_space<vmem>>
          %dma_start3A_333 = tpu.memref_squeeze %dma_start3A_332 : memref<1x64x64xf32, #tpu.memory_space<vmem>> -> memref<64x64xf32, #tpu.memory_space<vmem>>
          %dma_start3A_334 = arith.constant 0 : i32
          %dma_start3A_335 = arith.constant 0 : i32
          %dma_start3A_336 = tpu.memref_slice %arg10[%dma_start3A_334, %dma_start3A_335] : memref<10112x64xf32, #tpu.memory_space<vmem_shared>> -> memref<10112x64xf32, #tpu.memory_space<vmem_shared>>
          tpu.enqueue_indirect_dma source(%dma_start3A_333 : memref<64x64xf32, #tpu.memory_space<vmem>>) target(%dma_start3A_336 : memref<10112x64xf32, #tpu.memory_space<vmem_shared>>) offsets(%arg8 : memref<64xi32, #tpu.memory_space<vmem>>) semaphore(%run_scoped3A_329 : memref<!tpu.dma_semaphore, #tpu.memory_space<semaphore_mem>>) {add = true}
          %dma_wait3A_337 = arith.constant 0 : i32
          %dma_wait3A_338 = arith.constant 0 : i32
          %dma_wait3A_339 = tpu.memref_slice %arg9[%run_scoped3A_225, %dma_wait3A_337, %dma_wait3A_338] : memref<4x64x64xf32, #tpu.memory_space<vmem>> -> memref<1x64x64xf32, #tpu.memory_space<vmem>>
          %dma_wait3A_340 = tpu.memref_squeeze %dma_wait3A_339 : memref<1x64x64xf32, #tpu.memory_space<vmem>> -> memref<64x64xf32, #tpu.memory_space<vmem>>
          %dma_wait3A_341 = arith.constant 0 : i32
          %dma_wait3A_342 = arith.constant 0 : i32
          %dma_wait3A_343 = tpu.memref_slice %arg10[%dma_wait3A_341, %dma_wait3A_342] : memref<10112x64xf32, #tpu.memory_space<vmem_shared>> -> memref<10112x64xf32, #tpu.memory_space<vmem_shared>>
          tpu.wait_indirect_dma semaphore(%run_scoped3A_329 : memref<!tpu.dma_semaphore, #tpu.memory_space<semaphore_mem>>) src(%dma_wait3A_340 : memref<64x64xf32, #tpu.memory_space<vmem>>) dst(%dma_wait3A_343 : memref<10112x64xf32, #tpu.memory_space<vmem_shared>>)
          tpu.yield
        }) : () -> ()
        %add3A_226 = arith.constant 1 : i32
        %add3A_227 = arith.addi %add3A_164, %add3A_226 : i32
        %add3A_228 = arith.constant 4 : i32
        %add3A_229 = arith.addi %add3A_227, %add3A_228 : i32
        %scan3A_230 = arith.constant 0 : i32
        %scan3A_231 = arith.constant 4 : i32
        %scan3A_232 = arith.addi %scan3A_230, %scan3A_231 : i32
        %scan3A_233 = arith.constant 1 : i32
        scf.for %scan3A_329 = %scan3A_230 to %scan3A_232 step %scan3A_233  : i32 {
          %mul3A_330 = arith.constant 16 : i32
          %mul3A_331 = arith.muli %scan3A_329, %mul3A_330 : i32
          %add3A_332 = arith.constant 0 : i32
          %add3A_333 = arith.addi %add3A_332, %mul3A_331 : i32
          %get3A = arith.index_cast %add3A_229 : i32 to index
          %get3A_334 = arith.index_cast %add3A_333 : i32 to index
          %get3A_335 = tpu.vector_load %arg6[%get3A, %get3A_334] {strides = array<i32>} : memref<208x64xi32, #tpu.memory_space<vmem>>, vector<1x16xi32>,
          %get3A_336 = vector.shape_cast %get3A_335 : vector<1x16xi32> to vector<16xi32>
          %and3A = arith.constant 65535 : i32
          %and3A_337 = vector.broadcast %and3A : i32 to vector<16xi32>
          %and3A_338 = arith.andi %get3A_336, %and3A_337 : vector<16xi32>
          %swap3A = arith.constant 1 : i32
          %swap3A_339 = arith.index_cast %swap3A : i32 to index
          %swap3A_340 = arith.index_cast %add3A_333 : i32 to index
          %swap3A_341 = tpu.vector_load %arg7[%swap3A_339, %swap3A_340] {strides = array<i32>} : memref<4x64xi32, #tpu.memory_space<vmem>>, vector<1x16xi32>,
          %swap3A_342 = vector.shape_cast %swap3A_341 : vector<1x16xi32> to vector<16xi32>
          %swap3A_343 = vector.shape_cast %and3A_338 : vector<16xi32> to vector<1x16xi32>
          tpu.vector_store %arg7[%swap3A_339, %swap3A_340], %swap3A_343 {strides = array<i32>} : memref<4x64xi32, #tpu.memory_space<vmem>>, vector<1x16xi32>,
        }
        %scan3A_234 = arith.constant 4 : i32
        %dma_start3A_235 = arith.constant 1 : i32
        %dma_start3A_236 = arith.constant 1 : i32
        %dma_start3A_237 = arith.constant 0 : i32
        %dma_start3A_238 = arith.constant 0 : i32
        %dma_start3A_239 = tpu.memref_slice %arg9[%dma_start3A_236, %dma_start3A_237, %dma_start3A_238] : memref<4x64x64xf32, #tpu.memory_space<vmem>> -> memref<1x64x64xf32, #tpu.memory_space<vmem>>
        %dma_start3A_240 = tpu.memref_squeeze %dma_start3A_239 : memref<1x64x64xf32, #tpu.memory_space<vmem>> -> memref<64x64xf32, #tpu.memory_space<vmem>>
        %dma_start3A_241 = arith.constant 0 : i32
        %dma_start3A_242 = tpu.memref_slice %arg7[%dma_start3A_235, %dma_start3A_241] : memref<4x64xi32, #tpu.memory_space<vmem>> -> memref<1x64xi32, #tpu.memory_space<vmem>>
        %dma_start3A_243 = tpu.memref_squeeze %dma_start3A_242 : memref<1x64xi32, #tpu.memory_space<vmem>> -> memref<64xi32, #tpu.memory_space<vmem>>
        %dma_start3A_244 = arith.constant 0 : i32
        %dma_start3A_245 = arith.constant 0 : i32
        %dma_start3A_246 = tpu.memref_slice %arg11[%dma_start3A_244, %dma_start3A_245] : memref<10016x64xf32, #tpu.memory_space<vmem_shared>> -> memref<10016x64xf32, #tpu.memory_space<vmem_shared>>
        tpu.enqueue_indirect_dma source(%dma_start3A_246 : memref<10016x64xf32, #tpu.memory_space<vmem_shared>>) target(%dma_start3A_240 : memref<64x64xf32, #tpu.memory_space<vmem>>) offsets(%dma_start3A_243 : memref<64xi32, #tpu.memory_space<vmem>>) semaphore(%arg13 : memref<!tpu.dma_semaphore, #tpu.memory_space<semaphore_mem>>)
        %dma_wait3A_247 = arith.constant 2 : i32
        %dma_wait3A_248 = arith.constant 2 : i32
        %dma_wait3A_249 = arith.constant 0 : i32
        %dma_wait3A_250 = arith.constant 0 : i32
        %dma_wait3A_251 = tpu.memref_slice %arg9[%dma_wait3A_248, %dma_wait3A_249, %dma_wait3A_250] : memref<4x64x64xf32, #tpu.memory_space<vmem>> -> memref<1x64x64xf32, #tpu.memory_space<vmem>>
        %dma_wait3A_252 = tpu.memref_squeeze %dma_wait3A_251 : memref<1x64x64xf32, #tpu.memory_space<vmem>> -> memref<64x64xf32, #tpu.memory_space<vmem>>
        %dma_wait3A_253 = arith.constant 0 : i32
        %dma_wait3A_254 = tpu.memref_slice %arg7[%dma_wait3A_247, %dma_wait3A_253] : memref<4x64xi32, #tpu.memory_space<vmem>> -> memref<1x64xi32, #tpu.memory_space<vmem>>
        %dma_wait3A_255 = tpu.memref_squeeze %dma_wait3A_254 : memref<1x64xi32, #tpu.memory_space<vmem>> -> memref<64xi32, #tpu.memory_space<vmem>>
        %dma_wait3A_256 = arith.constant 0 : i32
        %dma_wait3A_257 = arith.constant 0 : i32
        %dma_wait3A_258 = tpu.memref_slice %arg11[%dma_wait3A_256, %dma_wait3A_257] : memref<10016x64xf32, #tpu.memory_space<vmem_shared>> -> memref<10016x64xf32, #tpu.memory_space<vmem_shared>>
        tpu.wait_indirect_dma semaphore(%arg14 : memref<!tpu.dma_semaphore, #tpu.memory_space<semaphore_mem>>) src(%dma_wait3A_258 : memref<10016x64xf32, #tpu.memory_space<vmem_shared>>) dst(%dma_wait3A_252 : memref<64x64xf32, #tpu.memory_space<vmem>>)
        %add3A_259 = arith.constant 2 : i32
        %add3A_260 = arith.addi %add3A_164, %add3A_259 : i32
        %scan3A_261 = arith.constant 0 : i32
        %scan3A_262 = arith.constant 4 : i32
        %scan3A_263 = arith.addi %scan3A_261, %scan3A_262 : i32
        %scan3A_264 = arith.constant 1 : i32
        scf.for %scan3A_329 = %scan3A_261 to %scan3A_263 step %scan3A_264  : i32 {
          %mul3A_330 = arith.constant 16 : i32
          %mul3A_331 = arith.muli %scan3A_329, %mul3A_330 : i32
          %add3A_332 = arith.constant 0 : i32
          %add3A_333 = arith.addi %add3A_332, %mul3A_331 : i32
          %get3A = arith.index_cast %add3A_260 : i32 to index
          %get3A_334 = arith.index_cast %add3A_333 : i32 to index
          %get3A_335 = tpu.vector_load %arg6[%get3A, %get3A_334] {strides = array<i32>} : memref<208x64xi32, #tpu.memory_space<vmem>>, vector<1x16xi32>,
          %get3A_336 = vector.shape_cast %get3A_335 : vector<1x16xi32> to vector<16xi32>
          %shift_right_arithmetic3A = arith.constant 16 : i32
          %shift_right_arithmetic3A_337 = vector.broadcast %shift_right_arithmetic3A : i32 to vector<16xi32>
          %shift_right_arithmetic3A_338 = arith.shrsi %get3A_336, %shift_right_arithmetic3A_337 : vector<16xi32>
          %swap3A = arith.index_cast %add3A_333 : i32 to index
          %swap3A_339 = tpu.vector_load %arg8[%swap3A] {strides = array<i32>} : memref<64xi32, #tpu.memory_space<vmem>>, vector<16xi32>,
          %swap3A_340 = vector.shape_cast %swap3A_339 : vector<16xi32> to vector<16xi32>
          %swap3A_341 = vector.shape_cast %shift_right_arithmetic3A_338 : vector<16xi32> to vector<16xi32>
          tpu.vector_store %arg8[%swap3A], %swap3A_341 {strides = array<i32>} : memref<64xi32, #tpu.memory_space<vmem>>, vector<16xi32>,
        }
        %scan3A_265 = arith.constant 4 : i32
        %run_scoped3A_266 = arith.constant 2 : i32
        "tpu.region"() ({
          %run_scoped3A_329 = tpu.sem_alloc : memref<!tpu.dma_semaphore, #tpu.memory_space<semaphore_mem>>
          %dma_start3A_330 = arith.constant 0 : i32
          %dma_start3A_331 = arith.constant 0 : i32
          %dma_start3A_332 = tpu.memref_slice %arg9[%run_scoped3A_266, %dma_start3A_330, %dma_start3A_331] : memref<4x64x64xf32, #tpu.memory_space<vmem>> -> memref<1x64x64xf32, #tpu.memory_space<vmem>>
          %dma_start3A_333 = tpu.memref_squeeze %dma_start3A_332 : memref<1x64x64xf32, #tpu.memory_space<vmem>> -> memref<64x64xf32, #tpu.memory_space<vmem>>
          %dma_start3A_334 = arith.constant 0 : i32
          %dma_start3A_335 = arith.constant 0 : i32
          %dma_start3A_336 = tpu.memref_slice %arg10[%dma_start3A_334, %dma_start3A_335] : memref<10112x64xf32, #tpu.memory_space<vmem_shared>> -> memref<10112x64xf32, #tpu.memory_space<vmem_shared>>
          tpu.enqueue_indirect_dma source(%dma_start3A_333 : memref<64x64xf32, #tpu.memory_space<vmem>>) target(%dma_start3A_336 : memref<10112x64xf32, #tpu.memory_space<vmem_shared>>) offsets(%arg8 : memref<64xi32, #tpu.memory_space<vmem>>) semaphore(%run_scoped3A_329 : memref<!tpu.dma_semaphore, #tpu.memory_space<semaphore_mem>>) {add = true}
          %dma_wait3A_337 = arith.constant 0 : i32
          %dma_wait3A_338 = arith.constant 0 : i32
          %dma_wait3A_339 = tpu.memref_slice %arg9[%run_scoped3A_266, %dma_wait3A_337, %dma_wait3A_338] : memref<4x64x64xf32, #tpu.memory_space<vmem>> -> memref<1x64x64xf32, #tpu.memory_space<vmem>>
          %dma_wait3A_340 = tpu.memref_squeeze %dma_wait3A_339 : memref<1x64x64xf32, #tpu.memory_space<vmem>> -> memref<64x64xf32, #tpu.memory_space<vmem>>
          %dma_wait3A_341 = arith.constant 0 : i32
          %dma_wait3A_342 = arith.constant 0 : i32
          %dma_wait3A_343 = tpu.memref_slice %arg10[%dma_wait3A_341, %dma_wait3A_342] : memref<10112x64xf32, #tpu.memory_space<vmem_shared>> -> memref<10112x64xf32, #tpu.memory_space<vmem_shared>>
          tpu.wait_indirect_dma semaphore(%run_scoped3A_329 : memref<!tpu.dma_semaphore, #tpu.memory_space<semaphore_mem>>) src(%dma_wait3A_340 : memref<64x64xf32, #tpu.memory_space<vmem>>) dst(%dma_wait3A_343 : memref<10112x64xf32, #tpu.memory_space<vmem_shared>>)
          tpu.yield
        }) : () -> ()
        %add3A_267 = arith.constant 2 : i32
        %add3A_268 = arith.addi %add3A_164, %add3A_267 : i32
        %add3A_269 = arith.constant 4 : i32
        %add3A_270 = arith.addi %add3A_268, %add3A_269 : i32
        %scan3A_271 = arith.constant 0 : i32
        %scan3A_272 = arith.constant 4 : i32
        %scan3A_273 = arith.addi %scan3A_271, %scan3A_272 : i32
        %scan3A_274 = arith.constant 1 : i32
        scf.for %scan3A_329 = %scan3A_271 to %scan3A_273 step %scan3A_274  : i32 {
          %mul3A_330 = arith.constant 16 : i32
          %mul3A_331 = arith.muli %scan3A_329, %mul3A_330 : i32
          %add3A_332 = arith.constant 0 : i32
          %add3A_333 = arith.addi %add3A_332, %mul3A_331 : i32
          %get3A = arith.index_cast %add3A_270 : i32 to index
          %get3A_334 = arith.index_cast %add3A_333 : i32 to index
          %get3A_335 = tpu.vector_load %arg6[%get3A, %get3A_334] {strides = array<i32>} : memref<208x64xi32, #tpu.memory_space<vmem>>, vector<1x16xi32>,
          %get3A_336 = vector.shape_cast %get3A_335 : vector<1x16xi32> to vector<16xi32>
          %and3A = arith.constant 65535 : i32
          %and3A_337 = vector.broadcast %and3A : i32 to vector<16xi32>
          %and3A_338 = arith.andi %get3A_336, %and3A_337 : vector<16xi32>
          %swap3A = arith.constant 2 : i32
          %swap3A_339 = arith.index_cast %swap3A : i32 to index
          %swap3A_340 = arith.index_cast %add3A_333 : i32 to index
          %swap3A_341 = tpu.vector_load %arg7[%swap3A_339, %swap3A_340] {strides = array<i32>} : memref<4x64xi32, #tpu.memory_space<vmem>>, vector<1x16xi32>,
          %swap3A_342 = vector.shape_cast %swap3A_341 : vector<1x16xi32> to vector<16xi32>
          %swap3A_343 = vector.shape_cast %and3A_338 : vector<16xi32> to vector<1x16xi32>
          tpu.vector_store %arg7[%swap3A_339, %swap3A_340], %swap3A_343 {strides = array<i32>} : memref<4x64xi32, #tpu.memory_space<vmem>>, vector<1x16xi32>,
        }
        %scan3A_275 = arith.constant 4 : i32
        %dma_start3A_276 = arith.constant 2 : i32
        %dma_start3A_277 = arith.constant 2 : i32
        %dma_start3A_278 = arith.constant 0 : i32
        %dma_start3A_279 = arith.constant 0 : i32
        %dma_start3A_280 = tpu.memref_slice %arg9[%dma_start3A_277, %dma_start3A_278, %dma_start3A_279] : memref<4x64x64xf32, #tpu.memory_space<vmem>> -> memref<1x64x64xf32, #tpu.memory_space<vmem>>
        %dma_start3A_281 = tpu.memref_squeeze %dma_start3A_280 : memref<1x64x64xf32, #tpu.memory_space<vmem>> -> memref<64x64xf32, #tpu.memory_space<vmem>>
        %dma_start3A_282 = arith.constant 0 : i32
        %dma_start3A_283 = tpu.memref_slice %arg7[%dma_start3A_276, %dma_start3A_282] : memref<4x64xi32, #tpu.memory_space<vmem>> -> memref<1x64xi32, #tpu.memory_space<vmem>>
        %dma_start3A_284 = tpu.memref_squeeze %dma_start3A_283 : memref<1x64xi32, #tpu.memory_space<vmem>> -> memref<64xi32, #tpu.memory_space<vmem>>
        %dma_start3A_285 = arith.constant 0 : i32
        %dma_start3A_286 = arith.constant 0 : i32
        %dma_start3A_287 = tpu.memref_slice %arg11[%dma_start3A_285, %dma_start3A_286] : memref<10016x64xf32, #tpu.memory_space<vmem_shared>> -> memref<10016x64xf32, #tpu.memory_space<vmem_shared>>
        tpu.enqueue_indirect_dma source(%dma_start3A_287 : memref<10016x64xf32, #tpu.memory_space<vmem_shared>>) target(%dma_start3A_281 : memref<64x64xf32, #tpu.memory_space<vmem>>) offsets(%dma_start3A_284 : memref<64xi32, #tpu.memory_space<vmem>>) semaphore(%arg14 : memref<!tpu.dma_semaphore, #tpu.memory_space<semaphore_mem>>)
        %dma_wait3A_288 = arith.constant 3 : i32
        %dma_wait3A_289 = arith.constant 3 : i32
        %dma_wait3A_290 = arith.constant 0 : i32
        %dma_wait3A_291 = arith.constant 0 : i32
        %dma_wait3A_292 = tpu.memref_slice %arg9[%dma_wait3A_289, %dma_wait3A_290, %dma_wait3A_291] : memref<4x64x64xf32, #tpu.memory_space<vmem>> -> memref<1x64x64xf32, #tpu.memory_space<vmem>>
        %dma_wait3A_293 = tpu.memref_squeeze %dma_wait3A_292 : memref<1x64x64xf32, #tpu.memory_space<vmem>> -> memref<64x64xf32, #tpu.memory_space<vmem>>
        %dma_wait3A_294 = arith.constant 0 : i32
        %dma_wait3A_295 = tpu.memref_slice %arg7[%dma_wait3A_288, %dma_wait3A_294] : memref<4x64xi32, #tpu.memory_space<vmem>> -> memref<1x64xi32, #tpu.memory_space<vmem>>
        %dma_wait3A_296 = tpu.memref_squeeze %dma_wait3A_295 : memref<1x64xi32, #tpu.memory_space<vmem>> -> memref<64xi32, #tpu.memory_space<vmem>>
        %dma_wait3A_297 = arith.constant 0 : i32
        %dma_wait3A_298 = arith.constant 0 : i32
        %dma_wait3A_299 = tpu.memref_slice %arg11[%dma_wait3A_297, %dma_wait3A_298] : memref<10016x64xf32, #tpu.memory_space<vmem_shared>> -> memref<10016x64xf32, #tpu.memory_space<vmem_shared>>
        tpu.wait_indirect_dma semaphore(%arg15 : memref<!tpu.dma_semaphore, #tpu.memory_space<semaphore_mem>>) src(%dma_wait3A_299 : memref<10016x64xf32, #tpu.memory_space<vmem_shared>>) dst(%dma_wait3A_293 : memref<64x64xf32, #tpu.memory_space<vmem>>)
        %add3A_300 = arith.constant 3 : i32
        %add3A_301 = arith.addi %add3A_164, %add3A_300 : i32
        %scan3A_302 = arith.constant 0 : i32
        %scan3A_303 = arith.constant 4 : i32
        %scan3A_304 = arith.addi %scan3A_302, %scan3A_303 : i32
        %scan3A_305 = arith.constant 1 : i32
        scf.for %scan3A_329 = %scan3A_302 to %scan3A_304 step %scan3A_305  : i32 {
          %mul3A_330 = arith.constant 16 : i32
          %mul3A_331 = arith.muli %scan3A_329, %mul3A_330 : i32
          %add3A_332 = arith.constant 0 : i32
          %add3A_333 = arith.addi %add3A_332, %mul3A_331 : i32
          %get3A = arith.index_cast %add3A_301 : i32 to index
          %get3A_334 = arith.index_cast %add3A_333 : i32 to index
          %get3A_335 = tpu.vector_load %arg6[%get3A, %get3A_334] {strides = array<i32>} : memref<208x64xi32, #tpu.memory_space<vmem>>, vector<1x16xi32>,
          %get3A_336 = vector.shape_cast %get3A_335 : vector<1x16xi32> to vector<16xi32>
          %shift_right_arithmetic3A = arith.constant 16 : i32
          %shift_right_arithmetic3A_337 = vector.broadcast %shift_right_arithmetic3A : i32 to vector<16xi32>
          %shift_right_arithmetic3A_338 = arith.shrsi %get3A_336, %shift_right_arithmetic3A_337 : vector<16xi32>
          %swap3A = arith.index_cast %add3A_333 : i32 to index
          %swap3A_339 = tpu.vector_load %arg8[%swap3A] {strides = array<i32>} : memref<64xi32, #tpu.memory_space<vmem>>, vector<16xi32>,
          %swap3A_340 = vector.shape_cast %swap3A_339 : vector<16xi32> to vector<16xi32>
          %swap3A_341 = vector.shape_cast %shift_right_arithmetic3A_338 : vector<16xi32> to vector<16xi32>
          tpu.vector_store %arg8[%swap3A], %swap3A_341 {strides = array<i32>} : memref<64xi32, #tpu.memory_space<vmem>>, vector<16xi32>,
        }
        %scan3A_306 = arith.constant 4 : i32
        %run_scoped3A_307 = arith.constant 3 : i32
        "tpu.region"() ({
          %run_scoped3A_329 = tpu.sem_alloc : memref<!tpu.dma_semaphore, #tpu.memory_space<semaphore_mem>>
          %dma_start3A_330 = arith.constant 0 : i32
          %dma_start3A_331 = arith.constant 0 : i32
          %dma_start3A_332 = tpu.memref_slice %arg9[%run_scoped3A_307, %dma_start3A_330, %dma_start3A_331] : memref<4x64x64xf32, #tpu.memory_space<vmem>> -> memref<1x64x64xf32, #tpu.memory_space<vmem>>
          %dma_start3A_333 = tpu.memref_squeeze %dma_start3A_332 : memref<1x64x64xf32, #tpu.memory_space<vmem>> -> memref<64x64xf32, #tpu.memory_space<vmem>>
          %dma_start3A_334 = arith.constant 0 : i32
          %dma_start3A_335 = arith.constant 0 : i32
          %dma_start3A_336 = tpu.memref_slice %arg10[%dma_start3A_334, %dma_start3A_335] : memref<10112x64xf32, #tpu.memory_space<vmem_shared>> -> memref<10112x64xf32, #tpu.memory_space<vmem_shared>>
          tpu.enqueue_indirect_dma source(%dma_start3A_333 : memref<64x64xf32, #tpu.memory_space<vmem>>) target(%dma_start3A_336 : memref<10112x64xf32, #tpu.memory_space<vmem_shared>>) offsets(%arg8 : memref<64xi32, #tpu.memory_space<vmem>>) semaphore(%run_scoped3A_329 : memref<!tpu.dma_semaphore, #tpu.memory_space<semaphore_mem>>) {add = true}
          %dma_wait3A_337 = arith.constant 0 : i32
          %dma_wait3A_338 = arith.constant 0 : i32
          %dma_wait3A_339 = tpu.memref_slice %arg9[%run_scoped3A_307, %dma_wait3A_337, %dma_wait3A_338] : memref<4x64x64xf32, #tpu.memory_space<vmem>> -> memref<1x64x64xf32, #tpu.memory_space<vmem>>
          %dma_wait3A_340 = tpu.memref_squeeze %dma_wait3A_339 : memref<1x64x64xf32, #tpu.memory_space<vmem>> -> memref<64x64xf32, #tpu.memory_space<vmem>>
          %dma_wait3A_341 = arith.constant 0 : i32
          %dma_wait3A_342 = arith.constant 0 : i32
          %dma_wait3A_343 = tpu.memref_slice %arg10[%dma_wait3A_341, %dma_wait3A_342] : memref<10112x64xf32, #tpu.memory_space<vmem_shared>> -> memref<10112x64xf32, #tpu.memory_space<vmem_shared>>
          tpu.wait_indirect_dma semaphore(%run_scoped3A_329 : memref<!tpu.dma_semaphore, #tpu.memory_space<semaphore_mem>>) src(%dma_wait3A_340 : memref<64x64xf32, #tpu.memory_space<vmem>>) dst(%dma_wait3A_343 : memref<10112x64xf32, #tpu.memory_space<vmem_shared>>)
          tpu.yield
        }) : () -> ()
        %add3A_308 = arith.constant 3 : i32
        %add3A_309 = arith.addi %add3A_164, %add3A_308 : i32
        %add3A_310 = arith.constant 4 : i32
        %add3A_311 = arith.addi %add3A_309, %add3A_310 : i32
        %scan3A_312 = arith.constant 0 : i32
        %scan3A_313 = arith.constant 4 : i32
        %scan3A_314 = arith.addi %scan3A_312, %scan3A_313 : i32
        %scan3A_315 = arith.constant 1 : i32
        scf.for %scan3A_329 = %scan3A_312 to %scan3A_314 step %scan3A_315  : i32 {
          %mul3A_330 = arith.constant 16 : i32
          %mul3A_331 = arith.muli %scan3A_329, %mul3A_330 : i32
          %add3A_332 = arith.constant 0 : i32
          %add3A_333 = arith.addi %add3A_332, %mul3A_331 : i32
          %get3A = arith.index_cast %add3A_311 : i32 to index
          %get3A_334 = arith.index_cast %add3A_333 : i32 to index
          %get3A_335 = tpu.vector_load %arg6[%get3A, %get3A_334] {strides = array<i32>} : memref<208x64xi32, #tpu.memory_space<vmem>>, vector<1x16xi32>,
          %get3A_336 = vector.shape_cast %get3A_335 : vector<1x16xi32> to vector<16xi32>
          %and3A = arith.constant 65535 : i32
          %and3A_337 = vector.broadcast %and3A : i32 to vector<16xi32>
          %and3A_338 = arith.andi %get3A_336, %and3A_337 : vector<16xi32>
          %swap3A = arith.constant 3 : i32
          %swap3A_339 = arith.index_cast %swap3A : i32 to index
          %swap3A_340 = arith.index_cast %add3A_333 : i32 to index
          %swap3A_341 = tpu.vector_load %arg7[%swap3A_339, %swap3A_340] {strides = array<i32>} : memref<4x64xi32, #tpu.memory_space<vmem>>, vector<1x16xi32>,
          %swap3A_342 = vector.shape_cast %swap3A_341 : vector<1x16xi32> to vector<16xi32>
          %swap3A_343 = vector.shape_cast %and3A_338 : vector<16xi32> to vector<1x16xi32>
          tpu.vector_store %arg7[%swap3A_339, %swap3A_340], %swap3A_343 {strides = array<i32>} : memref<4x64xi32, #tpu.memory_space<vmem>>, vector<1x16xi32>,
        }
        %scan3A_316 = arith.constant 4 : i32
        %dma_start3A_317 = arith.constant 3 : i32
        %dma_start3A_318 = arith.constant 3 : i32
        %dma_start3A_319 = arith.constant 0 : i32
        %dma_start3A_320 = arith.constant 0 : i32
        %dma_start3A_321 = tpu.memref_slice %arg9[%dma_start3A_318, %dma_start3A_319, %dma_start3A_320] : memref<4x64x64xf32, #tpu.memory_space<vmem>> -> memref<1x64x64xf32, #tpu.memory_space<vmem>>
        %dma_start3A_322 = tpu.memref_squeeze %dma_start3A_321 : memref<1x64x64xf32, #tpu.memory_space<vmem>> -> memref<64x64xf32, #tpu.memory_space<vmem>>
        %dma_start3A_323 = arith.constant 0 : i32
        %dma_start3A_324 = tpu.memref_slice %arg7[%dma_start3A_317, %dma_start3A_323] : memref<4x64xi32, #tpu.memory_space<vmem>> -> memref<1x64xi32, #tpu.memory_space<vmem>>
        %dma_start3A_325 = tpu.memref_squeeze %dma_start3A_324 : memref<1x64xi32, #tpu.memory_space<vmem>> -> memref<64xi32, #tpu.memory_space<vmem>>
        %dma_start3A_326 = arith.constant 0 : i32
        %dma_start3A_327 = arith.constant 0 : i32
        %dma_start3A_328 = tpu.memref_slice %arg11[%dma_start3A_326, %dma_start3A_327] : memref<10016x64xf32, #tpu.memory_space<vmem_shared>> -> memref<10016x64xf32, #tpu.memory_space<vmem_shared>>
        tpu.enqueue_indirect_dma source(%dma_start3A_328 : memref<10016x64xf32, #tpu.memory_space<vmem_shared>>) target(%dma_start3A_322 : memref<64x64xf32, #tpu.memory_space<vmem>>) offsets(%dma_start3A_325 : memref<64xi32, #tpu.memory_space<vmem>>) semaphore(%arg15 : memref<!tpu.dma_semaphore, #tpu.memory_space<semaphore_mem>>)
      }
      %scan3A_84 = arith.constant 27 : i32
      %dma_wait3A = arith.constant 0 : i32
      %dma_wait3A_85 = arith.constant 0 : i32
      %dma_wait3A_86 = arith.constant 0 : i32
      %dma_wait3A_87 = arith.constant 0 : i32
      %dma_wait3A_88 = tpu.memref_slice %arg9[%dma_wait3A_85, %dma_wait3A_86, %dma_wait3A_87] : memref<4x64x64xf32, #tpu.memory_space<vmem>> -> memref<1x64x64xf32, #tpu.memory_space<vmem>>
      %dma_wait3A_89 = tpu.memref_squeeze %dma_wait3A_88 : memref<1x64x64xf32, #tpu.memory_space<vmem>> -> memref<64x64xf32, #tpu.memory_space<vmem>>
      %dma_wait3A_90 = arith.constant 0 : i32
      %dma_wait3A_91 = tpu.memref_slice %arg7[%dma_wait3A, %dma_wait3A_90] : memref<4x64xi32, #tpu.memory_space<vmem>> -> memref<1x64xi32, #tpu.memory_space<vmem>>
      %dma_wait3A_92 = tpu.memref_squeeze %dma_wait3A_91 : memref<1x64xi32, #tpu.memory_space<vmem>> -> memref<64xi32, #tpu.memory_space<vmem>>
      %dma_wait3A_93 = arith.constant 0 : i32
      %dma_wait3A_94 = arith.constant 0 : i32
      %dma_wait3A_95 = tpu.memref_slice %arg11[%dma_wait3A_93, %dma_wait3A_94] : memref<10016x64xf32, #tpu.memory_space<vmem_shared>> -> memref<10016x64xf32, #tpu.memory_space<vmem_shared>>
      tpu.wait_indirect_dma semaphore(%arg12 : memref<!tpu.dma_semaphore, #tpu.memory_space<semaphore_mem>>) src(%dma_wait3A_95 : memref<10016x64xf32, #tpu.memory_space<vmem_shared>>) dst(%dma_wait3A_89 : memref<64x64xf32, #tpu.memory_space<vmem>>)
      %scan3A_96 = arith.constant 0 : i32
      %scan3A_97 = arith.constant 4 : i32
      %scan3A_98 = arith.addi %scan3A_96, %scan3A_97 : i32
      %scan3A_99 = arith.constant 1 : i32
      scf.for %scan3A_160 = %scan3A_96 to %scan3A_98 step %scan3A_99  : i32 {
        %mul3A_161 = arith.constant 16 : i32
        %mul3A_162 = arith.muli %scan3A_160, %mul3A_161 : i32
        %add3A_163 = arith.constant 0 : i32
        %add3A_164 = arith.addi %add3A_163, %mul3A_162 : i32
        %get3A = arith.constant 108 : i32
        %get3A_165 = arith.index_cast %get3A : i32 to index
        %get3A_166 = arith.index_cast %add3A_164 : i32 to index
        %get3A_167 = tpu.vector_load %arg6[%get3A_165, %get3A_166] {strides = array<i32>} : memref<208x64xi32, #tpu.memory_space<vmem>>, vector<1x16xi32>,
        %get3A_168 = vector.shape_cast %get3A_167 : vector<1x16xi32> to vector<16xi32>
        %shift_right_arithmetic3A = arith.constant 16 : i32
        %shift_right_arithmetic3A_169 = vector.broadcast %shift_right_arithmetic3A : i32 to vector<16xi32>
        %shift_right_arithmetic3A_170 = arith.shrsi %get3A_168, %shift_right_arithmetic3A_169 : vector<16xi32>
        %swap3A = arith.index_cast %add3A_164 : i32 to index
        %swap3A_171 = tpu.vector_load %arg8[%swap3A] {strides = array<i32>} : memref<64xi32, #tpu.memory_space<vmem>>, vector<16xi32>,
        %swap3A_172 = vector.shape_cast %swap3A_171 : vector<16xi32> to vector<16xi32>
        %swap3A_173 = vector.shape_cast %shift_right_arithmetic3A_170 : vector<16xi32> to vector<16xi32>
        tpu.vector_store %arg8[%swap3A], %swap3A_173 {strides = array<i32>} : memref<64xi32, #tpu.memory_space<vmem>>, vector<16xi32>,
      }
      %scan3A_100 = arith.constant 4 : i32
      %run_scoped3A = arith.constant 0 : i32
      "tpu.region"() ({
        %run_scoped3A_160 = tpu.sem_alloc : memref<!tpu.dma_semaphore, #tpu.memory_space<semaphore_mem>>
        %dma_start3A_161 = arith.constant 0 : i32
        %dma_start3A_162 = arith.constant 0 : i32
        %dma_start3A_163 = tpu.memref_slice %arg9[%run_scoped3A, %dma_start3A_161, %dma_start3A_162] : memref<4x64x64xf32, #tpu.memory_space<vmem>> -> memref<1x64x64xf32, #tpu.memory_space<vmem>>
        %dma_start3A_164 = tpu.memref_squeeze %dma_start3A_163 : memref<1x64x64xf32, #tpu.memory_space<vmem>> -> memref<64x64xf32, #tpu.memory_space<vmem>>
        %dma_start3A_165 = arith.constant 0 : i32
        %dma_start3A_166 = arith.constant 0 : i32
        %dma_start3A_167 = tpu.memref_slice %arg10[%dma_start3A_165, %dma_start3A_166] : memref<10112x64xf32, #tpu.memory_space<vmem_shared>> -> memref<10112x64xf32, #tpu.memory_space<vmem_shared>>
        tpu.enqueue_indirect_dma source(%dma_start3A_164 : memref<64x64xf32, #tpu.memory_space<vmem>>) target(%dma_start3A_167 : memref<10112x64xf32, #tpu.memory_space<vmem_shared>>) offsets(%arg8 : memref<64xi32, #tpu.memory_space<vmem>>) semaphore(%run_scoped3A_160 : memref<!tpu.dma_semaphore, #tpu.memory_space<semaphore_mem>>) {add = true}
        %dma_wait3A_168 = arith.constant 0 : i32
        %dma_wait3A_169 = arith.constant 0 : i32
        %dma_wait3A_170 = tpu.memref_slice %arg9[%run_scoped3A, %dma_wait3A_168, %dma_wait3A_169] : memref<4x64x64xf32, #tpu.memory_space<vmem>> -> memref<1x64x64xf32, #tpu.memory_space<vmem>>
        %dma_wait3A_171 = tpu.memref_squeeze %dma_wait3A_170 : memref<1x64x64xf32, #tpu.memory_space<vmem>> -> memref<64x64xf32, #tpu.memory_space<vmem>>
        %dma_wait3A_172 = arith.constant 0 : i32
        %dma_wait3A_173 = arith.constant 0 : i32
        %dma_wait3A_174 = tpu.memref_slice %arg10[%dma_wait3A_172, %dma_wait3A_173] : memref<10112x64xf32, #tpu.memory_space<vmem_shared>> -> memref<10112x64xf32, #tpu.memory_space<vmem_shared>>
        tpu.wait_indirect_dma semaphore(%run_scoped3A_160 : memref<!tpu.dma_semaphore, #tpu.memory_space<semaphore_mem>>) src(%dma_wait3A_171 : memref<64x64xf32, #tpu.memory_space<vmem>>) dst(%dma_wait3A_174 : memref<10112x64xf32, #tpu.memory_space<vmem_shared>>)
        tpu.yield
      }) : () -> ()
      %dma_wait3A_101 = arith.constant 1 : i32
      %dma_wait3A_102 = arith.constant 1 : i32
      %dma_wait3A_103 = arith.constant 0 : i32
      %dma_wait3A_104 = arith.constant 0 : i32
      %dma_wait3A_105 = tpu.memref_slice %arg9[%dma_wait3A_102, %dma_wait3A_103, %dma_wait3A_104] : memref<4x64x64xf32, #tpu.memory_space<vmem>> -> memref<1x64x64xf32, #tpu.memory_space<vmem>>
      %dma_wait3A_106 = tpu.memref_squeeze %dma_wait3A_105 : memref<1x64x64xf32, #tpu.memory_space<vmem>> -> memref<64x64xf32, #tpu.memory_space<vmem>>
      %dma_wait3A_107 = arith.constant 0 : i32
      %dma_wait3A_108 = tpu.memref_slice %arg7[%dma_wait3A_101, %dma_wait3A_107] : memref<4x64xi32, #tpu.memory_space<vmem>> -> memref<1x64xi32, #tpu.memory_space<vmem>>
      %dma_wait3A_109 = tpu.memref_squeeze %dma_wait3A_108 : memref<1x64xi32, #tpu.memory_space<vmem>> -> memref<64xi32, #tpu.memory_space<vmem>>
      %dma_wait3A_110 = arith.constant 0 : i32
      %dma_wait3A_111 = arith.constant 0 : i32
      %dma_wait3A_112 = tpu.memref_slice %arg11[%dma_wait3A_110, %dma_wait3A_111] : memref<10016x64xf32, #tpu.memory_space<vmem_shared>> -> memref<10016x64xf32, #tpu.memory_space<vmem_shared>>
      tpu.wait_indirect_dma semaphore(%arg13 : memref<!tpu.dma_semaphore, #tpu.memory_space<semaphore_mem>>) src(%dma_wait3A_112 : memref<10016x64xf32, #tpu.memory_space<vmem_shared>>) dst(%dma_wait3A_106 : memref<64x64xf32, #tpu.memory_space<vmem>>)
      %scan3A_113 = arith.constant 0 : i32
      %scan3A_114 = arith.constant 4 : i32
      %scan3A_115 = arith.addi %scan3A_113, %scan3A_114 : i32
      %scan3A_116 = arith.constant 1 : i32
      scf.for %scan3A_160 = %scan3A_113 to %scan3A_115 step %scan3A_116  : i32 {
        %mul3A_161 = arith.constant 16 : i32
        %mul3A_162 = arith.muli %scan3A_160, %mul3A_161 : i32
        %add3A_163 = arith.constant 0 : i32
        %add3A_164 = arith.addi %add3A_163, %mul3A_162 : i32
        %get3A = arith.constant 109 : i32
        %get3A_165 = arith.index_cast %get3A : i32 to index
        %get3A_166 = arith.index_cast %add3A_164 : i32 to index
        %get3A_167 = tpu.vector_load %arg6[%get3A_165, %get3A_166] {strides = array<i32>} : memref<208x64xi32, #tpu.memory_space<vmem>>, vector<1x16xi32>,
        %get3A_168 = vector.shape_cast %get3A_167 : vector<1x16xi32> to vector<16xi32>
        %shift_right_arithmetic3A = arith.constant 16 : i32
        %shift_right_arithmetic3A_169 = vector.broadcast %shift_right_arithmetic3A : i32 to vector<16xi32>
        %shift_right_arithmetic3A_170 = arith.shrsi %get3A_168, %shift_right_arithmetic3A_169 : vector<16xi32>
        %swap3A = arith.index_cast %add3A_164 : i32 to index
        %swap3A_171 = tpu.vector_load %arg8[%swap3A] {strides = array<i32>} : memref<64xi32, #tpu.memory_space<vmem>>, vector<16xi32>,
        %swap3A_172 = vector.shape_cast %swap3A_171 : vector<16xi32> to vector<16xi32>
        %swap3A_173 = vector.shape_cast %shift_right_arithmetic3A_170 : vector<16xi32> to vector<16xi32>
        tpu.vector_store %arg8[%swap3A], %swap3A_173 {strides = array<i32>} : memref<64xi32, #tpu.memory_space<vmem>>, vector<16xi32>,
      }
      %scan3A_117 = arith.constant 4 : i32
      %run_scoped3A_118 = arith.constant 1 : i32
      "tpu.region"() ({
        %run_scoped3A_160 = tpu.sem_alloc : memref<!tpu.dma_semaphore, #tpu.memory_space<semaphore_mem>>
        %dma_start3A_161 = arith.constant 0 : i32
        %dma_start3A_162 = arith.constant 0 : i32
        %dma_start3A_163 = tpu.memref_slice %arg9[%run_scoped3A_118, %dma_start3A_161, %dma_start3A_162] : memref<4x64x64xf32, #tpu.memory_space<vmem>> -> memref<1x64x64xf32, #tpu.memory_space<vmem>>
        %dma_start3A_164 = tpu.memref_squeeze %dma_start3A_163 : memref<1x64x64xf32, #tpu.memory_space<vmem>> -> memref<64x64xf32, #tpu.memory_space<vmem>>
        %dma_start3A_165 = arith.constant 0 : i32
        %dma_start3A_166 = arith.constant 0 : i32
        %dma_start3A_167 = tpu.memref_slice %arg10[%dma_start3A_165, %dma_start3A_166] : memref<10112x64xf32, #tpu.memory_space<vmem_shared>> -> memref<10112x64xf32, #tpu.memory_space<vmem_shared>>
        tpu.enqueue_indirect_dma source(%dma_start3A_164 : memref<64x64xf32, #tpu.memory_space<vmem>>) target(%dma_start3A_167 : memref<10112x64xf32, #tpu.memory_space<vmem_shared>>) offsets(%arg8 : memref<64xi32, #tpu.memory_space<vmem>>) semaphore(%run_scoped3A_160 : memref<!tpu.dma_semaphore, #tpu.memory_space<semaphore_mem>>) {add = true}
        %dma_wait3A_168 = arith.constant 0 : i32
        %dma_wait3A_169 = arith.constant 0 : i32
        %dma_wait3A_170 = tpu.memref_slice %arg9[%run_scoped3A_118, %dma_wait3A_168, %dma_wait3A_169] : memref<4x64x64xf32, #tpu.memory_space<vmem>> -> memref<1x64x64xf32, #tpu.memory_space<vmem>>
        %dma_wait3A_171 = tpu.memref_squeeze %dma_wait3A_170 : memref<1x64x64xf32, #tpu.memory_space<vmem>> -> memref<64x64xf32, #tpu.memory_space<vmem>>
        %dma_wait3A_172 = arith.constant 0 : i32
        %dma_wait3A_173 = arith.constant 0 : i32
        %dma_wait3A_174 = tpu.memref_slice %arg10[%dma_wait3A_172, %dma_wait3A_173] : memref<10112x64xf32, #tpu.memory_space<vmem_shared>> -> memref<10112x64xf32, #tpu.memory_space<vmem_shared>>
        tpu.wait_indirect_dma semaphore(%run_scoped3A_160 : memref<!tpu.dma_semaphore, #tpu.memory_space<semaphore_mem>>) src(%dma_wait3A_171 : memref<64x64xf32, #tpu.memory_space<vmem>>) dst(%dma_wait3A_174 : memref<10112x64xf32, #tpu.memory_space<vmem_shared>>)
        tpu.yield
      }) : () -> ()
      %dma_wait3A_119 = arith.constant 2 : i32
      %dma_wait3A_120 = arith.constant 2 : i32
      %dma_wait3A_121 = arith.constant 0 : i32
      %dma_wait3A_122 = arith.constant 0 : i32
      %dma_wait3A_123 = tpu.memref_slice %arg9[%dma_wait3A_120, %dma_wait3A_121, %dma_wait3A_122] : memref<4x64x64xf32, #tpu.memory_space<vmem>> -> memref<1x64x64xf32, #tpu.memory_space<vmem>>
      %dma_wait3A_124 = tpu.memref_squeeze %dma_wait3A_123 : memref<1x64x64xf32, #tpu.memory_space<vmem>> -> memref<64x64xf32, #tpu.memory_space<vmem>>
      %dma_wait3A_125 = arith.constant 0 : i32
      %dma_wait3A_126 = tpu.memref_slice %arg7[%dma_wait3A_119, %dma_wait3A_125] : memref<4x64xi32, #tpu.memory_space<vmem>> -> memref<1x64xi32, #tpu.memory_space<vmem>>
      %dma_wait3A_127 = tpu.memref_squeeze %dma_wait3A_126 : memref<1x64xi32, #tpu.memory_space<vmem>> -> memref<64xi32, #tpu.memory_space<vmem>>
      %dma_wait3A_128 = arith.constant 0 : i32
      %dma_wait3A_129 = arith.constant 0 : i32
      %dma_wait3A_130 = tpu.memref_slice %arg11[%dma_wait3A_128, %dma_wait3A_129] : memref<10016x64xf32, #tpu.memory_space<vmem_shared>> -> memref<10016x64xf32, #tpu.memory_space<vmem_shared>>
      tpu.wait_indirect_dma semaphore(%arg14 : memref<!tpu.dma_semaphore, #tpu.memory_space<semaphore_mem>>) src(%dma_wait3A_130 : memref<10016x64xf32, #tpu.memory_space<vmem_shared>>) dst(%dma_wait3A_124 : memref<64x64xf32, #tpu.memory_space<vmem>>)
      %scan3A_131 = arith.constant 0 : i32
      %scan3A_132 = arith.constant 4 : i32
      %scan3A_133 = arith.addi %scan3A_131, %scan3A_132 : i32
      %scan3A_134 = arith.constant 1 : i32
      scf.for %scan3A_160 = %scan3A_131 to %scan3A_133 step %scan3A_134  : i32 {
        %mul3A_161 = arith.constant 16 : i32
        %mul3A_162 = arith.muli %scan3A_160, %mul3A_161 : i32
        %add3A_163 = arith.constant 0 : i32
        %add3A_164 = arith.addi %add3A_163, %mul3A_162 : i32
        %get3A = arith.constant 110 : i32
        %get3A_165 = arith.index_cast %get3A : i32 to index
        %get3A_166 = arith.index_cast %add3A_164 : i32 to index
        %get3A_167 = tpu.vector_load %arg6[%get3A_165, %get3A_166] {strides = array<i32>} : memref<208x64xi32, #tpu.memory_space<vmem>>, vector<1x16xi32>,
        %get3A_168 = vector.shape_cast %get3A_167 : vector<1x16xi32> to vector<16xi32>
        %shift_right_arithmetic3A = arith.constant 16 : i32
        %shift_right_arithmetic3A_169 = vector.broadcast %shift_right_arithmetic3A : i32 to vector<16xi32>
        %shift_right_arithmetic3A_170 = arith.shrsi %get3A_168, %shift_right_arithmetic3A_169 : vector<16xi32>
        %swap3A = arith.index_cast %add3A_164 : i32 to index
        %swap3A_171 = tpu.vector_load %arg8[%swap3A] {strides = array<i32>} : memref<64xi32, #tpu.memory_space<vmem>>, vector<16xi32>,
        %swap3A_172 = vector.shape_cast %swap3A_171 : vector<16xi32> to vector<16xi32>
        %swap3A_173 = vector.shape_cast %shift_right_arithmetic3A_170 : vector<16xi32> to vector<16xi32>
        tpu.vector_store %arg8[%swap3A], %swap3A_173 {strides = array<i32>} : memref<64xi32, #tpu.memory_space<vmem>>, vector<16xi32>,
      }
      %scan3A_135 = arith.constant 4 : i32
      %run_scoped3A_136 = arith.constant 2 : i32
      "tpu.region"() ({
        %run_scoped3A_160 = tpu.sem_alloc : memref<!tpu.dma_semaphore, #tpu.memory_space<semaphore_mem>>
        %dma_start3A_161 = arith.constant 0 : i32
        %dma_start3A_162 = arith.constant 0 : i32
        %dma_start3A_163 = tpu.memref_slice %arg9[%run_scoped3A_136, %dma_start3A_161, %dma_start3A_162] : memref<4x64x64xf32, #tpu.memory_space<vmem>> -> memref<1x64x64xf32, #tpu.memory_space<vmem>>
        %dma_start3A_164 = tpu.memref_squeeze %dma_start3A_163 : memref<1x64x64xf32, #tpu.memory_space<vmem>> -> memref<64x64xf32, #tpu.memory_space<vmem>>
        %dma_start3A_165 = arith.constant 0 : i32
        %dma_start3A_166 = arith.constant 0 : i32
        %dma_start3A_167 = tpu.memref_slice %arg10[%dma_start3A_165, %dma_start3A_166] : memref<10112x64xf32, #tpu.memory_space<vmem_shared>> -> memref<10112x64xf32, #tpu.memory_space<vmem_shared>>
        tpu.enqueue_indirect_dma source(%dma_start3A_164 : memref<64x64xf32, #tpu.memory_space<vmem>>) target(%dma_start3A_167 : memref<10112x64xf32, #tpu.memory_space<vmem_shared>>) offsets(%arg8 : memref<64xi32, #tpu.memory_space<vmem>>) semaphore(%run_scoped3A_160 : memref<!tpu.dma_semaphore, #tpu.memory_space<semaphore_mem>>) {add = true}
        %dma_wait3A_168 = arith.constant 0 : i32
        %dma_wait3A_169 = arith.constant 0 : i32
        %dma_wait3A_170 = tpu.memref_slice %arg9[%run_scoped3A_136, %dma_wait3A_168, %dma_wait3A_169] : memref<4x64x64xf32, #tpu.memory_space<vmem>> -> memref<1x64x64xf32, #tpu.memory_space<vmem>>
        %dma_wait3A_171 = tpu.memref_squeeze %dma_wait3A_170 : memref<1x64x64xf32, #tpu.memory_space<vmem>> -> memref<64x64xf32, #tpu.memory_space<vmem>>
        %dma_wait3A_172 = arith.constant 0 : i32
        %dma_wait3A_173 = arith.constant 0 : i32
        %dma_wait3A_174 = tpu.memref_slice %arg10[%dma_wait3A_172, %dma_wait3A_173] : memref<10112x64xf32, #tpu.memory_space<vmem_shared>> -> memref<10112x64xf32, #tpu.memory_space<vmem_shared>>
        tpu.wait_indirect_dma semaphore(%run_scoped3A_160 : memref<!tpu.dma_semaphore, #tpu.memory_space<semaphore_mem>>) src(%dma_wait3A_171 : memref<64x64xf32, #tpu.memory_space<vmem>>) dst(%dma_wait3A_174 : memref<10112x64xf32, #tpu.memory_space<vmem_shared>>)
        tpu.yield
      }) : () -> ()
      %dma_wait3A_137 = arith.constant 3 : i32
      %dma_wait3A_138 = arith.constant 3 : i32
      %dma_wait3A_139 = arith.constant 0 : i32
      %dma_wait3A_140 = arith.constant 0 : i32
      %dma_wait3A_141 = tpu.memref_slice %arg9[%dma_wait3A_138, %dma_wait3A_139, %dma_wait3A_140] : memref<4x64x64xf32, #tpu.memory_space<vmem>> -> memref<1x64x64xf32, #tpu.memory_space<vmem>>
      %dma_wait3A_142 = tpu.memref_squeeze %dma_wait3A_141 : memref<1x64x64xf32, #tpu.memory_space<vmem>> -> memref<64x64xf32, #tpu.memory_space<vmem>>
      %dma_wait3A_143 = arith.constant 0 : i32
      %dma_wait3A_144 = tpu.memref_slice %arg7[%dma_wait3A_137, %dma_wait3A_143] : memref<4x64xi32, #tpu.memory_space<vmem>> -> memref<1x64xi32, #tpu.memory_space<vmem>>
      %dma_wait3A_145 = tpu.memref_squeeze %dma_wait3A_144 : memref<1x64xi32, #tpu.memory_space<vmem>> -> memref<64xi32, #tpu.memory_space<vmem>>
      %dma_wait3A_146 = arith.constant 0 : i32
      %dma_wait3A_147 = arith.constant 0 : i32
      %dma_wait3A_148 = tpu.memref_slice %arg11[%dma_wait3A_146, %dma_wait3A_147] : memref<10016x64xf32, #tpu.memory_space<vmem_shared>> -> memref<10016x64xf32, #tpu.memory_space<vmem_shared>>
      tpu.wait_indirect_dma semaphore(%arg15 : memref<!tpu.dma_semaphore, #tpu.memory_space<semaphore_mem>>) src(%dma_wait3A_148 : memref<10016x64xf32, #tpu.memory_space<vmem_shared>>) dst(%dma_wait3A_142 : memref<64x64xf32, #tpu.memory_space<vmem>>)
      %scan3A_149 = arith.constant 0 : i32
      %scan3A_150 = arith.constant 4 : i32
      %scan3A_151 = arith.addi %scan3A_149, %scan3A_150 : i32
      %scan3A_152 = arith.constant 1 : i32
      scf.for %scan3A_160 = %scan3A_149 to %scan3A_151 step %scan3A_152  : i32 {
        %mul3A_161 = arith.constant 16 : i32
        %mul3A_162 = arith.muli %scan3A_160, %mul3A_161 : i32
        %add3A_163 = arith.constant 0 : i32
        %add3A_164 = arith.addi %add3A_163, %mul3A_162 : i32
        %get3A = arith.constant 111 : i32
        %get3A_165 = arith.index_cast %get3A : i32 to index
        %get3A_166 = arith.index_cast %add3A_164 : i32 to index
        %get3A_167 = tpu.vector_load %arg6[%get3A_165, %get3A_166] {strides = array<i32>} : memref<208x64xi32, #tpu.memory_space<vmem>>, vector<1x16xi32>,
        %get3A_168 = vector.shape_cast %get3A_167 : vector<1x16xi32> to vector<16xi32>
        %shift_right_arithmetic3A = arith.constant 16 : i32
        %shift_right_arithmetic3A_169 = vector.broadcast %shift_right_arithmetic3A : i32 to vector<16xi32>
        %shift_right_arithmetic3A_170 = arith.shrsi %get3A_168, %shift_right_arithmetic3A_169 : vector<16xi32>
        %swap3A = arith.index_cast %add3A_164 : i32 to index
        %swap3A_171 = tpu.vector_load %arg8[%swap3A] {strides = array<i32>} : memref<64xi32, #tpu.memory_space<vmem>>, vector<16xi32>,
        %swap3A_172 = vector.shape_cast %swap3A_171 : vector<16xi32> to vector<16xi32>
        %swap3A_173 = vector.shape_cast %shift_right_arithmetic3A_170 : vector<16xi32> to vector<16xi32>
        tpu.vector_store %arg8[%swap3A], %swap3A_173 {strides = array<i32>} : memref<64xi32, #tpu.memory_space<vmem>>, vector<16xi32>,
      }
      %scan3A_153 = arith.constant 4 : i32
      %run_scoped3A_154 = arith.constant 3 : i32
      "tpu.region"() ({
        %run_scoped3A_160 = tpu.sem_alloc : memref<!tpu.dma_semaphore, #tpu.memory_space<semaphore_mem>>
        %dma_start3A_161 = arith.constant 0 : i32
        %dma_start3A_162 = arith.constant 0 : i32
        %dma_start3A_163 = tpu.memref_slice %arg9[%run_scoped3A_154, %dma_start3A_161, %dma_start3A_162] : memref<4x64x64xf32, #tpu.memory_space<vmem>> -> memref<1x64x64xf32, #tpu.memory_space<vmem>>
        %dma_start3A_164 = tpu.memref_squeeze %dma_start3A_163 : memref<1x64x64xf32, #tpu.memory_space<vmem>> -> memref<64x64xf32, #tpu.memory_space<vmem>>
        %dma_start3A_165 = arith.constant 0 : i32
        %dma_start3A_166 = arith.constant 0 : i32
        %dma_start3A_167 = tpu.memref_slice %arg10[%dma_start3A_165, %dma_start3A_166] : memref<10112x64xf32, #tpu.memory_space<vmem_shared>> -> memref<10112x64xf32, #tpu.memory_space<vmem_shared>>
        tpu.enqueue_indirect_dma source(%dma_start3A_164 : memref<64x64xf32, #tpu.memory_space<vmem>>) target(%dma_start3A_167 : memref<10112x64xf32, #tpu.memory_space<vmem_shared>>) offsets(%arg8 : memref<64xi32, #tpu.memory_space<vmem>>) semaphore(%run_scoped3A_160 : memref<!tpu.dma_semaphore, #tpu.memory_space<semaphore_mem>>) {add = true}
        %dma_wait3A_168 = arith.constant 0 : i32
        %dma_wait3A_169 = arith.constant 0 : i32
        %dma_wait3A_170 = tpu.memref_slice %arg9[%run_scoped3A_154, %dma_wait3A_168, %dma_wait3A_169] : memref<4x64x64xf32, #tpu.memory_space<vmem>> -> memref<1x64x64xf32, #tpu.memory_space<vmem>>
        %dma_wait3A_171 = tpu.memref_squeeze %dma_wait3A_170 : memref<1x64x64xf32, #tpu.memory_space<vmem>> -> memref<64x64xf32, #tpu.memory_space<vmem>>
        %dma_wait3A_172 = arith.constant 0 : i32
        %dma_wait3A_173 = arith.constant 0 : i32
        %dma_wait3A_174 = tpu.memref_slice %arg10[%dma_wait3A_172, %dma_wait3A_173] : memref<10112x64xf32, #tpu.memory_space<vmem_shared>> -> memref<10112x64xf32, #tpu.memory_space<vmem_shared>>
        tpu.wait_indirect_dma semaphore(%run_scoped3A_160 : memref<!tpu.dma_semaphore, #tpu.memory_space<semaphore_mem>>) src(%dma_wait3A_171 : memref<64x64xf32, #tpu.memory_space<vmem>>) dst(%dma_wait3A_174 : memref<10112x64xf32, #tpu.memory_space<vmem_shared>>)
        tpu.yield
      }) : () -> ()
      %barrier3A_155 = arith.constant 0 : index
      tpu.barrier barrier_id(%barrier3A_155)
      %mul3A_156 = arith.constant 632 : i32
      %mul3A_157 = arith.muli %arg1, %mul3A_156 : i32
      %mul3A_158 = arith.constant 632 : i32
      %mul3A_159 = arith.muli %arg1, %mul3A_158 : i32
      "tpu.region"() ({
        %run_scoped3A_160 = tpu.sem_alloc : memref<!tpu.dma_semaphore, #tpu.memory_space<semaphore_mem>>
        %dma_start3A_161 = arith.constant 0 : i32
        %dma_start3A_162 = tpu.memref_slice %arg5[%arg0, %mul3A_159, %dma_start3A_161] : memref<2x10112x64xf32, #tpu.memory_space<hbm>> -> memref<1x632x64xf32, #tpu.memory_space<hbm>>
        %dma_start3A_163 = tpu.memref_squeeze %dma_start3A_162 : memref<1x632x64xf32, #tpu.memory_space<hbm>> -> memref<632x64xf32, #tpu.memory_space<hbm>>
        %dma_start3A_164 = arith.constant 0 : i32
        %dma_start3A_165 = tpu.memref_slice %arg10[%mul3A_157, %dma_start3A_164] : memref<10112x64xf32, #tpu.memory_space<vmem_shared>> -> memref<632x64xf32, #tpu.memory_space<vmem_shared>>
        tpu.enqueue_dma source(%dma_start3A_165 : memref<632x64xf32, #tpu.memory_space<vmem_shared>>) target(%dma_start3A_163 : memref<632x64xf32, #tpu.memory_space<hbm>>) target_semaphore(%run_scoped3A_160 : memref<!tpu.dma_semaphore, #tpu.memory_space<semaphore_mem>>)
        %dma_wait3A_166 = arith.constant 0 : i32
        %dma_wait3A_167 = tpu.memref_slice %arg5[%arg0, %mul3A_159, %dma_wait3A_166] : memref<2x10112x64xf32, #tpu.memory_space<hbm>> -> memref<1x632x64xf32, #tpu.memory_space<hbm>>
        %dma_wait3A_168 = tpu.memref_squeeze %dma_wait3A_167 : memref<1x632x64xf32, #tpu.memory_space<hbm>> -> memref<632x64xf32, #tpu.memory_space<hbm>>
        %dma_wait3A_169 = arith.constant 0 : i32
        %dma_wait3A_170 = tpu.memref_slice %arg10[%mul3A_157, %dma_wait3A_169] : memref<10112x64xf32, #tpu.memory_space<vmem_shared>> -> memref<632x64xf32, #tpu.memory_space<vmem_shared>>
        tpu.wait_dma2 semaphore(%run_scoped3A_160 : memref<!tpu.dma_semaphore, #tpu.memory_space<semaphore_mem>>) src(%dma_wait3A_170 : memref<632x64xf32, #tpu.memory_space<vmem_shared>>) dst(%dma_wait3A_168 : memref<632x64xf32, #tpu.memory_space<hbm>>)
        tpu.yield
      }) : () -> ()
    } else {
    }
    return
  }
}

module attributes {stable_mosaic.version = 14 : i64} {
  func.func @_mm_body(%arg0: memref<10000x128xf32, #tpu.memory_space<vmem>>, %arg1: memref<128x128xf32, #tpu.memory_space<vmem>>, %arg2: memref<10000x128xf32, #tpu.memory_space<vmem>>) attributes {dimension_semantics = [], scalar_prefetch = 0 : i64, scratch_operands = 0 : i64, tpu.core_type = #tpu.core_type<tc>} {
    %get3A = arith.constant 0 : index
    %get3A_0 = arith.constant 0 : index
    %get3A_1 = vector.load %arg0[%get3A, %get3A_0] : memref<10000x128xf32, #tpu.memory_space<vmem>>, vector<10000x128xf32>
    %get3A_2 = arith.constant 0 : index
    %get3A_3 = arith.constant 0 : index
    %get3A_4 = vector.load %arg1[%get3A_2, %get3A_3] : memref<128x128xf32, #tpu.memory_space<vmem>>, vector<128x128xf32>
    %dot_general3A = arith.constant dense<0.000000e+00> : vector<10000x128xf32>
    %dot_general3A_5 = tpu.matmul %get3A_1, %get3A_4, %dot_general3A {dimension_numbers = #tpu.dot_dimension_numbers<[1], [0], [0], [1], [0, 0, 1, 1], [], []>, transpose_lhs_hint = false} : vector<10000x128xf32>, vector<128x128xf32>, vector<10000x128xf32> -> vector<10000x128xf32>
    %swap3A = arith.constant 0 : index
    %swap3A_6 = arith.constant 0 : index
    %swap3A_7 = vector.load %arg2[%swap3A, %swap3A_6] : memref<10000x128xf32, #tpu.memory_space<vmem>>, vector<10000x128xf32>
    tpu.vector_store %arg2[%swap3A, %swap3A_6], %dot_general3A_5 {strides = array<i32>} : memref<10000x128xf32, #tpu.memory_space<vmem>>, vector<10000x128xf32>,
    return
  }
}

module attributes {stable_mosaic.version = 14 : i64} {
  func.func @_scale1_body(%arg0: memref<10000x128xf32, #tpu.memory_space<vmem>>, %arg1: memref<2x10112x16xf32, #tpu.memory_space<vmem>>, %arg2: memref<2x10000x64xf32, #tpu.memory_space<vmem>>, %arg3: memref<10000xf32, #tpu.memory_space<vmem>>) attributes {dimension_semantics = [], scalar_prefetch = 0 : i64, scratch_operands = 0 : i64, tpu.core_type = #tpu.core_type<tc>} {
    %get3A = arith.constant 0 : index
    %get3A_0 = arith.constant 0 : index
    %get3A_1 = arith.constant 0 : index
    %get3A_2 = vector.load %arg1[%get3A, %get3A_0, %get3A_1] : memref<2x10112x16xf32, #tpu.memory_space<vmem>>, vector<1x10000x1xf32>
    %get3A_3 = vector.shape_cast %get3A_2 : vector<1x10000x1xf32> to vector<10000xf32>
    %get3A_4 = arith.constant 1 : index
    %get3A_5 = arith.constant 0 : index
    %get3A_6 = arith.constant 0 : index
    %get3A_7 = vector.load %arg1[%get3A_4, %get3A_5, %get3A_6] : memref<2x10112x16xf32, #tpu.memory_space<vmem>>, vector<1x10000x1xf32>
    %get3A_8 = vector.shape_cast %get3A_7 : vector<1x10000x1xf32> to vector<10000xf32>
    %add3A = arith.addf %get3A_3, %get3A_8 : vector<10000xf32>
    %add3A_9 = arith.constant 1.000000e+00 : f32
    %add3A_10 = vector.broadcast %add3A_9 : f32 to vector<10000xf32>
    %add3A_11 = arith.addf %add3A, %add3A_10 : vector<10000xf32>
    %max3A = arith.constant 9.99999996E-13 : f32
    %max3A_12 = vector.broadcast %max3A : f32 to vector<10000xf32>
    %max3A_13 = arith.maximumf %add3A_11, %max3A_12 : vector<10000xf32>
    %rsqrt3A = math.rsqrt %max3A_13 : vector<10000xf32>
    %swap3A = arith.constant 0 : index
    %swap3A_14 = vector.load %arg3[%swap3A] : memref<10000xf32, #tpu.memory_space<vmem>>, vector<10000xf32>
    tpu.vector_store %arg3[%swap3A], %rsqrt3A {strides = array<i32>} : memref<10000xf32, #tpu.memory_space<vmem>>, vector<10000xf32>,
    %get3A_15 = arith.constant 0 : index
    %get3A_16 = arith.constant 0 : index
    %get3A_17 = vector.load %arg0[%get3A_15, %get3A_16] : memref<10000x128xf32, #tpu.memory_space<vmem>>, vector<10000x128xf32>
    %broadcast_in_dim3A = vector.shape_cast %rsqrt3A : vector<10000xf32> to vector<10000x1xf32>
    %mul3A = vector.broadcast %broadcast_in_dim3A : vector<10000x1xf32> to vector<10000x128xf32>
    %mul3A_18 = arith.mulf %get3A_17, %mul3A : vector<10000x128xf32>
    %slice3A = vector.extract_strided_slice %mul3A_18 {offsets = [0, 0], sizes = [10000, 64], strides = [1, 1]} : vector<10000x128xf32> to vector<10000x64xf32>
    %slice3A_19 = vector.extract_strided_slice %mul3A_18 {offsets = [0, 64], sizes = [10000, 64], strides = [1, 1]} : vector<10000x128xf32> to vector<10000x64xf32>
    %stack3A = vector.shape_cast %slice3A : vector<10000x64xf32> to vector<1x10000x64xf32>
    %stack3A_20 = vector.shape_cast %slice3A_19 : vector<10000x64xf32> to vector<1x10000x64xf32>
    %stack3A_21 = tpu.concatenate %stack3A, %stack3A_20 in 0 : vector<1x10000x64xf32>, vector<1x10000x64xf32> -> vector<2x10000x64xf32>
    %swap3A_22 = arith.constant 0 : index
    %swap3A_23 = arith.constant 0 : index
    %swap3A_24 = arith.constant 0 : index
    %swap3A_25 = vector.load %arg2[%swap3A_22, %swap3A_23, %swap3A_24] : memref<2x10000x64xf32, #tpu.memory_space<vmem>>, vector<2x10000x64xf32>
    tpu.vector_store %arg2[%swap3A_22, %swap3A_23, %swap3A_24], %stack3A_21 {strides = array<i32>} : memref<2x10000x64xf32, #tpu.memory_space<vmem>>, vector<2x10000x64xf32>,
    return
  }
}

module attributes {stable_mosaic.version = 14 : i64} {
  func.func @_layer2_body(%arg0: memref<2x10112x64xf32, #tpu.memory_space<vmem>>, %arg1: memref<2x10000x64xf32, #tpu.memory_space<vmem>>, %arg2: memref<10000xf32, #tpu.memory_space<vmem>>, %arg3: memref<128xf32, #tpu.memory_space<vmem>>, %arg4: memref<128x64xf32, #tpu.memory_space<vmem>>, %arg5: memref<10000x64xf32, #tpu.memory_space<vmem>>) attributes {dimension_semantics = [], scalar_prefetch = 0 : i64, scratch_operands = 0 : i64, tpu.core_type = #tpu.core_type<tc>} {
    %get3A = arith.constant 0 : index
    %get3A_0 = arith.constant 0 : index
    %get3A_1 = arith.constant 0 : index
    %get3A_2 = vector.load %arg0[%get3A, %get3A_0, %get3A_1] : memref<2x10112x64xf32, #tpu.memory_space<vmem>>, vector<2x10000x64xf32>
    %get3A_3 = arith.constant 0 : index
    %get3A_4 = arith.constant 0 : index
    %get3A_5 = arith.constant 0 : index
    %get3A_6 = vector.load %arg1[%get3A_3, %get3A_4, %get3A_5] : memref<2x10000x64xf32, #tpu.memory_space<vmem>>, vector<2x10000x64xf32>
    %add3A = arith.addf %get3A_2, %get3A_6 : vector<2x10000x64xf32>
    %slice3A = vector.extract_strided_slice %add3A {offsets = [0, 0, 0], sizes = [1, 10000, 64], strides = [1, 1, 1]} : vector<2x10000x64xf32> to vector<1x10000x64xf32>
    %squeeze3A = vector.shape_cast %slice3A : vector<1x10000x64xf32> to vector<10000x64xf32>
    %slice3A_7 = vector.extract_strided_slice %add3A {offsets = [1, 0, 0], sizes = [1, 10000, 64], strides = [1, 1, 1]} : vector<2x10000x64xf32> to vector<1x10000x64xf32>
    %squeeze3A_8 = vector.shape_cast %slice3A_7 : vector<1x10000x64xf32> to vector<10000x64xf32>
    %concatenate3A = tpu.concatenate %squeeze3A, %squeeze3A_8 in 1 : vector<10000x64xf32>, vector<10000x64xf32> -> vector<10000x128xf32>
    %get3A_9 = arith.constant 0 : index
    %get3A_10 = vector.load %arg2[%get3A_9] : memref<10000xf32, #tpu.memory_space<vmem>>, vector<10000xf32>
    %broadcast_in_dim3A = vector.shape_cast %get3A_10 : vector<10000xf32> to vector<10000x1xf32>
    %mul3A = vector.broadcast %broadcast_in_dim3A : vector<10000x1xf32> to vector<10000x128xf32>
    %mul3A_11 = arith.mulf %concatenate3A, %mul3A : vector<10000x128xf32>
    %get3A_12 = arith.constant 0 : index
    %get3A_13 = vector.load %arg3[%get3A_12] : memref<128xf32, #tpu.memory_space<vmem>>, vector<128xf32>
    %broadcast_in_dim3A_14 = vector.shape_cast %get3A_13 : vector<128xf32> to vector<1x128xf32>
    %add3A_15 = vector.broadcast %broadcast_in_dim3A_14 : vector<1x128xf32> to vector<10000x128xf32>
    %add3A_16 = arith.addf %mul3A_11, %add3A_15 : vector<10000x128xf32>
    %max3A = arith.constant 0.000000e+00 : f32
    %max3A_17 = vector.broadcast %max3A : f32 to vector<10000x128xf32>
    %max3A_18 = arith.maximumf %add3A_16, %max3A_17 : vector<10000x128xf32>
    %get3A_19 = arith.constant 0 : index
    %get3A_20 = arith.constant 0 : index
    %get3A_21 = vector.load %arg4[%get3A_19, %get3A_20] : memref<128x64xf32, #tpu.memory_space<vmem>>, vector<128x64xf32>
    %dot_general3A = arith.constant dense<0.000000e+00> : vector<10000x64xf32>
    %dot_general3A_22 = tpu.matmul %max3A_18, %get3A_21, %dot_general3A {dimension_numbers = #tpu.dot_dimension_numbers<[1], [0], [0], [1], [0, 0, 1, 1], [], []>, transpose_lhs_hint = false} : vector<10000x128xf32>, vector<128x64xf32>, vector<10000x64xf32> -> vector<10000x64xf32>
    %broadcast_in_dim3A_23 = vector.shape_cast %get3A_10 : vector<10000xf32> to vector<10000x1xf32>
    %mul3A_24 = vector.broadcast %broadcast_in_dim3A_23 : vector<10000x1xf32> to vector<10000x64xf32>
    %mul3A_25 = arith.mulf %dot_general3A_22, %mul3A_24 : vector<10000x64xf32>
    %swap3A = arith.constant 0 : index
    %swap3A_26 = arith.constant 0 : index
    %swap3A_27 = vector.load %arg5[%swap3A, %swap3A_26] : memref<10000x64xf32, #tpu.memory_space<vmem>>, vector<10000x64xf32>
    tpu.vector_store %arg5[%swap3A, %swap3A_26], %mul3A_25 {strides = array<i32>} : memref<10000x64xf32, #tpu.memory_space<vmem>>, vector<10000x64xf32>,
    return
  }
}

module attributes {stable_mosaic.version = 14 : i64} {
  func.func @_final_body(%arg0: memref<2x10112x64xf32, #tpu.memory_space<vmem>>, %arg1: memref<10000x64xf32, #tpu.memory_space<vmem>>, %arg2: memref<10000xf32, #tpu.memory_space<vmem>>, %arg3: memref<64xf32, #tpu.memory_space<vmem>>, %arg4: memref<10000x64xf32, #tpu.memory_space<vmem>>) attributes {dimension_semantics = [], scalar_prefetch = 0 : i64, scratch_operands = 0 : i64, tpu.core_type = #tpu.core_type<tc>} {
    %get3A = arith.constant 0 : index
    %get3A_0 = arith.constant 0 : index
    %get3A_1 = arith.constant 0 : index
    %get3A_2 = vector.load %arg0[%get3A, %get3A_0, %get3A_1] : memref<2x10112x64xf32, #tpu.memory_space<vmem>>, vector<1x10000x64xf32>
    %get3A_3 = vector.shape_cast %get3A_2 : vector<1x10000x64xf32> to vector<10000x64xf32>
    %get3A_4 = arith.constant 1 : index
    %get3A_5 = arith.constant 0 : index
    %get3A_6 = arith.constant 0 : index
    %get3A_7 = vector.load %arg0[%get3A_4, %get3A_5, %get3A_6] : memref<2x10112x64xf32, #tpu.memory_space<vmem>>, vector<1x10000x64xf32>
    %get3A_8 = vector.shape_cast %get3A_7 : vector<1x10000x64xf32> to vector<10000x64xf32>
    %add3A = arith.addf %get3A_3, %get3A_8 : vector<10000x64xf32>
    %get3A_9 = arith.constant 0 : index
    %get3A_10 = arith.constant 0 : index
    %get3A_11 = vector.load %arg1[%get3A_9, %get3A_10] : memref<10000x64xf32, #tpu.memory_space<vmem>>, vector<10000x64xf32>
    %add3A_12 = arith.addf %add3A, %get3A_11 : vector<10000x64xf32>
    %get3A_13 = arith.constant 0 : index
    %get3A_14 = vector.load %arg2[%get3A_13] : memref<10000xf32, #tpu.memory_space<vmem>>, vector<10000xf32>
    %broadcast_in_dim3A = vector.shape_cast %get3A_14 : vector<10000xf32> to vector<10000x1xf32>
    %mul3A = vector.broadcast %broadcast_in_dim3A : vector<10000x1xf32> to vector<10000x64xf32>
    %mul3A_15 = arith.mulf %add3A_12, %mul3A : vector<10000x64xf32>
    %get3A_16 = arith.constant 0 : index
    %get3A_17 = vector.load %arg3[%get3A_16] : memref<64xf32, #tpu.memory_space<vmem>>, vector<64xf32>
    %broadcast_in_dim3A_18 = vector.shape_cast %get3A_17 : vector<64xf32> to vector<1x64xf32>
    %add3A_19 = vector.broadcast %broadcast_in_dim3A_18 : vector<1x64xf32> to vector<10000x64xf32>
    %add3A_20 = arith.addf %mul3A_15, %add3A_19 : vector<10000x64xf32>
    %reduce_max3A = arith.constant dense<0xFF800000> : vector<10000xf32>
    %reduce_max3A_21 = vector.multi_reduction <maximumf>, %add3A_20, %reduce_max3A [1] : vector<10000x64xf32> to vector<10000xf32>
    %broadcast_in_dim3A_22 = vector.shape_cast %reduce_max3A_21 : vector<10000xf32> to vector<10000x1xf32>
    %sub3A = vector.broadcast %broadcast_in_dim3A_22 : vector<10000x1xf32> to vector<10000x64xf32>
    %sub3A_23 = arith.subf %add3A_20, %sub3A : vector<10000x64xf32>
    %exp3A = math.exp %sub3A_23 : vector<10000x64xf32>
    %reduce_sum3A = arith.constant dense<0.000000e+00> : vector<10000xf32>
    %reduce_sum3A_24 = vector.multi_reduction <add>, %exp3A, %reduce_sum3A [1] : vector<10000x64xf32> to vector<10000xf32>
    %broadcast_in_dim3A_25 = vector.shape_cast %reduce_sum3A_24 : vector<10000xf32> to vector<10000x1xf32>
    %log3A = math.log %broadcast_in_dim3A_25 : vector<10000x1xf32>
    %sub3A_26 = vector.broadcast %log3A : vector<10000x1xf32> to vector<10000x64xf32>
    %sub3A_27 = arith.subf %sub3A_23, %sub3A_26 : vector<10000x64xf32>
    %swap3A = arith.constant 0 : index
    %swap3A_28 = arith.constant 0 : index
    %swap3A_29 = vector.load %arg4[%swap3A, %swap3A_28] : memref<10000x64xf32, #tpu.memory_space<vmem>>, vector<10000x64xf32>
    tpu.vector_store %arg4[%swap3A, %swap3A_28], %sub3A_27 {strides = array<i32>} : memref<10000x64xf32, #tpu.memory_space<vmem>>, vector<10000x64xf32>,
    return
  }
}

</mosaic_0001>

<sc_bundles>
// kernel: kernel.12.cloned.1.call-start
scs
__scs_entry_jumppad:
0x0: {  	(pc) =	sbr.rel $0x88, $3  }
0x1: {  	(tag) =	ssettag $0x0;
	lr =	simm.s32 $0x1  }
0x2: {  	[smem:$0x3F9B] =	sst lr;
	_ =	strace $0xD0000000  }
0x3: {  	_ = 	snop  }
0x4: {  	_ = 	snop  }
0x5: {  	_ = 	snop  }
0x6: {  	_ = 	snop  }
0x7: {  	_ = 	snop  }
__scs_overlays_trampoline_lowered:
0x8: {  	[smem:$0x3FAA] =	sst s0  }
0x9: {  	[smem:$0x3FAB] =	sst s1  }
0xa: {  	[smem:$0x3FAC] =	sst s2  }
0xb: {  	[smem:$0x3FAD] =	sst s3  }
0xc: {  	[smem:$0x3FAE] =	sst s4  }
0xd: {  	[smem:$0x3FAF] =	sst s5  }
0xe: {  	[smem:$0x3FB0] =	sst s6  }
0xf: {  	[smem:$0x3FB1] =	sst s7  }
0x10: {  	[smem:$0x3FB2] =	sst s8  }
0x11: {  	[smem:$0x3FB3] =	sst s9;
	s0 =	simm.s32 @!p0 $0x0  }
0x12: {  	s1 =	sld [smem:$0x3F99];
	s0 =	simm.s32 @p0 $0x1  }
0x13: {  	[smem:$0x3FB4] =	sst s0;
	s0 =	simm.s32 @!p1 $0x0  }
0x14: {  	s2 =	sld [smem:$0x3F98];
	s0 =	simm.s32 @p1 $0x1  }
0x15: {  	[smem:$0x3FB5] =	sst s0;
	s0 =	simm.s32 @!p2 $0x0  }
0x16: {  	s3 =	sld [smem:$0x3FDB];
	s0 =	simm.s32 @p2 $0x1  }
0x17: {  	s4 =	simm.s32 $0x1BF5;
	[smem:$0x3FB7] =	sst s0  }
0x18: {  	s0 =	sld [smem:$0x3F9A];
	_ =	swait.ge [sflag:s4], $0x0  }
0x19: {  	s7 =	sld [smem:$0x3F9B]  }
0x1a: {  	s8 =	sadd.s32 $0xFFFFE003, lr  }
0x1b: {  	s9 =	sadd.s32 $0xFFFFFEF7, lr;
	s5 =	simm.s32 $0xFFFFFFFF;
	p2 =	slt.u32 s8, $0xFFFFF086  }
0x1c: {  	p1 =	slt.u32 s9, $0xF7A;
	s5 =	simm.s32 @!p2 $0x0  }
0x1d: {  	s5 =	simm.s32 @p1 $0x1;
	p0 =	seq.s32 s7, s2  }
0x1e: {  	s7 =	smul.u32 @!p0 $0xF7A, s2;
	p2 =	seq.s32 @!p0 s5, $0x0  }
0x1f: {  	s9 =	smul.u32 $0xF7A, s1;
	s8 =	simm.s32 @!p0 $0x1BF5;
	p2 =	por !p2, p0  }
0x20: {  	[sflag:s8] =	ssyncset.s32 @!p0 $0xFFFFF086;
	s6 =	sadd.s32 @!p0 s3, s7;
	s7 =	simm.s32 @!p0 $0x108  }
0x21: {  	s3 =	sadd.s32 s3, s9;
	s6 =	sadd.s32 @!p0 $0x88, s6;
	s7 =	simm.s32 @p2 $0x1082  }
0x22: {  	[simem:s7], [sflag:s8] =	dma.local @!p0 [hbm:s6], $0xF7A  }
0x23: {  	s9 =	sor.u32 $0xD0000000, s2;
	s6 =	simm.s32 $0x108;
	_ =	swait.ge @!p0 [sflag:s8], $0x0  }
0x24: {  	s3 =	sadd.s32 $0x88, s3;
	s6 =	simm.s32 @!p1 $0x1082;
	[sflag:s4] =	ssyncset.s32 $0xFFFFF086  }
0x25: {  	[simem:s6], [sflag:s4] =	dma.local [hbm:s3], $0xF7A  }
0x26: {  	[smem:$0x3F9B] =	sst s1;
	(tag) =	ssettag s2;
	_ =	strace s9  }
0x27: {  	s1 =	sld [smem:$0x3FAB]  }
0x28: {  	s2 =	sld [smem:$0x3FAC]  }
0x29: {  	s4 =	sld [smem:$0x3FAE]  }
0x2a: {  	p0 =	seq.s32 s5, $0x0;
	s5 =	sld [smem:$0x3FAF]  }
0x2b: {  	s6 =	sld [smem:$0x3FB0]  }
0x2c: {  	s7 =	sld [smem:$0x3FB1]  }
0x2d: {  	s3 =	simm.s32 $0x108;
	s8 =	sld [smem:$0x3FB2]  }
0x2e: {  	s3 =	simm.s32 @!p0 $0x1082;
	s9 =	sld [smem:$0x3FB3]  }
0x2f: {  	lr =	sadd.s32 s0, s3;
	s0 =	sld [smem:$0x3FAA]  }
0x30: {  	s3 =	sld [smem:$0x3FAD]  }
0x31: {  	[smem:$0x3FB6] =	sst s10  }
0x32: {  	s10 =	sld [smem:$0x3FB4];
	_ =	sdelay $0x3  }
0x33: {  	p0 =	seq.s32 s10, $0x1;
	s10 =	sld [smem:$0x3FB6];
	_ =	sdelay $0x3  }
0x34: {  	[smem:$0x3FB6] =	sst s10  }
0x35: {  	s10 =	sld [smem:$0x3FB5];
	_ =	sdelay $0x3  }
0x36: {  	p1 =	seq.s32 s10, $0x1;
	s10 =	sld [smem:$0x3FB6];
	_ =	sdelay $0x3  }
0x37: {  	[smem:$0x3FB6] =	sst s10  }
0x38: {  	s10 =	sld [smem:$0x3FB7]  }
0x39: {  	_ = 	snop;
	(pc) =	sbr.ind lr, $3  }
0x3a: {  	_ = 	snop  }
0x3b: {  	_ = 	snop  }
0x3c: {  	p2 =	seq.s32 s10, $0x1;
	s10 =	sld [smem:$0x3FB6]  }
0x3d: {  	_ =	shalt  }
0x3e: {  	_ =	shalt  }
0x3f: {  	_ =	shalt  }
0x40: {  	_ =	shalt  }
0x41: {  	_ =	shalt  }
0x42: {  	_ =	shalt  }
0x43: {  	_ =	shalt  }
0x44: {  	_ =	shalt  }
0x45: {  	_ =	shalt  }
0x46: {  	_ =	shalt  }
0x47: {  	_ =	shalt  }
0x48: {  	_ =	shalt  }
0x49: {  	_ =	shalt  }
0x4a: {  	_ =	shalt  }
0x4b: {  	_ =	shalt  }
0x4c: {  	_ =	shalt  }
0x4d: {  	_ =	shalt  }
0x4e: {  	_ =	shalt  }
0x4f: {  	_ =	shalt  }
0x50: {  	_ =	shalt  }
0x51: {  	_ =	shalt  }
0x52: {  	_ =	shalt  }
0x53: {  	_ =	shalt  }
0x54: {  	_ =	shalt  }
0x55: {  	_ =	shalt  }
0x56: {  	_ =	shalt  }
0x57: {  	_ =	shalt  }
0x58: {  	_ =	shalt  }
0x59: {  	_ =	shalt  }
0x5a: {  	_ =	shalt  }
0x5b: {  	_ =	shalt  }
0x5c: {  	_ =	shalt  }
0x5d: {  	_ =	shalt  }
0x5e: {  	_ =	shalt  }
0x5f: {  	_ =	shalt  }
0x60: {  	_ =	shalt  }
0x61: {  	_ =	shalt  }
0x62: {  	_ =	shalt  }
0x63: {  	_ =	shalt  }
0x64: {  	_ =	shalt  }
0x65: {  	_ =	shalt  }
0x66: {  	_ =	shalt  }
0x67: {  	_ =	shalt  }
0x68: {  	_ =	shalt  }
0x69: {  	_ =	shalt  }
0x6a: {  	_ =	shalt  }
0x6b: {  	_ =	shalt  }
0x6c: {  	_ =	shalt  }
0x6d: {  	_ =	shalt  }
0x6e: {  	_ =	shalt  }
0x6f: {  	_ =	shalt  }
0x70: {  	_ =	shalt  }
0x71: {  	_ =	shalt  }
0x72: {  	_ =	shalt  }
0x73: {  	_ =	shalt  }
0x74: {  	_ =	shalt  }
0x75: {  	_ =	shalt  }
0x76: {  	_ =	shalt  }
0x77: {  	_ =	shalt  }
0x78: {  	_ =	shalt  }
0x79: {  	_ =	shalt  }
0x7a: {  	_ =	shalt  }
0x7b: {  	_ =	shalt  }
0x7c: {  	_ =	shalt  }
0x7d: {  	_ =	shalt  }
0x7e: {  	_ =	shalt  }
0x7f: {  	_ =	shalt  }
0x80: {  	_ =	shalt  }
0x81: {  	_ =	shalt  }
0x82: {  	_ =	shalt  }
0x83: {  	_ =	shalt  }
0x84: {  	_ =	shalt  }
0x85: {  	_ =	shalt  }
0x86: {  	_ =	shalt  }
0x87: {  	_ =	shalt  }
.Lfunc_end0:
.L_simem_size_0:
called_computation.1_lowered:
.L_overlay_start_0:
0x88: {  	s2 =	sld [smem:$0x3FD9]  }
0x89: {  	s3 =	sld [smem:$0x3FFE];
	_ =	sdelay $0x1  }
0x8a: {  	s1 =	srdreg.scid  }
0x8b: {  	s0 =	sand.u32 $0x1, s1  }
0x8c: {  	s16 =	sshll.u32 s0, $0xA;
	s2 =	sadd.s32 s3, s2  }
0x8d: {  	s2 =	sadd.s32 s2, s16  }
0x8e: {  	[smem:$0x3FC2] =	sst s2  }
0x8f: {  	_ = 	snop  }
0x90: {  	(tm) =	ssettm $0x1  }
0x91: {  	s17 =	sld [smem:$0x3FFB];
	_ =	sdelay $0x3  }
0x92: {  	_ =	strace s17  }
0x93: {  	s2 =	sld [smem:$0x3FFC];
	_ =	sdelay $0x3  }
0x94: {  	_ =	strace s2  }
0x95: {  	s2 =	sld [smem:$0x3FFD];
	_ =	sdelay $0x3  }
0x96: {  	_ =	strace s2  }
0x97: {  	_ =	strace $0x8FFFFFFF  }
0x98: {  	s18 =	sld [smem:$0x3FDB];
	_ =	sdelay $0x1  }
0x99: {  	s19 =	simm.s32 $_scs_section_size  }
0x9a: {  	s4 =	simm.s32 $_size__tile_overlayer_lowered;
	s5 =	simm.s32 $_tile_overlayer_lowered  }
0x9b: {  	s22 =	simm.s32 $0x1BFF;
	s21 =	sshll.u32 s5, $0x1;
	s2 =	sadd.s32 s19, s18  }
0x9c: {  	s6 =	simm.s32 $0x0;
	s20 =	sshll.u32 s4, $0x1;
	s4 =	sadd.s32 s21, s2  }
0x9d: {  	[timem:s6], [sflag:s22] =	dma.local [hbm:s4], s20  }
0x9e: {  	_ =	swait.ge [sflag:s22], s20  }
0x9f: {  	s3 =	ssub.s32 $0x0, s20;
	[sflag:s22] =	ssyncset.done $0x0  }
0xa0: {  	[sflag:s22] =	ssyncadd.s32 s3;
	_ =	sdelay $0x1  }
0xa1: {  	s23 =	simm.s32 $0x1B8B  }
0xa2: {  	_ =	swait.ge [sflag:s23], $0x1  }
0xa3: {  	[sflag:s23] =	ssyncset.done $0x0  }
0xa4: {  	s25 =	simm.s32 $0x1B8E;
	s24 =	sld [smem:$0x3FFE];
	[sflag:s23] =	ssyncadd.s32 $0xFFFFFFFF  }
0xa5: {  	s26 =	simm.s32 $execute0_lowered;
	[smem:$0x3FD2] =	sst s25  }
0xa6: {  	s4 =	sshll.u32 s26, $0x1;
	_ =	strace $0x80000049;
	[dreg:$0x1] =	wrdreg $0xFFFFFFFF  }
0xa7: {  	s28 =	simm.s32 $_size_execute0_lowered;
	s2 =	sadd.s32 s2, s4;
	[dreg:$0x0] =	wrdreg $0x0  }
0xa8: {  	s4 =	sshll.u32 s28, $0x1;
	[dreg:$0x2] =	wrdreg s2  }
0xa9: {  	[dreg:$0x3] =	wrdreg s4  }
0xaa: {  	[dreg:$0x4] =	wrdreg $0xC0  }
0xab: {  	_ =	task [dreg:s6], $0x5FFFF  }
0xac: {  	[dreg:$0x1] =	wrdreg $0xFFFFFFFF  }
0xad: {  	[dreg:$0x0] =	wrdreg $0x60  }
0xae: {  	[dreg:$0x2] =	wrdreg s24  }
0xaf: {  	[dreg:$0x3] =	wrdreg $0x12F400  }
0xb0: {  	[dreg:$0x4] =	wrdreg $0x91400  }
0xb1: {  	[dreg:$0x5] =	wrdreg $0x9  }
0xb2: {  	_ =	task.clear_ibuf [dreg:s6], $0x6FFFF;
	_ =	strace $0x90000049  }
0xb3: {  	s29 =	simm.s32 $0x9;
	_ =	strace $0x8000004B  }
0xb4: {  	_ =	swait.ge [sflag:s29], $0x1  }
0xb5: {  	[sflag:s29] =	ssyncadd.s32 $0xFFFFFFFF  }
0xb6: {  	_ =	strace $0x9000004B  }
0xb7: {  	_ =	sfence  }
0xb8: {  	s30 =	sld [smem:$0x0];
	_ =	sdelay $0x2  }
0xb9: {  	s31 =	sshll.u32 s1, $0xD;
	s1 =	sshrl.u32 s1, $0x2  }
0xba: {  	s3 =	sand.u32 $0x4000, s31;
	s1 =	sadd.s32 s1, s30  }
0xbb: {  	s0 =	sor.u32 s3, s0;
	s1 =	sshll.u32 s1, $0x11  }
0xbc: {  	s0 =	sor.u32 s1, s0  }
0xbd: {  	s0 =	sadd.s32 $0x8F2B, s0  }
0xbe: {  	[sflag:s0] =	ssyncadd.remote.s32 $0x1  }
0xbf: {  	_ =	sfence.sel $0xFFFF  }
0xc0: {  	[dreg:$0x0] =	wrdreg $0xFFFFFFFF;
	(pc) =	sbr.abs _section_cstart, $3  }
0xc1: {  	[dreg:$0x1] =	wrdreg $0xFFFFFFFF  }
0xc2: {  	_ =	task.clear_ibuf [dreg:s6], $0x2FFFF;
	_ =	strace $0x9FFFFFFF  }
0xc3: {  	(tm) =	ssettm $0x7FFFFFFF  }
tec
execute0_lowered:
.L_overlay_start_1:
0x0: {  	(tag) =	ssettag $0x1  }
0x1: {  	s0 =	rddreg [dreg:$0x0]  }
0x2: {  	s1 =	rddreg [dreg:$0x1]  }
0x3: {  	s3 =	rddreg [dreg:$0x2];
	s2 =	simm.s32 $0x0  }
0x4: {  	s14 =	stileid.u32;
	s20 =	srdreg.scid;
	s13 =	simm.s32 $0x5  }
0x5: {  	s18 =	simm.s32 $0x40;
	s19 =	simm.s32 $0x5000;
	s28 =	simm.s32 $0x1  }
0x6: {  	s29 =	simm.s32 $0x5100;
	s30 =	simm.s32 $0x2;
	s31 =	simm.s32 $0x3  }
0x7: {  	[smem:$0x7FF] =	sst s2;
	s4 =	smul.u32 $0xA00, s14;
	s2 =	sand.u32 $0x1, s20  }
0x8: {  	s9 =	sadd.s32 $0x64400, s0;
	s8 =	smul.u32 $0x272, s14;
	s5 =	sadd.s32 $0x1C00, s0  }
0x9: {  	s6 =	sadd.s32 $0x8B600, s0;
	s20 =	simm.s32 $0x5140;
	_ =	strace $0x8000004A  }
0xa: {  	s7 =	ssub.s32 $0x2, s2;
	p0 =	seq.s32 s2, $0x1;
	s4 =	sadd.s32 s4, s0  }
0xb: {  	s10 =	sshrl.u32 s7, $0x1;
	s8 =	smin.u32 s8, $0x249E;
	s0 =	simm.s32 $0x4  }
0xc: {  	s21 =	ssub.s32 s7, s10;
	s7 =	sadd.s32 $0xC200, s4;
	s22 =	sshll.u32 s8, $0x6  }
0xd: {  	s23 =	sshll.u32 s8, $0x3;
	s8 =	smul.u32 $0x9E00, s14;
	s14 =	sshll.u32 s14, $0x6  }
0xe: {  	s24 =	sshrl.u32 s22, $0x3;
	s2 =	sadd.s32 s22, s1;
	s4 =	sadd.s32 s9, s23  }
0xf: {  	s12 =	smax.u32 s21, $0x1;
	s21 =	simm.s32 $0x5040;
	s22 =	simm.s32 $0x6140  }
.Ltmp0:
0x10: {  	s23 =	simm.s32 $0x5080;
	[dreg:$0x4] =	wrdreg s4;
	(pc) =	sbr.rel .LBB2_1-.Ltmp0, $4  }
0x11: {  	s25 =	sadd.s32 s9, s24;
	s26 =	sadd.s32 s8, s3;
	s11 =	sadd.s32 $0x9E000, s8  }
0x12: {  	s16 =	sshrl.u32 s2, $0x3;
	s24 =	simm.s32 $0x7140;
	s2 =	simm.s32 $0x0  }
0x13: {  	s4 =	sadd.s32 $0x13880, s25;
	s17 =	sshrl.u32 s26, $0x3;
	s25 =	simm.s32 $0x50C0  }
0x14: {  	s26 =	simm.s32 $0x8140;
	[dreg:$0x5] =	wrdreg s4;
	s4 =	sor.u32 $0x1C05, s14  }
.LBB2_7:
0x15: {  	[tilespmem:s26], [sflag:$0x4] =	stream.indirect.gather [spmem:s1], $0x40, s25, s18, $0xb8;
	[tilespmem:$0x1CBC0] =	vst v63  }
0x16: {  	_ =	swait.ge [sflag:s28], $0x1000  }
0x17: {  	[sflag:s28] =	ssyncset.done $0x0  }
0x18: {  	[sflag:s28] =	ssyncadd.s32 $0xFFFFF000  }
0x19: {  	v0 =	vld [tilespmem:$0x4F00]  }
0x1a: {  	v1 =	vld [tilespmem:$0x4F10]  }
0x1b: {  	v2 =	vld [tilespmem:$0x4F20]  }
0x1c: {  	v3 =	vld [tilespmem:$0x4F30];
	_ =	sdelay $0x1  }
0x1d: {  	v0 =	vshra.s32 v0, $0x10  }
0x1e: {  	v47 =	vshra.s32 v1, $0x10;
	[tilespmem:$0x5100] =	vst v0  }
0x1f: {  	v48 =	vshra.s32 v2, $0x10;
	[tilespmem:$0x5110] =	vst v47  }
0x20: {  	v49 =	vshra.s32 v3, $0x10;
	[tilespmem:$0x5120] =	vst v48  }
0x21: {  	[tilespmem:$0x5130] =	vst v49  }
0x22: {  	[spmem:s3] =	stream.indirect.scatter.add.f32 [tilespmem:s20], [sflag:$0x5], $0x40, s29, s18, $0xb8;
	[tilespmem:$0x1CBC0] =	vst v63  }
0x23: {  	_ =	swait.ge [sflag:s13], $0x1000  }
0x24: {  	[sflag:s13] =	ssyncset.done $0x0  }
0x25: {  	[sflag:s13] =	ssyncadd.s32 $0xFFFFF000  }
0x26: {  	_ =	swait.ge [sflag:s30], $0x1000  }
0x27: {  	[sflag:s30] =	ssyncset.done $0x0  }
0x28: {  	[sflag:s30] =	ssyncadd.s32 $0xFFFFF000  }
0x29: {  	v50 =	vld [tilespmem:$0x4F40]  }
0x2a: {  	v51 =	vld [tilespmem:$0x4F50]  }
0x2b: {  	v52 =	vld [tilespmem:$0x4F60]  }
0x2c: {  	v53 =	vld [tilespmem:$0x4F70];
	_ =	sdelay $0x1  }
0x2d: {  	v0 =	vshra.s32 v50, $0x10  }
0x2e: {  	v54 =	vshra.s32 v51, $0x10;
	[tilespmem:$0x5100] =	vst v0  }
0x2f: {  	v55 =	vshra.s32 v52, $0x10;
	[tilespmem:$0x5110] =	vst v54  }
0x30: {  	v56 =	vshra.s32 v53, $0x10;
	[tilespmem:$0x5120] =	vst v55  }
0x31: {  	[tilespmem:$0x5130] =	vst v56  }
0x32: {  	[spmem:s3] =	stream.indirect.scatter.add.f32 [tilespmem:s22], [sflag:$0x5], $0x40, s29, s18, $0xb8;
	[tilespmem:$0x1CBC0] =	vst v63  }
0x33: {  	_ =	swait.ge [sflag:s13], $0x1000  }
0x34: {  	[sflag:s13] =	ssyncset.done $0x0  }
0x35: {  	[sflag:s13] =	ssyncadd.s32 $0xFFFFF000  }
0x36: {  	_ =	swait.ge [sflag:s31], $0x1000  }
0x37: {  	[sflag:s31] =	ssyncset.done $0x0  }
0x38: {  	[sflag:s31] =	ssyncadd.s32 $0xFFFFF000  }
0x39: {  	v57 =	vld [tilespmem:$0x4F80]  }
0x3a: {  	v58 =	vld [tilespmem:$0x4F90]  }
0x3b: {  	v59 =	vld [tilespmem:$0x4FA0]  }
0x3c: {  	v60 =	vld [tilespmem:$0x4FB0];
	_ =	sdelay $0x1  }
0x3d: {  	v0 =	vshra.s32 v57, $0x10  }
0x3e: {  	v61 =	vshra.s32 v58, $0x10;
	[tilespmem:$0x5100] =	vst v0  }
0x3f: {  	v62 =	vshra.s32 v59, $0x10;
	[tilespmem:$0x5110] =	vst v61  }
0x40: {  	v63 =	vshra.s32 v60, $0x10;
	[tilespmem:$0x5120] =	vst v62  }
0x41: {  	[tilespmem:$0x5130] =	vst v63  }
0x42: {  	[spmem:s3] =	stream.indirect.scatter.add.f32 [tilespmem:s24], [sflag:$0x5], $0x40, s29, s18, $0xb8;
	[tilespmem:$0x1CBC0] =	vst v63  }
0x43: {  	_ =	swait.ge [sflag:s13], $0x1000  }
0x44: {  	[sflag:s13] =	ssyncset.done $0x0  }
0x45: {  	[sflag:s13] =	ssyncadd.s32 $0xFFFFF000  }
0x46: {  	_ =	swait.ge [sflag:s0], $0x1000  }
0x47: {  	[sflag:s0] =	ssyncset.done $0x0  }
0x48: {  	s9 =	smov.u32 s11;
	s15 =	smov.u32 s4;
	[sflag:s0] =	ssyncadd.s32 $0xFFFFF000  }
.LBB2_8:
0x49: {  	v0 =	vld [tilespmem:$0x4FC0]  }
0x4a: {  	v1 =	vld [tilespmem:$0x4FD0]  }
0x4b: {  	v2 =	vld [tilespmem:$0x4FE0]  }
0x4c: {  	v3 =	vld [tilespmem:$0x4FF0];
	_ =	sdelay $0x1  }
0x4d: {  	v0 =	vshra.s32 v0, $0x10  }
0x4e: {  	v61 =	vshra.s32 v1, $0x10;
	[tilespmem:$0x5100] =	vst v0  }
0x4f: {  	v62 =	vshra.s32 v2, $0x10;
	[tilespmem:$0x5110] =	vst v61  }
0x50: {  	v63 =	vshra.s32 v3, $0x10;
	[tilespmem:$0x5120] =	vst v62  }
0x51: {  	[tilespmem:$0x5130] =	vst v63  }
0x52: {  	[spmem:s3] =	stream.indirect.scatter.add.f32 [tilespmem:s26], [sflag:$0x5], $0x40, s29, s18, $0xb8;
	[tilespmem:$0x1CBC0] =	vst v63  }
0x53: {  	_ =	swait.ge [sflag:s13], $0x1000  }
0x54: {  	s2 =	sadd.s32 $0x1, s2;
	[sflag:s13] =	ssyncset.done $0x0  }
0x55: {  	s9 =	sshrl.u32 s9, $0x3;
	p1 =	sne.s32 s2, s12;
	[sflag:s13] =	ssyncadd.s32 $0xFFFFF000  }
.Ltmp1:
0x56: {  	s9 =	sadd.s32 s6, s9;
	[bflag:$0x0] =	sbarrier.arrive $0xFFFF;
	(pc) =	sbr.rel @!p1 .LBB2_9-.Ltmp1, $4  }
0x57: {  	[hbm:s9], [sflag:s15] =	dma.local [spmem:s17], $0x13C0  }
0x58: {  	_ =	swait.ge [sflag:s13], $0x13C0  }
0x59: {  	[sflag:s13] =	ssyncset.done $0x0  }
0x5a: {  	[sflag:s13] =	ssyncadd.s32 $0xFFFFEC40  }
.LBB2_1:
.Ltmp2:
0x5b: {  	s9 =	simm.s32 $0x0;
	(pc) =	sbr.rel @!p0 .LBB2_2-.Ltmp2, $4  }
0x5c: {  	[tilespmem:s9], [sflag:$0x5] =	stream.linear.gather [hbm4b:s7+s9], $0x5000, $0x38;
	[tilespmem:$0x1CBC0] =	vst v63  }
0x5d: {  	_ =	swait.ge [sflag:s13], $0x5000  }
0x5e: {  	[sflag:s13] =	ssyncset.done $0x0  }
0x5f: {  	[sflag:s13] =	ssyncadd.s32 $0xFFFFB000  }
0x60: {  	s9 =	rddreg [dreg:$0x5]  }
0x61: {  	[spmem:s16], [sflag:s4] =	dma.local [hbm:s9], $0x1390  }
0x62: {  	_ =	swait.ge [sflag:s13], $0x1390  }
0x63: {  	[sflag:s13] =	ssyncset.done $0x0  }
0x64: {  	[sflag:s13] =	ssyncadd.s32 $0xFFFFEC70  }
0x65: {  	[spmem:s17], [sflag:s4] =	dma.local [hbm:s5], $0x13C0  }
0x66: {  	_ =	swait.ge [sflag:s13], $0x13C0  }
0x67: {  	[sflag:s13] =	ssyncset.done $0x0  }
0x68: {  	[sflag:s13] =	ssyncadd.s32 $0xFFFFEC40  }
0x69: {  	[bflag:$0x0] =	sbarrier.arrive $0xFFFF  }
0x6a: {  	v0 =	vld [tilespmem:$0x0]  }
0x6b: {  	v1 =	vld [tilespmem:$0x10]  }
0x6c: {  	v2 =	vld [tilespmem:$0x20]  }
0x6d: {  	v3 =	vld [tilespmem:$0x30];
	_ =	sdelay $0x1  }
0x6e: {  	v0 =	vand.u32 $0xFFFF, v0  }
0x6f: {  	v32 =	vand.u32 $0xFFFF, v1;
	[tilespmem:$0x5000] =	vst v0  }
0x70: {  	v33 =	vand.u32 $0xFFFF, v2;
	[tilespmem:$0x5010] =	vst v32  }
0x71: {  	v34 =	vand.u32 $0xFFFF, v3;
	[tilespmem:$0x5020] =	vst v33  }
0x72: {  	[tilespmem:$0x5030] =	vst v34  }
0x73: {  	[tilespmem:s20], [sflag:$0x1] =	stream.indirect.gather [spmem:s1], $0x40, s19, s18, $0xb8;
	[tilespmem:$0x1CBC0] =	vst v63  }
0x74: {  	v35 =	vld [tilespmem:$0x40]  }
0x75: {  	v36 =	vld [tilespmem:$0x50]  }
0x76: {  	v37 =	vld [tilespmem:$0x60]  }
0x77: {  	v38 =	vld [tilespmem:$0x70];
	_ =	sdelay $0x1  }
0x78: {  	v0 =	vand.u32 $0xFFFF, v35  }
0x79: {  	v39 =	vand.u32 $0xFFFF, v36;
	[tilespmem:$0x5040] =	vst v0  }
0x7a: {  	v40 =	vand.u32 $0xFFFF, v37;
	[tilespmem:$0x5050] =	vst v39  }
0x7b: {  	v41 =	vand.u32 $0xFFFF, v38;
	[tilespmem:$0x5060] =	vst v40  }
0x7c: {  	[tilespmem:$0x5070] =	vst v41  }
0x7d: {  	[tilespmem:s22], [sflag:$0x2] =	stream.indirect.gather [spmem:s1], $0x40, s21, s18, $0xb8;
	[tilespmem:$0x1CBC0] =	vst v63  }
0x7e: {  	v42 =	vld [tilespmem:$0x80]  }
0x7f: {  	v43 =	vld [tilespmem:$0x90]  }
0x80: {  	v44 =	vld [tilespmem:$0xA0]  }
0x81: {  	v45 =	vld [tilespmem:$0xB0];
	_ =	sdelay $0x1  }
0x82: {  	v0 =	vand.u32 $0xFFFF, v42  }
0x83: {  	v46 =	vand.u32 $0xFFFF, v43;
	[tilespmem:$0x5080] =	vst v0  }
0x84: {  	v47 =	vand.u32 $0xFFFF, v44;
	[tilespmem:$0x5090] =	vst v46  }
0x85: {  	v48 =	vand.u32 $0xFFFF, v45;
	[tilespmem:$0x50A0] =	vst v47  }
0x86: {  	[tilespmem:$0x50B0] =	vst v48  }
0x87: {  	[tilespmem:s24], [sflag:$0x3] =	stream.indirect.gather [spmem:s1], $0x40, s23, s18, $0xb8;
	[tilespmem:$0x1CBC0] =	vst v63  }
0x88: {  	v49 =	vld [tilespmem:$0xC0]  }
0x89: {  	v50 =	vld [tilespmem:$0xD0]  }
0x8a: {  	v51 =	vld [tilespmem:$0xE0]  }
0x8b: {  	v52 =	vld [tilespmem:$0xF0];
	_ =	sdelay $0x1  }
0x8c: {  	v0 =	vand.u32 $0xFFFF, v49  }
0x8d: {  	v53 =	vand.u32 $0xFFFF, v50;
	[tilespmem:$0x50C0] =	vst v0  }
0x8e: {  	v54 =	vand.u32 $0xFFFF, v51;
	[tilespmem:$0x50D0] =	vst v53  }
0x8f: {  	v55 =	vand.u32 $0xFFFF, v52;
	[tilespmem:$0x50E0] =	vst v54  }
0x90: {  	[tilespmem:$0x50F0] =	vst v55  }
0x91: {  	[tilespmem:s26], [sflag:$0x4] =	stream.indirect.gather [spmem:s1], $0x40, s25, s18, $0xb8;
	[tilespmem:$0x1CBC0] =	vst v63  }
0x92: {  	_ =	swait.ge [sflag:s28], $0x1000  }
0x93: {  	[sflag:s28] =	ssyncset.done $0x0  }
0x94: {  	s15 =	simm.s32 $0x0;
	[sflag:s28] =	ssyncadd.s32 $0xFFFFF000  }
0x95: {  	v56 =	vld [tilespmem:s15+$0x0];
	_ =	sdelay $0x4  }
0x96: {  	v0 =	vshra.s32 v56, $0x10  }
0x97: {  	[tilespmem:$0x5100] =	vst v0  }
0x98: {  	v0 =	vld [tilespmem:s15+$0x10];
	_ =	sdelay $0x4  }
0x99: {  	v0 =	vshra.s32 v0, $0x10  }
0x9a: {  	[tilespmem:$0x5110] =	vst v0  }
0x9b: {  	v0 =	vld [tilespmem:s15+$0x20];
	_ =	sdelay $0x4  }
0x9c: {  	v0 =	vshra.s32 v0, $0x10  }
0x9d: {  	[tilespmem:$0x5120] =	vst v0  }
0x9e: {  	v0 =	vld [tilespmem:s15+$0x30];
	_ =	sdelay $0x4  }
0x9f: {  	v0 =	vshra.s32 v0, $0x10  }
0xa0: {  	[tilespmem:$0x5130] =	vst v0  }
0xa1: {  	[spmem:s3] =	stream.indirect.scatter.add.f32 [tilespmem:s20], [sflag:$0x5], $0x40, s29, s18, $0xb8;
	[tilespmem:$0x1CBC0] =	vst v63  }
0xa2: {  	_ =	swait.ge [sflag:s13], $0x1000  }
0xa3: {  	[sflag:s13] =	ssyncset.done $0x0  }
0xa4: {  	[sflag:s13] =	ssyncadd.s32 $0xFFFFF000  }
0xa5: {  	v57 =	vld [tilespmem:s15+$0x100];
	_ =	sdelay $0x4  }
0xa6: {  	v0 =	vand.u32 $0xFFFF, v57  }
0xa7: {  	[tilespmem:$0x5000] =	vst v0  }
0xa8: {  	v0 =	vld [tilespmem:s15+$0x110];
	_ =	sdelay $0x4  }
0xa9: {  	v0 =	vand.u32 $0xFFFF, v0  }
0xaa: {  	[tilespmem:$0x5010] =	vst v0  }
0xab: {  	v0 =	vld [tilespmem:s15+$0x120];
	_ =	sdelay $0x4  }
0xac: {  	v0 =	vand.u32 $0xFFFF, v0  }
0xad: {  	[tilespmem:$0x5020] =	vst v0  }
0xae: {  	v0 =	vld [tilespmem:s15+$0x130];
	_ =	sdelay $0x4  }
0xaf: {  	v0 =	vand.u32 $0xFFFF, v0  }
0xb0: {  	[tilespmem:$0x5030] =	vst v0  }
0xb1: {  	[tilespmem:s20], [sflag:$0x1] =	stream.indirect.gather [spmem:s1], $0x40, s19, s18, $0xb8;
	[tilespmem:$0x1CBC0] =	vst v63  }
0xb2: {  	_ =	swait.ge [sflag:s30], $0x1000  }
0xb3: {  	[sflag:s30] =	ssyncset.done $0x0  }
0xb4: {  	[sflag:s30] =	ssyncadd.s32 $0xFFFFF000  }
0xb5: {  	v58 =	vld [tilespmem:s15+$0x40];
	_ =	sdelay $0x4  }
0xb6: {  	v0 =	vshra.s32 v58, $0x10  }
0xb7: {  	[tilespmem:$0x5100] =	vst v0  }
0xb8: {  	v0 =	vld [tilespmem:s15+$0x50];
	_ =	sdelay $0x4  }
0xb9: {  	v0 =	vshra.s32 v0, $0x10  }
0xba: {  	[tilespmem:$0x5110] =	vst v0  }
0xbb: {  	v0 =	vld [tilespmem:s15+$0x60];
	_ =	sdelay $0x4  }
0xbc: {  	v0 =	vshra.s32 v0, $0x10  }
0xbd: {  	[tilespmem:$0x5120] =	vst v0  }
0xbe: {  	v0 =	vld [tilespmem:s15+$0x70];
	_ =	sdelay $0x4  }
0xbf: {  	v0 =	vshra.s32 v0, $0x10  }
0xc0: {  	[tilespmem:$0x5130] =	vst v0  }
0xc1: {  	[spmem:s3] =	stream.indirect.scatter.add.f32 [tilespmem:s22], [sflag:$0x5], $0x40, s29, s18, $0xb8;
	[tilespmem:$0x1CBC0] =	vst v63  }
0xc2: {  	_ =	swait.ge [sflag:s13], $0x1000  }
0xc3: {  	[sflag:s13] =	ssyncset.done $0x0  }
0xc4: {  	[sflag:s13] =	ssyncadd.s32 $0xFFFFF000  }
0xc5: {  	v59 =	vld [tilespmem:s15+$0x140];
	_ =	sdelay $0x4  }
0xc6: {  	v0 =	vand.u32 $0xFFFF, v59  }
0xc7: {  	[tilespmem:$0x5040] =	vst v0  }
0xc8: {  	v0 =	vld [tilespmem:s15+$0x150];
	_ =	sdelay $0x4  }
0xc9: {  	v0 =	vand.u32 $0xFFFF, v0  }
0xca: {  	[tilespmem:$0x5050] =	vst v0  }
0xcb: {  	v0 =	vld [tilespmem:s15+$0x160];
	_ =	sdelay $0x4  }
0xcc: {  	v0 =	vand.u32 $0xFFFF, v0  }
0xcd: {  	[tilespmem:$0x5060] =	vst v0  }
0xce: {  	v0 =	vld [tilespmem:s15+$0x170];
	_ =	sdelay $0x4  }
0xcf: {  	v0 =	vand.u32 $0xFFFF, v0  }
0xd0: {  	[tilespmem:$0x5070] =	vst v0  }
0xd1: {  	[tilespmem:s22], [sflag:$0x2] =	stream.indirect.gather [spmem:s1], $0x40, s21, s18, $0xb8;
	[tilespmem:$0x1CBC0] =	vst v63  }
0xd2: {  	_ =	swait.ge [sflag:s31], $0x1000  }
0xd3: {  	[sflag:s31] =	ssyncset.done $0x0  }
0xd4: {  	[sflag:s31] =	ssyncadd.s32 $0xFFFFF000  }
0xd5: {  	v60 =	vld [tilespmem:s15+$0x80];
	_ =	sdelay $0x4  }
0xd6: {  	v0 =	vshra.s32 v60, $0x10  }
0xd7: {  	[tilespmem:$0x5100] =	vst v0  }
0xd8: {  	v0 =	vld [tilespmem:s15+$0x90];
	_ =	sdelay $0x4  }
0xd9: {  	v0 =	vshra.s32 v0, $0x10  }
0xda: {  	[tilespmem:$0x5110] =	vst v0  }
0xdb: {  	v0 =	vld [tilespmem:s15+$0xA0];
	_ =	sdelay $0x4  }
0xdc: {  	v0 =	vshra.s32 v0, $0x10  }
0xdd: {  	[tilespmem:$0x5120] =	vst v0  }
0xde: {  	v0 =	vld [tilespmem:s15+$0xB0];
	_ =	sdelay $0x4  }
0xdf: {  	v0 =	vshra.s32 v0, $0x10  }
0xe0: {  	[tilespmem:$0x5130] =	vst v0  }
0xe1: {  	[spmem:s3] =	stream.indirect.scatter.add.f32 [tilespmem:s24], [sflag:$0x5], $0x40, s29, s18, $0xb8;
	[tilespmem:$0x1CBC0] =	vst v63  }
0xe2: {  	_ =	swait.ge [sflag:s13], $0x1000  }
0xe3: {  	[sflag:s13] =	ssyncset.done $0x0  }
0xe4: {  	[sflag:s13] =	ssyncadd.s32 $0xFFFFF000  }
0xe5: {  	v61 =	vld [tilespmem:s15+$0x180];
	_ =	sdelay $0x4  }
0xe6: {  	v0 =	vand.u32 $0xFFFF, v61  }
0xe7: {  	[tilespmem:$0x5080] =	vst v0  }
0xe8: {  	v0 =	vld [tilespmem:s15+$0x190];
	_ =	sdelay $0x4  }
0xe9: {  	v0 =	vand.u32 $0xFFFF, v0  }
0xea: {  	[tilespmem:$0x5090] =	vst v0  }
0xeb: {  	v0 =	vld [tilespmem:s15+$0x1A0];
	_ =	sdelay $0x4  }
0xec: {  	v0 =	vand.u32 $0xFFFF, v0  }
0xed: {  	[tilespmem:$0x50A0] =	vst v0  }
0xee: {  	v0 =	vld [tilespmem:s15+$0x1B0];
	_ =	sdelay $0x4  }
0xef: {  	v0 =	vand.u32 $0xFFFF, v0  }
0xf0: {  	[tilespmem:$0x50B0] =	vst v0  }
0xf1: {  	[tilespmem:s24], [sflag:$0x3] =	stream.indirect.gather [spmem:s1], $0x40, s23, s18, $0xb8;
	[tilespmem:$0x1CBC0] =	vst v63  }
0xf2: {  	_ =	swait.ge [sflag:s0], $0x1000  }
0xf3: {  	[sflag:s0] =	ssyncset.done $0x0  }
0xf4: {  	[sflag:s0] =	ssyncadd.s32 $0xFFFFF000  }
0xf5: {  	v62 =	vld [tilespmem:s15+$0xC0];
	_ =	sdelay $0x4  }
0xf6: {  	v0 =	vshra.s32 v62, $0x10  }
0xf7: {  	[tilespmem:$0x5100] =	vst v0  }
0xf8: {  	v0 =	vld [tilespmem:s15+$0xD0];
	_ =	sdelay $0x4  }
0xf9: {  	v0 =	vshra.s32 v0, $0x10  }
0xfa: {  	[tilespmem:$0x5110] =	vst v0  }
0xfb: {  	v0 =	vld [tilespmem:s15+$0xE0];
	_ =	sdelay $0x4  }
0xfc: {  	v0 =	vshra.s32 v0, $0x10  }
0xfd: {  	[tilespmem:$0x5120] =	vst v0  }
0xfe: {  	v0 =	vld [tilespmem:s15+$0xF0];
	_ =	sdelay $0x4  }
0xff: {  	v0 =	vshra.s32 v0, $0x10  }
0x100: {  	[tilespmem:$0x5130] =	vst v0  }
0x101: {  	[spmem:s3] =	stream.indirect.scatter.add.f32 [tilespmem:s26], [sflag:$0x5], $0x40, s29, s18, $0xb8;
	[tilespmem:$0x1CBC0] =	vst v63  }
0x102: {  	_ =	swait.ge [sflag:s13], $0x1000  }
0x103: {  	[sflag:s13] =	ssyncset.done $0x0  }
0x104: {  	[sflag:s13] =	ssyncadd.s32 $0xFFFFF000  }
0x105: {  	v63 =	vld [tilespmem:s15+$0x1C0];
	_ =	sdelay $0x4  }
0x106: {  	v0 =	vand.u32 $0xFFFF, v63  }
0x107: {  	[tilespmem:$0x50C0] =	vst v0  }
0x108: {  	v0 =	vld [tilespmem:s15+$0x1D0];
	_ =	sdelay $0x4  }
0x109: {  	v0 =	vand.u32 $0xFFFF, v0  }
0x10a: {  	[tilespmem:$0x50D0] =	vst v0  }
0x10b: {  	v0 =	vld [tilespmem:s15+$0x1E0];
	_ =	sdelay $0x4  }
0x10c: {  	v0 =	vand.u32 $0xFFFF, v0  }
0x10d: {  	[tilespmem:$0x50E0] =	vst v0  }
0x10e: {  	v0 =	vld [tilespmem:s15+$0x1F0];
	_ =	sdelay $0x4  }
0x10f: {  	v0 =	vand.u32 $0xFFFF, v0  }
0x110: {  	s9 =	simm.s32 $0x400;
	[tilespmem:$0x50F0] =	vst v0  }
.LBB2_6:
0x111: {  	[tilespmem:s26], [sflag:$0x4] =	stream.indirect.gather [spmem:s1], $0x40, s25, s18, $0xb8;
	[tilespmem:$0x1CBC0] =	vst v63  }
0x112: {  	s10 =	smov.u32 s9  }
0x113: {  	p1 =	sne.s32 s9, $0x13800;
	s9 =	sadd.s32 $0x400, s9;
	_ =	swait.ge [sflag:s28], $0x1000  }
0x114: {  	[sflag:s28] =	ssyncset.done $0x0  }
0x115: {  	s10 =	sshra.s32 s10, $0x2;
	[sflag:s28] =	ssyncadd.s32 $0xFFFFF000  }
0x116: {  	v0 =	vld [tilespmem:s10+$0x0];
	_ =	sdelay $0x4  }
0x117: {  	v0 =	vshra.s32 v0, $0x10  }
0x118: {  	[tilespmem:$0x5100] =	vst v0  }
0x119: {  	v0 =	vld [tilespmem:s10+$0x10];
	_ =	sdelay $0x4  }
0x11a: {  	v0 =	vshra.s32 v0, $0x10  }
0x11b: {  	[tilespmem:$0x5110] =	vst v0  }
0x11c: {  	v0 =	vld [tilespmem:s10+$0x20];
	_ =	sdelay $0x4  }
0x11d: {  	v0 =	vshra.s32 v0, $0x10  }
0x11e: {  	[tilespmem:$0x5120] =	vst v0  }
0x11f: {  	v0 =	vld [tilespmem:s10+$0x30];
	_ =	sdelay $0x4  }
0x120: {  	v0 =	vshra.s32 v0, $0x10  }
0x121: {  	[tilespmem:$0x5130] =	vst v0  }
0x122: {  	[spmem:s3] =	stream.indirect.scatter.add.f32 [tilespmem:s20], [sflag:$0x5], $0x40, s29, s18, $0xb8;
	[tilespmem:$0x1CBC0] =	vst v63  }
0x123: {  	_ =	swait.ge [sflag:s13], $0x1000  }
0x124: {  	[sflag:s13] =	ssyncset.done $0x0  }
0x125: {  	[sflag:s13] =	ssyncadd.s32 $0xFFFFF000  }
0x126: {  	v0 =	vld [tilespmem:s10+$0x100];
	_ =	sdelay $0x4  }
0x127: {  	v0 =	vand.u32 $0xFFFF, v0  }
0x128: {  	[tilespmem:$0x5000] =	vst v0  }
0x129: {  	v0 =	vld [tilespmem:s10+$0x110];
	_ =	sdelay $0x4  }
0x12a: {  	v0 =	vand.u32 $0xFFFF, v0  }
0x12b: {  	[tilespmem:$0x5010] =	vst v0  }
0x12c: {  	v0 =	vld [tilespmem:s10+$0x120];
	_ =	sdelay $0x4  }
0x12d: {  	v0 =	vand.u32 $0xFFFF, v0  }
0x12e: {  	[tilespmem:$0x5020] =	vst v0  }
0x12f: {  	v0 =	vld [tilespmem:s10+$0x130];
	_ =	sdelay $0x4  }
0x130: {  	v0 =	vand.u32 $0xFFFF, v0  }
0x131: {  	[tilespmem:$0x5030] =	vst v0  }
0x132: {  	[tilespmem:s20], [sflag:$0x1] =	stream.indirect.gather [spmem:s1], $0x40, s19, s18, $0xb8;
	[tilespmem:$0x1CBC0] =	vst v63  }
0x133: {  	_ =	swait.ge [sflag:s30], $0x1000  }
0x134: {  	[sflag:s30] =	ssyncset.done $0x0  }
0x135: {  	[sflag:s30] =	ssyncadd.s32 $0xFFFFF000  }
0x136: {  	v0 =	vld [tilespmem:s10+$0x40];
	_ =	sdelay $0x4  }
0x137: {  	v0 =	vshra.s32 v0, $0x10  }
0x138: {  	[tilespmem:$0x5100] =	vst v0  }
0x139: {  	v0 =	vld [tilespmem:s10+$0x50];
	_ =	sdelay $0x4  }
0x13a: {  	v0 =	vshra.s32 v0, $0x10  }
0x13b: {  	[tilespmem:$0x5110] =	vst v0  }
0x13c: {  	v0 =	vld [tilespmem:s10+$0x60];
	_ =	sdelay $0x4  }
0x13d: {  	v0 =	vshra.s32 v0, $0x10  }
0x13e: {  	[tilespmem:$0x5120] =	vst v0  }
0x13f: {  	v0 =	vld [tilespmem:s10+$0x70];
	_ =	sdelay $0x4  }
0x140: {  	v0 =	vshra.s32 v0, $0x10  }
0x141: {  	[tilespmem:$0x5130] =	vst v0  }
0x142: {  	[spmem:s3] =	stream.indirect.scatter.add.f32 [tilespmem:s22], [sflag:$0x5], $0x40, s29, s18, $0xb8;
	[tilespmem:$0x1CBC0] =	vst v63  }
0x143: {  	_ =	swait.ge [sflag:s13], $0x1000  }
0x144: {  	[sflag:s13] =	ssyncset.done $0x0  }
0x145: {  	[sflag:s13] =	ssyncadd.s32 $0xFFFFF000  }
0x146: {  	v0 =	vld [tilespmem:s10+$0x140];
	_ =	sdelay $0x4  }
0x147: {  	v0 =	vand.u32 $0xFFFF, v0  }
0x148: {  	[tilespmem:$0x5040] =	vst v0  }
0x149: {  	v0 =	vld [tilespmem:s10+$0x150];
	_ =	sdelay $0x4  }
0x14a: {  	v0 =	vand.u32 $0xFFFF, v0  }
0x14b: {  	[tilespmem:$0x5050] =	vst v0  }
0x14c: {  	v0 =	vld [tilespmem:s10+$0x160];
	_ =	sdelay $0x4  }
0x14d: {  	v0 =	vand.u32 $0xFFFF, v0  }
0x14e: {  	[tilespmem:$0x5060] =	vst v0  }
0x14f: {  	v0 =	vld [tilespmem:s10+$0x170];
	_ =	sdelay $0x4  }
0x150: {  	v0 =	vand.u32 $0xFFFF, v0  }
0x151: {  	[tilespmem:$0x5070] =	vst v0  }
0x152: {  	[tilespmem:s22], [sflag:$0x2] =	stream.indirect.gather [spmem:s1], $0x40, s21, s18, $0xb8;
	[tilespmem:$0x1CBC0] =	vst v63  }
0x153: {  	_ =	swait.ge [sflag:s31], $0x1000  }
0x154: {  	[sflag:s31] =	ssyncset.done $0x0  }
0x155: {  	[sflag:s31] =	ssyncadd.s32 $0xFFFFF000  }
0x156: {  	v0 =	vld [tilespmem:s10+$0x80];
	_ =	sdelay $0x4  }
0x157: {  	v0 =	vshra.s32 v0, $0x10  }
0x158: {  	[tilespmem:$0x5100] =	vst v0  }
0x159: {  	v0 =	vld [tilespmem:s10+$0x90];
	_ =	sdelay $0x4  }
0x15a: {  	v0 =	vshra.s32 v0, $0x10  }
0x15b: {  	[tilespmem:$0x5110] =	vst v0  }
0x15c: {  	v0 =	vld [tilespmem:s10+$0xA0];
	_ =	sdelay $0x4  }
0x15d: {  	v0 =	vshra.s32 v0, $0x10  }
0x15e: {  	[tilespmem:$0x5120] =	vst v0  }
0x15f: {  	v0 =	vld [tilespmem:s10+$0xB0];
	_ =	sdelay $0x4  }
0x160: {  	v0 =	vshra.s32 v0, $0x10  }
0x161: {  	[tilespmem:$0x5130] =	vst v0  }
0x162: {  	[spmem:s3] =	stream.indirect.scatter.add.f32 [tilespmem:s24], [sflag:$0x5], $0x40, s29, s18, $0xb8;
	[tilespmem:$0x1CBC0] =	vst v63  }
0x163: {  	_ =	swait.ge [sflag:s13], $0x1000  }
0x164: {  	[sflag:s13] =	ssyncset.done $0x0  }
0x165: {  	[sflag:s13] =	ssyncadd.s32 $0xFFFFF000  }
0x166: {  	v0 =	vld [tilespmem:s10+$0x180];
	_ =	sdelay $0x4  }
0x167: {  	v0 =	vand.u32 $0xFFFF, v0  }
0x168: {  	[tilespmem:$0x5080] =	vst v0  }
0x169: {  	v0 =	vld [tilespmem:s10+$0x190];
	_ =	sdelay $0x4  }
0x16a: {  	v0 =	vand.u32 $0xFFFF, v0  }
0x16b: {  	[tilespmem:$0x5090] =	vst v0  }
0x16c: {  	v0 =	vld [tilespmem:s10+$0x1A0];
	_ =	sdelay $0x4  }
0x16d: {  	v0 =	vand.u32 $0xFFFF, v0  }
0x16e: {  	[tilespmem:$0x50A0] =	vst v0  }
0x16f: {  	v0 =	vld [tilespmem:s10+$0x1B0];
	_ =	sdelay $0x4  }
0x170: {  	v0 =	vand.u32 $0xFFFF, v0  }
0x171: {  	[tilespmem:$0x50B0] =	vst v0  }
0x172: {  	[tilespmem:s24], [sflag:$0x3] =	stream.indirect.gather [spmem:s1], $0x40, s23, s18, $0xb8;
	[tilespmem:$0x1CBC0] =	vst v63  }
0x173: {  	_ =	swait.ge [sflag:s0], $0x1000  }
0x174: {  	[sflag:s0] =	ssyncset.done $0x0  }
0x175: {  	[sflag:s0] =	ssyncadd.s32 $0xFFFFF000  }
0x176: {  	v0 =	vld [tilespmem:s10+$0xC0];
	_ =	sdelay $0x4  }
0x177: {  	v0 =	vshra.s32 v0, $0x10  }
0x178: {  	[tilespmem:$0x5100] =	vst v0  }
0x179: {  	v0 =	vld [tilespmem:s10+$0xD0];
	_ =	sdelay $0x4  }
0x17a: {  	v0 =	vshra.s32 v0, $0x10  }
0x17b: {  	[tilespmem:$0x5110] =	vst v0  }
0x17c: {  	v0 =	vld [tilespmem:s10+$0xE0];
	_ =	sdelay $0x4  }
0x17d: {  	v0 =	vshra.s32 v0, $0x10  }
0x17e: {  	[tilespmem:$0x5120] =	vst v0  }
0x17f: {  	v0 =	vld [tilespmem:s10+$0xF0];
	_ =	sdelay $0x4  }
0x180: {  	v0 =	vshra.s32 v0, $0x10  }
0x181: {  	[tilespmem:$0x5130] =	vst v0  }
0x182: {  	[spmem:s3] =	stream.indirect.scatter.add.f32 [tilespmem:s26], [sflag:$0x5], $0x40, s29, s18, $0xb8;
	[tilespmem:$0x1CBC0] =	vst v63  }
0x183: {  	_ =	swait.ge [sflag:s13], $0x1000  }
0x184: {  	[sflag:s13] =	ssyncset.done $0x0  }
0x185: {  	[sflag:s13] =	ssyncadd.s32 $0xFFFFF000  }
0x186: {  	v0 =	vld [tilespmem:s10+$0x1C0];
	_ =	sdelay $0x4  }
0x187: {  	v0 =	vand.u32 $0xFFFF, v0  }
0x188: {  	[tilespmem:$0x50C0] =	vst v0  }
0x189: {  	v0 =	vld [tilespmem:s10+$0x1D0];
	_ =	sdelay $0x4  }
0x18a: {  	v0 =	vand.u32 $0xFFFF, v0  }
0x18b: {  	[tilespmem:$0x50D0] =	vst v0  }
0x18c: {  	v0 =	vld [tilespmem:s10+$0x1E0];
	_ =	sdelay $0x4  }
0x18d: {  	v0 =	vand.u32 $0xFFFF, v0  }
0x18e: {  	[tilespmem:$0x50E0] =	vst v0  }
0x18f: {  	v0 =	vld [tilespmem:s10+$0x1F0];
	_ =	sdelay $0x1  }
.Ltmp3:
0x190: {  	(pc) =	sbr.rel @p1 .LBB2_6-.Ltmp3, $3  }
0x191: {  	_ =	sdelay $0x1  }
0x192: {  	v0 =	vand.u32 $0xFFFF, v0  }
0x193: {  	[tilespmem:$0x50F0] =	vst v0  }
.Ltmp4:
0x194: {  	_ = 	snop;
	(pc) =	sbr.rel .LBB2_7-.Ltmp4, $1  }
0x195: {  	_ =	sdelay $0x3  }
.LBB2_2:
0x196: {  	s15 =	sor.u32 $0x1C05, s14;
	s9 =	rddreg [dreg:$0x4]  }
0x197: {  	[spmem:s16], [sflag:s15] =	dma.local [hbm:s9], $0x1390  }
0x198: {  	_ =	swait.ge [sflag:s13], $0x1390  }
0x199: {  	[sflag:s13] =	ssyncset.done $0x0  }
0x19a: {  	[sflag:s13] =	ssyncadd.s32 $0xFFFFEC70  }
0x19b: {  	[spmem:s17], [sflag:s15] =	dma.local [hbm:s5], $0x13C0  }
0x19c: {  	_ =	swait.ge [sflag:s13], $0x13C0  }
0x19d: {  	[sflag:s13] =	ssyncset.done $0x0  }
0x19e: {  	[sflag:s13] =	ssyncadd.s32 $0xFFFFEC40  }
0x19f: {  	[bflag:$0x0] =	sbarrier.arrive $0xFFFF  }
0x1a0: {  	v0 =	vld [tilespmem:$0x0]  }
0x1a1: {  	v1 =	vld [tilespmem:$0x10]  }
0x1a2: {  	v2 =	vld [tilespmem:$0x20]  }
0x1a3: {  	v3 =	vld [tilespmem:$0x30];
	_ =	sdelay $0x1  }
0x1a4: {  	v0 =	vand.u32 $0xFFFF, v0  }
0x1a5: {  	v32 =	vand.u32 $0xFFFF, v1;
	[tilespmem:$0x5000] =	vst v0  }
0x1a6: {  	v33 =	vand.u32 $0xFFFF, v2;
	[tilespmem:$0x5010] =	vst v32  }
0x1a7: {  	v34 =	vand.u32 $0xFFFF, v3;
	[tilespmem:$0x5020] =	vst v33  }
0x1a8: {  	[tilespmem:$0x5030] =	vst v34  }
0x1a9: {  	[tilespmem:s20], [sflag:$0x1] =	stream.indirect.gather [spmem:s1], $0x40, s19, s18, $0xb8;
	[tilespmem:$0x1CBC0] =	vst v63  }
0x1aa: {  	v35 =	vld [tilespmem:$0x40]  }
0x1ab: {  	v36 =	vld [tilespmem:$0x50]  }
0x1ac: {  	v37 =	vld [tilespmem:$0x60]  }
0x1ad: {  	v38 =	vld [tilespmem:$0x70];
	_ =	sdelay $0x1  }
0x1ae: {  	v0 =	vand.u32 $0xFFFF, v35  }
0x1af: {  	v39 =	vand.u32 $0xFFFF, v36;
	[tilespmem:$0x5040] =	vst v0  }
0x1b0: {  	v40 =	vand.u32 $0xFFFF, v37;
	[tilespmem:$0x5050] =	vst v39  }
0x1b1: {  	v41 =	vand.u32 $0xFFFF, v38;
	[tilespmem:$0x5060] =	vst v40  }
0x1b2: {  	[tilespmem:$0x5070] =	vst v41  }
0x1b3: {  	[tilespmem:s22], [sflag:$0x2] =	stream.indirect.gather [spmem:s1], $0x40, s21, s18, $0xb8;
	[tilespmem:$0x1CBC0] =	vst v63  }
0x1b4: {  	v42 =	vld [tilespmem:$0x80]  }
0x1b5: {  	v43 =	vld [tilespmem:$0x90]  }
0x1b6: {  	v44 =	vld [tilespmem:$0xA0]  }
0x1b7: {  	v45 =	vld [tilespmem:$0xB0];
	_ =	sdelay $0x1  }
0x1b8: {  	v0 =	vand.u32 $0xFFFF, v42  }
0x1b9: {  	v46 =	vand.u32 $0xFFFF, v43;
	[tilespmem:$0x5080] =	vst v0  }
0x1ba: {  	v47 =	vand.u32 $0xFFFF, v44;
	[tilespmem:$0x5090] =	vst v46  }
0x1bb: {  	v48 =	vand.u32 $0xFFFF, v45;
	[tilespmem:$0x50A0] =	vst v47  }
0x1bc: {  	[tilespmem:$0x50B0] =	vst v48  }
0x1bd: {  	[tilespmem:s24], [sflag:$0x3] =	stream.indirect.gather [spmem:s1], $0x40, s23, s18, $0xb8;
	[tilespmem:$0x1CBC0] =	vst v63  }
0x1be: {  	v49 =	vld [tilespmem:$0xC0]  }
0x1bf: {  	v50 =	vld [tilespmem:$0xD0]  }
0x1c0: {  	v51 =	vld [tilespmem:$0xE0]  }
0x1c1: {  	v52 =	vld [tilespmem:$0xF0];
	_ =	sdelay $0x1  }
0x1c2: {  	v0 =	vand.u32 $0xFFFF, v49  }
0x1c3: {  	v53 =	vand.u32 $0xFFFF, v50;
	[tilespmem:$0x50C0] =	vst v0  }
0x1c4: {  	v54 =	vand.u32 $0xFFFF, v51;
	[tilespmem:$0x50D0] =	vst v53  }
0x1c5: {  	v55 =	vand.u32 $0xFFFF, v52;
	[tilespmem:$0x50E0] =	vst v54  }
0x1c6: {  	[tilespmem:$0x50F0] =	vst v55  }
0x1c7: {  	[tilespmem:s26], [sflag:$0x4] =	stream.indirect.gather [spmem:s1], $0x40, s25, s18, $0xb8;
	[tilespmem:$0x1CBC0] =	vst v63  }
0x1c8: {  	_ =	swait.ge [sflag:s28], $0x1000  }
0x1c9: {  	[sflag:s28] =	ssyncset.done $0x0  }
0x1ca: {  	s10 =	simm.s32 $0x0;
	[sflag:s28] =	ssyncadd.s32 $0xFFFFF000  }
0x1cb: {  	v56 =	vld [tilespmem:s10+$0x0];
	_ =	sdelay $0x4  }
0x1cc: {  	v0 =	vshra.s32 v56, $0x10  }
0x1cd: {  	[tilespmem:$0x5100] =	vst v0  }
0x1ce: {  	v0 =	vld [tilespmem:s10+$0x10];
	_ =	sdelay $0x4  }
0x1cf: {  	v0 =	vshra.s32 v0, $0x10  }
0x1d0: {  	[tilespmem:$0x5110] =	vst v0  }
0x1d1: {  	v0 =	vld [tilespmem:s10+$0x20];
	_ =	sdelay $0x4  }
0x1d2: {  	v0 =	vshra.s32 v0, $0x10  }
0x1d3: {  	[tilespmem:$0x5120] =	vst v0  }
0x1d4: {  	v0 =	vld [tilespmem:s10+$0x30];
	_ =	sdelay $0x4  }
0x1d5: {  	v0 =	vshra.s32 v0, $0x10  }
0x1d6: {  	[tilespmem:$0x5130] =	vst v0  }
0x1d7: {  	[spmem:s3] =	stream.indirect.scatter.add.f32 [tilespmem:s20], [sflag:$0x5], $0x40, s29, s18, $0xb8;
	[tilespmem:$0x1CBC0] =	vst v63  }
0x1d8: {  	_ =	swait.ge [sflag:s13], $0x1000  }
0x1d9: {  	[sflag:s13] =	ssyncset.done $0x0  }
0x1da: {  	[sflag:s13] =	ssyncadd.s32 $0xFFFFF000  }
0x1db: {  	v57 =	vld [tilespmem:s10+$0x100];
	_ =	sdelay $0x4  }
0x1dc: {  	v0 =	vand.u32 $0xFFFF, v57  }
0x1dd: {  	[tilespmem:$0x5000] =	vst v0  }
0x1de: {  	v0 =	vld [tilespmem:s10+$0x110];
	_ =	sdelay $0x4  }
0x1df: {  	v0 =	vand.u32 $0xFFFF, v0  }
0x1e0: {  	[tilespmem:$0x5010] =	vst v0  }
0x1e1: {  	v0 =	vld [tilespmem:s10+$0x120];
	_ =	sdelay $0x4  }
0x1e2: {  	v0 =	vand.u32 $0xFFFF, v0  }
0x1e3: {  	[tilespmem:$0x5020] =	vst v0  }
0x1e4: {  	v0 =	vld [tilespmem:s10+$0x130];
	_ =	sdelay $0x4  }
0x1e5: {  	v0 =	vand.u32 $0xFFFF, v0  }
0x1e6: {  	[tilespmem:$0x5030] =	vst v0  }
0x1e7: {  	[tilespmem:s20], [sflag:$0x1] =	stream.indirect.gather [spmem:s1], $0x40, s19, s18, $0xb8;
	[tilespmem:$0x1CBC0] =	vst v63  }
0x1e8: {  	_ =	swait.ge [sflag:s30], $0x1000  }
0x1e9: {  	[sflag:s30] =	ssyncset.done $0x0  }
0x1ea: {  	[sflag:s30] =	ssyncadd.s32 $0xFFFFF000  }
0x1eb: {  	v58 =	vld [tilespmem:s10+$0x40];
	_ =	sdelay $0x4  }
0x1ec: {  	v0 =	vshra.s32 v58, $0x10  }
0x1ed: {  	[tilespmem:$0x5100] =	vst v0  }
0x1ee: {  	v0 =	vld [tilespmem:s10+$0x50];
	_ =	sdelay $0x4  }
0x1ef: {  	v0 =	vshra.s32 v0, $0x10  }
0x1f0: {  	[tilespmem:$0x5110] =	vst v0  }
0x1f1: {  	v0 =	vld [tilespmem:s10+$0x60];
	_ =	sdelay $0x4  }
0x1f2: {  	v0 =	vshra.s32 v0, $0x10  }
0x1f3: {  	[tilespmem:$0x5120] =	vst v0  }
0x1f4: {  	v0 =	vld [tilespmem:s10+$0x70];
	_ =	sdelay $0x4  }
0x1f5: {  	v0 =	vshra.s32 v0, $0x10  }
0x1f6: {  	[tilespmem:$0x5130] =	vst v0  }
0x1f7: {  	[spmem:s3] =	stream.indirect.scatter.add.f32 [tilespmem:s22], [sflag:$0x5], $0x40, s29, s18, $0xb8;
	[tilespmem:$0x1CBC0] =	vst v63  }
0x1f8: {  	_ =	swait.ge [sflag:s13], $0x1000  }
0x1f9: {  	[sflag:s13] =	ssyncset.done $0x0  }
0x1fa: {  	[sflag:s13] =	ssyncadd.s32 $0xFFFFF000  }
0x1fb: {  	v59 =	vld [tilespmem:s10+$0x140];
	_ =	sdelay $0x4  }
0x1fc: {  	v0 =	vand.u32 $0xFFFF, v59  }
0x1fd: {  	[tilespmem:$0x5040] =	vst v0  }
0x1fe: {  	v0 =	vld [tilespmem:s10+$0x150];
	_ =	sdelay $0x4  }
0x1ff: {  	v0 =	vand.u32 $0xFFFF, v0  }
0x200: {  	[tilespmem:$0x5050] =	vst v0  }
0x201: {  	v0 =	vld [tilespmem:s10+$0x160];
	_ =	sdelay $0x4  }
0x202: {  	v0 =	vand.u32 $0xFFFF, v0  }
0x203: {  	[tilespmem:$0x5060] =	vst v0  }
0x204: {  	v0 =	vld [tilespmem:s10+$0x170];
	_ =	sdelay $0x4  }
0x205: {  	v0 =	vand.u32 $0xFFFF, v0  }
0x206: {  	[tilespmem:$0x5070] =	vst v0  }
0x207: {  	[tilespmem:s22], [sflag:$0x2] =	stream.indirect.gather [spmem:s1], $0x40, s21, s18, $0xb8;
	[tilespmem:$0x1CBC0] =	vst v63  }
0x208: {  	_ =	swait.ge [sflag:s31], $0x1000  }
0x209: {  	[sflag:s31] =	ssyncset.done $0x0  }
0x20a: {  	[sflag:s31] =	ssyncadd.s32 $0xFFFFF000  }
0x20b: {  	v60 =	vld [tilespmem:s10+$0x80];
	_ =	sdelay $0x4  }
0x20c: {  	v0 =	vshra.s32 v60, $0x10  }
0x20d: {  	[tilespmem:$0x5100] =	vst v0  }
0x20e: {  	v0 =	vld [tilespmem:s10+$0x90];
	_ =	sdelay $0x4  }
0x20f: {  	v0 =	vshra.s32 v0, $0x10  }
0x210: {  	[tilespmem:$0x5110] =	vst v0  }
0x211: {  	v0 =	vld [tilespmem:s10+$0xA0];
	_ =	sdelay $0x4  }
0x212: {  	v0 =	vshra.s32 v0, $0x10  }
0x213: {  	[tilespmem:$0x5120] =	vst v0  }
0x214: {  	v0 =	vld [tilespmem:s10+$0xB0];
	_ =	sdelay $0x4  }
0x215: {  	v0 =	vshra.s32 v0, $0x10  }
0x216: {  	[tilespmem:$0x5130] =	vst v0  }
0x217: {  	[spmem:s3] =	stream.indirect.scatter.add.f32 [tilespmem:s24], [sflag:$0x5], $0x40, s29, s18, $0xb8;
	[tilespmem:$0x1CBC0] =	vst v63  }
0x218: {  	_ =	swait.ge [sflag:s13], $0x1000  }
0x219: {  	[sflag:s13] =	ssyncset.done $0x0  }
0x21a: {  	[sflag:s13] =	ssyncadd.s32 $0xFFFFF000  }
0x21b: {  	v61 =	vld [tilespmem:s10+$0x180];
	_ =	sdelay $0x4  }
0x21c: {  	v0 =	vand.u32 $0xFFFF, v61  }
0x21d: {  	[tilespmem:$0x5080] =	vst v0  }
0x21e: {  	v0 =	vld [tilespmem:s10+$0x190];
	_ =	sdelay $0x4  }
0x21f: {  	v0 =	vand.u32 $0xFFFF, v0  }
0x220: {  	[tilespmem:$0x5090] =	vst v0  }
0x221: {  	v0 =	vld [tilespmem:s10+$0x1A0];
	_ =	sdelay $0x4  }
0x222: {  	v0 =	vand.u32 $0xFFFF, v0  }
0x223: {  	[tilespmem:$0x50A0] =	vst v0  }
0x224: {  	v0 =	vld [tilespmem:s10+$0x1B0];
	_ =	sdelay $0x4  }
0x225: {  	v0 =	vand.u32 $0xFFFF, v0  }
0x226: {  	[tilespmem:$0x50B0] =	vst v0  }
0x227: {  	[tilespmem:s24], [sflag:$0x3] =	stream.indirect.gather [spmem:s1], $0x40, s23, s18, $0xb8;
	[tilespmem:$0x1CBC0] =	vst v63  }
0x228: {  	_ =	swait.ge [sflag:s0], $0x1000  }
0x229: {  	[sflag:s0] =	ssyncset.done $0x0  }
0x22a: {  	[sflag:s0] =	ssyncadd.s32 $0xFFFFF000  }
0x22b: {  	v62 =	vld [tilespmem:s10+$0xC0];
	_ =	sdelay $0x4  }
0x22c: {  	v0 =	vshra.s32 v62, $0x10  }
0x22d: {  	[tilespmem:$0x5100] =	vst v0  }
0x22e: {  	v0 =	vld [tilespmem:s10+$0xD0];
	_ =	sdelay $0x4  }
0x22f: {  	v0 =	vshra.s32 v0, $0x10  }
0x230: {  	[tilespmem:$0x5110] =	vst v0  }
0x231: {  	v0 =	vld [tilespmem:s10+$0xE0];
	_ =	sdelay $0x4  }
0x232: {  	v0 =	vshra.s32 v0, $0x10  }
0x233: {  	[tilespmem:$0x5120] =	vst v0  }
0x234: {  	v0 =	vld [tilespmem:s10+$0xF0];
	_ =	sdelay $0x4  }
0x235: {  	v0 =	vshra.s32 v0, $0x10  }
0x236: {  	[tilespmem:$0x5130] =	vst v0  }
0x237: {  	[spmem:s3] =	stream.indirect.scatter.add.f32 [tilespmem:s26], [sflag:$0x5], $0x40, s29, s18, $0xb8;
	[tilespmem:$0x1CBC0] =	vst v63  }
0x238: {  	_ =	swait.ge [sflag:s13], $0x1000  }
0x239: {  	[sflag:s13] =	ssyncset.done $0x0  }
0x23a: {  	[sflag:s13] =	ssyncadd.s32 $0xFFFFF000  }
0x23b: {  	v63 =	vld [tilespmem:s10+$0x1C0];
	_ =	sdelay $0x4  }
0x23c: {  	v0 =	vand.u32 $0xFFFF, v63  }
0x23d: {  	[tilespmem:$0x50C0] =	vst v0  }
0x23e: {  	v0 =	vld [tilespmem:s10+$0x1D0];
	_ =	sdelay $0x4  }
0x23f: {  	v0 =	vand.u32 $0xFFFF, v0  }
0x240: {  	[tilespmem:$0x50D0] =	vst v0  }
0x241: {  	v0 =	vld [tilespmem:s10+$0x1E0];
	_ =	sdelay $0x4  }
0x242: {  	v0 =	vand.u32 $0xFFFF, v0  }
0x243: {  	[tilespmem:$0x50E0] =	vst v0  }
0x244: {  	v0 =	vld [tilespmem:s10+$0x1F0];
	_ =	sdelay $0x4  }
0x245: {  	v0 =	vand.u32 $0xFFFF, v0  }
0x246: {  	s9 =	simm.s32 $0x400;
	[tilespmem:$0x50F0] =	vst v0  }
.LBB2_3:
0x247: {  	[tilespmem:s26], [sflag:$0x4] =	stream.indirect.gather [spmem:s1], $0x40, s25, s18, $0xb8;
	[tilespmem:$0x1CBC0] =	vst v63  }
0x248: {  	s10 =	smov.u32 s9  }
0x249: {  	p1 =	sne.s32 s9, $0x13800;
	s9 =	sadd.s32 $0x400, s9;
	_ =	swait.ge [sflag:s28], $0x1000  }
0x24a: {  	[sflag:s28] =	ssyncset.done $0x0  }
0x24b: {  	s10 =	sshra.s32 s10, $0x2;
	[sflag:s28] =	ssyncadd.s32 $0xFFFFF000  }
0x24c: {  	v0 =	vld [tilespmem:s10+$0x0];
	_ =	sdelay $0x4  }
0x24d: {  	v0 =	vshra.s32 v0, $0x10  }
0x24e: {  	[tilespmem:$0x5100] =	vst v0  }
0x24f: {  	v0 =	vld [tilespmem:s10+$0x10];
	_ =	sdelay $0x4  }
0x250: {  	v0 =	vshra.s32 v0, $0x10  }
0x251: {  	[tilespmem:$0x5110] =	vst v0  }
0x252: {  	v0 =	vld [tilespmem:s10+$0x20];
	_ =	sdelay $0x4  }
0x253: {  	v0 =	vshra.s32 v0, $0x10  }
0x254: {  	[tilespmem:$0x5120] =	vst v0  }
0x255: {  	v0 =	vld [tilespmem:s10+$0x30];
	_ =	sdelay $0x4  }
0x256: {  	v0 =	vshra.s32 v0, $0x10  }
0x257: {  	[tilespmem:$0x5130] =	vst v0  }
0x258: {  	[spmem:s3] =	stream.indirect.scatter.add.f32 [tilespmem:s20], [sflag:$0x5], $0x40, s29, s18, $0xb8;
	[tilespmem:$0x1CBC0] =	vst v63  }
0x259: {  	_ =	swait.ge [sflag:s13], $0x1000  }
0x25a: {  	[sflag:s13] =	ssyncset.done $0x0  }
0x25b: {  	[sflag:s13] =	ssyncadd.s32 $0xFFFFF000  }
0x25c: {  	v0 =	vld [tilespmem:s10+$0x100];
	_ =	sdelay $0x4  }
0x25d: {  	v0 =	vand.u32 $0xFFFF, v0  }
0x25e: {  	[tilespmem:$0x5000] =	vst v0  }
0x25f: {  	v0 =	vld [tilespmem:s10+$0x110];
	_ =	sdelay $0x4  }
0x260: {  	v0 =	vand.u32 $0xFFFF, v0  }
0x261: {  	[tilespmem:$0x5010] =	vst v0  }
0x262: {  	v0 =	vld [tilespmem:s10+$0x120];
	_ =	sdelay $0x4  }
0x263: {  	v0 =	vand.u32 $0xFFFF, v0  }
0x264: {  	[tilespmem:$0x5020] =	vst v0  }
0x265: {  	v0 =	vld [tilespmem:s10+$0x130];
	_ =	sdelay $0x4  }
0x266: {  	v0 =	vand.u32 $0xFFFF, v0  }
0x267: {  	[tilespmem:$0x5030] =	vst v0  }
0x268: {  	[tilespmem:s20], [sflag:$0x1] =	stream.indirect.gather [spmem:s1], $0x40, s19, s18, $0xb8;
	[tilespmem:$0x1CBC0] =	vst v63  }
0x269: {  	_ =	swait.ge [sflag:s30], $0x1000  }
0x26a: {  	[sflag:s30] =	ssyncset.done $0x0  }
0x26b: {  	[sflag:s30] =	ssyncadd.s32 $0xFFFFF000  }
0x26c: {  	v0 =	vld [tilespmem:s10+$0x40];
	_ =	sdelay $0x4  }
0x26d: {  	v0 =	vshra.s32 v0, $0x10  }
0x26e: {  	[tilespmem:$0x5100] =	vst v0  }
0x26f: {  	v0 =	vld [tilespmem:s10+$0x50];
	_ =	sdelay $0x4  }
0x270: {  	v0 =	vshra.s32 v0, $0x10  }
0x271: {  	[tilespmem:$0x5110] =	vst v0  }
0x272: {  	v0 =	vld [tilespmem:s10+$0x60];
	_ =	sdelay $0x4  }
0x273: {  	v0 =	vshra.s32 v0, $0x10  }
0x274: {  	[tilespmem:$0x5120] =	vst v0  }
0x275: {  	v0 =	vld [tilespmem:s10+$0x70];
	_ =	sdelay $0x4  }
0x276: {  	v0 =	vshra.s32 v0, $0x10  }
0x277: {  	[tilespmem:$0x5130] =	vst v0  }
0x278: {  	[spmem:s3] =	stream.indirect.scatter.add.f32 [tilespmem:s22], [sflag:$0x5], $0x40, s29, s18, $0xb8;
	[tilespmem:$0x1CBC0] =	vst v63  }
0x279: {  	_ =	swait.ge [sflag:s13], $0x1000  }
0x27a: {  	[sflag:s13] =	ssyncset.done $0x0  }
0x27b: {  	[sflag:s13] =	ssyncadd.s32 $0xFFFFF000  }
0x27c: {  	v0 =	vld [tilespmem:s10+$0x140];
	_ =	sdelay $0x4  }
0x27d: {  	v0 =	vand.u32 $0xFFFF, v0  }
0x27e: {  	[tilespmem:$0x5040] =	vst v0  }
0x27f: {  	v0 =	vld [tilespmem:s10+$0x150];
	_ =	sdelay $0x4  }
0x280: {  	v0 =	vand.u32 $0xFFFF, v0  }
0x281: {  	[tilespmem:$0x5050] =	vst v0  }
0x282: {  	v0 =	vld [tilespmem:s10+$0x160];
	_ =	sdelay $0x4  }
0x283: {  	v0 =	vand.u32 $0xFFFF, v0  }
0x284: {  	[tilespmem:$0x5060] =	vst v0  }
0x285: {  	v0 =	vld [tilespmem:s10+$0x170];
	_ =	sdelay $0x4  }
0x286: {  	v0 =	vand.u32 $0xFFFF, v0  }
0x287: {  	[tilespmem:$0x5070] =	vst v0  }
0x288: {  	[tilespmem:s22], [sflag:$0x2] =	stream.indirect.gather [spmem:s1], $0x40, s21, s18, $0xb8;
	[tilespmem:$0x1CBC0] =	vst v63  }
0x289: {  	_ =	swait.ge [sflag:s31], $0x1000  }
0x28a: {  	[sflag:s31] =	ssyncset.done $0x0  }
0x28b: {  	[sflag:s31] =	ssyncadd.s32 $0xFFFFF000  }
0x28c: {  	v0 =	vld [tilespmem:s10+$0x80];
	_ =	sdelay $0x4  }
0x28d: {  	v0 =	vshra.s32 v0, $0x10  }
0x28e: {  	[tilespmem:$0x5100] =	vst v0  }
0x28f: {  	v0 =	vld [tilespmem:s10+$0x90];
	_ =	sdelay $0x4  }
0x290: {  	v0 =	vshra.s32 v0, $0x10  }
0x291: {  	[tilespmem:$0x5110] =	vst v0  }
0x292: {  	v0 =	vld [tilespmem:s10+$0xA0];
	_ =	sdelay $0x4  }
0x293: {  	v0 =	vshra.s32 v0, $0x10  }
0x294: {  	[tilespmem:$0x5120] =	vst v0  }
0x295: {  	v0 =	vld [tilespmem:s10+$0xB0];
	_ =	sdelay $0x4  }
0x296: {  	v0 =	vshra.s32 v0, $0x10  }
0x297: {  	[tilespmem:$0x5130] =	vst v0  }
0x298: {  	[spmem:s3] =	stream.indirect.scatter.add.f32 [tilespmem:s24], [sflag:$0x5], $0x40, s29, s18, $0xb8;
	[tilespmem:$0x1CBC0] =	vst v63  }
0x299: {  	_ =	swait.ge [sflag:s13], $0x1000  }
0x29a: {  	[sflag:s13] =	ssyncset.done $0x0  }
0x29b: {  	[sflag:s13] =	ssyncadd.s32 $0xFFFFF000  }
0x29c: {  	v0 =	vld [tilespmem:s10+$0x180];
	_ =	sdelay $0x4  }
0x29d: {  	v0 =	vand.u32 $0xFFFF, v0  }
0x29e: {  	[tilespmem:$0x5080] =	vst v0  }
0x29f: {  	v0 =	vld [tilespmem:s10+$0x190];
	_ =	sdelay $0x4  }
0x2a0: {  	v0 =	vand.u32 $0xFFFF, v0  }
0x2a1: {  	[tilespmem:$0x5090] =	vst v0  }
0x2a2: {  	v0 =	vld [tilespmem:s10+$0x1A0];
	_ =	sdelay $0x4  }
0x2a3: {  	v0 =	vand.u32 $0xFFFF, v0  }
0x2a4: {  	[tilespmem:$0x50A0] =	vst v0  }
0x2a5: {  	v0 =	vld [tilespmem:s10+$0x1B0];
	_ =	sdelay $0x4  }
0x2a6: {  	v0 =	vand.u32 $0xFFFF, v0  }
0x2a7: {  	[tilespmem:$0x50B0] =	vst v0  }
0x2a8: {  	[tilespmem:s24], [sflag:$0x3] =	stream.indirect.gather [spmem:s1], $0x40, s23, s18, $0xb8;
	[tilespmem:$0x1CBC0] =	vst v63  }
0x2a9: {  	_ =	swait.ge [sflag:s0], $0x1000  }
0x2aa: {  	[sflag:s0] =	ssyncset.done $0x0  }
0x2ab: {  	[sflag:s0] =	ssyncadd.s32 $0xFFFFF000  }
0x2ac: {  	v0 =	vld [tilespmem:s10+$0xC0];
	_ =	sdelay $0x4  }
0x2ad: {  	v0 =	vshra.s32 v0, $0x10  }
0x2ae: {  	[tilespmem:$0x5100] =	vst v0  }
0x2af: {  	v0 =	vld [tilespmem:s10+$0xD0];
	_ =	sdelay $0x4  }
0x2b0: {  	v0 =	vshra.s32 v0, $0x10  }
0x2b1: {  	[tilespmem:$0x5110] =	vst v0  }
0x2b2: {  	v0 =	vld [tilespmem:s10+$0xE0];
	_ =	sdelay $0x4  }
0x2b3: {  	v0 =	vshra.s32 v0, $0x10  }
0x2b4: {  	[tilespmem:$0x5120] =	vst v0  }
0x2b5: {  	v0 =	vld [tilespmem:s10+$0xF0];
	_ =	sdelay $0x4  }
0x2b6: {  	v0 =	vshra.s32 v0, $0x10  }
0x2b7: {  	[tilespmem:$0x5130] =	vst v0  }
0x2b8: {  	[spmem:s3] =	stream.indirect.scatter.add.f32 [tilespmem:s26], [sflag:$0x5], $0x40, s29, s18, $0xb8;
	[tilespmem:$0x1CBC0] =	vst v63  }
0x2b9: {  	_ =	swait.ge [sflag:s13], $0x1000  }
0x2ba: {  	[sflag:s13] =	ssyncset.done $0x0  }
0x2bb: {  	[sflag:s13] =	ssyncadd.s32 $0xFFFFF000  }
0x2bc: {  	v0 =	vld [tilespmem:s10+$0x1C0];
	_ =	sdelay $0x4  }
0x2bd: {  	v0 =	vand.u32 $0xFFFF, v0  }
0x2be: {  	[tilespmem:$0x50C0] =	vst v0  }
0x2bf: {  	v0 =	vld [tilespmem:s10+$0x1D0];
	_ =	sdelay $0x4  }
0x2c0: {  	v0 =	vand.u32 $0xFFFF, v0  }
0x2c1: {  	[tilespmem:$0x50D0] =	vst v0  }
0x2c2: {  	v0 =	vld [tilespmem:s10+$0x1E0];
	_ =	sdelay $0x4  }
0x2c3: {  	v0 =	vand.u32 $0xFFFF, v0  }
0x2c4: {  	[tilespmem:$0x50E0] =	vst v0  }
0x2c5: {  	v0 =	vld [tilespmem:s10+$0x1F0];
	_ =	sdelay $0x1  }
.Ltmp5:
0x2c6: {  	(pc) =	sbr.rel @p1 .LBB2_3-.Ltmp5, $3  }
0x2c7: {  	_ =	sdelay $0x1  }
0x2c8: {  	v0 =	vand.u32 $0xFFFF, v0  }
0x2c9: {  	[tilespmem:$0x50F0] =	vst v0  }
0x2ca: {  	[tilespmem:s26], [sflag:$0x4] =	stream.indirect.gather [spmem:s1], $0x40, s25, s18, $0xb8;
	[tilespmem:$0x1CBC0] =	vst v63  }
0x2cb: {  	_ =	swait.ge [sflag:s28], $0x1000  }
0x2cc: {  	[sflag:s28] =	ssyncset.done $0x0  }
0x2cd: {  	[sflag:s28] =	ssyncadd.s32 $0xFFFFF000  }
0x2ce: {  	v0 =	vld [tilespmem:$0x4F00]  }
0x2cf: {  	v1 =	vld [tilespmem:$0x4F10]  }
0x2d0: {  	v2 =	vld [tilespmem:$0x4F20]  }
0x2d1: {  	v3 =	vld [tilespmem:$0x4F30];
	_ =	sdelay $0x1  }
0x2d2: {  	v0 =	vshra.s32 v0, $0x10  }
0x2d3: {  	v47 =	vshra.s32 v1, $0x10;
	[tilespmem:$0x5100] =	vst v0  }
0x2d4: {  	v48 =	vshra.s32 v2, $0x10;
	[tilespmem:$0x5110] =	vst v47  }
0x2d5: {  	v49 =	vshra.s32 v3, $0x10;
	[tilespmem:$0x5120] =	vst v48  }
0x2d6: {  	[tilespmem:$0x5130] =	vst v49  }
0x2d7: {  	[spmem:s3] =	stream.indirect.scatter.add.f32 [tilespmem:s20], [sflag:$0x5], $0x40, s29, s18, $0xb8;
	[tilespmem:$0x1CBC0] =	vst v63  }
0x2d8: {  	_ =	swait.ge [sflag:s13], $0x1000  }
0x2d9: {  	[sflag:s13] =	ssyncset.done $0x0  }
0x2da: {  	[sflag:s13] =	ssyncadd.s32 $0xFFFFF000  }
0x2db: {  	_ =	swait.ge [sflag:s30], $0x1000  }
0x2dc: {  	[sflag:s30] =	ssyncset.done $0x0  }
0x2dd: {  	[sflag:s30] =	ssyncadd.s32 $0xFFFFF000  }
0x2de: {  	v50 =	vld [tilespmem:$0x4F40]  }
0x2df: {  	v51 =	vld [tilespmem:$0x4F50]  }
0x2e0: {  	v52 =	vld [tilespmem:$0x4F60]  }
0x2e1: {  	v53 =	vld [tilespmem:$0x4F70];
	_ =	sdelay $0x1  }
0x2e2: {  	v0 =	vshra.s32 v50, $0x10  }
0x2e3: {  	v54 =	vshra.s32 v51, $0x10;
	[tilespmem:$0x5100] =	vst v0  }
0x2e4: {  	v55 =	vshra.s32 v52, $0x10;
	[tilespmem:$0x5110] =	vst v54  }
0x2e5: {  	v56 =	vshra.s32 v53, $0x10;
	[tilespmem:$0x5120] =	vst v55  }
0x2e6: {  	[tilespmem:$0x5130] =	vst v56  }
0x2e7: {  	[spmem:s3] =	stream.indirect.scatter.add.f32 [tilespmem:s22], [sflag:$0x5], $0x40, s29, s18, $0xb8;
	[tilespmem:$0x1CBC0] =	vst v63  }
0x2e8: {  	_ =	swait.ge [sflag:s13], $0x1000  }
0x2e9: {  	[sflag:s13] =	ssyncset.done $0x0  }
0x2ea: {  	[sflag:s13] =	ssyncadd.s32 $0xFFFFF000  }
0x2eb: {  	_ =	swait.ge [sflag:s31], $0x1000  }
0x2ec: {  	[sflag:s31] =	ssyncset.done $0x0  }
0x2ed: {  	[sflag:s31] =	ssyncadd.s32 $0xFFFFF000  }
0x2ee: {  	v57 =	vld [tilespmem:$0x4F80]  }
0x2ef: {  	v58 =	vld [tilespmem:$0x4F90]  }
0x2f0: {  	v59 =	vld [tilespmem:$0x4FA0]  }
0x2f1: {  	v60 =	vld [tilespmem:$0x4FB0];
	_ =	sdelay $0x1  }
0x2f2: {  	v0 =	vshra.s32 v57, $0x10  }
0x2f3: {  	v61 =	vshra.s32 v58, $0x10;
	[tilespmem:$0x5100] =	vst v0  }
0x2f4: {  	v62 =	vshra.s32 v59, $0x10;
	[tilespmem:$0x5110] =	vst v61  }
0x2f5: {  	v63 =	vshra.s32 v60, $0x10;
	[tilespmem:$0x5120] =	vst v62  }
0x2f6: {  	[tilespmem:$0x5130] =	vst v63  }
0x2f7: {  	[spmem:s3] =	stream.indirect.scatter.add.f32 [tilespmem:s24], [sflag:$0x5], $0x40, s29, s18, $0xb8;
	[tilespmem:$0x1CBC0] =	vst v63  }
0x2f8: {  	_ =	swait.ge [sflag:s13], $0x1000  }
.Ltmp6:
0x2f9: {  	[sflag:s13] =	ssyncset.done $0x0;
	(pc) =	sbr.rel .LBB2_8-.Ltmp6, $4  }
0x2fa: {  	[sflag:s13] =	ssyncadd.s32 $0xFFFFF000  }
0x2fb: {  	_ =	swait.ge [sflag:s0], $0x1000  }
0x2fc: {  	[sflag:s0] =	ssyncset.done $0x0  }
0x2fd: {  	s9 =	smov.u32 s8;
	[sflag:s0] =	ssyncadd.s32 $0xFFFFF000  }
.LBB2_9:
0x2fe: {  	_ =	sfence.sel $0x180000  }
0x2ff: {  	[bflag:$0x0] =	sbarrier.arrive $0xFFFF  }
0x300: {  	_ =	strace $0x9000004A  }
0x301: {  	s0 =	stileid.u32;
	[bflag:$0x2] =	sbarrier.arrive $0xFFFF  }
0x302: {  	p0 =	sne.s32 s0, $0x0;
	s0 =	rddreg [dreg:$0x3]  }
0x303: {  	s0 =	sadd.s32 @!p0 $0x100000, s0  }
0x304: {  	[sflag:s0] =	ssyncadd.tile.s32 @!p0 $0x1;
	_ =	shalt  }
.Lfunc_end2:
_tile_overlayer_lowered:
.L_overlay_start_2:
0x305: {  	(tag) =	ssettag $0x2  }
0x306: {  	s0 =	rddreg [dreg:$0x0];
	s2 =	stileid.u32  }
0x307: {  	s1 =	rddreg [dreg:$0x1];
	p0 =	sne.s32 s2, $0x0  }
0x308: {  	s3 =	rddreg [dreg:$0x2];
	[bflag:$0x3] =	sbarrier.arrive $0xFFFF;
	s2 =	simm.s32 @!p0 $0x1C05  }
0x309: {  	[timem:s3], [sflag:s2] =	dma.local @!p0 [hbm:s0], s1  }
0x30a: {  	s0 =	simm.s32 @!p0 $0x5  }
0x30b: {  	_ =	swait.ge @!p0 [sflag:s0], s1  }
0x30c: {  	s1 =	ssub.s32 @!p0 $0x0, s1;
	[sflag:s0] =	ssyncset.done @!p0 $0x0  }
0x30d: {  	[sflag:s0] =	ssyncadd.s32 @!p0 s1  }
0x30e: {  	[bflag:$0x3] =	sbarrier.arrive $0xFFFF  }
0x30f: {  	_ =	shalt  }

// kernel: kernel.15.cloned.1.call-start
scs
__scs_entry_jumppad:
0x0: {  	(pc) =	sbr.rel $0x88, $3  }
0x1: {  	(tag) =	ssettag $0x0;
	lr =	simm.s32 $0x1  }
0x2: {  	[smem:$0x3F9B] =	sst lr;
	_ =	strace $0xD0000000  }
0x3: {  	_ = 	snop  }
0x4: {  	_ = 	snop  }
0x5: {  	_ = 	snop  }
0x6: {  	_ = 	snop  }
0x7: {  	_ = 	snop  }
__scs_overlays_trampoline_lowered:
0x8: {  	[smem:$0x3FAA] =	sst s0  }
0x9: {  	[smem:$0x3FAB] =	sst s1  }
0xa: {  	[smem:$0x3FAC] =	sst s2  }
0xb: {  	[smem:$0x3FAD] =	sst s3  }
0xc: {  	[smem:$0x3FAE] =	sst s4  }
0xd: {  	[smem:$0x3FAF] =	sst s5  }
0xe: {  	[smem:$0x3FB0] =	sst s6  }
0xf: {  	[smem:$0x3FB1] =	sst s7  }
0x10: {  	[smem:$0x3FB2] =	sst s8  }
0x11: {  	[smem:$0x3FB3] =	sst s9;
	s0 =	simm.s32 @!p0 $0x0  }
0x12: {  	s1 =	sld [smem:$0x3F99];
	s0 =	simm.s32 @p0 $0x1  }
0x13: {  	[smem:$0x3FB4] =	sst s0;
	s0 =	simm.s32 @!p1 $0x0  }
0x14: {  	s2 =	sld [smem:$0x3F98];
	s0 =	simm.s32 @p1 $0x1  }
0x15: {  	[smem:$0x3FB5] =	sst s0;
	s0 =	simm.s32 @!p2 $0x0  }
0x16: {  	s3 =	sld [smem:$0x3FDB];
	s0 =	simm.s32 @p2 $0x1  }
0x17: {  	s4 =	simm.s32 $0x1BF5;
	[smem:$0x3FB7] =	sst s0  }
0x18: {  	s0 =	sld [smem:$0x3F9A];
	_ =	swait.ge [sflag:s4], $0x0  }
0x19: {  	s7 =	sld [smem:$0x3F9B]  }
0x1a: {  	s8 =	sadd.s32 $0xFFFFE003, lr  }
0x1b: {  	s9 =	sadd.s32 $0xFFFFFEF7, lr;
	s5 =	simm.s32 $0xFFFFFFFF;
	p2 =	slt.u32 s8, $0xFFFFF086  }
0x1c: {  	p1 =	slt.u32 s9, $0xF7A;
	s5 =	simm.s32 @!p2 $0x0  }
0x1d: {  	s5 =	simm.s32 @p1 $0x1;
	p0 =	seq.s32 s7, s2  }
0x1e: {  	s7 =	smul.u32 @!p0 $0xF7A, s2;
	p2 =	seq.s32 @!p0 s5, $0x0  }
0x1f: {  	s9 =	smul.u32 $0xF7A, s1;
	s8 =	simm.s32 @!p0 $0x1BF5;
	p2 =	por !p2, p0  }
0x20: {  	[sflag:s8] =	ssyncset.s32 @!p0 $0xFFFFF086;
	s6 =	sadd.s32 @!p0 s3, s7;
	s7 =	simm.s32 @!p0 $0x108  }
0x21: {  	s3 =	sadd.s32 s3, s9;
	s6 =	sadd.s32 @!p0 $0x88, s6;
	s7 =	simm.s32 @p2 $0x1082  }
0x22: {  	[simem:s7], [sflag:s8] =	dma.local @!p0 [hbm:s6], $0xF7A  }
0x23: {  	s9 =	sor.u32 $0xD0000000, s2;
	s6 =	simm.s32 $0x108;
	_ =	swait.ge @!p0 [sflag:s8], $0x0  }
0x24: {  	s3 =	sadd.s32 $0x88, s3;
	s6 =	simm.s32 @!p1 $0x1082;
	[sflag:s4] =	ssyncset.s32 $0xFFFFF086  }
0x25: {  	[simem:s6], [sflag:s4] =	dma.local [hbm:s3], $0xF7A  }
0x26: {  	[smem:$0x3F9B] =	sst s1;
	(tag) =	ssettag s2;
	_ =	strace s9  }
0x27: {  	s1 =	sld [smem:$0x3FAB]  }
0x28: {  	s2 =	sld [smem:$0x3FAC]  }
0x29: {  	s4 =	sld [smem:$0x3FAE]  }
0x2a: {  	p0 =	seq.s32 s5, $0x0;
	s5 =	sld [smem:$0x3FAF]  }
0x2b: {  	s6 =	sld [smem:$0x3FB0]  }
0x2c: {  	s7 =	sld [smem:$0x3FB1]  }
0x2d: {  	s3 =	simm.s32 $0x108;
	s8 =	sld [smem:$0x3FB2]  }
0x2e: {  	s3 =	simm.s32 @!p0 $0x1082;
	s9 =	sld [smem:$0x3FB3]  }
0x2f: {  	lr =	sadd.s32 s0, s3;
	s0 =	sld [smem:$0x3FAA]  }
0x30: {  	s3 =	sld [smem:$0x3FAD]  }
0x31: {  	[smem:$0x3FB6] =	sst s10  }
0x32: {  	s10 =	sld [smem:$0x3FB4];
	_ =	sdelay $0x3  }
0x33: {  	p0 =	seq.s32 s10, $0x1;
	s10 =	sld [smem:$0x3FB6];
	_ =	sdelay $0x3  }
0x34: {  	[smem:$0x3FB6] =	sst s10  }
0x35: {  	s10 =	sld [smem:$0x3FB5];
	_ =	sdelay $0x3  }
0x36: {  	p1 =	seq.s32 s10, $0x1;
	s10 =	sld [smem:$0x3FB6];
	_ =	sdelay $0x3  }
0x37: {  	[smem:$0x3FB6] =	sst s10  }
0x38: {  	s10 =	sld [smem:$0x3FB7]  }
0x39: {  	_ = 	snop;
	(pc) =	sbr.ind lr, $3  }
0x3a: {  	_ = 	snop  }
0x3b: {  	_ = 	snop  }
0x3c: {  	p2 =	seq.s32 s10, $0x1;
	s10 =	sld [smem:$0x3FB6]  }
0x3d: {  	_ =	shalt  }
0x3e: {  	_ =	shalt  }
0x3f: {  	_ =	shalt  }
0x40: {  	_ =	shalt  }
0x41: {  	_ =	shalt  }
0x42: {  	_ =	shalt  }
0x43: {  	_ =	shalt  }
0x44: {  	_ =	shalt  }
0x45: {  	_ =	shalt  }
0x46: {  	_ =	shalt  }
0x47: {  	_ =	shalt  }
0x48: {  	_ =	shalt  }
0x49: {  	_ =	shalt  }
0x4a: {  	_ =	shalt  }
0x4b: {  	_ =	shalt  }
0x4c: {  	_ =	shalt  }
0x4d: {  	_ =	shalt  }
0x4e: {  	_ =	shalt  }
0x4f: {  	_ =	shalt  }
0x50: {  	_ =	shalt  }
0x51: {  	_ =	shalt  }
0x52: {  	_ =	shalt  }
0x53: {  	_ =	shalt  }
0x54: {  	_ =	shalt  }
0x55: {  	_ =	shalt  }
0x56: {  	_ =	shalt  }
0x57: {  	_ =	shalt  }
0x58: {  	_ =	shalt  }
0x59: {  	_ =	shalt  }
0x5a: {  	_ =	shalt  }
0x5b: {  	_ =	shalt  }
0x5c: {  	_ =	shalt  }
0x5d: {  	_ =	shalt  }
0x5e: {  	_ =	shalt  }
0x5f: {  	_ =	shalt  }
0x60: {  	_ =	shalt  }
0x61: {  	_ =	shalt  }
0x62: {  	_ =	shalt  }
0x63: {  	_ =	shalt  }
0x64: {  	_ =	shalt  }
0x65: {  	_ =	shalt  }
0x66: {  	_ =	shalt  }
0x67: {  	_ =	shalt  }
0x68: {  	_ =	shalt  }
0x69: {  	_ =	shalt  }
0x6a: {  	_ =	shalt  }
0x6b: {  	_ =	shalt  }
0x6c: {  	_ =	shalt  }
0x6d: {  	_ =	shalt  }
0x6e: {  	_ =	shalt  }
0x6f: {  	_ =	shalt  }
0x70: {  	_ =	shalt  }
0x71: {  	_ =	shalt  }
0x72: {  	_ =	shalt  }
0x73: {  	_ =	shalt  }
0x74: {  	_ =	shalt  }
0x75: {  	_ =	shalt  }
0x76: {  	_ =	shalt  }
0x77: {  	_ =	shalt  }
0x78: {  	_ =	shalt  }
0x79: {  	_ =	shalt  }
0x7a: {  	_ =	shalt  }
0x7b: {  	_ =	shalt  }
0x7c: {  	_ =	shalt  }
0x7d: {  	_ =	shalt  }
0x7e: {  	_ =	shalt  }
0x7f: {  	_ =	shalt  }
0x80: {  	_ =	shalt  }
0x81: {  	_ =	shalt  }
0x82: {  	_ =	shalt  }
0x83: {  	_ =	shalt  }
0x84: {  	_ =	shalt  }
0x85: {  	_ =	shalt  }
0x86: {  	_ =	shalt  }
0x87: {  	_ =	shalt  }
.Lfunc_end0:
.L_simem_size_0:
called_computation.2_lowered:
.L_overlay_start_0:
0x88: {  	s2 =	sld [smem:$0x3FD9]  }
0x89: {  	s3 =	sld [smem:$0x3FFE];
	_ =	sdelay $0x1  }
0x8a: {  	s1 =	srdreg.scid  }
0x8b: {  	s0 =	sand.u32 $0x1, s1  }
0x8c: {  	s17 =	sshll.u32 s0, $0xA;
	s2 =	sadd.s32 s3, s2  }
0x8d: {  	s2 =	sadd.s32 s2, s17  }
0x8e: {  	[smem:$0x3FC2] =	sst s2  }
0x8f: {  	_ = 	snop  }
0x90: {  	s2 =	sld [smem:$0x3FD0];
	(tm) =	ssettm $0x1  }
0x91: {  	s18 =	sld [smem:$0x3FFB];
	_ =	sdelay $0x3  }
0x92: {  	_ =	strace s18  }
0x93: {  	s3 =	sld [smem:$0x3FFC];
	_ =	sdelay $0x3  }
0x94: {  	_ =	strace s3  }
0x95: {  	s3 =	sld [smem:$0x3FFD];
	_ =	sdelay $0x3  }
0x96: {  	_ =	strace s3  }
0x97: {  	_ =	strace $0x8FFFFFFF  }
0x98: {  	s19 =	sld [smem:$0x3FDB];
	_ =	sdelay $0x1  }
0x99: {  	s4 =	simm.s32 $_scs_section_size  }
0x9a: {  	s5 =	simm.s32 $_size__tile_overlayer_lowered;
	s6 =	simm.s32 $_tile_overlayer_lowered  }
0x9b: {  	s22 =	simm.s32 $0x1BFF;
	s21 =	sshll.u32 s6, $0x1;
	s3 =	sadd.s32 s4, s19  }
0x9c: {  	s7 =	simm.s32 $0x0;
	s20 =	sshll.u32 s5, $0x1;
	s5 =	sadd.s32 s21, s3  }
0x9d: {  	[timem:s7], [sflag:s22] =	dma.local [hbm:s5], s20  }
0x9e: {  	_ =	swait.ge [sflag:s22], s20  }
0x9f: {  	s4 =	ssub.s32 $0x0, s20;
	[sflag:s22] =	ssyncset.done $0x0  }
0xa0: {  	[sflag:s22] =	ssyncadd.s32 s4;
	_ =	sdelay $0x1  }
0xa1: {  	s23 =	simm.s32 $0x1B8B  }
0xa2: {  	_ =	swait.ge [sflag:s23], $0x1  }
0xa3: {  	[sflag:s23] =	ssyncset.done $0x0  }
0xa4: {  	s25 =	simm.s32 $0x1B8E;
	s24 =	sld [smem:$0x3FFE];
	[sflag:s23] =	ssyncadd.s32 $0xFFFFFFFF  }
0xa5: {  	s26 =	simm.s32 $execute0_lowered;
	[smem:$0x3FD2] =	sst s25  }
0xa6: {  	s5 =	sshll.u32 s26, $0x1;
	_ =	strace $0x8000004C;
	[dreg:$0x1] =	wrdreg $0xFFFFFFFF  }
0xa7: {  	s28 =	simm.s32 $_size_execute0_lowered;
	s3 =	sadd.s32 s3, s5;
	[dreg:$0x0] =	wrdreg $0x0  }
0xa8: {  	s5 =	sshll.u32 s28, $0x1;
	[dreg:$0x2] =	wrdreg s3  }
0xa9: {  	[dreg:$0x3] =	wrdreg s5  }
0xaa: {  	[dreg:$0x4] =	wrdreg $0xC0  }
0xab: {  	_ =	task [dreg:s7], $0x5FFFF  }
0xac: {  	[dreg:$0x1] =	wrdreg $0xFFFFFFFF  }
0xad: {  	[dreg:$0x0] =	wrdreg $0x60  }
0xae: {  	[dreg:$0x2] =	wrdreg s2  }
0xaf: {  	[dreg:$0x3] =	wrdreg s24  }
0xb0: {  	[dreg:$0x4] =	wrdreg $0x113400  }
0xb1: {  	[dreg:$0x5] =	wrdreg $0x75400  }
0xb2: {  	[dreg:$0x6] =	wrdreg $0x9  }
0xb3: {  	_ =	task.clear_ibuf [dreg:s7], $0x7FFFF;
	_ =	strace $0x9000004C  }
0xb4: {  	s29 =	simm.s32 $0x9;
	_ =	strace $0x8000004E  }
0xb5: {  	_ =	swait.ge [sflag:s29], $0x1  }
0xb6: {  	[sflag:s29] =	ssyncadd.s32 $0xFFFFFFFF  }
0xb7: {  	_ =	strace $0x9000004E  }
0xb8: {  	_ =	sfence  }
0xb9: {  	s30 =	sld [smem:$0x0];
	_ =	sdelay $0x2  }
0xba: {  	s31 =	sshll.u32 s1, $0xD;
	s1 =	sshrl.u32 s1, $0x2  }
0xbb: {  	s3 =	sand.u32 $0x4000, s31;
	s1 =	sadd.s32 s1, s30  }
0xbc: {  	s0 =	sor.u32 s3, s0;
	s1 =	sshll.u32 s1, $0x11  }
0xbd: {  	s0 =	sor.u32 s1, s0  }
0xbe: {  	s0 =	sadd.s32 $0x8F2B, s0  }
0xbf: {  	[sflag:s0] =	ssyncadd.remote.s32 $0x1  }
0xc0: {  	_ =	sfence.sel $0xFFFF  }
0xc1: {  	[dreg:$0x0] =	wrdreg $0xFFFFFFFF;
	(pc) =	sbr.abs _section_cstart, $3  }
0xc2: {  	[dreg:$0x1] =	wrdreg $0xFFFFFFFF  }
0xc3: {  	_ =	task.clear_ibuf [dreg:s7], $0x2FFFF;
	_ =	strace $0x9FFFFFFF  }
0xc4: {  	(tm) =	ssettm $0x7FFFFFFF  }
0xc5: {  	_ =	shalt  }
tec
execute0_lowered:
.L_overlay_start_1:
0x0: {  	(tag) =	ssettag $0x1  }
0x1: {  	s0 =	rddreg [dreg:$0x0]  }
0x2: {  	s3 =	rddreg [dreg:$0x1]  }
0x3: {  	s1 =	rddreg [dreg:$0x2]  }
0x4: {  	s2 =	rddreg [dreg:$0x3]  }
0x5: {  	s4 =	simm.s32 $0x0;
	s5 =	srdreg.scid;
	s13 =	stileid.u32  }
0x6: {  	s14 =	simm.s32 $0x5;
	s28 =	simm.s32 $0x1;
	s29 =	simm.s32 $0x3500  }
0x7: {  	s30 =	simm.s32 $0x2;
	s31 =	simm.s32 $0x3;
	s10 =	smul.u32 $0x680, s13  }
0x8: {  	[smem:$0x7FF] =	sst s4;
	s7 =	sand.u32 $0x1, s5;
	s12 =	smul.u32 $0x272, s13  }
0x9: {  	s8 =	sadd.s32 $0xC200, s3;
	s5 =	sadd.s32 $0x1C00, s3;
	s18 =	smul.u32 $0x1C00, s13  }
0xa: {  	s6 =	sadd.s32 $0x16200, s3;
	s22 =	smul.u32 $0x9E00, s13;
	s26 =	sshll.u32 s13, $0x6  }
0xb: {  	_ =	strace $0x8000004D;
	s9 =	ssub.s32 $0x2, s7;
	p0 =	seq.s32 s7, $0x1  }
0xc: {  	[dreg:$0x9] =	wrdreg s26;
	s3 =	sor.u32 $0x1C05, s26;
	s26 =	simm.s32 $0x6540  }
0xd: {  	s11 =	sshrl.u32 s9, $0x1;
	s19 =	sadd.s32 s8, s10;
	s20 =	smin.u32 s12, $0x249E  }
0xe: {  	s23 =	sadd.s32 s22, s2;
	[dreg:$0x6] =	wrdreg s22;
	s25 =	sadd.s32 $0x9E000, s22  }
0xf: {  	s22 =	simm.s32 $0x4540;
	s17 =	ssub.s32 s9, s11;
	[dreg:$0x5] =	wrdreg s19  }
0x10: {  	s21 =	sshll.u32 s20, $0x6;
	s9 =	sshrl.u32 s18, $0x3;
	s7 =	sshll.u32 s20, $0x3  }
0x11: {  	[dreg:$0x8] =	wrdreg s25;
	s18 =	simm.s32 $0x40;
	s19 =	simm.s32 $0x3400  }
.Ltmp0:
0x12: {  	s20 =	simm.s32 $0x3540;
	s25 =	simm.s32 $0x34C0;
	(pc) =	sbr.rel .LBB2_1-.Ltmp0, $4  }
0x13: {  	s10 =	sadd.s32 s21, s1;
	s8 =	sadd.s32 s8, s9;
	s9 =	sadd.s32 s0, s7  }
0x14: {  	s12 =	smax.u32 s17, $0x1;
	s17 =	sshrl.u32 s23, $0x3;
	s21 =	simm.s32 $0x3440  }
0x15: {  	s23 =	simm.s32 $0x3480;
	s0 =	simm.s32 $0x4;
	s24 =	sadd.s32 $0x6800, s8  }
0x16: {  	s16 =	sshrl.u32 s10, $0x3;
	[dreg:$0x7] =	wrdreg s24;
	s24 =	simm.s32 $0x5540  }
.LBB2_7:
0x17: {  	[tilespmem:s26], [sflag:$0x4] =	stream.indirect.gather [spmem:s1], $0x40, s25, s18, $0xb8;
	[tilespmem:$0x1AFC0] =	vst v63  }
0x18: {  	_ =	swait.ge [sflag:s28], $0x1000  }
0x19: {  	[sflag:s28] =	ssyncset.done $0x0  }
0x1a: {  	[sflag:s28] =	ssyncadd.s32 $0xFFFFF000  }
0x1b: {  	v0 =	vld [tilespmem:$0x1B00]  }
0x1c: {  	v1 =	vld [tilespmem:$0x1B10]  }
0x1d: {  	v2 =	vld [tilespmem:$0x1B20]  }
0x1e: {  	v3 =	vld [tilespmem:$0x1B30];
	_ =	sdelay $0x1  }
0x1f: {  	v0 =	vshra.s32 v0, $0x10  }
0x20: {  	v47 =	vshra.s32 v1, $0x10;
	[tilespmem:$0x3500] =	vst v0  }
0x21: {  	v48 =	vshra.s32 v2, $0x10;
	[tilespmem:$0x3510] =	vst v47  }
0x22: {  	v49 =	vshra.s32 v3, $0x10;
	[tilespmem:$0x3520] =	vst v48  }
0x23: {  	[tilespmem:$0x3530] =	vst v49  }
0x24: {  	[spmem:s2] =	stream.indirect.scatter.add.f32 [tilespmem:s20], [sflag:$0x5], $0x40, s29, s18, $0xb8;
	[tilespmem:$0x1AFC0] =	vst v63  }
0x25: {  	_ =	swait.ge [sflag:s14], $0x1000  }
0x26: {  	[sflag:s14] =	ssyncset.done $0x0  }
0x27: {  	[sflag:s14] =	ssyncadd.s32 $0xFFFFF000  }
0x28: {  	_ =	swait.ge [sflag:s30], $0x1000  }
0x29: {  	[sflag:s30] =	ssyncset.done $0x0  }
0x2a: {  	[sflag:s30] =	ssyncadd.s32 $0xFFFFF000  }
0x2b: {  	v50 =	vld [tilespmem:$0x1B40]  }
0x2c: {  	v51 =	vld [tilespmem:$0x1B50]  }
0x2d: {  	v52 =	vld [tilespmem:$0x1B60]  }
0x2e: {  	v53 =	vld [tilespmem:$0x1B70];
	_ =	sdelay $0x1  }
0x2f: {  	v0 =	vshra.s32 v50, $0x10  }
0x30: {  	v54 =	vshra.s32 v51, $0x10;
	[tilespmem:$0x3500] =	vst v0  }
0x31: {  	v55 =	vshra.s32 v52, $0x10;
	[tilespmem:$0x3510] =	vst v54  }
0x32: {  	v56 =	vshra.s32 v53, $0x10;
	[tilespmem:$0x3520] =	vst v55  }
0x33: {  	[tilespmem:$0x3530] =	vst v56  }
0x34: {  	[spmem:s2] =	stream.indirect.scatter.add.f32 [tilespmem:s22], [sflag:$0x5], $0x40, s29, s18, $0xb8;
	[tilespmem:$0x1AFC0] =	vst v63  }
0x35: {  	_ =	swait.ge [sflag:s14], $0x1000  }
0x36: {  	[sflag:s14] =	ssyncset.done $0x0  }
0x37: {  	[sflag:s14] =	ssyncadd.s32 $0xFFFFF000  }
0x38: {  	_ =	swait.ge [sflag:s31], $0x1000  }
0x39: {  	[sflag:s31] =	ssyncset.done $0x0  }
0x3a: {  	[sflag:s31] =	ssyncadd.s32 $0xFFFFF000  }
0x3b: {  	v57 =	vld [tilespmem:$0x1B80]  }
0x3c: {  	v58 =	vld [tilespmem:$0x1B90]  }
0x3d: {  	v59 =	vld [tilespmem:$0x1BA0]  }
0x3e: {  	v60 =	vld [tilespmem:$0x1BB0];
	_ =	sdelay $0x1  }
0x3f: {  	v0 =	vshra.s32 v57, $0x10  }
0x40: {  	v61 =	vshra.s32 v58, $0x10;
	[tilespmem:$0x3500] =	vst v0  }
0x41: {  	v62 =	vshra.s32 v59, $0x10;
	[tilespmem:$0x3510] =	vst v61  }
0x42: {  	v63 =	vshra.s32 v60, $0x10;
	[tilespmem:$0x3520] =	vst v62  }
0x43: {  	[tilespmem:$0x3530] =	vst v63  }
0x44: {  	[spmem:s2] =	stream.indirect.scatter.add.f32 [tilespmem:s24], [sflag:$0x5], $0x40, s29, s18, $0xb8;
	[tilespmem:$0x1AFC0] =	vst v63  }
0x45: {  	_ =	swait.ge [sflag:s14], $0x1000  }
0x46: {  	[sflag:s14] =	ssyncset.done $0x0  }
0x47: {  	[sflag:s14] =	ssyncadd.s32 $0xFFFFF000  }
0x48: {  	s7 =	simm.s32 $0x1BF0;
	s11 =	simm.s32 $0x1BE0;
	_ =	swait.ge [sflag:s0], $0x1000  }
0x49: {  	s13 =	simm.s32 $0x1BD0;
	s8 =	simm.s32 $0x1BC0;
	[sflag:s0] =	ssyncset.done $0x0  }
0x4a: {  	s15 =	smov.u32 s3;
	s10 =	rddreg [dreg:$0x8];
	[sflag:s0] =	ssyncadd.s32 $0xFFFFF000  }
.LBB2_8:
0x4b: {  	v0 =	vld [tilespmem:s8+$0x0];
	_ =	sdelay $0x4  }
0x4c: {  	v0 =	vshra.s32 v0, $0x10  }
0x4d: {  	[tilespmem:$0x3500] =	vst v0  }
0x4e: {  	v0 =	vld [tilespmem:s13+$0x0];
	_ =	sdelay $0x4  }
0x4f: {  	v0 =	vshra.s32 v0, $0x10  }
0x50: {  	[tilespmem:$0x3510] =	vst v0  }
0x51: {  	v0 =	vld [tilespmem:s11+$0x0];
	_ =	sdelay $0x4  }
0x52: {  	v0 =	vshra.s32 v0, $0x10  }
0x53: {  	[tilespmem:$0x3520] =	vst v0  }
0x54: {  	v0 =	vld [tilespmem:s7+$0x0];
	_ =	sdelay $0x4  }
0x55: {  	v0 =	vshra.s32 v0, $0x10  }
0x56: {  	[tilespmem:$0x3530] =	vst v0  }
0x57: {  	[spmem:s2] =	stream.indirect.scatter.add.f32 [tilespmem:s26], [sflag:$0x5], $0x40, s29, s18, $0xb8;
	[tilespmem:$0x1AFC0] =	vst v63  }
0x58: {  	_ =	swait.ge [sflag:s14], $0x1000  }
0x59: {  	s4 =	sadd.s32 $0x1, s4;
	[sflag:s14] =	ssyncset.done $0x0  }
0x5a: {  	p1 =	sne.s32 s4, s12;
	s13 =	sshrl.u32 s10, $0x3;
	[sflag:s14] =	ssyncadd.s32 $0xFFFFF000  }
.Ltmp1:
0x5b: {  	s7 =	sadd.s32 s6, s13;
	[bflag:$0x0] =	sbarrier.arrive $0xFFFF;
	(pc) =	sbr.rel @!p1 .LBB2_9-.Ltmp1, $4  }
0x5c: {  	[hbm:s7], [sflag:s15] =	dma.local [spmem:s17], $0x13C0  }
0x5d: {  	_ =	swait.ge [sflag:s14], $0x13C0  }
0x5e: {  	[sflag:s14] =	ssyncset.done $0x0  }
0x5f: {  	[sflag:s14] =	ssyncadd.s32 $0xFFFFEC40  }
.LBB2_1:
.Ltmp2:
0x60: {  	(pc) =	sbr.rel @!p0 .LBB2_2-.Ltmp2, $2  }
0x61: {  	_ =	sdelay $0x2  }
0x62: {  	s7 =	simm.s32 $0x0  }
0x63: {  	s8 =	rddreg [dreg:$0x7]  }
0x64: {  	[tilespmem:s7], [sflag:$0x5] =	stream.linear.gather [hbm4b:s8+s7], $0x1C00, $0x38;
	[tilespmem:$0x1AFC0] =	vst v63  }
0x65: {  	_ =	swait.ge [sflag:s14], $0x1C00  }
0x66: {  	[sflag:s14] =	ssyncset.done $0x0  }
0x67: {  	[sflag:s14] =	ssyncadd.s32 $0xFFFFE400  }
0x68: {  	[spmem:s16], [sflag:s3] =	dma.local [hbm:s9], $0x1390  }
0x69: {  	_ =	swait.ge [sflag:s14], $0x1390  }
0x6a: {  	[sflag:s14] =	ssyncset.done $0x0  }
0x6b: {  	[sflag:s14] =	ssyncadd.s32 $0xFFFFEC70  }
0x6c: {  	[spmem:s17], [sflag:s3] =	dma.local [hbm:s5], $0x13C0  }
0x6d: {  	_ =	swait.ge [sflag:s14], $0x13C0  }
0x6e: {  	[sflag:s14] =	ssyncset.done $0x0  }
0x6f: {  	[sflag:s14] =	ssyncadd.s32 $0xFFFFEC40  }
0x70: {  	[bflag:$0x0] =	sbarrier.arrive $0xFFFF  }
0x71: {  	v0 =	vld [tilespmem:$0x0]  }
0x72: {  	v1 =	vld [tilespmem:$0x10]  }
0x73: {  	v2 =	vld [tilespmem:$0x20]  }
0x74: {  	v3 =	vld [tilespmem:$0x30];
	_ =	sdelay $0x1  }
0x75: {  	v0 =	vand.u32 $0xFFFF, v0  }
0x76: {  	v32 =	vand.u32 $0xFFFF, v1;
	[tilespmem:$0x3400] =	vst v0  }
0x77: {  	v33 =	vand.u32 $0xFFFF, v2;
	[tilespmem:$0x3410] =	vst v32  }
0x78: {  	v34 =	vand.u32 $0xFFFF, v3;
	[tilespmem:$0x3420] =	vst v33  }
0x79: {  	[tilespmem:$0x3430] =	vst v34  }
0x7a: {  	[tilespmem:s20], [sflag:$0x1] =	stream.indirect.gather [spmem:s1], $0x40, s19, s18, $0xb8;
	[tilespmem:$0x1AFC0] =	vst v63  }
0x7b: {  	v35 =	vld [tilespmem:$0x40]  }
0x7c: {  	v36 =	vld [tilespmem:$0x50]  }
0x7d: {  	v37 =	vld [tilespmem:$0x60]  }
0x7e: {  	v38 =	vld [tilespmem:$0x70];
	_ =	sdelay $0x1  }
0x7f: {  	v0 =	vand.u32 $0xFFFF, v35  }
0x80: {  	v39 =	vand.u32 $0xFFFF, v36;
	[tilespmem:$0x3440] =	vst v0  }
0x81: {  	v40 =	vand.u32 $0xFFFF, v37;
	[tilespmem:$0x3450] =	vst v39  }
0x82: {  	v41 =	vand.u32 $0xFFFF, v38;
	[tilespmem:$0x3460] =	vst v40  }
0x83: {  	[tilespmem:$0x3470] =	vst v41  }
0x84: {  	[tilespmem:s22], [sflag:$0x2] =	stream.indirect.gather [spmem:s1], $0x40, s21, s18, $0xb8;
	[tilespmem:$0x1AFC0] =	vst v63  }
0x85: {  	v42 =	vld [tilespmem:$0x80]  }
0x86: {  	v43 =	vld [tilespmem:$0x90]  }
0x87: {  	v44 =	vld [tilespmem:$0xA0]  }
0x88: {  	v45 =	vld [tilespmem:$0xB0];
	_ =	sdelay $0x1  }
0x89: {  	v0 =	vand.u32 $0xFFFF, v42  }
0x8a: {  	v46 =	vand.u32 $0xFFFF, v43;
	[tilespmem:$0x3480] =	vst v0  }
0x8b: {  	v47 =	vand.u32 $0xFFFF, v44;
	[tilespmem:$0x3490] =	vst v46  }
0x8c: {  	v48 =	vand.u32 $0xFFFF, v45;
	[tilespmem:$0x34A0] =	vst v47  }
0x8d: {  	[tilespmem:$0x34B0] =	vst v48  }
0x8e: {  	[tilespmem:s24], [sflag:$0x3] =	stream.indirect.gather [spmem:s1], $0x40, s23, s18, $0xb8;
	[tilespmem:$0x1AFC0] =	vst v63  }
0x8f: {  	v49 =	vld [tilespmem:$0xC0]  }
0x90: {  	v50 =	vld [tilespmem:$0xD0]  }
0x91: {  	v51 =	vld [tilespmem:$0xE0]  }
0x92: {  	v52 =	vld [tilespmem:$0xF0];
	_ =	sdelay $0x1  }
0x93: {  	v0 =	vand.u32 $0xFFFF, v49  }
0x94: {  	v53 =	vand.u32 $0xFFFF, v50;
	[tilespmem:$0x34C0] =	vst v0  }
0x95: {  	v54 =	vand.u32 $0xFFFF, v51;
	[tilespmem:$0x34D0] =	vst v53  }
0x96: {  	v55 =	vand.u32 $0xFFFF, v52;
	[tilespmem:$0x34E0] =	vst v54  }
0x97: {  	[tilespmem:$0x34F0] =	vst v55  }
0x98: {  	[tilespmem:s26], [sflag:$0x4] =	stream.indirect.gather [spmem:s1], $0x40, s25, s18, $0xb8;
	[tilespmem:$0x1AFC0] =	vst v63  }
0x99: {  	_ =	swait.ge [sflag:s28], $0x1000  }
0x9a: {  	[sflag:s28] =	ssyncset.done $0x0  }
0x9b: {  	s15 =	simm.s32 $0x0;
	[sflag:s28] =	ssyncadd.s32 $0xFFFFF000  }
0x9c: {  	v56 =	vld [tilespmem:s15+$0x0];
	_ =	sdelay $0x4  }
0x9d: {  	v0 =	vshra.s32 v56, $0x10  }
0x9e: {  	[tilespmem:$0x3500] =	vst v0  }
0x9f: {  	v0 =	vld [tilespmem:s15+$0x10];
	_ =	sdelay $0x4  }
0xa0: {  	v0 =	vshra.s32 v0, $0x10  }
0xa1: {  	[tilespmem:$0x3510] =	vst v0  }
0xa2: {  	v0 =	vld [tilespmem:s15+$0x20];
	_ =	sdelay $0x4  }
0xa3: {  	v0 =	vshra.s32 v0, $0x10  }
0xa4: {  	[tilespmem:$0x3520] =	vst v0  }
0xa5: {  	v0 =	vld [tilespmem:s15+$0x30];
	_ =	sdelay $0x4  }
0xa6: {  	v0 =	vshra.s32 v0, $0x10  }
0xa7: {  	[tilespmem:$0x3530] =	vst v0  }
0xa8: {  	[spmem:s2] =	stream.indirect.scatter.add.f32 [tilespmem:s20], [sflag:$0x5], $0x40, s29, s18, $0xb8;
	[tilespmem:$0x1AFC0] =	vst v63  }
0xa9: {  	_ =	swait.ge [sflag:s14], $0x1000  }
0xaa: {  	[sflag:s14] =	ssyncset.done $0x0  }
0xab: {  	[sflag:s14] =	ssyncadd.s32 $0xFFFFF000  }
0xac: {  	v57 =	vld [tilespmem:s15+$0x100];
	_ =	sdelay $0x4  }
0xad: {  	v0 =	vand.u32 $0xFFFF, v57  }
0xae: {  	[tilespmem:$0x3400] =	vst v0  }
0xaf: {  	v0 =	vld [tilespmem:s15+$0x110];
	_ =	sdelay $0x4  }
0xb0: {  	v0 =	vand.u32 $0xFFFF, v0  }
0xb1: {  	[tilespmem:$0x3410] =	vst v0  }
0xb2: {  	v0 =	vld [tilespmem:s15+$0x120];
	_ =	sdelay $0x4  }
0xb3: {  	v0 =	vand.u32 $0xFFFF, v0  }
0xb4: {  	[tilespmem:$0x3420] =	vst v0  }
0xb5: {  	v0 =	vld [tilespmem:s15+$0x130];
	_ =	sdelay $0x4  }
0xb6: {  	v0 =	vand.u32 $0xFFFF, v0  }
0xb7: {  	[tilespmem:$0x3430] =	vst v0  }
0xb8: {  	[tilespmem:s20], [sflag:$0x1] =	stream.indirect.gather [spmem:s1], $0x40, s19, s18, $0xb8;
	[tilespmem:$0x1AFC0] =	vst v63  }
0xb9: {  	_ =	swait.ge [sflag:s30], $0x1000  }
0xba: {  	[sflag:s30] =	ssyncset.done $0x0  }
0xbb: {  	[sflag:s30] =	ssyncadd.s32 $0xFFFFF000  }
0xbc: {  	v58 =	vld [tilespmem:s15+$0x40];
	_ =	sdelay $0x4  }
0xbd: {  	v0 =	vshra.s32 v58, $0x10  }
0xbe: {  	[tilespmem:$0x3500] =	vst v0  }
0xbf: {  	v0 =	vld [tilespmem:s15+$0x50];
	_ =	sdelay $0x4  }
0xc0: {  	v0 =	vshra.s32 v0, $0x10  }
0xc1: {  	[tilespmem:$0x3510] =	vst v0  }
0xc2: {  	v0 =	vld [tilespmem:s15+$0x60];
	_ =	sdelay $0x4  }
0xc3: {  	v0 =	vshra.s32 v0, $0x10  }
0xc4: {  	[tilespmem:$0x3520] =	vst v0  }
0xc5: {  	v0 =	vld [tilespmem:s15+$0x70];
	_ =	sdelay $0x4  }
0xc6: {  	v0 =	vshra.s32 v0, $0x10  }
0xc7: {  	[tilespmem:$0x3530] =	vst v0  }
0xc8: {  	[spmem:s2] =	stream.indirect.scatter.add.f32 [tilespmem:s22], [sflag:$0x5], $0x40, s29, s18, $0xb8;
	[tilespmem:$0x1AFC0] =	vst v63  }
0xc9: {  	_ =	swait.ge [sflag:s14], $0x1000  }
0xca: {  	[sflag:s14] =	ssyncset.done $0x0  }
0xcb: {  	[sflag:s14] =	ssyncadd.s32 $0xFFFFF000  }
0xcc: {  	v59 =	vld [tilespmem:s15+$0x140];
	_ =	sdelay $0x4  }
0xcd: {  	v0 =	vand.u32 $0xFFFF, v59  }
0xce: {  	[tilespmem:$0x3440] =	vst v0  }
0xcf: {  	v0 =	vld [tilespmem:s15+$0x150];
	_ =	sdelay $0x4  }
0xd0: {  	v0 =	vand.u32 $0xFFFF, v0  }
0xd1: {  	[tilespmem:$0x3450] =	vst v0  }
0xd2: {  	v0 =	vld [tilespmem:s15+$0x160];
	_ =	sdelay $0x4  }
0xd3: {  	v0 =	vand.u32 $0xFFFF, v0  }
0xd4: {  	[tilespmem:$0x3460] =	vst v0  }
0xd5: {  	v0 =	vld [tilespmem:s15+$0x170];
	_ =	sdelay $0x4  }
0xd6: {  	v0 =	vand.u32 $0xFFFF, v0  }
0xd7: {  	[tilespmem:$0x3470] =	vst v0  }
0xd8: {  	[tilespmem:s22], [sflag:$0x2] =	stream.indirect.gather [spmem:s1], $0x40, s21, s18, $0xb8;
	[tilespmem:$0x1AFC0] =	vst v63  }
0xd9: {  	_ =	swait.ge [sflag:s31], $0x1000  }
0xda: {  	[sflag:s31] =	ssyncset.done $0x0  }
0xdb: {  	[sflag:s31] =	ssyncadd.s32 $0xFFFFF000  }
0xdc: {  	v60 =	vld [tilespmem:s15+$0x80];
	_ =	sdelay $0x4  }
0xdd: {  	v0 =	vshra.s32 v60, $0x10  }
0xde: {  	[tilespmem:$0x3500] =	vst v0  }
0xdf: {  	v0 =	vld [tilespmem:s15+$0x90];
	_ =	sdelay $0x4  }
0xe0: {  	v0 =	vshra.s32 v0, $0x10  }
0xe1: {  	[tilespmem:$0x3510] =	vst v0  }
0xe2: {  	v0 =	vld [tilespmem:s15+$0xA0];
	_ =	sdelay $0x4  }
0xe3: {  	v0 =	vshra.s32 v0, $0x10  }
0xe4: {  	[tilespmem:$0x3520] =	vst v0  }
0xe5: {  	v0 =	vld [tilespmem:s15+$0xB0];
	_ =	sdelay $0x4  }
0xe6: {  	v0 =	vshra.s32 v0, $0x10  }
0xe7: {  	[tilespmem:$0x3530] =	vst v0  }
0xe8: {  	[spmem:s2] =	stream.indirect.scatter.add.f32 [tilespmem:s24], [sflag:$0x5], $0x40, s29, s18, $0xb8;
	[tilespmem:$0x1AFC0] =	vst v63  }
0xe9: {  	_ =	swait.ge [sflag:s14], $0x1000  }
0xea: {  	[sflag:s14] =	ssyncset.done $0x0  }
0xeb: {  	[sflag:s14] =	ssyncadd.s32 $0xFFFFF000  }
0xec: {  	v61 =	vld [tilespmem:s15+$0x180];
	_ =	sdelay $0x4  }
0xed: {  	v0 =	vand.u32 $0xFFFF, v61  }
0xee: {  	[tilespmem:$0x3480] =	vst v0  }
0xef: {  	v0 =	vld [tilespmem:s15+$0x190];
	_ =	sdelay $0x4  }
0xf0: {  	v0 =	vand.u32 $0xFFFF, v0  }
0xf1: {  	[tilespmem:$0x3490] =	vst v0  }
0xf2: {  	v0 =	vld [tilespmem:s15+$0x1A0];
	_ =	sdelay $0x4  }
0xf3: {  	v0 =	vand.u32 $0xFFFF, v0  }
0xf4: {  	[tilespmem:$0x34A0] =	vst v0  }
0xf5: {  	v0 =	vld [tilespmem:s15+$0x1B0];
	_ =	sdelay $0x4  }
0xf6: {  	v0 =	vand.u32 $0xFFFF, v0  }
0xf7: {  	[tilespmem:$0x34B0] =	vst v0  }
0xf8: {  	[tilespmem:s24], [sflag:$0x3] =	stream.indirect.gather [spmem:s1], $0x40, s23, s18, $0xb8;
	[tilespmem:$0x1AFC0] =	vst v63  }
0xf9: {  	_ =	swait.ge [sflag:s0], $0x1000  }
0xfa: {  	[sflag:s0] =	ssyncset.done $0x0  }
0xfb: {  	[sflag:s0] =	ssyncadd.s32 $0xFFFFF000  }
0xfc: {  	v62 =	vld [tilespmem:s15+$0xC0];
	_ =	sdelay $0x4  }
0xfd: {  	v0 =	vshra.s32 v62, $0x10  }
0xfe: {  	[tilespmem:$0x3500] =	vst v0  }
0xff: {  	v0 =	vld [tilespmem:s15+$0xD0];
	_ =	sdelay $0x4  }
0x100: {  	v0 =	vshra.s32 v0, $0x10  }
0x101: {  	[tilespmem:$0x3510] =	vst v0  }
0x102: {  	v0 =	vld [tilespmem:s15+$0xE0];
	_ =	sdelay $0x4  }
0x103: {  	v0 =	vshra.s32 v0, $0x10  }
0x104: {  	[tilespmem:$0x3520] =	vst v0  }
0x105: {  	v0 =	vld [tilespmem:s15+$0xF0];
	_ =	sdelay $0x4  }
0x106: {  	v0 =	vshra.s32 v0, $0x10  }
0x107: {  	[tilespmem:$0x3530] =	vst v0  }
0x108: {  	[spmem:s2] =	stream.indirect.scatter.add.f32 [tilespmem:s26], [sflag:$0x5], $0x40, s29, s18, $0xb8;
	[tilespmem:$0x1AFC0] =	vst v63  }
0x109: {  	_ =	swait.ge [sflag:s14], $0x1000  }
0x10a: {  	[sflag:s14] =	ssyncset.done $0x0  }
0x10b: {  	[sflag:s14] =	ssyncadd.s32 $0xFFFFF000  }
0x10c: {  	v63 =	vld [tilespmem:s15+$0x1C0];
	_ =	sdelay $0x4  }
0x10d: {  	v0 =	vand.u32 $0xFFFF, v63  }
0x10e: {  	[tilespmem:$0x34C0] =	vst v0  }
0x10f: {  	v0 =	vld [tilespmem:s15+$0x1D0];
	_ =	sdelay $0x4  }
0x110: {  	v0 =	vand.u32 $0xFFFF, v0  }
0x111: {  	[tilespmem:$0x34D0] =	vst v0  }
0x112: {  	v0 =	vld [tilespmem:s15+$0x1E0];
	_ =	sdelay $0x4  }
0x113: {  	v0 =	vand.u32 $0xFFFF, v0  }
0x114: {  	[tilespmem:$0x34E0] =	vst v0  }
0x115: {  	v0 =	vld [tilespmem:s15+$0x1F0];
	_ =	sdelay $0x4  }
0x116: {  	v0 =	vand.u32 $0xFFFF, v0  }
0x117: {  	s7 =	simm.s32 $0x400;
	[tilespmem:$0x34F0] =	vst v0  }
.LBB2_6:
0x118: {  	[tilespmem:s26], [sflag:$0x4] =	stream.indirect.gather [spmem:s1], $0x40, s25, s18, $0xb8;
	[tilespmem:$0x1AFC0] =	vst v63  }
0x119: {  	s8 =	smov.u32 s7  }
0x11a: {  	p1 =	sne.s32 s7, $0x6800;
	s7 =	sadd.s32 $0x400, s7;
	_ =	swait.ge [sflag:s28], $0x1000  }
0x11b: {  	[sflag:s28] =	ssyncset.done $0x0  }
0x11c: {  	s10 =	sshra.s32 s8, $0x2;
	[sflag:s28] =	ssyncadd.s32 $0xFFFFF000  }
0x11d: {  	v0 =	vld [tilespmem:s10+$0x0];
	_ =	sdelay $0x4  }
0x11e: {  	v0 =	vshra.s32 v0, $0x10  }
0x11f: {  	[tilespmem:$0x3500] =	vst v0  }
0x120: {  	v0 =	vld [tilespmem:s10+$0x10];
	_ =	sdelay $0x4  }
0x121: {  	v0 =	vshra.s32 v0, $0x10  }
0x122: {  	[tilespmem:$0x3510] =	vst v0  }
0x123: {  	v0 =	vld [tilespmem:s10+$0x20];
	_ =	sdelay $0x4  }
0x124: {  	v0 =	vshra.s32 v0, $0x10  }
0x125: {  	[tilespmem:$0x3520] =	vst v0  }
0x126: {  	v0 =	vld [tilespmem:s10+$0x30];
	_ =	sdelay $0x4  }
0x127: {  	v0 =	vshra.s32 v0, $0x10  }
0x128: {  	[tilespmem:$0x3530] =	vst v0  }
0x129: {  	[spmem:s2] =	stream.indirect.scatter.add.f32 [tilespmem:s20], [sflag:$0x5], $0x40, s29, s18, $0xb8;
	[tilespmem:$0x1AFC0] =	vst v63  }
0x12a: {  	_ =	swait.ge [sflag:s14], $0x1000  }
0x12b: {  	[sflag:s14] =	ssyncset.done $0x0  }
0x12c: {  	[sflag:s14] =	ssyncadd.s32 $0xFFFFF000  }
0x12d: {  	v0 =	vld [tilespmem:s10+$0x100];
	_ =	sdelay $0x4  }
0x12e: {  	v0 =	vand.u32 $0xFFFF, v0  }
0x12f: {  	[tilespmem:$0x3400] =	vst v0  }
0x130: {  	v0 =	vld [tilespmem:s10+$0x110];
	_ =	sdelay $0x4  }
0x131: {  	v0 =	vand.u32 $0xFFFF, v0  }
0x132: {  	[tilespmem:$0x3410] =	vst v0  }
0x133: {  	v0 =	vld [tilespmem:s10+$0x120];
	_ =	sdelay $0x4  }
0x134: {  	v0 =	vand.u32 $0xFFFF, v0  }
0x135: {  	[tilespmem:$0x3420] =	vst v0  }
0x136: {  	v0 =	vld [tilespmem:s10+$0x130];
	_ =	sdelay $0x4  }
0x137: {  	v0 =	vand.u32 $0xFFFF, v0  }
0x138: {  	[tilespmem:$0x3430] =	vst v0  }
0x139: {  	[tilespmem:s20], [sflag:$0x1] =	stream.indirect.gather [spmem:s1], $0x40, s19, s18, $0xb8;
	[tilespmem:$0x1AFC0] =	vst v63  }
0x13a: {  	_ =	swait.ge [sflag:s30], $0x1000  }
0x13b: {  	[sflag:s30] =	ssyncset.done $0x0  }
0x13c: {  	[sflag:s30] =	ssyncadd.s32 $0xFFFFF000  }
0x13d: {  	v0 =	vld [tilespmem:s10+$0x40];
	_ =	sdelay $0x4  }
0x13e: {  	v0 =	vshra.s32 v0, $0x10  }
0x13f: {  	[tilespmem:$0x3500] =	vst v0  }
0x140: {  	v0 =	vld [tilespmem:s10+$0x50];
	_ =	sdelay $0x4  }
0x141: {  	v0 =	vshra.s32 v0, $0x10  }
0x142: {  	[tilespmem:$0x3510] =	vst v0  }
0x143: {  	v0 =	vld [tilespmem:s10+$0x60];
	_ =	sdelay $0x4  }
0x144: {  	v0 =	vshra.s32 v0, $0x10  }
0x145: {  	[tilespmem:$0x3520] =	vst v0  }
0x146: {  	v0 =	vld [tilespmem:s10+$0x70];
	_ =	sdelay $0x4  }
0x147: {  	v0 =	vshra.s32 v0, $0x10  }
0x148: {  	[tilespmem:$0x3530] =	vst v0  }
0x149: {  	[spmem:s2] =	stream.indirect.scatter.add.f32 [tilespmem:s22], [sflag:$0x5], $0x40, s29, s18, $0xb8;
	[tilespmem:$0x1AFC0] =	vst v63  }
0x14a: {  	_ =	swait.ge [sflag:s14], $0x1000  }
0x14b: {  	[sflag:s14] =	ssyncset.done $0x0  }
0x14c: {  	[sflag:s14] =	ssyncadd.s32 $0xFFFFF000  }
0x14d: {  	v0 =	vld [tilespmem:s10+$0x140];
	_ =	sdelay $0x4  }
0x14e: {  	v0 =	vand.u32 $0xFFFF, v0  }
0x14f: {  	[tilespmem:$0x3440] =	vst v0  }
0x150: {  	v0 =	vld [tilespmem:s10+$0x150];
	_ =	sdelay $0x4  }
0x151: {  	v0 =	vand.u32 $0xFFFF, v0  }
0x152: {  	[tilespmem:$0x3450] =	vst v0  }
0x153: {  	v0 =	vld [tilespmem:s10+$0x160];
	_ =	sdelay $0x4  }
0x154: {  	v0 =	vand.u32 $0xFFFF, v0  }
0x155: {  	[tilespmem:$0x3460] =	vst v0  }
0x156: {  	v0 =	vld [tilespmem:s10+$0x170];
	_ =	sdelay $0x4  }
0x157: {  	v0 =	vand.u32 $0xFFFF, v0  }
0x158: {  	[tilespmem:$0x3470] =	vst v0  }
0x159: {  	[tilespmem:s22], [sflag:$0x2] =	stream.indirect.gather [spmem:s1], $0x40, s21, s18, $0xb8;
	[tilespmem:$0x1AFC0] =	vst v63  }
0x15a: {  	_ =	swait.ge [sflag:s31], $0x1000  }
0x15b: {  	[sflag:s31] =	ssyncset.done $0x0  }
0x15c: {  	[sflag:s31] =	ssyncadd.s32 $0xFFFFF000  }
0x15d: {  	v0 =	vld [tilespmem:s10+$0x80];
	_ =	sdelay $0x4  }
0x15e: {  	v0 =	vshra.s32 v0, $0x10  }
0x15f: {  	[tilespmem:$0x3500] =	vst v0  }
0x160: {  	v0 =	vld [tilespmem:s10+$0x90];
	_ =	sdelay $0x4  }
0x161: {  	v0 =	vshra.s32 v0, $0x10  }
0x162: {  	[tilespmem:$0x3510] =	vst v0  }
0x163: {  	v0 =	vld [tilespmem:s10+$0xA0];
	_ =	sdelay $0x4  }
0x164: {  	v0 =	vshra.s32 v0, $0x10  }
0x165: {  	[tilespmem:$0x3520] =	vst v0  }
0x166: {  	v0 =	vld [tilespmem:s10+$0xB0];
	_ =	sdelay $0x4  }
0x167: {  	v0 =	vshra.s32 v0, $0x10  }
0x168: {  	[tilespmem:$0x3530] =	vst v0  }
0x169: {  	[spmem:s2] =	stream.indirect.scatter.add.f32 [tilespmem:s24], [sflag:$0x5], $0x40, s29, s18, $0xb8;
	[tilespmem:$0x1AFC0] =	vst v63  }
0x16a: {  	_ =	swait.ge [sflag:s14], $0x1000  }
0x16b: {  	[sflag:s14] =	ssyncset.done $0x0  }
0x16c: {  	[sflag:s14] =	ssyncadd.s32 $0xFFFFF000  }
0x16d: {  	v0 =	vld [tilespmem:s10+$0x180];
	_ =	sdelay $0x4  }
0x16e: {  	v0 =	vand.u32 $0xFFFF, v0  }
0x16f: {  	[tilespmem:$0x3480] =	vst v0  }
0x170: {  	v0 =	vld [tilespmem:s10+$0x190];
	_ =	sdelay $0x4  }
0x171: {  	v0 =	vand.u32 $0xFFFF, v0  }
0x172: {  	[tilespmem:$0x3490] =	vst v0  }
0x173: {  	v0 =	vld [tilespmem:s10+$0x1A0];
	_ =	sdelay $0x4  }
0x174: {  	v0 =	vand.u32 $0xFFFF, v0  }
0x175: {  	[tilespmem:$0x34A0] =	vst v0  }
0x176: {  	v0 =	vld [tilespmem:s10+$0x1B0];
	_ =	sdelay $0x4  }
0x177: {  	v0 =	vand.u32 $0xFFFF, v0  }
0x178: {  	[tilespmem:$0x34B0] =	vst v0  }
0x179: {  	[tilespmem:s24], [sflag:$0x3] =	stream.indirect.gather [spmem:s1], $0x40, s23, s18, $0xb8;
	[tilespmem:$0x1AFC0] =	vst v63  }
0x17a: {  	_ =	swait.ge [sflag:s0], $0x1000  }
0x17b: {  	[sflag:s0] =	ssyncset.done $0x0  }
0x17c: {  	[sflag:s0] =	ssyncadd.s32 $0xFFFFF000  }
0x17d: {  	v0 =	vld [tilespmem:s10+$0xC0];
	_ =	sdelay $0x4  }
0x17e: {  	v0 =	vshra.s32 v0, $0x10  }
0x17f: {  	[tilespmem:$0x3500] =	vst v0  }
0x180: {  	v0 =	vld [tilespmem:s10+$0xD0];
	_ =	sdelay $0x4  }
0x181: {  	v0 =	vshra.s32 v0, $0x10  }
0x182: {  	[tilespmem:$0x3510] =	vst v0  }
0x183: {  	v0 =	vld [tilespmem:s10+$0xE0];
	_ =	sdelay $0x4  }
0x184: {  	v0 =	vshra.s32 v0, $0x10  }
0x185: {  	[tilespmem:$0x3520] =	vst v0  }
0x186: {  	v0 =	vld [tilespmem:s10+$0xF0];
	_ =	sdelay $0x4  }
0x187: {  	v0 =	vshra.s32 v0, $0x10  }
0x188: {  	[tilespmem:$0x3530] =	vst v0  }
0x189: {  	[spmem:s2] =	stream.indirect.scatter.add.f32 [tilespmem:s26], [sflag:$0x5], $0x40, s29, s18, $0xb8;
	[tilespmem:$0x1AFC0] =	vst v63  }
0x18a: {  	_ =	swait.ge [sflag:s14], $0x1000  }
0x18b: {  	[sflag:s14] =	ssyncset.done $0x0  }
0x18c: {  	[sflag:s14] =	ssyncadd.s32 $0xFFFFF000  }
0x18d: {  	v0 =	vld [tilespmem:s10+$0x1C0];
	_ =	sdelay $0x4  }
0x18e: {  	v0 =	vand.u32 $0xFFFF, v0  }
0x18f: {  	[tilespmem:$0x34C0] =	vst v0  }
0x190: {  	v0 =	vld [tilespmem:s10+$0x1D0];
	_ =	sdelay $0x4  }
0x191: {  	v0 =	vand.u32 $0xFFFF, v0  }
0x192: {  	[tilespmem:$0x34D0] =	vst v0  }
0x193: {  	v0 =	vld [tilespmem:s10+$0x1E0];
	_ =	sdelay $0x4  }
0x194: {  	v0 =	vand.u32 $0xFFFF, v0  }
0x195: {  	[tilespmem:$0x34E0] =	vst v0  }
0x196: {  	v0 =	vld [tilespmem:s10+$0x1F0];
	_ =	sdelay $0x1  }
.Ltmp3:
0x197: {  	(pc) =	sbr.rel @p1 .LBB2_6-.Ltmp3, $3  }
0x198: {  	_ =	sdelay $0x1  }
0x199: {  	v0 =	vand.u32 $0xFFFF, v0  }
0x19a: {  	[tilespmem:$0x34F0] =	vst v0  }
.Ltmp4:
0x19b: {  	_ = 	snop;
	(pc) =	sbr.rel .LBB2_7-.Ltmp4, $1  }
0x19c: {  	_ =	sdelay $0x3  }
.LBB2_2:
0x19d: {  	s8 =	rddreg [dreg:$0x5]  }
0x19e: {  	[tilespmem:s7], [sflag:$0x5] =	stream.linear.gather [hbm4b:s8+s7], $0x3400, $0x38;
	[tilespmem:$0x1AFC0] =	vst v63  }
0x19f: {  	_ =	swait.ge [sflag:s14], $0x3400  }
0x1a0: {  	[sflag:s14] =	ssyncset.done $0x0;
	s11 =	rddreg [dreg:$0x9]  }
0x1a1: {  	[sflag:s14] =	ssyncadd.s32 $0xFFFFCC00;
	s15 =	sor.u32 $0x1C05, s11  }
0x1a2: {  	[spmem:s16], [sflag:s15] =	dma.local [hbm:s9], $0x1390  }
0x1a3: {  	_ =	swait.ge [sflag:s14], $0x1390  }
0x1a4: {  	[sflag:s14] =	ssyncset.done $0x0  }
0x1a5: {  	[sflag:s14] =	ssyncadd.s32 $0xFFFFEC70  }
0x1a6: {  	[spmem:s17], [sflag:s15] =	dma.local [hbm:s5], $0x13C0  }
0x1a7: {  	_ =	swait.ge [sflag:s14], $0x13C0  }
0x1a8: {  	[sflag:s14] =	ssyncset.done $0x0  }
0x1a9: {  	[sflag:s14] =	ssyncadd.s32 $0xFFFFEC40  }
0x1aa: {  	[bflag:$0x0] =	sbarrier.arrive $0xFFFF  }
0x1ab: {  	v0 =	vld [tilespmem:$0x0]  }
0x1ac: {  	v1 =	vld [tilespmem:$0x10]  }
0x1ad: {  	v2 =	vld [tilespmem:$0x20]  }
0x1ae: {  	v3 =	vld [tilespmem:$0x30];
	_ =	sdelay $0x1  }
0x1af: {  	v0 =	vand.u32 $0xFFFF, v0  }
0x1b0: {  	v32 =	vand.u32 $0xFFFF, v1;
	[tilespmem:$0x3400] =	vst v0  }
0x1b1: {  	v33 =	vand.u32 $0xFFFF, v2;
	[tilespmem:$0x3410] =	vst v32  }
0x1b2: {  	v34 =	vand.u32 $0xFFFF, v3;
	[tilespmem:$0x3420] =	vst v33  }
0x1b3: {  	[tilespmem:$0x3430] =	vst v34  }
0x1b4: {  	[tilespmem:s20], [sflag:$0x1] =	stream.indirect.gather [spmem:s1], $0x40, s19, s18, $0xb8;
	[tilespmem:$0x1AFC0] =	vst v63  }
0x1b5: {  	v35 =	vld [tilespmem:$0x40]  }
0x1b6: {  	v36 =	vld [tilespmem:$0x50]  }
0x1b7: {  	v37 =	vld [tilespmem:$0x60]  }
0x1b8: {  	v38 =	vld [tilespmem:$0x70];
	_ =	sdelay $0x1  }
0x1b9: {  	v0 =	vand.u32 $0xFFFF, v35  }
0x1ba: {  	v39 =	vand.u32 $0xFFFF, v36;
	[tilespmem:$0x3440] =	vst v0  }
0x1bb: {  	v40 =	vand.u32 $0xFFFF, v37;
	[tilespmem:$0x3450] =	vst v39  }
0x1bc: {  	v41 =	vand.u32 $0xFFFF, v38;
	[tilespmem:$0x3460] =	vst v40  }
0x1bd: {  	[tilespmem:$0x3470] =	vst v41  }
0x1be: {  	[tilespmem:s22], [sflag:$0x2] =	stream.indirect.gather [spmem:s1], $0x40, s21, s18, $0xb8;
	[tilespmem:$0x1AFC0] =	vst v63  }
0x1bf: {  	v42 =	vld [tilespmem:$0x80]  }
0x1c0: {  	v43 =	vld [tilespmem:$0x90]  }
0x1c1: {  	v44 =	vld [tilespmem:$0xA0]  }
0x1c2: {  	v45 =	vld [tilespmem:$0xB0];
	_ =	sdelay $0x1  }
0x1c3: {  	v0 =	vand.u32 $0xFFFF, v42  }
0x1c4: {  	v46 =	vand.u32 $0xFFFF, v43;
	[tilespmem:$0x3480] =	vst v0  }
0x1c5: {  	v47 =	vand.u32 $0xFFFF, v44;
	[tilespmem:$0x3490] =	vst v46  }
0x1c6: {  	v48 =	vand.u32 $0xFFFF, v45;
	[tilespmem:$0x34A0] =	vst v47  }
0x1c7: {  	[tilespmem:$0x34B0] =	vst v48  }
0x1c8: {  	[tilespmem:s24], [sflag:$0x3] =	stream.indirect.gather [spmem:s1], $0x40, s23, s18, $0xb8;
	[tilespmem:$0x1AFC0] =	vst v63  }
0x1c9: {  	v49 =	vld [tilespmem:$0xC0]  }
0x1ca: {  	v50 =	vld [tilespmem:$0xD0]  }
0x1cb: {  	v51 =	vld [tilespmem:$0xE0]  }
0x1cc: {  	v52 =	vld [tilespmem:$0xF0];
	_ =	sdelay $0x1  }
0x1cd: {  	v0 =	vand.u32 $0xFFFF, v49  }
0x1ce: {  	v53 =	vand.u32 $0xFFFF, v50;
	[tilespmem:$0x34C0] =	vst v0  }
0x1cf: {  	v54 =	vand.u32 $0xFFFF, v51;
	[tilespmem:$0x34D0] =	vst v53  }
0x1d0: {  	v55 =	vand.u32 $0xFFFF, v52;
	[tilespmem:$0x34E0] =	vst v54  }
0x1d1: {  	[tilespmem:$0x34F0] =	vst v55  }
0x1d2: {  	[tilespmem:s26], [sflag:$0x4] =	stream.indirect.gather [spmem:s1], $0x40, s25, s18, $0xb8;
	[tilespmem:$0x1AFC0] =	vst v63  }
0x1d3: {  	_ =	swait.ge [sflag:s28], $0x1000  }
0x1d4: {  	[sflag:s28] =	ssyncset.done $0x0  }
0x1d5: {  	s13 =	simm.s32 $0x0;
	[sflag:s28] =	ssyncadd.s32 $0xFFFFF000  }
0x1d6: {  	v56 =	vld [tilespmem:s13+$0x0];
	_ =	sdelay $0x4  }
0x1d7: {  	v0 =	vshra.s32 v56, $0x10  }
0x1d8: {  	[tilespmem:$0x3500] =	vst v0  }
0x1d9: {  	v0 =	vld [tilespmem:s13+$0x10];
	_ =	sdelay $0x4  }
0x1da: {  	v0 =	vshra.s32 v0, $0x10  }
0x1db: {  	[tilespmem:$0x3510] =	vst v0  }
0x1dc: {  	v0 =	vld [tilespmem:s13+$0x20];
	_ =	sdelay $0x4  }
0x1dd: {  	v0 =	vshra.s32 v0, $0x10  }
0x1de: {  	[tilespmem:$0x3520] =	vst v0  }
0x1df: {  	v0 =	vld [tilespmem:s13+$0x30];
	_ =	sdelay $0x4  }
0x1e0: {  	v0 =	vshra.s32 v0, $0x10  }
0x1e1: {  	[tilespmem:$0x3530] =	vst v0  }
0x1e2: {  	[spmem:s2] =	stream.indirect.scatter.add.f32 [tilespmem:s20], [sflag:$0x5], $0x40, s29, s18, $0xb8;
	[tilespmem:$0x1AFC0] =	vst v63  }
0x1e3: {  	_ =	swait.ge [sflag:s14], $0x1000  }
0x1e4: {  	[sflag:s14] =	ssyncset.done $0x0  }
0x1e5: {  	[sflag:s14] =	ssyncadd.s32 $0xFFFFF000  }
0x1e6: {  	v57 =	vld [tilespmem:s13+$0x100];
	_ =	sdelay $0x4  }
0x1e7: {  	v0 =	vand.u32 $0xFFFF, v57  }
0x1e8: {  	[tilespmem:$0x3400] =	vst v0  }
0x1e9: {  	v0 =	vld [tilespmem:s13+$0x110];
	_ =	sdelay $0x4  }
0x1ea: {  	v0 =	vand.u32 $0xFFFF, v0  }
0x1eb: {  	[tilespmem:$0x3410] =	vst v0  }
0x1ec: {  	v0 =	vld [tilespmem:s13+$0x120];
	_ =	sdelay $0x4  }
0x1ed: {  	v0 =	vand.u32 $0xFFFF, v0  }
0x1ee: {  	[tilespmem:$0x3420] =	vst v0  }
0x1ef: {  	v0 =	vld [tilespmem:s13+$0x130];
	_ =	sdelay $0x4  }
0x1f0: {  	v0 =	vand.u32 $0xFFFF, v0  }
0x1f1: {  	[tilespmem:$0x3430] =	vst v0  }
0x1f2: {  	[tilespmem:s20], [sflag:$0x1] =	stream.indirect.gather [spmem:s1], $0x40, s19, s18, $0xb8;
	[tilespmem:$0x1AFC0] =	vst v63  }
0x1f3: {  	_ =	swait.ge [sflag:s30], $0x1000  }
0x1f4: {  	[sflag:s30] =	ssyncset.done $0x0  }
0x1f5: {  	[sflag:s30] =	ssyncadd.s32 $0xFFFFF000  }
0x1f6: {  	v58 =	vld [tilespmem:s13+$0x40];
	_ =	sdelay $0x4  }
0x1f7: {  	v0 =	vshra.s32 v58, $0x10  }
0x1f8: {  	[tilespmem:$0x3500] =	vst v0  }
0x1f9: {  	v0 =	vld [tilespmem:s13+$0x50];
	_ =	sdelay $0x4  }
0x1fa: {  	v0 =	vshra.s32 v0, $0x10  }
0x1fb: {  	[tilespmem:$0x3510] =	vst v0  }
0x1fc: {  	v0 =	vld [tilespmem:s13+$0x60];
	_ =	sdelay $0x4  }
0x1fd: {  	v0 =	vshra.s32 v0, $0x10  }
0x1fe: {  	[tilespmem:$0x3520] =	vst v0  }
0x1ff: {  	v0 =	vld [tilespmem:s13+$0x70];
	_ =	sdelay $0x4  }
0x200: {  	v0 =	vshra.s32 v0, $0x10  }
0x201: {  	[tilespmem:$0x3530] =	vst v0  }
0x202: {  	[spmem:s2] =	stream.indirect.scatter.add.f32 [tilespmem:s22], [sflag:$0x5], $0x40, s29, s18, $0xb8;
	[tilespmem:$0x1AFC0] =	vst v63  }
0x203: {  	_ =	swait.ge [sflag:s14], $0x1000  }
0x204: {  	[sflag:s14] =	ssyncset.done $0x0  }
0x205: {  	[sflag:s14] =	ssyncadd.s32 $0xFFFFF000  }
0x206: {  	v59 =	vld [tilespmem:s13+$0x140];
	_ =	sdelay $0x4  }
0x207: {  	v0 =	vand.u32 $0xFFFF, v59  }
0x208: {  	[tilespmem:$0x3440] =	vst v0  }
0x209: {  	v0 =	vld [tilespmem:s13+$0x150];
	_ =	sdelay $0x4  }
0x20a: {  	v0 =	vand.u32 $0xFFFF, v0  }
0x20b: {  	[tilespmem:$0x3450] =	vst v0  }
0x20c: {  	v0 =	vld [tilespmem:s13+$0x160];
	_ =	sdelay $0x4  }
0x20d: {  	v0 =	vand.u32 $0xFFFF, v0  }
0x20e: {  	[tilespmem:$0x3460] =	vst v0  }
0x20f: {  	v0 =	vld [tilespmem:s13+$0x170];
	_ =	sdelay $0x4  }
0x210: {  	v0 =	vand.u32 $0xFFFF, v0  }
0x211: {  	[tilespmem:$0x3470] =	vst v0  }
0x212: {  	[tilespmem:s22], [sflag:$0x2] =	stream.indirect.gather [spmem:s1], $0x40, s21, s18, $0xb8;
	[tilespmem:$0x1AFC0] =	vst v63  }
0x213: {  	_ =	swait.ge [sflag:s31], $0x1000  }
0x214: {  	[sflag:s31] =	ssyncset.done $0x0  }
0x215: {  	[sflag:s31] =	ssyncadd.s32 $0xFFFFF000  }
0x216: {  	v60 =	vld [tilespmem:s13+$0x80];
	_ =	sdelay $0x4  }
0x217: {  	v0 =	vshra.s32 v60, $0x10  }
0x218: {  	[tilespmem:$0x3500] =	vst v0  }
0x219: {  	v0 =	vld [tilespmem:s13+$0x90];
	_ =	sdelay $0x4  }
0x21a: {  	v0 =	vshra.s32 v0, $0x10  }
0x21b: {  	[tilespmem:$0x3510] =	vst v0  }
0x21c: {  	v0 =	vld [tilespmem:s13+$0xA0];
	_ =	sdelay $0x4  }
0x21d: {  	v0 =	vshra.s32 v0, $0x10  }
0x21e: {  	[tilespmem:$0x3520] =	vst v0  }
0x21f: {  	v0 =	vld [tilespmem:s13+$0xB0];
	_ =	sdelay $0x4  }
0x220: {  	v0 =	vshra.s32 v0, $0x10  }
0x221: {  	[tilespmem:$0x3530] =	vst v0  }
0x222: {  	[spmem:s2] =	stream.indirect.scatter.add.f32 [tilespmem:s24], [sflag:$0x5], $0x40, s29, s18, $0xb8;
	[tilespmem:$0x1AFC0] =	vst v63  }
0x223: {  	_ =	swait.ge [sflag:s14], $0x1000  }
0x224: {  	[sflag:s14] =	ssyncset.done $0x0  }
0x225: {  	[sflag:s14] =	ssyncadd.s32 $0xFFFFF000  }
0x226: {  	v61 =	vld [tilespmem:s13+$0x180];
	_ =	sdelay $0x4  }
0x227: {  	v0 =	vand.u32 $0xFFFF, v61  }
0x228: {  	[tilespmem:$0x3480] =	vst v0  }
0x229: {  	v0 =	vld [tilespmem:s13+$0x190];
	_ =	sdelay $0x4  }
0x22a: {  	v0 =	vand.u32 $0xFFFF, v0  }
0x22b: {  	[tilespmem:$0x3490] =	vst v0  }
0x22c: {  	v0 =	vld [tilespmem:s13+$0x1A0];
	_ =	sdelay $0x4  }
0x22d: {  	v0 =	vand.u32 $0xFFFF, v0  }
0x22e: {  	[tilespmem:$0x34A0] =	vst v0  }
0x22f: {  	v0 =	vld [tilespmem:s13+$0x1B0];
	_ =	sdelay $0x4  }
0x230: {  	v0 =	vand.u32 $0xFFFF, v0  }
0x231: {  	[tilespmem:$0x34B0] =	vst v0  }
0x232: {  	[tilespmem:s24], [sflag:$0x3] =	stream.indirect.gather [spmem:s1], $0x40, s23, s18, $0xb8;
	[tilespmem:$0x1AFC0] =	vst v63  }
0x233: {  	_ =	swait.ge [sflag:s0], $0x1000  }
0x234: {  	[sflag:s0] =	ssyncset.done $0x0  }
0x235: {  	[sflag:s0] =	ssyncadd.s32 $0xFFFFF000  }
0x236: {  	v62 =	vld [tilespmem:s13+$0xC0];
	_ =	sdelay $0x4  }
0x237: {  	v0 =	vshra.s32 v62, $0x10  }
0x238: {  	[tilespmem:$0x3500] =	vst v0  }
0x239: {  	v0 =	vld [tilespmem:s13+$0xD0];
	_ =	sdelay $0x4  }
0x23a: {  	v0 =	vshra.s32 v0, $0x10  }
0x23b: {  	[tilespmem:$0x3510] =	vst v0  }
0x23c: {  	v0 =	vld [tilespmem:s13+$0xE0];
	_ =	sdelay $0x4  }
0x23d: {  	v0 =	vshra.s32 v0, $0x10  }
0x23e: {  	[tilespmem:$0x3520] =	vst v0  }
0x23f: {  	v0 =	vld [tilespmem:s13+$0xF0];
	_ =	sdelay $0x4  }
0x240: {  	v0 =	vshra.s32 v0, $0x10  }
0x241: {  	[tilespmem:$0x3530] =	vst v0  }
0x242: {  	[spmem:s2] =	stream.indirect.scatter.add.f32 [tilespmem:s26], [sflag:$0x5], $0x40, s29, s18, $0xb8;
	[tilespmem:$0x1AFC0] =	vst v63  }
0x243: {  	_ =	swait.ge [sflag:s14], $0x1000  }
0x244: {  	[sflag:s14] =	ssyncset.done $0x0  }
0x245: {  	[sflag:s14] =	ssyncadd.s32 $0xFFFFF000  }
0x246: {  	v63 =	vld [tilespmem:s13+$0x1C0];
	_ =	sdelay $0x4  }
0x247: {  	v0 =	vand.u32 $0xFFFF, v63  }
0x248: {  	[tilespmem:$0x34C0] =	vst v0  }
0x249: {  	v0 =	vld [tilespmem:s13+$0x1D0];
	_ =	sdelay $0x4  }
0x24a: {  	v0 =	vand.u32 $0xFFFF, v0  }
0x24b: {  	[tilespmem:$0x34D0] =	vst v0  }
0x24c: {  	v0 =	vld [tilespmem:s13+$0x1E0];
	_ =	sdelay $0x4  }
0x24d: {  	v0 =	vand.u32 $0xFFFF, v0  }
0x24e: {  	[tilespmem:$0x34E0] =	vst v0  }
0x24f: {  	v0 =	vld [tilespmem:s13+$0x1F0];
	_ =	sdelay $0x4  }
0x250: {  	v0 =	vand.u32 $0xFFFF, v0  }
0x251: {  	s7 =	simm.s32 $0x400;
	[tilespmem:$0x34F0] =	vst v0  }
.LBB2_3:
0x252: {  	[tilespmem:s26], [sflag:$0x4] =	stream.indirect.gather [spmem:s1], $0x40, s25, s18, $0xb8;
	[tilespmem:$0x1AFC0] =	vst v63  }
0x253: {  	s8 =	smov.u32 s7  }
0x254: {  	p1 =	sne.s32 s7, $0xC800;
	s7 =	sadd.s32 $0x400, s7;
	_ =	swait.ge [sflag:s28], $0x1000  }
0x255: {  	[sflag:s28] =	ssyncset.done $0x0  }
0x256: {  	s10 =	sshra.s32 s8, $0x2;
	[sflag:s28] =	ssyncadd.s32 $0xFFFFF000  }
0x257: {  	v0 =	vld [tilespmem:s10+$0x0];
	_ =	sdelay $0x4  }
0x258: {  	v0 =	vshra.s32 v0, $0x10  }
0x259: {  	[tilespmem:$0x3500] =	vst v0  }
0x25a: {  	v0 =	vld [tilespmem:s10+$0x10];
	_ =	sdelay $0x4  }
0x25b: {  	v0 =	vshra.s32 v0, $0x10  }
0x25c: {  	[tilespmem:$0x3510] =	vst v0  }
0x25d: {  	v0 =	vld [tilespmem:s10+$0x20];
	_ =	sdelay $0x4  }
0x25e: {  	v0 =	vshra.s32 v0, $0x10  }
0x25f: {  	[tilespmem:$0x3520] =	vst v0  }
0x260: {  	v0 =	vld [tilespmem:s10+$0x30];
	_ =	sdelay $0x4  }
0x261: {  	v0 =	vshra.s32 v0, $0x10  }
0x262: {  	[tilespmem:$0x3530] =	vst v0  }
0x263: {  	[spmem:s2] =	stream.indirect.scatter.add.f32 [tilespmem:s20], [sflag:$0x5], $0x40, s29, s18, $0xb8;
	[tilespmem:$0x1AFC0] =	vst v63  }
0x264: {  	_ =	swait.ge [sflag:s14], $0x1000  }
0x265: {  	[sflag:s14] =	ssyncset.done $0x0  }
0x266: {  	[sflag:s14] =	ssyncadd.s32 $0xFFFFF000  }
0x267: {  	v0 =	vld [tilespmem:s10+$0x100];
	_ =	sdelay $0x4  }
0x268: {  	v0 =	vand.u32 $0xFFFF, v0  }
0x269: {  	[tilespmem:$0x3400] =	vst v0  }
0x26a: {  	v0 =	vld [tilespmem:s10+$0x110];
	_ =	sdelay $0x4  }
0x26b: {  	v0 =	vand.u32 $0xFFFF, v0  }
0x26c: {  	[tilespmem:$0x3410] =	vst v0  }
0x26d: {  	v0 =	vld [tilespmem:s10+$0x120];
	_ =	sdelay $0x4  }
0x26e: {  	v0 =	vand.u32 $0xFFFF, v0  }
0x26f: {  	[tilespmem:$0x3420] =	vst v0  }
0x270: {  	v0 =	vld [tilespmem:s10+$0x130];
	_ =	sdelay $0x4  }
0x271: {  	v0 =	vand.u32 $0xFFFF, v0  }
0x272: {  	[tilespmem:$0x3430] =	vst v0  }
0x273: {  	[tilespmem:s20], [sflag:$0x1] =	stream.indirect.gather [spmem:s1], $0x40, s19, s18, $0xb8;
	[tilespmem:$0x1AFC0] =	vst v63  }
0x274: {  	_ =	swait.ge [sflag:s30], $0x1000  }
0x275: {  	[sflag:s30] =	ssyncset.done $0x0  }
0x276: {  	[sflag:s30] =	ssyncadd.s32 $0xFFFFF000  }
0x277: {  	v0 =	vld [tilespmem:s10+$0x40];
	_ =	sdelay $0x4  }
0x278: {  	v0 =	vshra.s32 v0, $0x10  }
0x279: {  	[tilespmem:$0x3500] =	vst v0  }
0x27a: {  	v0 =	vld [tilespmem:s10+$0x50];
	_ =	sdelay $0x4  }
0x27b: {  	v0 =	vshra.s32 v0, $0x10  }
0x27c: {  	[tilespmem:$0x3510] =	vst v0  }
0x27d: {  	v0 =	vld [tilespmem:s10+$0x60];
	_ =	sdelay $0x4  }
0x27e: {  	v0 =	vshra.s32 v0, $0x10  }
0x27f: {  	[tilespmem:$0x3520] =	vst v0  }
0x280: {  	v0 =	vld [tilespmem:s10+$0x70];
	_ =	sdelay $0x4  }
0x281: {  	v0 =	vshra.s32 v0, $0x10  }
0x282: {  	[tilespmem:$0x3530] =	vst v0  }
0x283: {  	[spmem:s2] =	stream.indirect.scatter.add.f32 [tilespmem:s22], [sflag:$0x5], $0x40, s29, s18, $0xb8;
	[tilespmem:$0x1AFC0] =	vst v63  }
0x284: {  	_ =	swait.ge [sflag:s14], $0x1000  }
0x285: {  	[sflag:s14] =	ssyncset.done $0x0  }
0x286: {  	[sflag:s14] =	ssyncadd.s32 $0xFFFFF000  }
0x287: {  	v0 =	vld [tilespmem:s10+$0x140];
	_ =	sdelay $0x4  }
0x288: {  	v0 =	vand.u32 $0xFFFF, v0  }
0x289: {  	[tilespmem:$0x3440] =	vst v0  }
0x28a: {  	v0 =	vld [tilespmem:s10+$0x150];
	_ =	sdelay $0x4  }
0x28b: {  	v0 =	vand.u32 $0xFFFF, v0  }
0x28c: {  	[tilespmem:$0x3450] =	vst v0  }
0x28d: {  	v0 =	vld [tilespmem:s10+$0x160];
	_ =	sdelay $0x4  }
0x28e: {  	v0 =	vand.u32 $0xFFFF, v0  }
0x28f: {  	[tilespmem:$0x3460] =	vst v0  }
0x290: {  	v0 =	vld [tilespmem:s10+$0x170];
	_ =	sdelay $0x4  }
0x291: {  	v0 =	vand.u32 $0xFFFF, v0  }
0x292: {  	[tilespmem:$0x3470] =	vst v0  }
0x293: {  	[tilespmem:s22], [sflag:$0x2] =	stream.indirect.gather [spmem:s1], $0x40, s21, s18, $0xb8;
	[tilespmem:$0x1AFC0] =	vst v63  }
0x294: {  	_ =	swait.ge [sflag:s31], $0x1000  }
0x295: {  	[sflag:s31] =	ssyncset.done $0x0  }
0x296: {  	[sflag:s31] =	ssyncadd.s32 $0xFFFFF000  }
0x297: {  	v0 =	vld [tilespmem:s10+$0x80];
	_ =	sdelay $0x4  }
0x298: {  	v0 =	vshra.s32 v0, $0x10  }
0x299: {  	[tilespmem:$0x3500] =	vst v0  }
0x29a: {  	v0 =	vld [tilespmem:s10+$0x90];
	_ =	sdelay $0x4  }
0x29b: {  	v0 =	vshra.s32 v0, $0x10  }
0x29c: {  	[tilespmem:$0x3510] =	vst v0  }
0x29d: {  	v0 =	vld [tilespmem:s10+$0xA0];
	_ =	sdelay $0x4  }
0x29e: {  	v0 =	vshra.s32 v0, $0x10  }
0x29f: {  	[tilespmem:$0x3520] =	vst v0  }
0x2a0: {  	v0 =	vld [tilespmem:s10+$0xB0];
	_ =	sdelay $0x4  }
0x2a1: {  	v0 =	vshra.s32 v0, $0x10  }
0x2a2: {  	[tilespmem:$0x3530] =	vst v0  }
0x2a3: {  	[spmem:s2] =	stream.indirect.scatter.add.f32 [tilespmem:s24], [sflag:$0x5], $0x40, s29, s18, $0xb8;
	[tilespmem:$0x1AFC0] =	vst v63  }
0x2a4: {  	_ =	swait.ge [sflag:s14], $0x1000  }
0x2a5: {  	[sflag:s14] =	ssyncset.done $0x0  }
0x2a6: {  	[sflag:s14] =	ssyncadd.s32 $0xFFFFF000  }
0x2a7: {  	v0 =	vld [tilespmem:s10+$0x180];
	_ =	sdelay $0x4  }
0x2a8: {  	v0 =	vand.u32 $0xFFFF, v0  }
0x2a9: {  	[tilespmem:$0x3480] =	vst v0  }
0x2aa: {  	v0 =	vld [tilespmem:s10+$0x190];
	_ =	sdelay $0x4  }
0x2ab: {  	v0 =	vand.u32 $0xFFFF, v0  }
0x2ac: {  	[tilespmem:$0x3490] =	vst v0  }
0x2ad: {  	v0 =	vld [tilespmem:s10+$0x1A0];
	_ =	sdelay $0x4  }
0x2ae: {  	v0 =	vand.u32 $0xFFFF, v0  }
0x2af: {  	[tilespmem:$0x34A0] =	vst v0  }
0x2b0: {  	v0 =	vld [tilespmem:s10+$0x1B0];
	_ =	sdelay $0x4  }
0x2b1: {  	v0 =	vand.u32 $0xFFFF, v0  }
0x2b2: {  	[tilespmem:$0x34B0] =	vst v0  }
0x2b3: {  	[tilespmem:s24], [sflag:$0x3] =	stream.indirect.gather [spmem:s1], $0x40, s23, s18, $0xb8;
	[tilespmem:$0x1AFC0] =	vst v63  }
0x2b4: {  	_ =	swait.ge [sflag:s0], $0x1000  }
0x2b5: {  	[sflag:s0] =	ssyncset.done $0x0  }
0x2b6: {  	[sflag:s0] =	ssyncadd.s32 $0xFFFFF000  }
0x2b7: {  	v0 =	vld [tilespmem:s10+$0xC0];
	_ =	sdelay $0x4  }
0x2b8: {  	v0 =	vshra.s32 v0, $0x10  }
0x2b9: {  	[tilespmem:$0x3500] =	vst v0  }
0x2ba: {  	v0 =	vld [tilespmem:s10+$0xD0];
	_ =	sdelay $0x4  }
0x2bb: {  	v0 =	vshra.s32 v0, $0x10  }
0x2bc: {  	[tilespmem:$0x3510] =	vst v0  }
0x2bd: {  	v0 =	vld [tilespmem:s10+$0xE0];
	_ =	sdelay $0x4  }
0x2be: {  	v0 =	vshra.s32 v0, $0x10  }
0x2bf: {  	[tilespmem:$0x3520] =	vst v0  }
0x2c0: {  	v0 =	vld [tilespmem:s10+$0xF0];
	_ =	sdelay $0x4  }
0x2c1: {  	v0 =	vshra.s32 v0, $0x10  }
0x2c2: {  	[tilespmem:$0x3530] =	vst v0  }
0x2c3: {  	[spmem:s2] =	stream.indirect.scatter.add.f32 [tilespmem:s26], [sflag:$0x5], $0x40, s29, s18, $0xb8;
	[tilespmem:$0x1AFC0] =	vst v63  }
0x2c4: {  	_ =	swait.ge [sflag:s14], $0x1000  }
0x2c5: {  	[sflag:s14] =	ssyncset.done $0x0  }
0x2c6: {  	[sflag:s14] =	ssyncadd.s32 $0xFFFFF000  }
0x2c7: {  	v0 =	vld [tilespmem:s10+$0x1C0];
	_ =	sdelay $0x4  }
0x2c8: {  	v0 =	vand.u32 $0xFFFF, v0  }
0x2c9: {  	[tilespmem:$0x34C0] =	vst v0  }
0x2ca: {  	v0 =	vld [tilespmem:s10+$0x1D0];
	_ =	sdelay $0x4  }
0x2cb: {  	v0 =	vand.u32 $0xFFFF, v0  }
0x2cc: {  	[tilespmem:$0x34D0] =	vst v0  }
0x2cd: {  	v0 =	vld [tilespmem:s10+$0x1E0];
	_ =	sdelay $0x4  }
0x2ce: {  	v0 =	vand.u32 $0xFFFF, v0  }
0x2cf: {  	[tilespmem:$0x34E0] =	vst v0  }
0x2d0: {  	v0 =	vld [tilespmem:s10+$0x1F0];
	_ =	sdelay $0x1  }
.Ltmp5:
0x2d1: {  	(pc) =	sbr.rel @p1 .LBB2_3-.Ltmp5, $3  }
0x2d2: {  	_ =	sdelay $0x1  }
0x2d3: {  	v0 =	vand.u32 $0xFFFF, v0  }
0x2d4: {  	[tilespmem:$0x34F0] =	vst v0  }
0x2d5: {  	[tilespmem:s26], [sflag:$0x4] =	stream.indirect.gather [spmem:s1], $0x40, s25, s18, $0xb8;
	[tilespmem:$0x1AFC0] =	vst v63  }
0x2d6: {  	_ =	swait.ge [sflag:s28], $0x1000  }
0x2d7: {  	[sflag:s28] =	ssyncset.done $0x0  }
0x2d8: {  	[sflag:s28] =	ssyncadd.s32 $0xFFFFF000  }
0x2d9: {  	v0 =	vld [tilespmem:$0x3300]  }
0x2da: {  	v1 =	vld [tilespmem:$0x3310]  }
0x2db: {  	v2 =	vld [tilespmem:$0x3320]  }
0x2dc: {  	v3 =	vld [tilespmem:$0x3330];
	_ =	sdelay $0x1  }
0x2dd: {  	v0 =	vshra.s32 v0, $0x10  }
0x2de: {  	v47 =	vshra.s32 v1, $0x10;
	[tilespmem:$0x3500] =	vst v0  }
0x2df: {  	v48 =	vshra.s32 v2, $0x10;
	[tilespmem:$0x3510] =	vst v47  }
0x2e0: {  	v49 =	vshra.s32 v3, $0x10;
	[tilespmem:$0x3520] =	vst v48  }
0x2e1: {  	[tilespmem:$0x3530] =	vst v49  }
0x2e2: {  	[spmem:s2] =	stream.indirect.scatter.add.f32 [tilespmem:s20], [sflag:$0x5], $0x40, s29, s18, $0xb8;
	[tilespmem:$0x1AFC0] =	vst v63  }
0x2e3: {  	_ =	swait.ge [sflag:s14], $0x1000  }
0x2e4: {  	[sflag:s14] =	ssyncset.done $0x0  }
0x2e5: {  	[sflag:s14] =	ssyncadd.s32 $0xFFFFF000  }
0x2e6: {  	_ =	swait.ge [sflag:s30], $0x1000  }
0x2e7: {  	[sflag:s30] =	ssyncset.done $0x0  }
0x2e8: {  	[sflag:s30] =	ssyncadd.s32 $0xFFFFF000  }
0x2e9: {  	v50 =	vld [tilespmem:$0x3340]  }
0x2ea: {  	v51 =	vld [tilespmem:$0x3350]  }
0x2eb: {  	v52 =	vld [tilespmem:$0x3360]  }
0x2ec: {  	v53 =	vld [tilespmem:$0x3370];
	_ =	sdelay $0x1  }
0x2ed: {  	v0 =	vshra.s32 v50, $0x10  }
0x2ee: {  	v54 =	vshra.s32 v51, $0x10;
	[tilespmem:$0x3500] =	vst v0  }
0x2ef: {  	v55 =	vshra.s32 v52, $0x10;
	[tilespmem:$0x3510] =	vst v54  }
0x2f0: {  	v56 =	vshra.s32 v53, $0x10;
	[tilespmem:$0x3520] =	vst v55  }
0x2f1: {  	[tilespmem:$0x3530] =	vst v56  }
0x2f2: {  	[spmem:s2] =	stream.indirect.scatter.add.f32 [tilespmem:s22], [sflag:$0x5], $0x40, s29, s18, $0xb8;
	[tilespmem:$0x1AFC0] =	vst v63  }
0x2f3: {  	_ =	swait.ge [sflag:s14], $0x1000  }
0x2f4: {  	[sflag:s14] =	ssyncset.done $0x0  }
0x2f5: {  	[sflag:s14] =	ssyncadd.s32 $0xFFFFF000  }
0x2f6: {  	_ =	swait.ge [sflag:s31], $0x1000  }
0x2f7: {  	[sflag:s31] =	ssyncset.done $0x0  }
0x2f8: {  	[sflag:s31] =	ssyncadd.s32 $0xFFFFF000  }
0x2f9: {  	v57 =	vld [tilespmem:$0x3380]  }
0x2fa: {  	v58 =	vld [tilespmem:$0x3390]  }
0x2fb: {  	v59 =	vld [tilespmem:$0x33A0]  }
0x2fc: {  	v60 =	vld [tilespmem:$0x33B0];
	_ =	sdelay $0x1  }
0x2fd: {  	v0 =	vshra.s32 v57, $0x10  }
0x2fe: {  	v61 =	vshra.s32 v58, $0x10;
	[tilespmem:$0x3500] =	vst v0  }
0x2ff: {  	v62 =	vshra.s32 v59, $0x10;
	[tilespmem:$0x3510] =	vst v61  }
0x300: {  	v63 =	vshra.s32 v60, $0x10;
	[tilespmem:$0x3520] =	vst v62  }
0x301: {  	[tilespmem:$0x3530] =	vst v63  }
0x302: {  	[spmem:s2] =	stream.indirect.scatter.add.f32 [tilespmem:s24], [sflag:$0x5], $0x40, s29, s18, $0xb8;
	[tilespmem:$0x1AFC0] =	vst v63  }
0x303: {  	_ =	swait.ge [sflag:s14], $0x1000  }
.Ltmp6:
0x304: {  	[sflag:s14] =	ssyncset.done $0x0;
	(pc) =	sbr.rel .LBB2_8-.Ltmp6, $4  }
0x305: {  	[sflag:s14] =	ssyncadd.s32 $0xFFFFF000  }
0x306: {  	s7 =	simm.s32 $0x33F0;
	_ =	swait.ge [sflag:s0], $0x1000  }
0x307: {  	s11 =	simm.s32 $0x33E0;
	s13 =	simm.s32 $0x33D0;
	[sflag:s0] =	ssyncset.done $0x0  }
0x308: {  	s8 =	simm.s32 $0x33C0;
	s10 =	rddreg [dreg:$0x6];
	[sflag:s0] =	ssyncadd.s32 $0xFFFFF000  }
.LBB2_9:
0x309: {  	_ =	sfence.sel $0x180000  }
0x30a: {  	[bflag:$0x0] =	sbarrier.arrive $0xFFFF  }
0x30b: {  	_ =	strace $0x9000004D  }
0x30c: {  	s0 =	stileid.u32;
	[bflag:$0x2] =	sbarrier.arrive $0xFFFF  }
0x30d: {  	p0 =	sne.s32 s0, $0x0;
	s0 =	rddreg [dreg:$0x4]  }
0x30e: {  	s0 =	sadd.s32 @!p0 $0x100000, s0  }
0x30f: {  	[sflag:s0] =	ssyncadd.tile.s32 @!p0 $0x1;
	_ =	shalt  }
.Lfunc_end2:
_tile_overlayer_lowered:
.L_overlay_start_2:
0x310: {  	(tag) =	ssettag $0x2  }
0x311: {  	s0 =	rddreg [dreg:$0x0];
	s2 =	stileid.u32  }
0x312: {  	s1 =	rddreg [dreg:$0x1];
	p0 =	sne.s32 s2, $0x0  }
0x313: {  	s3 =	rddreg [dreg:$0x2];
	[bflag:$0x3] =	sbarrier.arrive $0xFFFF;
	s2 =	simm.s32 @!p0 $0x1C05  }
0x314: {  	[timem:s3], [sflag:s2] =	dma.local @!p0 [hbm:s0], s1  }
0x315: {  	s0 =	simm.s32 @!p0 $0x5  }
0x316: {  	_ =	swait.ge @!p0 [sflag:s0], s1  }
0x317: {  	s1 =	ssub.s32 @!p0 $0x0, s1;
	[sflag:s0] =	ssyncset.done @!p0 $0x0  }
0x318: {  	[sflag:s0] =	ssyncadd.s32 @!p0 s1  }
0x319: {  	[bflag:$0x3] =	sbarrier.arrive $0xFFFF  }
0x31a: {  	_ =	shalt  }

// kernel: kernel.9.cloned.1.call-start
scs
__scs_entry_jumppad:
0x0: {  	(pc) =	sbr.rel $0x88, $3  }
0x1: {  	(tag) =	ssettag $0x0;
	lr =	simm.s32 $0x1  }
0x2: {  	[smem:$0x3F9B] =	sst lr;
	_ =	strace $0xD0000000  }
0x3: {  	_ = 	snop  }
0x4: {  	_ = 	snop  }
0x5: {  	_ = 	snop  }
0x6: {  	_ = 	snop  }
0x7: {  	_ = 	snop  }
__scs_overlays_trampoline_lowered:
0x8: {  	[smem:$0x3FAA] =	sst s0  }
0x9: {  	[smem:$0x3FAB] =	sst s1  }
0xa: {  	[smem:$0x3FAC] =	sst s2  }
0xb: {  	[smem:$0x3FAD] =	sst s3  }
0xc: {  	[smem:$0x3FAE] =	sst s4  }
0xd: {  	[smem:$0x3FAF] =	sst s5  }
0xe: {  	[smem:$0x3FB0] =	sst s6  }
0xf: {  	[smem:$0x3FB1] =	sst s7  }
0x10: {  	[smem:$0x3FB2] =	sst s8  }
0x11: {  	[smem:$0x3FB3] =	sst s9;
	s0 =	simm.s32 @!p0 $0x0  }
0x12: {  	s1 =	sld [smem:$0x3F99];
	s0 =	simm.s32 @p0 $0x1  }
0x13: {  	[smem:$0x3FB4] =	sst s0;
	s0 =	simm.s32 @!p1 $0x0  }
0x14: {  	s2 =	sld [smem:$0x3F98];
	s0 =	simm.s32 @p1 $0x1  }
0x15: {  	[smem:$0x3FB5] =	sst s0;
	s0 =	simm.s32 @!p2 $0x0  }
0x16: {  	s3 =	sld [smem:$0x3FDB];
	s0 =	simm.s32 @p2 $0x1  }
0x17: {  	s4 =	simm.s32 $0x1BF5;
	[smem:$0x3FB7] =	sst s0  }
0x18: {  	s0 =	sld [smem:$0x3F9A];
	_ =	swait.ge [sflag:s4], $0x0  }
0x19: {  	s7 =	sld [smem:$0x3F9B]  }
0x1a: {  	s8 =	sadd.s32 $0xFFFFE003, lr  }
0x1b: {  	s9 =	sadd.s32 $0xFFFFFEF7, lr;
	s5 =	simm.s32 $0xFFFFFFFF;
	p2 =	slt.u32 s8, $0xFFFFF086  }
0x1c: {  	p1 =	slt.u32 s9, $0xF7A;
	s5 =	simm.s32 @!p2 $0x0  }
0x1d: {  	s5 =	simm.s32 @p1 $0x1;
	p0 =	seq.s32 s7, s2  }
0x1e: {  	s7 =	smul.u32 @!p0 $0xF7A, s2;
	p2 =	seq.s32 @!p0 s5, $0x0  }
0x1f: {  	s9 =	smul.u32 $0xF7A, s1;
	s8 =	simm.s32 @!p0 $0x1BF5;
	p2 =	por !p2, p0  }
0x20: {  	[sflag:s8] =	ssyncset.s32 @!p0 $0xFFFFF086;
	s6 =	sadd.s32 @!p0 s3, s7;
	s7 =	simm.s32 @!p0 $0x108  }
0x21: {  	s3 =	sadd.s32 s3, s9;
	s6 =	sadd.s32 @!p0 $0x88, s6;
	s7 =	simm.s32 @p2 $0x1082  }
0x22: {  	[simem:s7], [sflag:s8] =	dma.local @!p0 [hbm:s6], $0xF7A  }
0x23: {  	s9 =	sor.u32 $0xD0000000, s2;
	s6 =	simm.s32 $0x108;
	_ =	swait.ge @!p0 [sflag:s8], $0x0  }
0x24: {  	s3 =	sadd.s32 $0x88, s3;
	s6 =	simm.s32 @!p1 $0x1082;
	[sflag:s4] =	ssyncset.s32 $0xFFFFF086  }
0x25: {  	[simem:s6], [sflag:s4] =	dma.local [hbm:s3], $0xF7A  }
0x26: {  	[smem:$0x3F9B] =	sst s1;
	(tag) =	ssettag s2;
	_ =	strace s9  }
0x27: {  	s1 =	sld [smem:$0x3FAB]  }
0x28: {  	s2 =	sld [smem:$0x3FAC]  }
0x29: {  	s4 =	sld [smem:$0x3FAE]  }
0x2a: {  	p0 =	seq.s32 s5, $0x0;
	s5 =	sld [smem:$0x3FAF]  }
0x2b: {  	s6 =	sld [smem:$0x3FB0]  }
0x2c: {  	s7 =	sld [smem:$0x3FB1]  }
0x2d: {  	s3 =	simm.s32 $0x108;
	s8 =	sld [smem:$0x3FB2]  }
0x2e: {  	s3 =	simm.s32 @!p0 $0x1082;
	s9 =	sld [smem:$0x3FB3]  }
0x2f: {  	lr =	sadd.s32 s0, s3;
	s0 =	sld [smem:$0x3FAA]  }
0x30: {  	s3 =	sld [smem:$0x3FAD]  }
0x31: {  	[smem:$0x3FB6] =	sst s10  }
0x32: {  	s10 =	sld [smem:$0x3FB4];
	_ =	sdelay $0x3  }
0x33: {  	p0 =	seq.s32 s10, $0x1;
	s10 =	sld [smem:$0x3FB6];
	_ =	sdelay $0x3  }
0x34: {  	[smem:$0x3FB6] =	sst s10  }
0x35: {  	s10 =	sld [smem:$0x3FB5];
	_ =	sdelay $0x3  }
0x36: {  	p1 =	seq.s32 s10, $0x1;
	s10 =	sld [smem:$0x3FB6];
	_ =	sdelay $0x3  }
0x37: {  	[smem:$0x3FB6] =	sst s10  }
0x38: {  	s10 =	sld [smem:$0x3FB7]  }
0x39: {  	_ = 	snop;
	(pc) =	sbr.ind lr, $3  }
0x3a: {  	_ = 	snop  }
0x3b: {  	_ = 	snop  }
0x3c: {  	p2 =	seq.s32 s10, $0x1;
	s10 =	sld [smem:$0x3FB6]  }
0x3d: {  	_ =	shalt  }
0x3e: {  	_ =	shalt  }
0x3f: {  	_ =	shalt  }
0x40: {  	_ =	shalt  }
0x41: {  	_ =	shalt  }
0x42: {  	_ =	shalt  }
0x43: {  	_ =	shalt  }
0x44: {  	_ =	shalt  }
0x45: {  	_ =	shalt  }
0x46: {  	_ =	shalt  }
0x47: {  	_ =	shalt  }
0x48: {  	_ =	shalt  }
0x49: {  	_ =	shalt  }
0x4a: {  	_ =	shalt  }
0x4b: {  	_ =	shalt  }
0x4c: {  	_ =	shalt  }
0x4d: {  	_ =	shalt  }
0x4e: {  	_ =	shalt  }
0x4f: {  	_ =	shalt  }
0x50: {  	_ =	shalt  }
0x51: {  	_ =	shalt  }
0x52: {  	_ =	shalt  }
0x53: {  	_ =	shalt  }
0x54: {  	_ =	shalt  }
0x55: {  	_ =	shalt  }
0x56: {  	_ =	shalt  }
0x57: {  	_ =	shalt  }
0x58: {  	_ =	shalt  }
0x59: {  	_ =	shalt  }
0x5a: {  	_ =	shalt  }
0x5b: {  	_ =	shalt  }
0x5c: {  	_ =	shalt  }
0x5d: {  	_ =	shalt  }
0x5e: {  	_ =	shalt  }
0x5f: {  	_ =	shalt  }
0x60: {  	_ =	shalt  }
0x61: {  	_ =	shalt  }
0x62: {  	_ =	shalt  }
0x63: {  	_ =	shalt  }
0x64: {  	_ =	shalt  }
0x65: {  	_ =	shalt  }
0x66: {  	_ =	shalt  }
0x67: {  	_ =	shalt  }
0x68: {  	_ =	shalt  }
0x69: {  	_ =	shalt  }
0x6a: {  	_ =	shalt  }
0x6b: {  	_ =	shalt  }
0x6c: {  	_ =	shalt  }
0x6d: {  	_ =	shalt  }
0x6e: {  	_ =	shalt  }
0x6f: {  	_ =	shalt  }
0x70: {  	_ =	shalt  }
0x71: {  	_ =	shalt  }
0x72: {  	_ =	shalt  }
0x73: {  	_ =	shalt  }
0x74: {  	_ =	shalt  }
0x75: {  	_ =	shalt  }
0x76: {  	_ =	shalt  }
0x77: {  	_ =	shalt  }
0x78: {  	_ =	shalt  }
0x79: {  	_ =	shalt  }
0x7a: {  	_ =	shalt  }
0x7b: {  	_ =	shalt  }
0x7c: {  	_ =	shalt  }
0x7d: {  	_ =	shalt  }
0x7e: {  	_ =	shalt  }
0x7f: {  	_ =	shalt  }
0x80: {  	_ =	shalt  }
0x81: {  	_ =	shalt  }
0x82: {  	_ =	shalt  }
0x83: {  	_ =	shalt  }
0x84: {  	_ =	shalt  }
0x85: {  	_ =	shalt  }
0x86: {  	_ =	shalt  }
0x87: {  	_ =	shalt  }
.Lfunc_end0:
.L_simem_size_0:
called_computation_lowered:
.L_overlay_start_0:
0x88: {  	s2 =	sld [smem:$0x3FD9]  }
0x89: {  	s3 =	sld [smem:$0x3FFE];
	_ =	sdelay $0x1  }
0x8a: {  	s1 =	srdreg.scid  }
0x8b: {  	s0 =	sand.u32 $0x1, s1  }
0x8c: {  	s17 =	sshll.u32 s0, $0xA;
	s2 =	sadd.s32 s3, s2  }
0x8d: {  	s2 =	sadd.s32 s2, s17  }
0x8e: {  	[smem:$0x3FC2] =	sst s2  }
0x8f: {  	_ = 	snop  }
0x90: {  	s2 =	sld [smem:$0x3FD0];
	(tm) =	ssettm $0x1  }
0x91: {  	s18 =	sld [smem:$0x3FFB];
	_ =	sdelay $0x3  }
0x92: {  	_ =	strace s18  }
0x93: {  	s3 =	sld [smem:$0x3FFC];
	_ =	sdelay $0x3  }
0x94: {  	_ =	strace s3  }
0x95: {  	s3 =	sld [smem:$0x3FFD];
	_ =	sdelay $0x3  }
0x96: {  	_ =	strace s3  }
0x97: {  	_ =	strace $0x8FFFFFFF  }
0x98: {  	s19 =	sld [smem:$0x3FDB];
	_ =	sdelay $0x1  }
0x99: {  	s4 =	simm.s32 $_scs_section_size  }
0x9a: {  	s5 =	simm.s32 $_size__tile_overlayer_lowered;
	s6 =	simm.s32 $_tile_overlayer_lowered  }
0x9b: {  	s22 =	simm.s32 $0x1BFF;
	s21 =	sshll.u32 s6, $0x1;
	s3 =	sadd.s32 s4, s19  }
0x9c: {  	s7 =	simm.s32 $0x0;
	s20 =	sshll.u32 s5, $0x1;
	s5 =	sadd.s32 s21, s3  }
0x9d: {  	[timem:s7], [sflag:s22] =	dma.local [hbm:s5], s20  }
0x9e: {  	_ =	swait.ge [sflag:s22], s20  }
0x9f: {  	s4 =	ssub.s32 $0x0, s20;
	[sflag:s22] =	ssyncset.done $0x0  }
0xa0: {  	[sflag:s22] =	ssyncadd.s32 s4;
	_ =	sdelay $0x1  }
0xa1: {  	s23 =	simm.s32 $0x1B8B  }
0xa2: {  	_ =	swait.ge [sflag:s23], $0x1  }
0xa3: {  	[sflag:s23] =	ssyncset.done $0x0  }
0xa4: {  	s25 =	simm.s32 $0x1B8E;
	s24 =	sld [smem:$0x3FFE];
	[sflag:s23] =	ssyncadd.s32 $0xFFFFFFFF  }
0xa5: {  	s26 =	simm.s32 $execute0_lowered;
	[smem:$0x3FD2] =	sst s25  }
0xa6: {  	s5 =	sshll.u32 s26, $0x1;
	_ =	strace $0x80000046;
	[dreg:$0x1] =	wrdreg $0xFFFFFFFF  }
0xa7: {  	s28 =	simm.s32 $_size_execute0_lowered;
	s3 =	sadd.s32 s3, s5;
	[dreg:$0x0] =	wrdreg $0x0  }
0xa8: {  	s5 =	sshll.u32 s28, $0x1;
	[dreg:$0x2] =	wrdreg s3  }
0xa9: {  	[dreg:$0x3] =	wrdreg s5  }
0xaa: {  	[dreg:$0x4] =	wrdreg $0xC0  }
0xab: {  	_ =	task [dreg:s7], $0x5FFFF  }
0xac: {  	[dreg:$0x1] =	wrdreg $0xFFFFFFFF  }
0xad: {  	[dreg:$0x0] =	wrdreg $0x60  }
0xae: {  	[dreg:$0x2] =	wrdreg s2  }
0xaf: {  	[dreg:$0x3] =	wrdreg s24  }
0xb0: {  	[dreg:$0x4] =	wrdreg $0x2C000  }
0xb1: {  	[dreg:$0x5] =	wrdreg $0x9  }
0xb2: {  	_ =	task.clear_ibuf [dreg:s7], $0x6FFFF;
	_ =	strace $0x90000046  }
0xb3: {  	s29 =	simm.s32 $0x9;
	_ =	strace $0x80000048  }
0xb4: {  	_ =	swait.ge [sflag:s29], $0x1  }
0xb5: {  	[sflag:s29] =	ssyncadd.s32 $0xFFFFFFFF  }
0xb6: {  	_ =	strace $0x90000048  }
0xb7: {  	_ =	sfence  }
0xb8: {  	s30 =	sld [smem:$0x0];
	_ =	sdelay $0x2  }
0xb9: {  	s31 =	sshll.u32 s1, $0xD;
	s1 =	sshrl.u32 s1, $0x2  }
0xba: {  	s3 =	sand.u32 $0x4000, s31;
	s1 =	sadd.s32 s1, s30  }
0xbb: {  	s0 =	sor.u32 s3, s0;
	s1 =	sshll.u32 s1, $0x11  }
0xbc: {  	s0 =	sor.u32 s1, s0  }
0xbd: {  	s0 =	sadd.s32 $0x8F2B, s0  }
0xbe: {  	[sflag:s0] =	ssyncadd.remote.s32 $0x1  }
0xbf: {  	_ =	sfence.sel $0xFFFF  }
0xc0: {  	[dreg:$0x0] =	wrdreg $0xFFFFFFFF;
	(pc) =	sbr.abs _section_cstart, $3  }
0xc1: {  	[dreg:$0x1] =	wrdreg $0xFFFFFFFF  }
0xc2: {  	_ =	task.clear_ibuf [dreg:s7], $0x2FFFF;
	_ =	strace $0x9FFFFFFF  }
0xc3: {  	(tm) =	ssettm $0x7FFFFFFF  }
tec
execute0_lowered:
.L_overlay_start_1:
0x0: {  	(tag) =	ssettag $0x1  }
0x1: {  	s6 =	rddreg [dreg:$0x0]  }
0x2: {  	s7 =	rddreg [dreg:$0x1]  }
0x3: {  	s2 =	rddreg [dreg:$0x2]  }
0x4: {  	s0 =	rddreg [dreg:$0x3]  }
0x5: {  	s4 =	srdreg.scid;
	s1 =	stileid.u32;
	s3 =	simm.s32 $0x0  }
0x6: {  	s13 =	simm.s32 $0x40;
	s14 =	simm.s32 $0x0;
	s5 =	sand.u32 $0x1, s4  }
0x7: {  	s8 =	smul.u32 $0x2780, s1;
	[smem:$0x7FF] =	sst s3;
	s4 =	sadd.s32 $0x1C00, s7  }
0x8: {  	s31 =	sshll.u32 s1, $0x6;
	s9 =	smul.u32 $0x27800, s5;
	_ =	strace $0x80000047  }
0x9: {  	s10 =	sshll.u32 s5, $0x4;
	s11 =	ssub.s32 $0x2, s5;
	s5 =	sadd.s32 $0x1E00, s7  }
0xa: {  	s10 =	sor.u32 s1, s10;
	s30 =	sshrl.u32 s11, $0x1;
	s9 =	sadd.s32 s8, s9  }
0xb: {  	s12 =	sadd.s32 s8, s2;
	s10 =	smul.u32 $0x500, s10;
	s9 =	sshrl.u32 s9, $0x3  }
0xc: {  	s12 =	sshrl.u32 s12, $0x3;
	s7 =	sadd.s32 s9, s7;
	s9 =	ssub.s32 s11, s30  }
0xd: {  	s6 =	sadd.s32 s6, s10;
	s10 =	simm.s32 $0x2800;
	s11 =	sor.u32 $0x1C01, s31  }
0xe: {  	s7 =	sadd.s32 $0x2400, s7;
	s8 =	smax.u32 s9, $0x1;
	s9 =	simm.s32 $0x1  }
.LBB2_1:
0xf: {  	[tilespmem:s3], [sflag:$0x1] =	stream.linear.gather [hbm4b:s6+s3], $0x2800, $0x38;
	[tilespmem:$0x5380] =	vst v63  }
0x10: {  	_ =	swait.ge [sflag:s9], $0x2800  }
0x11: {  	[sflag:s9] =	ssyncset.done $0x0  }
0x12: {  	[sflag:s9] =	ssyncadd.s32 $0xFFFFD800  }
0x13: {  	[tilespmem:s10], [sflag:$0x1] =	stream.linear.gather [hbm4b:s4+s3], $0x400, $0x38;
	[tilespmem:$0x5380] =	vst v63  }
0x14: {  	_ =	swait.ge [sflag:s9], $0x400  }
0x15: {  	[sflag:s9] =	ssyncset.done $0x0  }
0x16: {  	[sflag:s9] =	ssyncadd.s32 $0xFFFFFC00  }
0x17: {  	[spmem:s12], [sflag:s11] =	dma.local [hbm:s5], $0x4F0  }
0x18: {  	_ =	swait.ge [sflag:s9], $0x4F0  }
0x19: {  	[sflag:s9] =	ssyncset.done $0x0  }
0x1a: {  	[sflag:s9] =	ssyncadd.s32 $0xFFFFFB10  }
0x1b: {  	s15 =	simm.s32 $0x0;
	[bflag:$0x0] =	sbarrier.arrive $0xFFFF  }
0x1c: {  	[spmem:s2] =	stream.indirect.scatter.add.f32 [tilespmem:s10], [sflag:$0x1], $0x10, s15, s13, $0xb8;
	[tilespmem:$0x5380] =	vst v63  }
0x1d: {  	_ =	swait.ge [sflag:s9], $0x400  }
0x1e: {  	s15 =	simm.s32 $0x100;
	[sflag:s9] =	ssyncset.done $0x0  }
.LBB2_2:
0x1f: {  	s16 =	sshra.s32 s15, $0x2;
	[sflag:s9] =	ssyncadd.s32 $0xFFFFFC00;
	p0 =	sne.s32 s15, $0x9F00  }
0x20: {  	[spmem:s2] =	stream.indirect.scatter.add.f32 [tilespmem:s10], [sflag:$0x1], $0x10, s16, s13, $0xb8;
	[tilespmem:$0x5380] =	vst v63  }
.Ltmp0:
0x21: {  	_ = 	snop;
	(pc) =	sbr.rel @p0 .LBB2_2-.Ltmp0, $4  }
0x22: {  	_ = 	snop  }
0x23: {  	s15 =	sadd.s32 $0x100, s15  }
0x24: {  	_ =	swait.ge [sflag:s9], $0x400  }
0x25: {  	[sflag:s9] =	ssyncset.done $0x0  }
0x26: {  	s14 =	sadd.s32 $0x1, s14  }
0x27: {  	[sflag:s9] =	ssyncadd.s32 $0xFFFFFC00;
	p0 =	sne.s32 s14, s8  }
.Ltmp1:
0x28: {  	[bflag:$0x0] =	sbarrier.arrive $0xFFFF;
	(pc) =	sbr.rel @p0 .LBB2_1-.Ltmp1, $4  }
0x29: {  	[hbm:s7], [sflag:s11] =	dma.local [spmem:s12], $0x4F0  }
0x2a: {  	_ =	swait.ge [sflag:s9], $0x4F0  }
0x2b: {  	[sflag:s9] =	ssyncset.done $0x0  }
0x2c: {  	[sflag:s9] =	ssyncadd.s32 $0xFFFFFB10  }
0x2d: {  	_ =	sfence.sel $0x180000  }
0x2e: {  	[bflag:$0x0] =	sbarrier.arrive $0xFFFF  }
0x2f: {  	p0 =	sne.s32 s1, $0x0;
	_ =	strace $0x90000047  }
0x30: {  	s0 =	sadd.s32 @!p0 $0x100000, s0;
	[bflag:$0x2] =	sbarrier.arrive $0xFFFF  }
0x31: {  	[sflag:s0] =	ssyncadd.tile.s32 @!p0 $0x1;
	_ =	shalt  }
.Lfunc_end2:
_tile_overlayer_lowered:
.L_overlay_start_2:
0x32: {  	(tag) =	ssettag $0x2  }
0x33: {  	s0 =	rddreg [dreg:$0x0];
	s2 =	stileid.u32  }
0x34: {  	s1 =	rddreg [dreg:$0x1];
	p0 =	sne.s32 s2, $0x0  }
0x35: {  	s3 =	rddreg [dreg:$0x2];
	[bflag:$0x3] =	sbarrier.arrive $0xFFFF;
	s2 =	simm.s32 @!p0 $0x1C01  }
0x36: {  	[timem:s3], [sflag:s2] =	dma.local @!p0 [hbm:s0], s1  }
0x37: {  	s0 =	simm.s32 @!p0 $0x1  }
0x38: {  	_ =	swait.ge @!p0 [sflag:s0], s1  }
0x39: {  	s1 =	ssub.s32 @!p0 $0x0, s1;
	[sflag:s0] =	ssyncset.done @!p0 $0x0  }
0x3a: {  	[sflag:s0] =	ssyncadd.s32 @!p0 s1  }
0x3b: {  	[bflag:$0x3] =	sbarrier.arrive $0xFFFF  }
0x3c: {  	_ =	shalt  }

</sc_bundles>
